<compile_context>
chip_gen: v7x
topology: tpu7x:2x2x1
jax: 0.10.2.dev20260603
libtpu: 0.0.44.dev20260713+nightly
codegen_flags: <defaults>
</compile_context>

<pallas_src>
import functools

import jax
import jax.numpy as jnp
from jax import lax
from jax.experimental import pallas as pl
from jax.experimental.pallas import tpu as pltpu
from jax.experimental.pallas import tpu_sc as plsc

_N = 10000
_E = 320000
_D_IN = 128
_HID = 128
_NCLS = 16
_GRIDS = 4
_H = 4.0 / (_GRIDS - 1)
_GRIDPTS = tuple(-2.0 + i * _H for i in range(_GRIDS))
_EPS = 1e-5

_NC = 2
_NS = 16
_EB = 80
_NW = _NC * _NS
_TB_W = _E // (_NW * _EB)
_TB_S = _E // (_NS * _EB)
_NBUF = 5
_RPT = _N // _NS
_ZR = 125

_BR = 2000
_GR = _N // _BR


def _fill2d(ref, rows, cols, value):
    v = jnp.full((16,), value, jnp.float32)
    per_row = cols // 16

    def body(i, carry):
        r = i // per_row
        col = (i % per_row) * 16
        ref[r, pl.ds(col, 16)] = v
        return carry

    lax.fori_loop(0, rows * per_row, body, 0)


def _zero_my_slice(acc, s, zv):
    for j in range(5):
        pltpu.sync_copy(zv, acc.at[pl.ds(s * _RPT + j * _ZR, _ZR)])


def _copy_out(acc, s, c, out0_hbm, out1_hbm):
    @pl.when(c == 0)
    def _():
        for j in range(5):
            r0 = s * _RPT + j * _ZR
            pltpu.sync_copy(acc.at[pl.ds(r0, _ZR)], out0_hbm.at[pl.ds(r0, _ZR)])

    @pl.when(c == 1)
    def _():
        for j in range(5):
            r0 = s * _RPT + j * _ZR
            pltpu.sync_copy(acc.at[pl.ds(r0, _ZR)], out1_hbm.at[pl.ds(r0, _ZR)])


def _make_degree_kernel():
    mesh = plsc.VectorSubcoreMesh(core_axis_name="c", subcore_axis_name="s")

    @functools.partial(
        pl.kernel,
        out_type=[jax.ShapeDtypeStruct((_N, 16), jnp.float32),
                  jax.ShapeDtypeStruct((_N, 16), jnp.float32)],
        mesh=mesh,
        compiler_params=pltpu.CompilerParams(use_tc_tiling_on_sc=False),
        scratch_types=[
            pltpu.VMEM((_TB_W, _EB), jnp.int32),
            pltpu.VMEM((_EB, 16), jnp.float32),
            pltpu.VMEM((_ZR, 16), jnp.float32),
            pltpu.VMEM_SHARED((_N, 16), jnp.float32),
            pltpu.SemaphoreType.DMA,
        ],
    )
    def deg_kernel(col_hbm, out0_hbm, out1_hbm, colv, ones_v, zv, acc, ssem):
        c = lax.axis_index("c")
        s = lax.axis_index("s")
        w = c * _NS + s
        _fill2d(ones_v, _EB, 16, 1.0)
        _fill2d(zv, _ZR, 16, 0.0)
        _zero_my_slice(acc, s, zv)
        pltpu.sync_copy(col_hbm.at[w], colv)
        plsc.subcore_barrier()

        def wave(i, carry):
            g = i * _NBUF
            hs = [
                pltpu.async_copy(ones_v, acc.at[colv.at[g + j]], ssem, add=True)
                for j in range(_NBUF)
            ]
            for h in hs:
                h.wait()
            return carry

        lax.fori_loop(0, _TB_W // _NBUF, wave, 0)
        plsc.subcore_barrier()
        _copy_out(acc, s, c, out0_hbm, out1_hbm)

    return deg_kernel


def _make_edge_scatter_split():
    mesh = plsc.VectorSubcoreMesh(core_axis_name="c", subcore_axis_name="s")

    @functools.partial(
        pl.kernel,
        out_type=[jax.ShapeDtypeStruct((_N, 64), jnp.float32),
                  jax.ShapeDtypeStruct((_N, 64), jnp.float32)],
        mesh=mesh,
        compiler_params=pltpu.CompilerParams(use_tc_tiling_on_sc=False),
        scratch_types=[
            pltpu.VMEM((_TB_S, _EB), jnp.int32),
            pltpu.VMEM((_TB_S, _EB), jnp.int32),
            [pltpu.VMEM((_EB, 64), jnp.float32) for _ in range(_NBUF)],
            pltpu.VMEM((_ZR, 64), jnp.float32),
            pltpu.VMEM_SHARED((_N, 64), jnp.float32),
            [pltpu.SemaphoreType.DMA for _ in range(_NBUF)],
            [pltpu.SemaphoreType.DMA for _ in range(_NBUF)],
        ],
    )
    def edge_kernel(u2_hbm, row_hbm, col_hbm, out0_hbm, out1_hbm,
                    rowv, colv, bufs, zv, acc, gsems, ssems):
        c = lax.axis_index("c")
        s = lax.axis_index("s")
        _fill2d(zv, _ZR, 64, 0.0)
        _zero_my_slice(acc, s, zv)
        pltpu.sync_copy(row_hbm.at[s], rowv)
        pltpu.sync_copy(col_hbm.at[s], colv)

        def xform(i, carry):
            r = i // (_EB // 16)
            col = (i % (_EB // 16)) * 16
            v = rowv[r, pl.ds(col, 16)]
            rowv[r, pl.ds(col, 16)] = v * 2 + c
            return carry

        lax.fori_loop(0, _TB_S * (_EB // 16), xform, 0)
        plsc.subcore_barrier()

        n_waves = _TB_S // _NBUF

        def gather(j, g):
            return pltpu.async_copy(u2_hbm.at[rowv.at[g + j]], bufs[j],
                                    gsems[j])

        def gather_wait(j, g):
            pltpu.make_async_copy(u2_hbm.at[rowv.at[g + j]], bufs[j],
                                  gsems[j]).wait()

        for j in range(_NBUF):
            gather(j, 0)

        def wave(i, carry):
            g = i * _NBUF
            for j in range(_NBUF):
                gather_wait(j, g)
                pltpu.async_copy(bufs[j], acc.at[colv.at[g + j]], ssems[j],
                                 add=True)
            for j in range(_NBUF):
                pltpu.make_async_copy(bufs[j], acc.at[colv.at[g + j]],
                                      ssems[j]).wait()

                @pl.when(i < n_waves - 1)
                def _():
                    gather(j, g + _NBUF)

            return carry

        lax.fori_loop(0, n_waves, wave, 0)
        plsc.subcore_barrier()
        _copy_out(acc, s, c, out0_hbm, out1_hbm)

    return edge_kernel


def _make_edge_scatter16():
    mesh = plsc.VectorSubcoreMesh(core_axis_name="c", subcore_axis_name="s")

    @functools.partial(
        pl.kernel,
        out_type=[jax.ShapeDtypeStruct((_N, 16), jnp.float32),
                  jax.ShapeDtypeStruct((_N, 16), jnp.float32)],
        mesh=mesh,
        compiler_params=pltpu.CompilerParams(use_tc_tiling_on_sc=False),
        scratch_types=[
            pltpu.VMEM((_TB_W, _EB), jnp.int32),
            pltpu.VMEM((_TB_W, _EB), jnp.int32),
            [pltpu.VMEM((_EB, 16), jnp.float32) for _ in range(_NBUF)],
            pltpu.VMEM((_ZR, 16), jnp.float32),
            pltpu.VMEM_SHARED((_N, 16), jnp.float32),
            [pltpu.SemaphoreType.DMA for _ in range(_NBUF)],
            [pltpu.SemaphoreType.DMA for _ in range(_NBUF)],
        ],
    )
    def edge_kernel(u_hbm, row_hbm, col_hbm, out0_hbm, out1_hbm,
                    rowv, colv, bufs, zv, acc, gsems, ssems):
        c = lax.axis_index("c")
        s = lax.axis_index("s")
        w = c * _NS + s
        _fill2d(zv, _ZR, 16, 0.0)
        _zero_my_slice(acc, s, zv)
        pltpu.sync_copy(row_hbm.at[w], rowv)
        pltpu.sync_copy(col_hbm.at[w], colv)
        plsc.subcore_barrier()

        n_waves = _TB_W // _NBUF

        def gather(j, g):
            return pltpu.async_copy(u_hbm.at[rowv.at[g + j]], bufs[j],
                                    gsems[j])

        def gather_wait(j, g):
            pltpu.make_async_copy(u_hbm.at[rowv.at[g + j]], bufs[j],
                                  gsems[j]).wait()

        for j in range(_NBUF):
            gather(j, 0)

        def wave(i, carry):
            g = i * _NBUF
            for j in range(_NBUF):
                gather_wait(j, g)
                pltpu.async_copy(bufs[j], acc.at[colv.at[g + j]], ssems[j],
                                 add=True)
            for j in range(_NBUF):
                pltpu.make_async_copy(bufs[j], acc.at[colv.at[g + j]],
                                      ssems[j]).wait()

                @pl.when(i < n_waves - 1)
                def _():
                    gather(j, g + _NBUF)

            return carry

        lax.fori_loop(0, n_waves, wave, 0)
        plsc.subcore_barrier()
        _copy_out(acc, s, c, out0_hbm, out1_hbm)

    return edge_kernel


_make_degree_kernel = functools.cache(_make_degree_kernel)
_make_edge_scatter_split = functools.cache(_make_edge_scatter_split)
_make_edge_scatter16 = functools.cache(_make_edge_scatter16)


def _dis_from_deg(d0_blk, d1_blk):
    deg = d0_blk[:, 0:1] + d1_blk[:, 0:1] + 1.0
    return lax.rsqrt(deg)


def _kan_math(h, lng, lnb, wg, wbt, bb):
    m = jnp.mean(h, axis=-1, keepdims=True)
    v = jnp.mean((h - m) ** 2, axis=-1, keepdims=True)
    y = (h - m) * lax.rsqrt(v + _EPS) * lng + lnb
    acc = jnp.dot(h * jax.nn.sigmoid(h), wbt,
                  preferred_element_type=jnp.float32) + bb
    for g in range(_GRIDS):
        bg = jnp.exp(-(((y - _GRIDPTS[g]) * (1.0 / _H)) ** 2))
        acc = acc + jnp.dot(bg, wg[g], preferred_element_type=jnp.float32)
    return acc


def _full_spec(shape):
    n = len(shape)
    return pl.BlockSpec(shape, lambda i, _n=n: (0,) * _n)


def _row_spec(width):
    return pl.BlockSpec((_BR, width), lambda i: (i, 0))


def _tc_kan_first(x, d0, d1, lng, lnb, wg, wbt, bb):

    def body(x_ref, d0_ref, d1_ref, lng_ref, lnb_ref, wg_ref, wbt_ref, bb_ref,
             u_ref):
        dis = _dis_from_deg(d0_ref[...], d1_ref[...])
        t = _kan_math(x_ref[...], lng_ref[...], lnb_ref[...], wg_ref[...],
                      wbt_ref[...], bb_ref[...])
        u_ref[...] = t * dis

    return pl.pallas_call(
        body,
        grid=(_GR,),
        in_specs=[
            _row_spec(_D_IN), _row_spec(16), _row_spec(16),
            _full_spec(lng.shape), _full_spec(lnb.shape),
            _full_spec(wg.shape), _full_spec(wbt.shape), _full_spec(bb.shape),
        ],
        out_specs=_row_spec(_HID),
        out_shape=jax.ShapeDtypeStruct((_N, _HID), jnp.float32),
    )(x, d0, d1, lng, lnb, wg, wbt, bb)


def _tc_combine_stats(u, sl, sr, d0, d1, bias):

    def body(u_ref, sl_ref, sr_ref, d0_ref, d1_ref, b_ref, h_ref, st_ref):
        i = pl.program_id(0)
        dis = _dis_from_deg(d0_ref[...], d1_ref[...])
        su = jnp.concatenate([sl_ref[...], sr_ref[...]], axis=1) + u_ref[...]
        h = su * dis + b_ref[...]
        h_ref[...] = h
        new = jnp.concatenate(
            [jnp.sum(h, axis=0, keepdims=True),
             jnp.sum(h * h, axis=0, keepdims=True)], axis=0)

        @pl.when(i == 0)
        def _():
            st_ref[...] = new

        @pl.when(i != 0)
        def _():
            st_ref[...] = st_ref[...] + new

    return pl.pallas_call(
        body,
        grid=(_GR,),
        in_specs=[
            _row_spec(_HID), _row_spec(64), _row_spec(64),
            _row_spec(16), _row_spec(16), _full_spec(bias.shape),
        ],
        out_specs=[_row_spec(_HID), _full_spec((2, _HID))],
        out_shape=[jax.ShapeDtypeStruct((_N, _HID), jnp.float32),
                   jax.ShapeDtypeStruct((2, _HID), jnp.float32)],
    )(u, sl, sr, d0, d1, bias)


def _tc_bn_kan(h_pre, st, d0, d1, lng, lnb, wg, wbt, bb, bng, bnb):

    def body(hp_ref, st_ref, d0_ref, d1_ref, lng_ref, lnb_ref, wg_ref,
             wbt_ref, bb_ref, bng_ref, bnb_ref, ht_ref, u_ref):
        st_v = st_ref[...]
        m = st_v[0:1, :] * (1.0 / _N)
        var = st_v[1:2, :] * (1.0 / _N) - m * m
        ht = (hp_ref[...] - m) * (bng_ref[...] * lax.rsqrt(var + _EPS)) + bnb_ref[...]
        ht_ref[...] = ht
        dis = _dis_from_deg(d0_ref[...], d1_ref[...])
        t = _kan_math(ht, lng_ref[...], lnb_ref[...], wg_ref[...], wbt_ref[...],
                      bb_ref[...])
        u_ref[...] = t * dis

    return pl.pallas_call(
        body,
        grid=(_GR,),
        in_specs=[
            _row_spec(_HID), _full_spec((2, _HID)), _row_spec(16), _row_spec(16),
            _full_spec(lng.shape), _full_spec(lnb.shape),
            _full_spec(wg.shape), _full_spec(wbt.shape), _full_spec(bb.shape),
            _full_spec(bng.shape), _full_spec(bnb.shape),
        ],
        out_specs=[_row_spec(_HID), _row_spec(_HID)],
        out_shape=[jax.ShapeDtypeStruct((_N, _HID), jnp.float32),
                   jax.ShapeDtypeStruct((_N, _HID), jnp.float32)],
    )(h_pre, st, d0, d1, lng, lnb, wg, wbt, bb, bng, bnb)


def _tc_kan_concat(x, h1, h2_pre, st2, d0, d1, lng, lnb, wg, wbt, bb, bng, bnb):

    def body(x_ref, h1_ref, hp_ref, st_ref, d0_ref, d1_ref, lng_ref, lnb_ref,
             wg_ref, wbt_ref, bb_ref, bng_ref, bnb_ref, u_ref):
        st_v = st_ref[...]
        m = st_v[0:1, :] * (1.0 / _N)
        var = st_v[1:2, :] * (1.0 / _N) - m * m
        ht2 = (hp_ref[...] - m) * (bng_ref[...] * lax.rsqrt(var + _EPS)) + bnb_ref[...]
        h = jnp.concatenate([x_ref[...], h1_ref[...], ht2], axis=1)
        dis = _dis_from_deg(d0_ref[...], d1_ref[...])
        t = _kan_math(h, lng_ref[...], lnb_ref[...], wg_ref[...], wbt_ref[...],
                      bb_ref[...])
        u_ref[...] = t * dis

    return pl.pallas_call(
        body,
        grid=(_GR,),
        in_specs=[
            _row_spec(_D_IN), _row_spec(_HID), _row_spec(_HID),
            _full_spec((2, _HID)), _row_spec(16), _row_spec(16),
            _full_spec(lng.shape), _full_spec(lnb.shape),
            _full_spec(wg.shape), _full_spec(wbt.shape), _full_spec(bb.shape),
            _full_spec(bng.shape), _full_spec(bnb.shape),
        ],
        out_specs=_row_spec(_NCLS),
        out_shape=jax.ShapeDtypeStruct((_N, _NCLS), jnp.float32),
    )(x, h1, h2_pre, st2, d0, d1, lng, lnb, wg, wbt, bb, bng, bnb)


def _tc_combine_final(u, s0, s1, d0, d1, bias):

    def body(u_ref, s0_ref, s1_ref, d0_ref, d1_ref, b_ref, o_ref):
        dis = _dis_from_deg(d0_ref[...], d1_ref[...])
        o_ref[...] = (s0_ref[...] + s1_ref[...] + u_ref[...]) * dis + b_ref[...]

    return pl.pallas_call(
        body,
        grid=(_GR,),
        in_specs=[
            _row_spec(_NCLS), _row_spec(_NCLS), _row_spec(_NCLS),
            _row_spec(16), _row_spec(16), _full_spec(bias.shape),
        ],
        out_specs=_row_spec(_NCLS),
        out_shape=jax.ShapeDtypeStruct((_N, _NCLS), jnp.float32),
    )(u, s0, s1, d0, d1, bias)


def _prep_kan_weights(Ws, Wb, din, dout):
    wg = Ws.reshape(dout, din, _GRIDS).transpose(2, 1, 0)
    return wg, Wb.T


def kernel(x, edge_index, ln_g1, ln_b1, Ws1, Wb1, bb1, bias1,
           ln_g2, ln_b2, Ws2, Wb2, bb2, bias2,
           ln_g3, ln_b3, Ws3, Wb3, bb3, bias3, bn_g, bn_b):
    row_w = edge_index[0].reshape(_NW, _TB_W, _EB)
    col_w = edge_index[1].reshape(_NW, _TB_W, _EB)
    row_s = edge_index[0].reshape(_NS, _TB_S, _EB)
    col_s = edge_index[1].reshape(_NS, _TB_S, _EB)

    wg1, wbt1 = _prep_kan_weights(Ws1, Wb1, _D_IN, _HID)
    wg2, wbt2 = _prep_kan_weights(Ws2, Wb2, _HID, _HID)
    wg3, wbt3 = _prep_kan_weights(Ws3, Wb3, _D_IN + 2 * _HID, _NCLS)
    lng1, lnb1 = ln_g1.reshape(1, -1), ln_b1.reshape(1, -1)
    lng2, lnb2 = ln_g2.reshape(1, -1), ln_b2.reshape(1, -1)
    lng3, lnb3 = ln_g3.reshape(1, -1), ln_b3.reshape(1, -1)
    bbr1, bbr2, bbr3 = bb1.reshape(1, -1), bb2.reshape(1, -1), bb3.reshape(1, -1)
    br1, br2, br3 = bias1.reshape(1, -1), bias2.reshape(1, -1), bias3.reshape(1, -1)
    bng, bnb = bn_g.reshape(1, -1), bn_b.reshape(1, -1)

    d0, d1 = _make_degree_kernel()(col_w)

    u1 = _tc_kan_first(x, d0, d1, lng1, lnb1, wg1, wbt1, bbr1)
    sl1, sr1 = _make_edge_scatter_split()(u1.reshape(2 * _N, 64), row_s, col_s)
    h1_pre, st1 = _tc_combine_stats(u1, sl1, sr1, d0, d1, br1)

    h1, u2 = _tc_bn_kan(h1_pre, st1, d0, d1, lng2, lnb2, wg2, wbt2, bbr2,
                        bng, bnb)
    sl2, sr2 = _make_edge_scatter_split()(u2.reshape(2 * _N, 64), row_s, col_s)
    h2_pre, st2 = _tc_combine_stats(u2, sl2, sr2, d0, d1, br2)

    u3 = _tc_kan_concat(x, h1, h2_pre, st2, d0, d1, lng3, lnb3, wg3, wbt3,
                        bbr3, bng, bnb)
    s30, s31 = _make_edge_scatter16()(u3, row_w, col_w)
    return _tc_combine_final(u3, s30, s31, d0, d1, br3)

# --- scband reference (transcript-rebuilt; emitter-appended) ---
"""Pipeline reference for scband-gfastkan-nodes-49469433315364 (READ-ONLY COPY).

The authoritative reference and input builder live on the scoring server;
editing this copy changes nothing except your own understanding.
"""

import jax, jax.numpy as jnp
import numpy as np

N = 10000
E = 320000
D_IN = 128
HID = 128
NCLS = 16
GRIDS = 4
GRID = jnp.linspace(-2.0, 2.0, GRIDS)
H = 4.0 / (GRIDS - 1)


def _kan_params(key, din, dout):
    k1, k2 = jax.random.split(key)
    ln_g = jnp.ones((din,), jnp.float32)
    ln_b = jnp.zeros((din,), jnp.float32)
    Ws = jax.random.normal(k1, (dout, din * GRIDS), jnp.float32) * (0.1 / np.sqrt(din * GRIDS))
    Wb = jax.random.normal(k2, (dout, din), jnp.float32) * (1.0 / np.sqrt(din))
    bb = jnp.zeros((dout,), jnp.float32)
    bias = jnp.zeros((dout,), jnp.float32)
    return ln_g, ln_b, Ws, Wb, bb, bias


def setup_inputs(seed: int = 0):
    key = jax.random.key(seed)
    ks = jax.random.split(key, 8)
    x = jax.random.normal(ks[0], (N, D_IN), jnp.float32)
    edge_index = jax.random.randint(ks[1], (2, E), 0, N, dtype=jnp.int32)
    p1 = _kan_params(ks[2], D_IN, HID)
    p2 = _kan_params(ks[3], HID, HID)
    p3 = _kan_params(ks[4], D_IN + 2 * HID, NCLS)
    inp = {"x": x, "edge_index": edge_index}
    names = ["ln_g", "ln_b", "Ws", "Wb", "bb", "bias"]
    for i, p in enumerate((p1, p2, p3), start=1):
        for nm, v in zip(names, p):
            inp[nm + str(i)] = v
    inp["bn_g"] = jnp.ones((HID,), jnp.float32)
    inp["bn_b"] = jnp.zeros((HID,), jnp.float32)
    return inp


def _layernorm(x, g, b):
    m = jnp.mean(x, axis=-1, keepdims=True)
    v = jnp.var(x, axis=-1, keepdims=True)
    return (x - m) / jnp.sqrt(v + 1e-5) * g + b


def _kan(x, ln_g, ln_b, Ws, Wb, bb):
    # FastKANLayer: layernorm -> gaussian RBF basis -> spline linear, plus silu base update
    y = _layernorm(x, ln_g, ln_b)
    basis = jnp.exp(-(((y[..., None] - GRID) / H) ** 2))
    spline = basis.reshape(x.shape[0], -1) @ Ws.T
    base = (x * jax.nn.sigmoid(x)) @ Wb.T + bb
    return spline + base


def _gcn(x, row, col, ln_g, ln_b, Ws, Wb, bb, bias):
    # GCNConv with FKANLayer as lin: lin(x) -> gcn_norm (self-loops, sym norm) -> scatter-add -> + bias
    x = _kan(x, ln_g, ln_b, Ws, Wb, bb)
    n = x.shape[0]
    loop = jnp.arange(n, dtype=row.dtype)
    row2 = jnp.concatenate([row, loop])
    col2 = jnp.concatenate([col, loop])
    deg = jax.ops.segment_sum(jnp.ones(row2.shape[0], x.dtype), col2, num_segments=n)
    dis = jnp.where(deg > 0, deg ** -0.5, 0.0)
    norm = dis[row2] * dis[col2]
    out = jax.ops.segment_sum(x[row2] * norm[:, None], col2, num_segments=n)
    return out + bias


def _bn(x, g, b):
    # BatchNorm1d in training mode (batch statistics, biased var)
    m = jnp.mean(x, axis=0)
    v = jnp.var(x, axis=0)
    return (x - m) / jnp.sqrt(v + 1e-5) * g + b


def reference(x, edge_index, ln_g1, ln_b1, Ws1, Wb1, bb1, bias1, ln_g2, ln_b2, Ws2, Wb2, bb2, bias2, ln_g3, ln_b3, Ws3, Wb3, bb3, bias3, bn_g, bn_b):
    row, col = edge_index[0], edge_index[1]
    l = [x]
    h = _gcn(x, row, col, ln_g1, ln_b1, Ws1, Wb1, bb1, bias1)
    h = _bn(h, bn_g, bn_b)
    l.append(h)
    h = _gcn(h, row, col, ln_g2, ln_b2, Ws2, Wb2, bb2, bias2)
    h = _bn(h, bn_g, bn_b)
    l.append(h)
    h = jnp.concatenate(l, axis=1)
    out = _gcn(h, row, col, ln_g3, ln_b3, Ws3, Wb3, bb3, bias3)
    return out

if __name__ == "__main__":
    import jax
    _d = setup_inputs()
    print(jax.jit(kernel)(*tuple(_d.values())))

</pallas_src>

<mosaic_0001>
#map = affine_map<(d0, d1) -> (0, 0, 0)>
#map1 = affine_map<(d0, d1) -> (0, 0)>
module attributes {stable_mosaic.version = 14 : i64} {
  func.func @deg_kernel(%arg0: i32, %arg1: i32, %arg2: memref<32x125x80xi32, #tpu.memory_space<hbm>>, %arg3: memref<10000x16xf32, #tpu.memory_space<hbm>>, %arg4: memref<10000x16xf32, #tpu.memory_space<hbm>>, %arg5: memref<125x80xi32, #tpu.memory_space<vmem>>, %arg6: memref<80x16xf32, #tpu.memory_space<vmem>>, %arg7: memref<125x16xf32, #tpu.memory_space<vmem>>, %arg8: memref<10000x16xf32, #tpu.memory_space<vmem_shared>>, %arg9: memref<!tpu.dma_semaphore, #tpu.memory_space<semaphore_mem>>) attributes {dimension_semantics = [#tpu.dimension_semantics<core_parallel>, #tpu.dimension_semantics<subcore_parallel>], iteration_bounds = array<i64: 2, 16>, scalar_prefetch = 0 : i64, scratch_operands = 5 : i64, tpu.core_type = #tpu.core_type<sc_vector_subcore>, window_params = [{transform_indices = #map}, {transform_indices = #map1}, {transform_indices = #map1}]} {
    %mul3A = arith.constant 16 : i32
    %mul3A_0 = arith.muli %arg0, %mul3A : i32
    %add3A = arith.addi %mul3A_0, %arg1 : i32
    %broadcast_in_dim3A = arith.constant 1.000000e+00 : f32
    %broadcast_in_dim3A_1 = vector.broadcast %broadcast_in_dim3A : f32 to vector<16xf32>
    %scan3A = arith.constant 0 : i32
    %scan3A_2 = arith.constant 0 : i32
    %scan3A_3 = arith.constant 80 : i32
    %scan3A_4 = arith.addi %scan3A_2, %scan3A_3 : i32
    %scan3A_5 = arith.constant 1 : i32
    scf.for %scan3A_49 = %scan3A_2 to %scan3A_4 step %scan3A_5  : i32 {
      %jit3A = arith.constant 1 : i32
      %div3A = arith.divsi %scan3A_49, %jit3A : i32
      %sign3A = arith.constant 0 : i32
      %sign3A_50 = arith.cmpi sgt, %scan3A_49, %sign3A : i32
      %sign3A_51 = arith.extui %sign3A_50 : i1 to i32
      %sign3A_52 = arith.constant 0 : i32
      %sign3A_53 = arith.cmpi slt, %scan3A_49, %sign3A_52 : i32
      %sign3A_54 = arith.extui %sign3A_53 : i1 to i32
      %sign3A_55 = arith.subi %sign3A_51, %sign3A_54 : i32
      %sign3A_56 = arith.constant 0 : i32
      %sign3A_57 = arith.cmpi sgt, %jit3A, %sign3A_56 : i32
      %sign3A_58 = arith.extui %sign3A_57 : i1 to i32
      %sign3A_59 = arith.constant 0 : i32
      %sign3A_60 = arith.cmpi slt, %jit3A, %sign3A_59 : i32
      %sign3A_61 = arith.extui %sign3A_60 : i1 to i32
      %sign3A_62 = arith.subi %sign3A_58, %sign3A_61 : i32
      %ne3A = arith.cmpi ne, %sign3A_55, %sign3A_62 : i32
      %rem3A = arith.remsi %scan3A_49, %jit3A : i32
      %ne3A_63 = arith.constant 0 : i32
      %ne3A_64 = arith.cmpi ne, %rem3A, %ne3A_63 : i32
      %and3A = arith.andi %ne3A, %ne3A_64 : i1
      %sub3A = arith.constant 1 : i32
      %sub3A_65 = arith.subi %div3A, %sub3A : i32
      %select_n3A = arith.select %and3A, %sub3A_65, %div3A : i32
      %jit3A_66 = arith.constant 1 : i32
      %eq3A_67 = arith.constant 0 : i32
      %eq3A_68 = arith.cmpi eq, %jit3A_66, %eq3A_67 : i32
      %jit3A_69 = arith.constant 1 : i32
      %select_n3A_70 = arith.select %eq3A_68, %jit3A_69, %jit3A_66 : i32
      %rem3A_71 = arith.remsi %scan3A_49, %select_n3A_70 : i32
      %ne3A_72 = arith.constant 0 : i32
      %ne3A_73 = arith.cmpi ne, %rem3A_71, %ne3A_72 : i32
      %lt3A = arith.constant 0 : i32
      %lt3A_74 = arith.cmpi slt, %rem3A_71, %lt3A : i32
      %lt3A_75 = arith.constant 0 : i32
      %lt3A_76 = arith.cmpi slt, %select_n3A_70, %lt3A_75 : i32
      %ne3A_77 = arith.xori %lt3A_74, %lt3A_76 : i1
      %and3A_78 = arith.andi %ne3A_77, %ne3A_73 : i1
      %add3A_79 = arith.addi %rem3A_71, %select_n3A_70 : i32
      %select_n3A_80 = arith.select %and3A_78, %add3A_79, %rem3A_71 : i32
      %mul3A_81 = arith.constant 16 : i32
      %mul3A_82 = arith.muli %select_n3A_80, %mul3A_81 : i32
      %swap3A = arith.index_cast %select_n3A : i32 to index
      %swap3A_83 = arith.index_cast %mul3A_82 : i32 to index
      %swap3A_84 = tpu.vector_load %arg6[%swap3A, %swap3A_83] {strides = array<i32>} : memref<80x16xf32, #tpu.memory_space<vmem>>, vector<1x16xf32>,
      %swap3A_85 = vector.shape_cast %swap3A_84 : vector<1x16xf32> to vector<16xf32>
      %swap3A_86 = vector.shape_cast %broadcast_in_dim3A_1 : vector<16xf32> to vector<1x16xf32>
      tpu.vector_store %arg6[%swap3A, %swap3A_83], %swap3A_86 {strides = array<i32>} : memref<80x16xf32, #tpu.memory_space<vmem>>, vector<1x16xf32>,
    }
    %scan3A_6 = arith.constant 80 : i32
    %broadcast_in_dim3A_7 = arith.constant 0.000000e+00 : f32
    %broadcast_in_dim3A_8 = vector.broadcast %broadcast_in_dim3A_7 : f32 to vector<16xf32>
    %scan3A_9 = arith.constant 0 : i32
    %scan3A_10 = arith.constant 0 : i32
    %scan3A_11 = arith.constant 125 : i32
    %scan3A_12 = arith.addi %scan3A_10, %scan3A_11 : i32
    %scan3A_13 = arith.constant 1 : i32
    scf.for %scan3A_49 = %scan3A_10 to %scan3A_12 step %scan3A_13  : i32 {
      %jit3A = arith.constant 1 : i32
      %div3A = arith.divsi %scan3A_49, %jit3A : i32
      %sign3A = arith.constant 0 : i32
      %sign3A_50 = arith.cmpi sgt, %scan3A_49, %sign3A : i32
      %sign3A_51 = arith.extui %sign3A_50 : i1 to i32
      %sign3A_52 = arith.constant 0 : i32
      %sign3A_53 = arith.cmpi slt, %scan3A_49, %sign3A_52 : i32
      %sign3A_54 = arith.extui %sign3A_53 : i1 to i32
      %sign3A_55 = arith.subi %sign3A_51, %sign3A_54 : i32
      %sign3A_56 = arith.constant 0 : i32
      %sign3A_57 = arith.cmpi sgt, %jit3A, %sign3A_56 : i32
      %sign3A_58 = arith.extui %sign3A_57 : i1 to i32
      %sign3A_59 = arith.constant 0 : i32
      %sign3A_60 = arith.cmpi slt, %jit3A, %sign3A_59 : i32
      %sign3A_61 = arith.extui %sign3A_60 : i1 to i32
      %sign3A_62 = arith.subi %sign3A_58, %sign3A_61 : i32
      %ne3A = arith.cmpi ne, %sign3A_55, %sign3A_62 : i32
      %rem3A = arith.remsi %scan3A_49, %jit3A : i32
      %ne3A_63 = arith.constant 0 : i32
      %ne3A_64 = arith.cmpi ne, %rem3A, %ne3A_63 : i32
      %and3A = arith.andi %ne3A, %ne3A_64 : i1
      %sub3A = arith.constant 1 : i32
      %sub3A_65 = arith.subi %div3A, %sub3A : i32
      %select_n3A = arith.select %and3A, %sub3A_65, %div3A : i32
      %jit3A_66 = arith.constant 1 : i32
      %eq3A_67 = arith.constant 0 : i32
      %eq3A_68 = arith.cmpi eq, %jit3A_66, %eq3A_67 : i32
      %jit3A_69 = arith.constant 1 : i32
      %select_n3A_70 = arith.select %eq3A_68, %jit3A_69, %jit3A_66 : i32
      %rem3A_71 = arith.remsi %scan3A_49, %select_n3A_70 : i32
      %ne3A_72 = arith.constant 0 : i32
      %ne3A_73 = arith.cmpi ne, %rem3A_71, %ne3A_72 : i32
      %lt3A = arith.constant 0 : i32
      %lt3A_74 = arith.cmpi slt, %rem3A_71, %lt3A : i32
      %lt3A_75 = arith.constant 0 : i32
      %lt3A_76 = arith.cmpi slt, %select_n3A_70, %lt3A_75 : i32
      %ne3A_77 = arith.xori %lt3A_74, %lt3A_76 : i1
      %and3A_78 = arith.andi %ne3A_77, %ne3A_73 : i1
      %add3A_79 = arith.addi %rem3A_71, %select_n3A_70 : i32
      %select_n3A_80 = arith.select %and3A_78, %add3A_79, %rem3A_71 : i32
      %mul3A_81 = arith.constant 16 : i32
      %mul3A_82 = arith.muli %select_n3A_80, %mul3A_81 : i32
      %swap3A = arith.index_cast %select_n3A : i32 to index
      %swap3A_83 = arith.index_cast %mul3A_82 : i32 to index
      %swap3A_84 = tpu.vector_load %arg7[%swap3A, %swap3A_83] {strides = array<i32>} : memref<125x16xf32, #tpu.memory_space<vmem>>, vector<1x16xf32>,
      %swap3A_85 = vector.shape_cast %swap3A_84 : vector<1x16xf32> to vector<16xf32>
      %swap3A_86 = vector.shape_cast %broadcast_in_dim3A_8 : vector<16xf32> to vector<1x16xf32>
      tpu.vector_store %arg7[%swap3A, %swap3A_83], %swap3A_86 {strides = array<i32>} : memref<125x16xf32, #tpu.memory_space<vmem>>, vector<1x16xf32>,
    }
    %scan3A_14 = arith.constant 125 : i32
    %mul3A_15 = arith.constant 625 : i32
    %mul3A_16 = arith.muli %arg1, %mul3A_15 : i32
    %add3A_17 = arith.constant 0 : i32
    %add3A_18 = arith.addi %mul3A_16, %add3A_17 : i32
    "tpu.region"() ({
      %run_scoped3A = tpu.sem_alloc : memref<!tpu.dma_semaphore, #tpu.memory_space<semaphore_mem>>
      %dma_start3A = arith.constant 0 : i32
      %dma_start3A_49 = tpu.memref_slice %arg8[%add3A_18, %dma_start3A] : memref<10000x16xf32, #tpu.memory_space<vmem_shared>> -> memref<125x16xf32, #tpu.memory_space<vmem_shared>>
      %dma_start3A_50 = arith.constant 0 : i32
      %dma_start3A_51 = tpu.memref_slice %arg8[%add3A_18, %dma_start3A_50] : memref<10000x16xf32, #tpu.memory_space<vmem_shared>> -> memref<125x16xf32, #tpu.memory_space<vmem_shared>>
      tpu.enqueue_dma source(%arg7 : memref<125x16xf32, #tpu.memory_space<vmem>>) target(%dma_start3A_51 : memref<125x16xf32, #tpu.memory_space<vmem_shared>>) target_semaphore(%run_scoped3A : memref<!tpu.dma_semaphore, #tpu.memory_space<semaphore_mem>>)
      %dma_wait3A = arith.constant 0 : i32
      %dma_wait3A_52 = tpu.memref_slice %arg8[%add3A_18, %dma_wait3A] : memref<10000x16xf32, #tpu.memory_space<vmem_shared>> -> memref<125x16xf32, #tpu.memory_space<vmem_shared>>
      %dma_wait3A_53 = arith.constant 0 : i32
      %dma_wait3A_54 = tpu.memref_slice %arg8[%add3A_18, %dma_wait3A_53] : memref<10000x16xf32, #tpu.memory_space<vmem_shared>> -> memref<125x16xf32, #tpu.memory_space<vmem_shared>>
      tpu.wait_dma2 semaphore(%run_scoped3A : memref<!tpu.dma_semaphore, #tpu.memory_space<semaphore_mem>>) src(%arg7 : memref<125x16xf32, #tpu.memory_space<vmem>>) dst(%dma_wait3A_54 : memref<125x16xf32, #tpu.memory_space<vmem_shared>>)
      tpu.yield
    }) : () -> ()
    %mul3A_19 = arith.constant 625 : i32
    %mul3A_20 = arith.muli %arg1, %mul3A_19 : i32
    %add3A_21 = arith.constant 125 : i32
    %add3A_22 = arith.addi %mul3A_20, %add3A_21 : i32
    "tpu.region"() ({
      %run_scoped3A = tpu.sem_alloc : memref<!tpu.dma_semaphore, #tpu.memory_space<semaphore_mem>>
      %dma_start3A = arith.constant 0 : i32
      %dma_start3A_49 = tpu.memref_slice %arg8[%add3A_22, %dma_start3A] : memref<10000x16xf32, #tpu.memory_space<vmem_shared>> -> memref<125x16xf32, #tpu.memory_space<vmem_shared>>
      %dma_start3A_50 = arith.constant 0 : i32
      %dma_start3A_51 = tpu.memref_slice %arg8[%add3A_22, %dma_start3A_50] : memref<10000x16xf32, #tpu.memory_space<vmem_shared>> -> memref<125x16xf32, #tpu.memory_space<vmem_shared>>
      tpu.enqueue_dma source(%arg7 : memref<125x16xf32, #tpu.memory_space<vmem>>) target(%dma_start3A_51 : memref<125x16xf32, #tpu.memory_space<vmem_shared>>) target_semaphore(%run_scoped3A : memref<!tpu.dma_semaphore, #tpu.memory_space<semaphore_mem>>)
      %dma_wait3A = arith.constant 0 : i32
      %dma_wait3A_52 = tpu.memref_slice %arg8[%add3A_22, %dma_wait3A] : memref<10000x16xf32, #tpu.memory_space<vmem_shared>> -> memref<125x16xf32, #tpu.memory_space<vmem_shared>>
      %dma_wait3A_53 = arith.constant 0 : i32
      %dma_wait3A_54 = tpu.memref_slice %arg8[%add3A_22, %dma_wait3A_53] : memref<10000x16xf32, #tpu.memory_space<vmem_shared>> -> memref<125x16xf32, #tpu.memory_space<vmem_shared>>
      tpu.wait_dma2 semaphore(%run_scoped3A : memref<!tpu.dma_semaphore, #tpu.memory_space<semaphore_mem>>) src(%arg7 : memref<125x16xf32, #tpu.memory_space<vmem>>) dst(%dma_wait3A_54 : memref<125x16xf32, #tpu.memory_space<vmem_shared>>)
      tpu.yield
    }) : () -> ()
    %mul3A_23 = arith.constant 625 : i32
    %mul3A_24 = arith.muli %arg1, %mul3A_23 : i32
    %add3A_25 = arith.constant 250 : i32
    %add3A_26 = arith.addi %mul3A_24, %add3A_25 : i32
    "tpu.region"() ({
      %run_scoped3A = tpu.sem_alloc : memref<!tpu.dma_semaphore, #tpu.memory_space<semaphore_mem>>
      %dma_start3A = arith.constant 0 : i32
      %dma_start3A_49 = tpu.memref_slice %arg8[%add3A_26, %dma_start3A] : memref<10000x16xf32, #tpu.memory_space<vmem_shared>> -> memref<125x16xf32, #tpu.memory_space<vmem_shared>>
      %dma_start3A_50 = arith.constant 0 : i32
      %dma_start3A_51 = tpu.memref_slice %arg8[%add3A_26, %dma_start3A_50] : memref<10000x16xf32, #tpu.memory_space<vmem_shared>> -> memref<125x16xf32, #tpu.memory_space<vmem_shared>>
      tpu.enqueue_dma source(%arg7 : memref<125x16xf32, #tpu.memory_space<vmem>>) target(%dma_start3A_51 : memref<125x16xf32, #tpu.memory_space<vmem_shared>>) target_semaphore(%run_scoped3A : memref<!tpu.dma_semaphore, #tpu.memory_space<semaphore_mem>>)
      %dma_wait3A = arith.constant 0 : i32
      %dma_wait3A_52 = tpu.memref_slice %arg8[%add3A_26, %dma_wait3A] : memref<10000x16xf32, #tpu.memory_space<vmem_shared>> -> memref<125x16xf32, #tpu.memory_space<vmem_shared>>
      %dma_wait3A_53 = arith.constant 0 : i32
      %dma_wait3A_54 = tpu.memref_slice %arg8[%add3A_26, %dma_wait3A_53] : memref<10000x16xf32, #tpu.memory_space<vmem_shared>> -> memref<125x16xf32, #tpu.memory_space<vmem_shared>>
      tpu.wait_dma2 semaphore(%run_scoped3A : memref<!tpu.dma_semaphore, #tpu.memory_space<semaphore_mem>>) src(%arg7 : memref<125x16xf32, #tpu.memory_space<vmem>>) dst(%dma_wait3A_54 : memref<125x16xf32, #tpu.memory_space<vmem_shared>>)
      tpu.yield
    }) : () -> ()
    %mul3A_27 = arith.constant 625 : i32
    %mul3A_28 = arith.muli %arg1, %mul3A_27 : i32
    %add3A_29 = arith.constant 375 : i32
    %add3A_30 = arith.addi %mul3A_28, %add3A_29 : i32
    "tpu.region"() ({
      %run_scoped3A = tpu.sem_alloc : memref<!tpu.dma_semaphore, #tpu.memory_space<semaphore_mem>>
      %dma_start3A = arith.constant 0 : i32
      %dma_start3A_49 = tpu.memref_slice %arg8[%add3A_30, %dma_start3A] : memref<10000x16xf32, #tpu.memory_space<vmem_shared>> -> memref<125x16xf32, #tpu.memory_space<vmem_shared>>
      %dma_start3A_50 = arith.constant 0 : i32
      %dma_start3A_51 = tpu.memref_slice %arg8[%add3A_30, %dma_start3A_50] : memref<10000x16xf32, #tpu.memory_space<vmem_shared>> -> memref<125x16xf32, #tpu.memory_space<vmem_shared>>
      tpu.enqueue_dma source(%arg7 : memref<125x16xf32, #tpu.memory_space<vmem>>) target(%dma_start3A_51 : memref<125x16xf32, #tpu.memory_space<vmem_shared>>) target_semaphore(%run_scoped3A : memref<!tpu.dma_semaphore, #tpu.memory_space<semaphore_mem>>)
      %dma_wait3A = arith.constant 0 : i32
      %dma_wait3A_52 = tpu.memref_slice %arg8[%add3A_30, %dma_wait3A] : memref<10000x16xf32, #tpu.memory_space<vmem_shared>> -> memref<125x16xf32, #tpu.memory_space<vmem_shared>>
      %dma_wait3A_53 = arith.constant 0 : i32
      %dma_wait3A_54 = tpu.memref_slice %arg8[%add3A_30, %dma_wait3A_53] : memref<10000x16xf32, #tpu.memory_space<vmem_shared>> -> memref<125x16xf32, #tpu.memory_space<vmem_shared>>
      tpu.wait_dma2 semaphore(%run_scoped3A : memref<!tpu.dma_semaphore, #tpu.memory_space<semaphore_mem>>) src(%arg7 : memref<125x16xf32, #tpu.memory_space<vmem>>) dst(%dma_wait3A_54 : memref<125x16xf32, #tpu.memory_space<vmem_shared>>)
      tpu.yield
    }) : () -> ()
    %mul3A_31 = arith.constant 625 : i32
    %mul3A_32 = arith.muli %arg1, %mul3A_31 : i32
    %add3A_33 = arith.constant 500 : i32
    %add3A_34 = arith.addi %mul3A_32, %add3A_33 : i32
    "tpu.region"() ({
      %run_scoped3A = tpu.sem_alloc : memref<!tpu.dma_semaphore, #tpu.memory_space<semaphore_mem>>
      %dma_start3A = arith.constant 0 : i32
      %dma_start3A_49 = tpu.memref_slice %arg8[%add3A_34, %dma_start3A] : memref<10000x16xf32, #tpu.memory_space<vmem_shared>> -> memref<125x16xf32, #tpu.memory_space<vmem_shared>>
      %dma_start3A_50 = arith.constant 0 : i32
      %dma_start3A_51 = tpu.memref_slice %arg8[%add3A_34, %dma_start3A_50] : memref<10000x16xf32, #tpu.memory_space<vmem_shared>> -> memref<125x16xf32, #tpu.memory_space<vmem_shared>>
      tpu.enqueue_dma source(%arg7 : memref<125x16xf32, #tpu.memory_space<vmem>>) target(%dma_start3A_51 : memref<125x16xf32, #tpu.memory_space<vmem_shared>>) target_semaphore(%run_scoped3A : memref<!tpu.dma_semaphore, #tpu.memory_space<semaphore_mem>>)
      %dma_wait3A = arith.constant 0 : i32
      %dma_wait3A_52 = tpu.memref_slice %arg8[%add3A_34, %dma_wait3A] : memref<10000x16xf32, #tpu.memory_space<vmem_shared>> -> memref<125x16xf32, #tpu.memory_space<vmem_shared>>
      %dma_wait3A_53 = arith.constant 0 : i32
      %dma_wait3A_54 = tpu.memref_slice %arg8[%add3A_34, %dma_wait3A_53] : memref<10000x16xf32, #tpu.memory_space<vmem_shared>> -> memref<125x16xf32, #tpu.memory_space<vmem_shared>>
      tpu.wait_dma2 semaphore(%run_scoped3A : memref<!tpu.dma_semaphore, #tpu.memory_space<semaphore_mem>>) src(%arg7 : memref<125x16xf32, #tpu.memory_space<vmem>>) dst(%dma_wait3A_54 : memref<125x16xf32, #tpu.memory_space<vmem_shared>>)
      tpu.yield
    }) : () -> ()
    "tpu.region"() ({
      %run_scoped3A = tpu.sem_alloc : memref<!tpu.dma_semaphore, #tpu.memory_space<semaphore_mem>>
      %dma_start3A = arith.constant 0 : i32
      %dma_start3A_49 = arith.constant 0 : i32
      %dma_start3A_50 = tpu.memref_slice %arg2[%add3A, %dma_start3A, %dma_start3A_49] : memref<32x125x80xi32, #tpu.memory_space<hbm>> -> memref<1x125x80xi32, #tpu.memory_space<hbm>>
      %dma_start3A_51 = tpu.memref_squeeze %dma_start3A_50 : memref<1x125x80xi32, #tpu.memory_space<hbm>> -> memref<125x80xi32, #tpu.memory_space<hbm>>
      %dma_start3A_52 = arith.constant 0 : i32
      %dma_start3A_53 = arith.constant 0 : i32
      %dma_start3A_54 = tpu.memref_slice %arg2[%add3A, %dma_start3A_52, %dma_start3A_53] : memref<32x125x80xi32, #tpu.memory_space<hbm>> -> memref<1x125x80xi32, #tpu.memory_space<hbm>>
      %dma_start3A_55 = tpu.memref_squeeze %dma_start3A_54 : memref<1x125x80xi32, #tpu.memory_space<hbm>> -> memref<125x80xi32, #tpu.memory_space<hbm>>
      tpu.enqueue_dma source(%dma_start3A_55 : memref<125x80xi32, #tpu.memory_space<hbm>>) target(%arg5 : memref<125x80xi32, #tpu.memory_space<vmem>>) target_semaphore(%run_scoped3A : memref<!tpu.dma_semaphore, #tpu.memory_space<semaphore_mem>>)
      %dma_wait3A = arith.constant 0 : i32
      %dma_wait3A_56 = arith.constant 0 : i32
      %dma_wait3A_57 = tpu.memref_slice %arg2[%add3A, %dma_wait3A, %dma_wait3A_56] : memref<32x125x80xi32, #tpu.memory_space<hbm>> -> memref<1x125x80xi32, #tpu.memory_space<hbm>>
      %dma_wait3A_58 = tpu.memref_squeeze %dma_wait3A_57 : memref<1x125x80xi32, #tpu.memory_space<hbm>> -> memref<125x80xi32, #tpu.memory_space<hbm>>
      %dma_wait3A_59 = arith.constant 0 : i32
      %dma_wait3A_60 = arith.constant 0 : i32
      %dma_wait3A_61 = tpu.memref_slice %arg2[%add3A, %dma_wait3A_59, %dma_wait3A_60] : memref<32x125x80xi32, #tpu.memory_space<hbm>> -> memref<1x125x80xi32, #tpu.memory_space<hbm>>
      %dma_wait3A_62 = tpu.memref_squeeze %dma_wait3A_61 : memref<1x125x80xi32, #tpu.memory_space<hbm>> -> memref<125x80xi32, #tpu.memory_space<hbm>>
      tpu.wait_dma2 semaphore(%run_scoped3A : memref<!tpu.dma_semaphore, #tpu.memory_space<semaphore_mem>>) src(%dma_wait3A_62 : memref<125x80xi32, #tpu.memory_space<hbm>>) dst(%arg5 : memref<125x80xi32, #tpu.memory_space<vmem>>)
      tpu.yield
    }) : () -> ()
    %barrier3A = arith.constant 0 : index
    tpu.barrier barrier_id(%barrier3A)
    %scan3A_35 = arith.constant 0 : i32
    %scan3A_36 = arith.constant 0 : i32
    %scan3A_37 = arith.constant 25 : i32
    %scan3A_38 = arith.addi %scan3A_36, %scan3A_37 : i32
    %scan3A_39 = arith.constant 1 : i32
    scf.for %scan3A_49 = %scan3A_36 to %scan3A_38 step %scan3A_39  : i32 {
      %mul3A_50 = arith.constant 5 : i32
      %mul3A_51 = arith.muli %scan3A_49, %mul3A_50 : i32
      %add3A_52 = arith.constant 0 : i32
      %add3A_53 = arith.addi %mul3A_51, %add3A_52 : i32
      %dma_start3A = arith.constant 0 : i32
      %dma_start3A_54 = tpu.memref_slice %arg5[%add3A_53, %dma_start3A] : memref<125x80xi32, #tpu.memory_space<vmem>> -> memref<1x80xi32, #tpu.memory_space<vmem>>
      %dma_start3A_55 = tpu.memref_squeeze %dma_start3A_54 : memref<1x80xi32, #tpu.memory_space<vmem>> -> memref<80xi32, #tpu.memory_space<vmem>>
      %dma_start3A_56 = arith.constant 0 : i32
      %dma_start3A_57 = arith.constant 0 : i32
      %dma_start3A_58 = tpu.memref_slice %arg8[%dma_start3A_56, %dma_start3A_57] : memref<10000x16xf32, #tpu.memory_space<vmem_shared>> -> memref<10000x16xf32, #tpu.memory_space<vmem_shared>>
      tpu.enqueue_indirect_dma source(%arg6 : memref<80x16xf32, #tpu.memory_space<vmem>>) target(%dma_start3A_58 : memref<10000x16xf32, #tpu.memory_space<vmem_shared>>) offsets(%dma_start3A_55 : memref<80xi32, #tpu.memory_space<vmem>>) semaphore(%arg9 : memref<!tpu.dma_semaphore, #tpu.memory_space<semaphore_mem>>) {add = true}
      %add3A_59 = arith.constant 1 : i32
      %add3A_60 = arith.addi %mul3A_51, %add3A_59 : i32
      %dma_start3A_61 = arith.constant 0 : i32
      %dma_start3A_62 = tpu.memref_slice %arg5[%add3A_60, %dma_start3A_61] : memref<125x80xi32, #tpu.memory_space<vmem>> -> memref<1x80xi32, #tpu.memory_space<vmem>>
      %dma_start3A_63 = tpu.memref_squeeze %dma_start3A_62 : memref<1x80xi32, #tpu.memory_space<vmem>> -> memref<80xi32, #tpu.memory_space<vmem>>
      %dma_start3A_64 = arith.constant 0 : i32
      %dma_start3A_65 = arith.constant 0 : i32
      %dma_start3A_66 = tpu.memref_slice %arg8[%dma_start3A_64, %dma_start3A_65] : memref<10000x16xf32, #tpu.memory_space<vmem_shared>> -> memref<10000x16xf32, #tpu.memory_space<vmem_shared>>
      tpu.enqueue_indirect_dma source(%arg6 : memref<80x16xf32, #tpu.memory_space<vmem>>) target(%dma_start3A_66 : memref<10000x16xf32, #tpu.memory_space<vmem_shared>>) offsets(%dma_start3A_63 : memref<80xi32, #tpu.memory_space<vmem>>) semaphore(%arg9 : memref<!tpu.dma_semaphore, #tpu.memory_space<semaphore_mem>>) {add = true}
      %add3A_67 = arith.constant 2 : i32
      %add3A_68 = arith.addi %mul3A_51, %add3A_67 : i32
      %dma_start3A_69 = arith.constant 0 : i32
      %dma_start3A_70 = tpu.memref_slice %arg5[%add3A_68, %dma_start3A_69] : memref<125x80xi32, #tpu.memory_space<vmem>> -> memref<1x80xi32, #tpu.memory_space<vmem>>
      %dma_start3A_71 = tpu.memref_squeeze %dma_start3A_70 : memref<1x80xi32, #tpu.memory_space<vmem>> -> memref<80xi32, #tpu.memory_space<vmem>>
      %dma_start3A_72 = arith.constant 0 : i32
      %dma_start3A_73 = arith.constant 0 : i32
      %dma_start3A_74 = tpu.memref_slice %arg8[%dma_start3A_72, %dma_start3A_73] : memref<10000x16xf32, #tpu.memory_space<vmem_shared>> -> memref<10000x16xf32, #tpu.memory_space<vmem_shared>>
      tpu.enqueue_indirect_dma source(%arg6 : memref<80x16xf32, #tpu.memory_space<vmem>>) target(%dma_start3A_74 : memref<10000x16xf32, #tpu.memory_space<vmem_shared>>) offsets(%dma_start3A_71 : memref<80xi32, #tpu.memory_space<vmem>>) semaphore(%arg9 : memref<!tpu.dma_semaphore, #tpu.memory_space<semaphore_mem>>) {add = true}
      %add3A_75 = arith.constant 3 : i32
      %add3A_76 = arith.addi %mul3A_51, %add3A_75 : i32
      %dma_start3A_77 = arith.constant 0 : i32
      %dma_start3A_78 = tpu.memref_slice %arg5[%add3A_76, %dma_start3A_77] : memref<125x80xi32, #tpu.memory_space<vmem>> -> memref<1x80xi32, #tpu.memory_space<vmem>>
      %dma_start3A_79 = tpu.memref_squeeze %dma_start3A_78 : memref<1x80xi32, #tpu.memory_space<vmem>> -> memref<80xi32, #tpu.memory_space<vmem>>
      %dma_start3A_80 = arith.constant 0 : i32
      %dma_start3A_81 = arith.constant 0 : i32
      %dma_start3A_82 = tpu.memref_slice %arg8[%dma_start3A_80, %dma_start3A_81] : memref<10000x16xf32, #tpu.memory_space<vmem_shared>> -> memref<10000x16xf32, #tpu.memory_space<vmem_shared>>
      tpu.enqueue_indirect_dma source(%arg6 : memref<80x16xf32, #tpu.memory_space<vmem>>) target(%dma_start3A_82 : memref<10000x16xf32, #tpu.memory_space<vmem_shared>>) offsets(%dma_start3A_79 : memref<80xi32, #tpu.memory_space<vmem>>) semaphore(%arg9 : memref<!tpu.dma_semaphore, #tpu.memory_space<semaphore_mem>>) {add = true}
      %add3A_83 = arith.constant 4 : i32
      %add3A_84 = arith.addi %mul3A_51, %add3A_83 : i32
      %dma_start3A_85 = arith.constant 0 : i32
      %dma_start3A_86 = tpu.memref_slice %arg5[%add3A_84, %dma_start3A_85] : memref<125x80xi32, #tpu.memory_space<vmem>> -> memref<1x80xi32, #tpu.memory_space<vmem>>
      %dma_start3A_87 = tpu.memref_squeeze %dma_start3A_86 : memref<1x80xi32, #tpu.memory_space<vmem>> -> memref<80xi32, #tpu.memory_space<vmem>>
      %dma_start3A_88 = arith.constant 0 : i32
      %dma_start3A_89 = arith.constant 0 : i32
      %dma_start3A_90 = tpu.memref_slice %arg8[%dma_start3A_88, %dma_start3A_89] : memref<10000x16xf32, #tpu.memory_space<vmem_shared>> -> memref<10000x16xf32, #tpu.memory_space<vmem_shared>>
      tpu.enqueue_indirect_dma source(%arg6 : memref<80x16xf32, #tpu.memory_space<vmem>>) target(%dma_start3A_90 : memref<10000x16xf32, #tpu.memory_space<vmem_shared>>) offsets(%dma_start3A_87 : memref<80xi32, #tpu.memory_space<vmem>>) semaphore(%arg9 : memref<!tpu.dma_semaphore, #tpu.memory_space<semaphore_mem>>) {add = true}
      %dma_wait3A = arith.constant 0 : i32
      %dma_wait3A_91 = tpu.memref_slice %arg5[%add3A_53, %dma_wait3A] : memref<125x80xi32, #tpu.memory_space<vmem>> -> memref<1x80xi32, #tpu.memory_space<vmem>>
      %dma_wait3A_92 = tpu.memref_squeeze %dma_wait3A_91 : memref<1x80xi32, #tpu.memory_space<vmem>> -> memref<80xi32, #tpu.memory_space<vmem>>
      %dma_wait3A_93 = arith.constant 0 : i32
      %dma_wait3A_94 = arith.constant 0 : i32
      %dma_wait3A_95 = tpu.memref_slice %arg8[%dma_wait3A_93, %dma_wait3A_94] : memref<10000x16xf32, #tpu.memory_space<vmem_shared>> -> memref<10000x16xf32, #tpu.memory_space<vmem_shared>>
      tpu.wait_indirect_dma semaphore(%arg9 : memref<!tpu.dma_semaphore, #tpu.memory_space<semaphore_mem>>) src(%arg6 : memref<80x16xf32, #tpu.memory_space<vmem>>) dst(%dma_wait3A_95 : memref<10000x16xf32, #tpu.memory_space<vmem_shared>>)
      %dma_wait3A_96 = arith.constant 0 : i32
      %dma_wait3A_97 = tpu.memref_slice %arg5[%add3A_60, %dma_wait3A_96] : memref<125x80xi32, #tpu.memory_space<vmem>> -> memref<1x80xi32, #tpu.memory_space<vmem>>
      %dma_wait3A_98 = tpu.memref_squeeze %dma_wait3A_97 : memref<1x80xi32, #tpu.memory_space<vmem>> -> memref<80xi32, #tpu.memory_space<vmem>>
      %dma_wait3A_99 = arith.constant 0 : i32
      %dma_wait3A_100 = arith.constant 0 : i32
      %dma_wait3A_101 = tpu.memref_slice %arg8[%dma_wait3A_99, %dma_wait3A_100] : memref<10000x16xf32, #tpu.memory_space<vmem_shared>> -> memref<10000x16xf32, #tpu.memory_space<vmem_shared>>
      tpu.wait_indirect_dma semaphore(%arg9 : memref<!tpu.dma_semaphore, #tpu.memory_space<semaphore_mem>>) src(%arg6 : memref<80x16xf32, #tpu.memory_space<vmem>>) dst(%dma_wait3A_101 : memref<10000x16xf32, #tpu.memory_space<vmem_shared>>)
      %dma_wait3A_102 = arith.constant 0 : i32
      %dma_wait3A_103 = tpu.memref_slice %arg5[%add3A_68, %dma_wait3A_102] : memref<125x80xi32, #tpu.memory_space<vmem>> -> memref<1x80xi32, #tpu.memory_space<vmem>>
      %dma_wait3A_104 = tpu.memref_squeeze %dma_wait3A_103 : memref<1x80xi32, #tpu.memory_space<vmem>> -> memref<80xi32, #tpu.memory_space<vmem>>
      %dma_wait3A_105 = arith.constant 0 : i32
      %dma_wait3A_106 = arith.constant 0 : i32
      %dma_wait3A_107 = tpu.memref_slice %arg8[%dma_wait3A_105, %dma_wait3A_106] : memref<10000x16xf32, #tpu.memory_space<vmem_shared>> -> memref<10000x16xf32, #tpu.memory_space<vmem_shared>>
      tpu.wait_indirect_dma semaphore(%arg9 : memref<!tpu.dma_semaphore, #tpu.memory_space<semaphore_mem>>) src(%arg6 : memref<80x16xf32, #tpu.memory_space<vmem>>) dst(%dma_wait3A_107 : memref<10000x16xf32, #tpu.memory_space<vmem_shared>>)
      %dma_wait3A_108 = arith.constant 0 : i32
      %dma_wait3A_109 = tpu.memref_slice %arg5[%add3A_76, %dma_wait3A_108] : memref<125x80xi32, #tpu.memory_space<vmem>> -> memref<1x80xi32, #tpu.memory_space<vmem>>
      %dma_wait3A_110 = tpu.memref_squeeze %dma_wait3A_109 : memref<1x80xi32, #tpu.memory_space<vmem>> -> memref<80xi32, #tpu.memory_space<vmem>>
      %dma_wait3A_111 = arith.constant 0 : i32
      %dma_wait3A_112 = arith.constant 0 : i32
      %dma_wait3A_113 = tpu.memref_slice %arg8[%dma_wait3A_111, %dma_wait3A_112] : memref<10000x16xf32, #tpu.memory_space<vmem_shared>> -> memref<10000x16xf32, #tpu.memory_space<vmem_shared>>
      tpu.wait_indirect_dma semaphore(%arg9 : memref<!tpu.dma_semaphore, #tpu.memory_space<semaphore_mem>>) src(%arg6 : memref<80x16xf32, #tpu.memory_space<vmem>>) dst(%dma_wait3A_113 : memref<10000x16xf32, #tpu.memory_space<vmem_shared>>)
      %dma_wait3A_114 = arith.constant 0 : i32
      %dma_wait3A_115 = tpu.memref_slice %arg5[%add3A_84, %dma_wait3A_114] : memref<125x80xi32, #tpu.memory_space<vmem>> -> memref<1x80xi32, #tpu.memory_space<vmem>>
      %dma_wait3A_116 = tpu.memref_squeeze %dma_wait3A_115 : memref<1x80xi32, #tpu.memory_space<vmem>> -> memref<80xi32, #tpu.memory_space<vmem>>
      %dma_wait3A_117 = arith.constant 0 : i32
      %dma_wait3A_118 = arith.constant 0 : i32
      %dma_wait3A_119 = tpu.memref_slice %arg8[%dma_wait3A_117, %dma_wait3A_118] : memref<10000x16xf32, #tpu.memory_space<vmem_shared>> -> memref<10000x16xf32, #tpu.memory_space<vmem_shared>>
      tpu.wait_indirect_dma semaphore(%arg9 : memref<!tpu.dma_semaphore, #tpu.memory_space<semaphore_mem>>) src(%arg6 : memref<80x16xf32, #tpu.memory_space<vmem>>) dst(%dma_wait3A_119 : memref<10000x16xf32, #tpu.memory_space<vmem_shared>>)
    }
    %scan3A_40 = arith.constant 25 : i32
    %barrier3A_41 = arith.constant 0 : index
    tpu.barrier barrier_id(%barrier3A_41)
    %eq3A = arith.constant 0 : i32
    %eq3A_42 = arith.cmpi eq, %arg0, %eq3A : i32
    %convert_element_type3A = arith.extui %eq3A_42 : i1 to i32
    %cond3A = arith.constant 0 : i32
    %cond3A_43 = arith.cmpi ne, %convert_element_type3A, %cond3A : i32
    scf.if %cond3A_43 {
      %mul3A_49 = arith.constant 625 : i32
      %mul3A_50 = arith.muli %arg1, %mul3A_49 : i32
      %add3A_51 = arith.constant 0 : i32
      %add3A_52 = arith.addi %mul3A_50, %add3A_51 : i32
      "tpu.region"() ({
        %run_scoped3A = tpu.sem_alloc : memref<!tpu.dma_semaphore, #tpu.memory_space<semaphore_mem>>
        %dma_start3A = arith.constant 0 : i32
        %dma_start3A_69 = tpu.memref_slice %arg3[%add3A_52, %dma_start3A] : memref<10000x16xf32, #tpu.memory_space<hbm>> -> memref<125x16xf32, #tpu.memory_space<hbm>>
        %dma_start3A_70 = arith.constant 0 : i32
        %dma_start3A_71 = tpu.memref_slice %arg8[%add3A_52, %dma_start3A_70] : memref<10000x16xf32, #tpu.memory_space<vmem_shared>> -> memref<125x16xf32, #tpu.memory_space<vmem_shared>>
        tpu.enqueue_dma source(%dma_start3A_71 : memref<125x16xf32, #tpu.memory_space<vmem_shared>>) target(%dma_start3A_69 : memref<125x16xf32, #tpu.memory_space<hbm>>) target_semaphore(%run_scoped3A : memref<!tpu.dma_semaphore, #tpu.memory_space<semaphore_mem>>)
        %dma_wait3A = arith.constant 0 : i32
        %dma_wait3A_72 = tpu.memref_slice %arg3[%add3A_52, %dma_wait3A] : memref<10000x16xf32, #tpu.memory_space<hbm>> -> memref<125x16xf32, #tpu.memory_space<hbm>>
        %dma_wait3A_73 = arith.constant 0 : i32
        %dma_wait3A_74 = tpu.memref_slice %arg8[%add3A_52, %dma_wait3A_73] : memref<10000x16xf32, #tpu.memory_space<vmem_shared>> -> memref<125x16xf32, #tpu.memory_space<vmem_shared>>
        tpu.wait_dma2 semaphore(%run_scoped3A : memref<!tpu.dma_semaphore, #tpu.memory_space<semaphore_mem>>) src(%dma_wait3A_74 : memref<125x16xf32, #tpu.memory_space<vmem_shared>>) dst(%dma_wait3A_72 : memref<125x16xf32, #tpu.memory_space<hbm>>)
        tpu.yield
      }) : () -> ()
      %mul3A_53 = arith.constant 625 : i32
      %mul3A_54 = arith.muli %arg1, %mul3A_53 : i32
      %add3A_55 = arith.constant 125 : i32
      %add3A_56 = arith.addi %mul3A_54, %add3A_55 : i32
      "tpu.region"() ({
        %run_scoped3A = tpu.sem_alloc : memref<!tpu.dma_semaphore, #tpu.memory_space<semaphore_mem>>
        %dma_start3A = arith.constant 0 : i32
        %dma_start3A_69 = tpu.memref_slice %arg3[%add3A_56, %dma_start3A] : memref<10000x16xf32, #tpu.memory_space<hbm>> -> memref<125x16xf32, #tpu.memory_space<hbm>>
        %dma_start3A_70 = arith.constant 0 : i32
        %dma_start3A_71 = tpu.memref_slice %arg8[%add3A_56, %dma_start3A_70] : memref<10000x16xf32, #tpu.memory_space<vmem_shared>> -> memref<125x16xf32, #tpu.memory_space<vmem_shared>>
        tpu.enqueue_dma source(%dma_start3A_71 : memref<125x16xf32, #tpu.memory_space<vmem_shared>>) target(%dma_start3A_69 : memref<125x16xf32, #tpu.memory_space<hbm>>) target_semaphore(%run_scoped3A : memref<!tpu.dma_semaphore, #tpu.memory_space<semaphore_mem>>)
        %dma_wait3A = arith.constant 0 : i32
        %dma_wait3A_72 = tpu.memref_slice %arg3[%add3A_56, %dma_wait3A] : memref<10000x16xf32, #tpu.memory_space<hbm>> -> memref<125x16xf32, #tpu.memory_space<hbm>>
        %dma_wait3A_73 = arith.constant 0 : i32
        %dma_wait3A_74 = tpu.memref_slice %arg8[%add3A_56, %dma_wait3A_73] : memref<10000x16xf32, #tpu.memory_space<vmem_shared>> -> memref<125x16xf32, #tpu.memory_space<vmem_shared>>
        tpu.wait_dma2 semaphore(%run_scoped3A : memref<!tpu.dma_semaphore, #tpu.memory_space<semaphore_mem>>) src(%dma_wait3A_74 : memref<125x16xf32, #tpu.memory_space<vmem_shared>>) dst(%dma_wait3A_72 : memref<125x16xf32, #tpu.memory_space<hbm>>)
        tpu.yield
      }) : () -> ()
      %mul3A_57 = arith.constant 625 : i32
      %mul3A_58 = arith.muli %arg1, %mul3A_57 : i32
      %add3A_59 = arith.constant 250 : i32
      %add3A_60 = arith.addi %mul3A_58, %add3A_59 : i32
      "tpu.region"() ({
        %run_scoped3A = tpu.sem_alloc : memref<!tpu.dma_semaphore, #tpu.memory_space<semaphore_mem>>
        %dma_start3A = arith.constant 0 : i32
        %dma_start3A_69 = tpu.memref_slice %arg3[%add3A_60, %dma_start3A] : memref<10000x16xf32, #tpu.memory_space<hbm>> -> memref<125x16xf32, #tpu.memory_space<hbm>>
        %dma_start3A_70 = arith.constant 0 : i32
        %dma_start3A_71 = tpu.memref_slice %arg8[%add3A_60, %dma_start3A_70] : memref<10000x16xf32, #tpu.memory_space<vmem_shared>> -> memref<125x16xf32, #tpu.memory_space<vmem_shared>>
        tpu.enqueue_dma source(%dma_start3A_71 : memref<125x16xf32, #tpu.memory_space<vmem_shared>>) target(%dma_start3A_69 : memref<125x16xf32, #tpu.memory_space<hbm>>) target_semaphore(%run_scoped3A : memref<!tpu.dma_semaphore, #tpu.memory_space<semaphore_mem>>)
        %dma_wait3A = arith.constant 0 : i32
        %dma_wait3A_72 = tpu.memref_slice %arg3[%add3A_60, %dma_wait3A] : memref<10000x16xf32, #tpu.memory_space<hbm>> -> memref<125x16xf32, #tpu.memory_space<hbm>>
        %dma_wait3A_73 = arith.constant 0 : i32
        %dma_wait3A_74 = tpu.memref_slice %arg8[%add3A_60, %dma_wait3A_73] : memref<10000x16xf32, #tpu.memory_space<vmem_shared>> -> memref<125x16xf32, #tpu.memory_space<vmem_shared>>
        tpu.wait_dma2 semaphore(%run_scoped3A : memref<!tpu.dma_semaphore, #tpu.memory_space<semaphore_mem>>) src(%dma_wait3A_74 : memref<125x16xf32, #tpu.memory_space<vmem_shared>>) dst(%dma_wait3A_72 : memref<125x16xf32, #tpu.memory_space<hbm>>)
        tpu.yield
      }) : () -> ()
      %mul3A_61 = arith.constant 625 : i32
      %mul3A_62 = arith.muli %arg1, %mul3A_61 : i32
      %add3A_63 = arith.constant 375 : i32
      %add3A_64 = arith.addi %mul3A_62, %add3A_63 : i32
      "tpu.region"() ({
        %run_scoped3A = tpu.sem_alloc : memref<!tpu.dma_semaphore, #tpu.memory_space<semaphore_mem>>
        %dma_start3A = arith.constant 0 : i32
        %dma_start3A_69 = tpu.memref_slice %arg3[%add3A_64, %dma_start3A] : memref<10000x16xf32, #tpu.memory_space<hbm>> -> memref<125x16xf32, #tpu.memory_space<hbm>>
        %dma_start3A_70 = arith.constant 0 : i32
        %dma_start3A_71 = tpu.memref_slice %arg8[%add3A_64, %dma_start3A_70] : memref<10000x16xf32, #tpu.memory_space<vmem_shared>> -> memref<125x16xf32, #tpu.memory_space<vmem_shared>>
        tpu.enqueue_dma source(%dma_start3A_71 : memref<125x16xf32, #tpu.memory_space<vmem_shared>>) target(%dma_start3A_69 : memref<125x16xf32, #tpu.memory_space<hbm>>) target_semaphore(%run_scoped3A : memref<!tpu.dma_semaphore, #tpu.memory_space<semaphore_mem>>)
        %dma_wait3A = arith.constant 0 : i32
        %dma_wait3A_72 = tpu.memref_slice %arg3[%add3A_64, %dma_wait3A] : memref<10000x16xf32, #tpu.memory_space<hbm>> -> memref<125x16xf32, #tpu.memory_space<hbm>>
        %dma_wait3A_73 = arith.constant 0 : i32
        %dma_wait3A_74 = tpu.memref_slice %arg8[%add3A_64, %dma_wait3A_73] : memref<10000x16xf32, #tpu.memory_space<vmem_shared>> -> memref<125x16xf32, #tpu.memory_space<vmem_shared>>
        tpu.wait_dma2 semaphore(%run_scoped3A : memref<!tpu.dma_semaphore, #tpu.memory_space<semaphore_mem>>) src(%dma_wait3A_74 : memref<125x16xf32, #tpu.memory_space<vmem_shared>>) dst(%dma_wait3A_72 : memref<125x16xf32, #tpu.memory_space<hbm>>)
        tpu.yield
      }) : () -> ()
      %mul3A_65 = arith.constant 625 : i32
      %mul3A_66 = arith.muli %arg1, %mul3A_65 : i32
      %add3A_67 = arith.constant 500 : i32
      %add3A_68 = arith.addi %mul3A_66, %add3A_67 : i32
      "tpu.region"() ({
        %run_scoped3A = tpu.sem_alloc : memref<!tpu.dma_semaphore, #tpu.memory_space<semaphore_mem>>
        %dma_start3A = arith.constant 0 : i32
        %dma_start3A_69 = tpu.memref_slice %arg3[%add3A_68, %dma_start3A] : memref<10000x16xf32, #tpu.memory_space<hbm>> -> memref<125x16xf32, #tpu.memory_space<hbm>>
        %dma_start3A_70 = arith.constant 0 : i32
        %dma_start3A_71 = tpu.memref_slice %arg8[%add3A_68, %dma_start3A_70] : memref<10000x16xf32, #tpu.memory_space<vmem_shared>> -> memref<125x16xf32, #tpu.memory_space<vmem_shared>>
        tpu.enqueue_dma source(%dma_start3A_71 : memref<125x16xf32, #tpu.memory_space<vmem_shared>>) target(%dma_start3A_69 : memref<125x16xf32, #tpu.memory_space<hbm>>) target_semaphore(%run_scoped3A : memref<!tpu.dma_semaphore, #tpu.memory_space<semaphore_mem>>)
        %dma_wait3A = arith.constant 0 : i32
        %dma_wait3A_72 = tpu.memref_slice %arg3[%add3A_68, %dma_wait3A] : memref<10000x16xf32, #tpu.memory_space<hbm>> -> memref<125x16xf32, #tpu.memory_space<hbm>>
        %dma_wait3A_73 = arith.constant 0 : i32
        %dma_wait3A_74 = tpu.memref_slice %arg8[%add3A_68, %dma_wait3A_73] : memref<10000x16xf32, #tpu.memory_space<vmem_shared>> -> memref<125x16xf32, #tpu.memory_space<vmem_shared>>
        tpu.wait_dma2 semaphore(%run_scoped3A : memref<!tpu.dma_semaphore, #tpu.memory_space<semaphore_mem>>) src(%dma_wait3A_74 : memref<125x16xf32, #tpu.memory_space<vmem_shared>>) dst(%dma_wait3A_72 : memref<125x16xf32, #tpu.memory_space<hbm>>)
        tpu.yield
      }) : () -> ()
    } else {
    }
    %eq3A_44 = arith.constant 1 : i32
    %eq3A_45 = arith.cmpi eq, %arg0, %eq3A_44 : i32
    %convert_element_type3A_46 = arith.extui %eq3A_45 : i1 to i32
    %cond3A_47 = arith.constant 0 : i32
    %cond3A_48 = arith.cmpi ne, %convert_element_type3A_46, %cond3A_47 : i32
    scf.if %cond3A_48 {
      %mul3A_49 = arith.constant 625 : i32
      %mul3A_50 = arith.muli %arg1, %mul3A_49 : i32
      %add3A_51 = arith.constant 0 : i32
      %add3A_52 = arith.addi %mul3A_50, %add3A_51 : i32
      "tpu.region"() ({
        %run_scoped3A = tpu.sem_alloc : memref<!tpu.dma_semaphore, #tpu.memory_space<semaphore_mem>>
        %dma_start3A = arith.constant 0 : i32
        %dma_start3A_69 = tpu.memref_slice %arg4[%add3A_52, %dma_start3A] : memref<10000x16xf32, #tpu.memory_space<hbm>> -> memref<125x16xf32, #tpu.memory_space<hbm>>
        %dma_start3A_70 = arith.constant 0 : i32
        %dma_start3A_71 = tpu.memref_slice %arg8[%add3A_52, %dma_start3A_70] : memref<10000x16xf32, #tpu.memory_space<vmem_shared>> -> memref<125x16xf32, #tpu.memory_space<vmem_shared>>
        tpu.enqueue_dma source(%dma_start3A_71 : memref<125x16xf32, #tpu.memory_space<vmem_shared>>) target(%dma_start3A_69 : memref<125x16xf32, #tpu.memory_space<hbm>>) target_semaphore(%run_scoped3A : memref<!tpu.dma_semaphore, #tpu.memory_space<semaphore_mem>>)
        %dma_wait3A = arith.constant 0 : i32
        %dma_wait3A_72 = tpu.memref_slice %arg4[%add3A_52, %dma_wait3A] : memref<10000x16xf32, #tpu.memory_space<hbm>> -> memref<125x16xf32, #tpu.memory_space<hbm>>
        %dma_wait3A_73 = arith.constant 0 : i32
        %dma_wait3A_74 = tpu.memref_slice %arg8[%add3A_52, %dma_wait3A_73] : memref<10000x16xf32, #tpu.memory_space<vmem_shared>> -> memref<125x16xf32, #tpu.memory_space<vmem_shared>>
        tpu.wait_dma2 semaphore(%run_scoped3A : memref<!tpu.dma_semaphore, #tpu.memory_space<semaphore_mem>>) src(%dma_wait3A_74 : memref<125x16xf32, #tpu.memory_space<vmem_shared>>) dst(%dma_wait3A_72 : memref<125x16xf32, #tpu.memory_space<hbm>>)
        tpu.yield
      }) : () -> ()
      %mul3A_53 = arith.constant 625 : i32
      %mul3A_54 = arith.muli %arg1, %mul3A_53 : i32
      %add3A_55 = arith.constant 125 : i32
      %add3A_56 = arith.addi %mul3A_54, %add3A_55 : i32
      "tpu.region"() ({
        %run_scoped3A = tpu.sem_alloc : memref<!tpu.dma_semaphore, #tpu.memory_space<semaphore_mem>>
        %dma_start3A = arith.constant 0 : i32
        %dma_start3A_69 = tpu.memref_slice %arg4[%add3A_56, %dma_start3A] : memref<10000x16xf32, #tpu.memory_space<hbm>> -> memref<125x16xf32, #tpu.memory_space<hbm>>
        %dma_start3A_70 = arith.constant 0 : i32
        %dma_start3A_71 = tpu.memref_slice %arg8[%add3A_56, %dma_start3A_70] : memref<10000x16xf32, #tpu.memory_space<vmem_shared>> -> memref<125x16xf32, #tpu.memory_space<vmem_shared>>
        tpu.enqueue_dma source(%dma_start3A_71 : memref<125x16xf32, #tpu.memory_space<vmem_shared>>) target(%dma_start3A_69 : memref<125x16xf32, #tpu.memory_space<hbm>>) target_semaphore(%run_scoped3A : memref<!tpu.dma_semaphore, #tpu.memory_space<semaphore_mem>>)
        %dma_wait3A = arith.constant 0 : i32
        %dma_wait3A_72 = tpu.memref_slice %arg4[%add3A_56, %dma_wait3A] : memref<10000x16xf32, #tpu.memory_space<hbm>> -> memref<125x16xf32, #tpu.memory_space<hbm>>
        %dma_wait3A_73 = arith.constant 0 : i32
        %dma_wait3A_74 = tpu.memref_slice %arg8[%add3A_56, %dma_wait3A_73] : memref<10000x16xf32, #tpu.memory_space<vmem_shared>> -> memref<125x16xf32, #tpu.memory_space<vmem_shared>>
        tpu.wait_dma2 semaphore(%run_scoped3A : memref<!tpu.dma_semaphore, #tpu.memory_space<semaphore_mem>>) src(%dma_wait3A_74 : memref<125x16xf32, #tpu.memory_space<vmem_shared>>) dst(%dma_wait3A_72 : memref<125x16xf32, #tpu.memory_space<hbm>>)
        tpu.yield
      }) : () -> ()
      %mul3A_57 = arith.constant 625 : i32
      %mul3A_58 = arith.muli %arg1, %mul3A_57 : i32
      %add3A_59 = arith.constant 250 : i32
      %add3A_60 = arith.addi %mul3A_58, %add3A_59 : i32
      "tpu.region"() ({
        %run_scoped3A = tpu.sem_alloc : memref<!tpu.dma_semaphore, #tpu.memory_space<semaphore_mem>>
        %dma_start3A = arith.constant 0 : i32
        %dma_start3A_69 = tpu.memref_slice %arg4[%add3A_60, %dma_start3A] : memref<10000x16xf32, #tpu.memory_space<hbm>> -> memref<125x16xf32, #tpu.memory_space<hbm>>
        %dma_start3A_70 = arith.constant 0 : i32
        %dma_start3A_71 = tpu.memref_slice %arg8[%add3A_60, %dma_start3A_70] : memref<10000x16xf32, #tpu.memory_space<vmem_shared>> -> memref<125x16xf32, #tpu.memory_space<vmem_shared>>
        tpu.enqueue_dma source(%dma_start3A_71 : memref<125x16xf32, #tpu.memory_space<vmem_shared>>) target(%dma_start3A_69 : memref<125x16xf32, #tpu.memory_space<hbm>>) target_semaphore(%run_scoped3A : memref<!tpu.dma_semaphore, #tpu.memory_space<semaphore_mem>>)
        %dma_wait3A = arith.constant 0 : i32
        %dma_wait3A_72 = tpu.memref_slice %arg4[%add3A_60, %dma_wait3A] : memref<10000x16xf32, #tpu.memory_space<hbm>> -> memref<125x16xf32, #tpu.memory_space<hbm>>
        %dma_wait3A_73 = arith.constant 0 : i32
        %dma_wait3A_74 = tpu.memref_slice %arg8[%add3A_60, %dma_wait3A_73] : memref<10000x16xf32, #tpu.memory_space<vmem_shared>> -> memref<125x16xf32, #tpu.memory_space<vmem_shared>>
        tpu.wait_dma2 semaphore(%run_scoped3A : memref<!tpu.dma_semaphore, #tpu.memory_space<semaphore_mem>>) src(%dma_wait3A_74 : memref<125x16xf32, #tpu.memory_space<vmem_shared>>) dst(%dma_wait3A_72 : memref<125x16xf32, #tpu.memory_space<hbm>>)
        tpu.yield
      }) : () -> ()
      %mul3A_61 = arith.constant 625 : i32
      %mul3A_62 = arith.muli %arg1, %mul3A_61 : i32
      %add3A_63 = arith.constant 375 : i32
      %add3A_64 = arith.addi %mul3A_62, %add3A_63 : i32
      "tpu.region"() ({
        %run_scoped3A = tpu.sem_alloc : memref<!tpu.dma_semaphore, #tpu.memory_space<semaphore_mem>>
        %dma_start3A = arith.constant 0 : i32
        %dma_start3A_69 = tpu.memref_slice %arg4[%add3A_64, %dma_start3A] : memref<10000x16xf32, #tpu.memory_space<hbm>> -> memref<125x16xf32, #tpu.memory_space<hbm>>
        %dma_start3A_70 = arith.constant 0 : i32
        %dma_start3A_71 = tpu.memref_slice %arg8[%add3A_64, %dma_start3A_70] : memref<10000x16xf32, #tpu.memory_space<vmem_shared>> -> memref<125x16xf32, #tpu.memory_space<vmem_shared>>
        tpu.enqueue_dma source(%dma_start3A_71 : memref<125x16xf32, #tpu.memory_space<vmem_shared>>) target(%dma_start3A_69 : memref<125x16xf32, #tpu.memory_space<hbm>>) target_semaphore(%run_scoped3A : memref<!tpu.dma_semaphore, #tpu.memory_space<semaphore_mem>>)
        %dma_wait3A = arith.constant 0 : i32
        %dma_wait3A_72 = tpu.memref_slice %arg4[%add3A_64, %dma_wait3A] : memref<10000x16xf32, #tpu.memory_space<hbm>> -> memref<125x16xf32, #tpu.memory_space<hbm>>
        %dma_wait3A_73 = arith.constant 0 : i32
        %dma_wait3A_74 = tpu.memref_slice %arg8[%add3A_64, %dma_wait3A_73] : memref<10000x16xf32, #tpu.memory_space<vmem_shared>> -> memref<125x16xf32, #tpu.memory_space<vmem_shared>>
        tpu.wait_dma2 semaphore(%run_scoped3A : memref<!tpu.dma_semaphore, #tpu.memory_space<semaphore_mem>>) src(%dma_wait3A_74 : memref<125x16xf32, #tpu.memory_space<vmem_shared>>) dst(%dma_wait3A_72 : memref<125x16xf32, #tpu.memory_space<hbm>>)
        tpu.yield
      }) : () -> ()
      %mul3A_65 = arith.constant 625 : i32
      %mul3A_66 = arith.muli %arg1, %mul3A_65 : i32
      %add3A_67 = arith.constant 500 : i32
      %add3A_68 = arith.addi %mul3A_66, %add3A_67 : i32
      "tpu.region"() ({
        %run_scoped3A = tpu.sem_alloc : memref<!tpu.dma_semaphore, #tpu.memory_space<semaphore_mem>>
        %dma_start3A = arith.constant 0 : i32
        %dma_start3A_69 = tpu.memref_slice %arg4[%add3A_68, %dma_start3A] : memref<10000x16xf32, #tpu.memory_space<hbm>> -> memref<125x16xf32, #tpu.memory_space<hbm>>
        %dma_start3A_70 = arith.constant 0 : i32
        %dma_start3A_71 = tpu.memref_slice %arg8[%add3A_68, %dma_start3A_70] : memref<10000x16xf32, #tpu.memory_space<vmem_shared>> -> memref<125x16xf32, #tpu.memory_space<vmem_shared>>
        tpu.enqueue_dma source(%dma_start3A_71 : memref<125x16xf32, #tpu.memory_space<vmem_shared>>) target(%dma_start3A_69 : memref<125x16xf32, #tpu.memory_space<hbm>>) target_semaphore(%run_scoped3A : memref<!tpu.dma_semaphore, #tpu.memory_space<semaphore_mem>>)
        %dma_wait3A = arith.constant 0 : i32
        %dma_wait3A_72 = tpu.memref_slice %arg4[%add3A_68, %dma_wait3A] : memref<10000x16xf32, #tpu.memory_space<hbm>> -> memref<125x16xf32, #tpu.memory_space<hbm>>
        %dma_wait3A_73 = arith.constant 0 : i32
        %dma_wait3A_74 = tpu.memref_slice %arg8[%add3A_68, %dma_wait3A_73] : memref<10000x16xf32, #tpu.memory_space<vmem_shared>> -> memref<125x16xf32, #tpu.memory_space<vmem_shared>>
        tpu.wait_dma2 semaphore(%run_scoped3A : memref<!tpu.dma_semaphore, #tpu.memory_space<semaphore_mem>>) src(%dma_wait3A_74 : memref<125x16xf32, #tpu.memory_space<vmem_shared>>) dst(%dma_wait3A_72 : memref<125x16xf32, #tpu.memory_space<hbm>>)
        tpu.yield
      }) : () -> ()
    } else {
    }
    return
  }
}

#map = affine_map<(d0, d1) -> (0, 0)>
#map1 = affine_map<(d0, d1) -> (0, 0, 0)>
module attributes {stable_mosaic.version = 14 : i64} {
  func.func @edge_kernel(%arg0: i32, %arg1: i32, %arg2: memref<20000x64xf32, #tpu.memory_space<hbm>>, %arg3: memref<16x250x80xi32, #tpu.memory_space<hbm>>, %arg4: memref<16x250x80xi32, #tpu.memory_space<hbm>>, %arg5: memref<10000x64xf32, #tpu.memory_space<hbm>>, %arg6: memref<10000x64xf32, #tpu.memory_space<hbm>>, %arg7: memref<250x80xi32, #tpu.memory_space<vmem>>, %arg8: memref<250x80xi32, #tpu.memory_space<vmem>>, %arg9: memref<80x64xf32, #tpu.memory_space<vmem>>, %arg10: memref<80x64xf32, #tpu.memory_space<vmem>>, %arg11: memref<80x64xf32, #tpu.memory_space<vmem>>, %arg12: memref<80x64xf32, #tpu.memory_space<vmem>>, %arg13: memref<80x64xf32, #tpu.memory_space<vmem>>, %arg14: memref<125x64xf32, #tpu.memory_space<vmem>>, %arg15: memref<10000x64xf32, #tpu.memory_space<vmem_shared>>, %arg16: memref<!tpu.dma_semaphore, #tpu.memory_space<semaphore_mem>>, %arg17: memref<!tpu.dma_semaphore, #tpu.memory_space<semaphore_mem>>, %arg18: memref<!tpu.dma_semaphore, #tpu.memory_space<semaphore_mem>>, %arg19: memref<!tpu.dma_semaphore, #tpu.memory_space<semaphore_mem>>, %arg20: memref<!tpu.dma_semaphore, #tpu.memory_space<semaphore_mem>>, %arg21: memref<!tpu.dma_semaphore, #tpu.memory_space<semaphore_mem>>, %arg22: memref<!tpu.dma_semaphore, #tpu.memory_space<semaphore_mem>>, %arg23: memref<!tpu.dma_semaphore, #tpu.memory_space<semaphore_mem>>, %arg24: memref<!tpu.dma_semaphore, #tpu.memory_space<semaphore_mem>>, %arg25: memref<!tpu.dma_semaphore, #tpu.memory_space<semaphore_mem>>) attributes {dimension_semantics = [#tpu.dimension_semantics<core_parallel>, #tpu.dimension_semantics<subcore_parallel>], iteration_bounds = array<i64: 2, 16>, scalar_prefetch = 0 : i64, scratch_operands = 19 : i64, tpu.core_type = #tpu.core_type<sc_vector_subcore>, window_params = [{transform_indices = #map}, {transform_indices = #map1}, {transform_indices = #map1}, {transform_indices = #map}, {transform_indices = #map}]} {
    %broadcast_in_dim3A = arith.constant 0.000000e+00 : f32
    %broadcast_in_dim3A_0 = vector.broadcast %broadcast_in_dim3A : f32 to vector<16xf32>
    %scan3A = arith.constant 0 : i32
    %scan3A_1 = arith.constant 0 : i32
    %scan3A_2 = arith.constant 500 : i32
    %scan3A_3 = arith.addi %scan3A_1, %scan3A_2 : i32
    %scan3A_4 = arith.constant 1 : i32
    scf.for %scan3A_78 = %scan3A_1 to %scan3A_3 step %scan3A_4  : i32 {
      %jit3A = arith.constant 4 : i32
      %div3A = arith.divsi %scan3A_78, %jit3A : i32
      %sign3A = arith.constant 0 : i32
      %sign3A_79 = arith.cmpi sgt, %scan3A_78, %sign3A : i32
      %sign3A_80 = arith.extui %sign3A_79 : i1 to i32
      %sign3A_81 = arith.constant 0 : i32
      %sign3A_82 = arith.cmpi slt, %scan3A_78, %sign3A_81 : i32
      %sign3A_83 = arith.extui %sign3A_82 : i1 to i32
      %sign3A_84 = arith.subi %sign3A_80, %sign3A_83 : i32
      %sign3A_85 = arith.constant 0 : i32
      %sign3A_86 = arith.cmpi sgt, %jit3A, %sign3A_85 : i32
      %sign3A_87 = arith.extui %sign3A_86 : i1 to i32
      %sign3A_88 = arith.constant 0 : i32
      %sign3A_89 = arith.cmpi slt, %jit3A, %sign3A_88 : i32
      %sign3A_90 = arith.extui %sign3A_89 : i1 to i32
      %sign3A_91 = arith.subi %sign3A_87, %sign3A_90 : i32
      %ne3A = arith.cmpi ne, %sign3A_84, %sign3A_91 : i32
      %rem3A = arith.remsi %scan3A_78, %jit3A : i32
      %ne3A_92 = arith.constant 0 : i32
      %ne3A_93 = arith.cmpi ne, %rem3A, %ne3A_92 : i32
      %and3A = arith.andi %ne3A, %ne3A_93 : i1
      %sub3A = arith.constant 1 : i32
      %sub3A_94 = arith.subi %div3A, %sub3A : i32
      %select_n3A = arith.select %and3A, %sub3A_94, %div3A : i32
      %jit3A_95 = arith.constant 4 : i32
      %eq3A_96 = arith.constant 0 : i32
      %eq3A_97 = arith.cmpi eq, %jit3A_95, %eq3A_96 : i32
      %jit3A_98 = arith.constant 1 : i32
      %select_n3A_99 = arith.select %eq3A_97, %jit3A_98, %jit3A_95 : i32
      %rem3A_100 = arith.remsi %scan3A_78, %select_n3A_99 : i32
      %ne3A_101 = arith.constant 0 : i32
      %ne3A_102 = arith.cmpi ne, %rem3A_100, %ne3A_101 : i32
      %lt3A = arith.constant 0 : i32
      %lt3A_103 = arith.cmpi slt, %rem3A_100, %lt3A : i32
      %lt3A_104 = arith.constant 0 : i32
      %lt3A_105 = arith.cmpi slt, %select_n3A_99, %lt3A_104 : i32
      %ne3A_106 = arith.xori %lt3A_103, %lt3A_105 : i1
      %and3A_107 = arith.andi %ne3A_106, %ne3A_102 : i1
      %add3A_108 = arith.addi %rem3A_100, %select_n3A_99 : i32
      %select_n3A_109 = arith.select %and3A_107, %add3A_108, %rem3A_100 : i32
      %mul3A_110 = arith.constant 16 : i32
      %mul3A_111 = arith.muli %select_n3A_109, %mul3A_110 : i32
      %swap3A = arith.index_cast %select_n3A : i32 to index
      %swap3A_112 = arith.index_cast %mul3A_111 : i32 to index
      %swap3A_113 = tpu.vector_load %arg14[%swap3A, %swap3A_112] {strides = array<i32>} : memref<125x64xf32, #tpu.memory_space<vmem>>, vector<1x16xf32>,
      %swap3A_114 = vector.shape_cast %swap3A_113 : vector<1x16xf32> to vector<16xf32>
      %swap3A_115 = vector.shape_cast %broadcast_in_dim3A_0 : vector<16xf32> to vector<1x16xf32>
      tpu.vector_store %arg14[%swap3A, %swap3A_112], %swap3A_115 {strides = array<i32>} : memref<125x64xf32, #tpu.memory_space<vmem>>, vector<1x16xf32>,
    }
    %scan3A_5 = arith.constant 500 : i32
    %mul3A = arith.constant 625 : i32
    %mul3A_6 = arith.muli %arg1, %mul3A : i32
    %add3A = arith.constant 0 : i32
    %add3A_7 = arith.addi %mul3A_6, %add3A : i32
    "tpu.region"() ({
      %run_scoped3A = tpu.sem_alloc : memref<!tpu.dma_semaphore, #tpu.memory_space<semaphore_mem>>
      %dma_start3A_78 = arith.constant 0 : i32
      %dma_start3A_79 = tpu.memref_slice %arg15[%add3A_7, %dma_start3A_78] : memref<10000x64xf32, #tpu.memory_space<vmem_shared>> -> memref<125x64xf32, #tpu.memory_space<vmem_shared>>
      %dma_start3A_80 = arith.constant 0 : i32
      %dma_start3A_81 = tpu.memref_slice %arg15[%add3A_7, %dma_start3A_80] : memref<10000x64xf32, #tpu.memory_space<vmem_shared>> -> memref<125x64xf32, #tpu.memory_space<vmem_shared>>
      tpu.enqueue_dma source(%arg14 : memref<125x64xf32, #tpu.memory_space<vmem>>) target(%dma_start3A_81 : memref<125x64xf32, #tpu.memory_space<vmem_shared>>) target_semaphore(%run_scoped3A : memref<!tpu.dma_semaphore, #tpu.memory_space<semaphore_mem>>)
      %dma_wait3A = arith.constant 0 : i32
      %dma_wait3A_82 = tpu.memref_slice %arg15[%add3A_7, %dma_wait3A] : memref<10000x64xf32, #tpu.memory_space<vmem_shared>> -> memref<125x64xf32, #tpu.memory_space<vmem_shared>>
      %dma_wait3A_83 = arith.constant 0 : i32
      %dma_wait3A_84 = tpu.memref_slice %arg15[%add3A_7, %dma_wait3A_83] : memref<10000x64xf32, #tpu.memory_space<vmem_shared>> -> memref<125x64xf32, #tpu.memory_space<vmem_shared>>
      tpu.wait_dma2 semaphore(%run_scoped3A : memref<!tpu.dma_semaphore, #tpu.memory_space<semaphore_mem>>) src(%arg14 : memref<125x64xf32, #tpu.memory_space<vmem>>) dst(%dma_wait3A_84 : memref<125x64xf32, #tpu.memory_space<vmem_shared>>)
      tpu.yield
    }) : () -> ()
    %mul3A_8 = arith.constant 625 : i32
    %mul3A_9 = arith.muli %arg1, %mul3A_8 : i32
    %add3A_10 = arith.constant 125 : i32
    %add3A_11 = arith.addi %mul3A_9, %add3A_10 : i32
    "tpu.region"() ({
      %run_scoped3A = tpu.sem_alloc : memref<!tpu.dma_semaphore, #tpu.memory_space<semaphore_mem>>
      %dma_start3A_78 = arith.constant 0 : i32
      %dma_start3A_79 = tpu.memref_slice %arg15[%add3A_11, %dma_start3A_78] : memref<10000x64xf32, #tpu.memory_space<vmem_shared>> -> memref<125x64xf32, #tpu.memory_space<vmem_shared>>
      %dma_start3A_80 = arith.constant 0 : i32
      %dma_start3A_81 = tpu.memref_slice %arg15[%add3A_11, %dma_start3A_80] : memref<10000x64xf32, #tpu.memory_space<vmem_shared>> -> memref<125x64xf32, #tpu.memory_space<vmem_shared>>
      tpu.enqueue_dma source(%arg14 : memref<125x64xf32, #tpu.memory_space<vmem>>) target(%dma_start3A_81 : memref<125x64xf32, #tpu.memory_space<vmem_shared>>) target_semaphore(%run_scoped3A : memref<!tpu.dma_semaphore, #tpu.memory_space<semaphore_mem>>)
      %dma_wait3A = arith.constant 0 : i32
      %dma_wait3A_82 = tpu.memref_slice %arg15[%add3A_11, %dma_wait3A] : memref<10000x64xf32, #tpu.memory_space<vmem_shared>> -> memref<125x64xf32, #tpu.memory_space<vmem_shared>>
      %dma_wait3A_83 = arith.constant 0 : i32
      %dma_wait3A_84 = tpu.memref_slice %arg15[%add3A_11, %dma_wait3A_83] : memref<10000x64xf32, #tpu.memory_space<vmem_shared>> -> memref<125x64xf32, #tpu.memory_space<vmem_shared>>
      tpu.wait_dma2 semaphore(%run_scoped3A : memref<!tpu.dma_semaphore, #tpu.memory_space<semaphore_mem>>) src(%arg14 : memref<125x64xf32, #tpu.memory_space<vmem>>) dst(%dma_wait3A_84 : memref<125x64xf32, #tpu.memory_space<vmem_shared>>)
      tpu.yield
    }) : () -> ()
    %mul3A_12 = arith.constant 625 : i32
    %mul3A_13 = arith.muli %arg1, %mul3A_12 : i32
    %add3A_14 = arith.constant 250 : i32
    %add3A_15 = arith.addi %mul3A_13, %add3A_14 : i32
    "tpu.region"() ({
      %run_scoped3A = tpu.sem_alloc : memref<!tpu.dma_semaphore, #tpu.memory_space<semaphore_mem>>
      %dma_start3A_78 = arith.constant 0 : i32
      %dma_start3A_79 = tpu.memref_slice %arg15[%add3A_15, %dma_start3A_78] : memref<10000x64xf32, #tpu.memory_space<vmem_shared>> -> memref<125x64xf32, #tpu.memory_space<vmem_shared>>
      %dma_start3A_80 = arith.constant 0 : i32
      %dma_start3A_81 = tpu.memref_slice %arg15[%add3A_15, %dma_start3A_80] : memref<10000x64xf32, #tpu.memory_space<vmem_shared>> -> memref<125x64xf32, #tpu.memory_space<vmem_shared>>
      tpu.enqueue_dma source(%arg14 : memref<125x64xf32, #tpu.memory_space<vmem>>) target(%dma_start3A_81 : memref<125x64xf32, #tpu.memory_space<vmem_shared>>) target_semaphore(%run_scoped3A : memref<!tpu.dma_semaphore, #tpu.memory_space<semaphore_mem>>)
      %dma_wait3A = arith.constant 0 : i32
      %dma_wait3A_82 = tpu.memref_slice %arg15[%add3A_15, %dma_wait3A] : memref<10000x64xf32, #tpu.memory_space<vmem_shared>> -> memref<125x64xf32, #tpu.memory_space<vmem_shared>>
      %dma_wait3A_83 = arith.constant 0 : i32
      %dma_wait3A_84 = tpu.memref_slice %arg15[%add3A_15, %dma_wait3A_83] : memref<10000x64xf32, #tpu.memory_space<vmem_shared>> -> memref<125x64xf32, #tpu.memory_space<vmem_shared>>
      tpu.wait_dma2 semaphore(%run_scoped3A : memref<!tpu.dma_semaphore, #tpu.memory_space<semaphore_mem>>) src(%arg14 : memref<125x64xf32, #tpu.memory_space<vmem>>) dst(%dma_wait3A_84 : memref<125x64xf32, #tpu.memory_space<vmem_shared>>)
      tpu.yield
    }) : () -> ()
    %mul3A_16 = arith.constant 625 : i32
    %mul3A_17 = arith.muli %arg1, %mul3A_16 : i32
    %add3A_18 = arith.constant 375 : i32
    %add3A_19 = arith.addi %mul3A_17, %add3A_18 : i32
    "tpu.region"() ({
      %run_scoped3A = tpu.sem_alloc : memref<!tpu.dma_semaphore, #tpu.memory_space<semaphore_mem>>
      %dma_start3A_78 = arith.constant 0 : i32
      %dma_start3A_79 = tpu.memref_slice %arg15[%add3A_19, %dma_start3A_78] : memref<10000x64xf32, #tpu.memory_space<vmem_shared>> -> memref<125x64xf32, #tpu.memory_space<vmem_shared>>
      %dma_start3A_80 = arith.constant 0 : i32
      %dma_start3A_81 = tpu.memref_slice %arg15[%add3A_19, %dma_start3A_80] : memref<10000x64xf32, #tpu.memory_space<vmem_shared>> -> memref<125x64xf32, #tpu.memory_space<vmem_shared>>
      tpu.enqueue_dma source(%arg14 : memref<125x64xf32, #tpu.memory_space<vmem>>) target(%dma_start3A_81 : memref<125x64xf32, #tpu.memory_space<vmem_shared>>) target_semaphore(%run_scoped3A : memref<!tpu.dma_semaphore, #tpu.memory_space<semaphore_mem>>)
      %dma_wait3A = arith.constant 0 : i32
      %dma_wait3A_82 = tpu.memref_slice %arg15[%add3A_19, %dma_wait3A] : memref<10000x64xf32, #tpu.memory_space<vmem_shared>> -> memref<125x64xf32, #tpu.memory_space<vmem_shared>>
      %dma_wait3A_83 = arith.constant 0 : i32
      %dma_wait3A_84 = tpu.memref_slice %arg15[%add3A_19, %dma_wait3A_83] : memref<10000x64xf32, #tpu.memory_space<vmem_shared>> -> memref<125x64xf32, #tpu.memory_space<vmem_shared>>
      tpu.wait_dma2 semaphore(%run_scoped3A : memref<!tpu.dma_semaphore, #tpu.memory_space<semaphore_mem>>) src(%arg14 : memref<125x64xf32, #tpu.memory_space<vmem>>) dst(%dma_wait3A_84 : memref<125x64xf32, #tpu.memory_space<vmem_shared>>)
      tpu.yield
    }) : () -> ()
    %mul3A_20 = arith.constant 625 : i32
    %mul3A_21 = arith.muli %arg1, %mul3A_20 : i32
    %add3A_22 = arith.constant 500 : i32
    %add3A_23 = arith.addi %mul3A_21, %add3A_22 : i32
    "tpu.region"() ({
      %run_scoped3A = tpu.sem_alloc : memref<!tpu.dma_semaphore, #tpu.memory_space<semaphore_mem>>
      %dma_start3A_78 = arith.constant 0 : i32
      %dma_start3A_79 = tpu.memref_slice %arg15[%add3A_23, %dma_start3A_78] : memref<10000x64xf32, #tpu.memory_space<vmem_shared>> -> memref<125x64xf32, #tpu.memory_space<vmem_shared>>
      %dma_start3A_80 = arith.constant 0 : i32
      %dma_start3A_81 = tpu.memref_slice %arg15[%add3A_23, %dma_start3A_80] : memref<10000x64xf32, #tpu.memory_space<vmem_shared>> -> memref<125x64xf32, #tpu.memory_space<vmem_shared>>
      tpu.enqueue_dma source(%arg14 : memref<125x64xf32, #tpu.memory_space<vmem>>) target(%dma_start3A_81 : memref<125x64xf32, #tpu.memory_space<vmem_shared>>) target_semaphore(%run_scoped3A : memref<!tpu.dma_semaphore, #tpu.memory_space<semaphore_mem>>)
      %dma_wait3A = arith.constant 0 : i32
      %dma_wait3A_82 = tpu.memref_slice %arg15[%add3A_23, %dma_wait3A] : memref<10000x64xf32, #tpu.memory_space<vmem_shared>> -> memref<125x64xf32, #tpu.memory_space<vmem_shared>>
      %dma_wait3A_83 = arith.constant 0 : i32
      %dma_wait3A_84 = tpu.memref_slice %arg15[%add3A_23, %dma_wait3A_83] : memref<10000x64xf32, #tpu.memory_space<vmem_shared>> -> memref<125x64xf32, #tpu.memory_space<vmem_shared>>
      tpu.wait_dma2 semaphore(%run_scoped3A : memref<!tpu.dma_semaphore, #tpu.memory_space<semaphore_mem>>) src(%arg14 : memref<125x64xf32, #tpu.memory_space<vmem>>) dst(%dma_wait3A_84 : memref<125x64xf32, #tpu.memory_space<vmem_shared>>)
      tpu.yield
    }) : () -> ()
    "tpu.region"() ({
      %run_scoped3A = tpu.sem_alloc : memref<!tpu.dma_semaphore, #tpu.memory_space<semaphore_mem>>
      %dma_start3A_78 = arith.constant 0 : i32
      %dma_start3A_79 = arith.constant 0 : i32
      %dma_start3A_80 = tpu.memref_slice %arg3[%arg1, %dma_start3A_78, %dma_start3A_79] : memref<16x250x80xi32, #tpu.memory_space<hbm>> -> memref<1x250x80xi32, #tpu.memory_space<hbm>>
      %dma_start3A_81 = tpu.memref_squeeze %dma_start3A_80 : memref<1x250x80xi32, #tpu.memory_space<hbm>> -> memref<250x80xi32, #tpu.memory_space<hbm>>
      %dma_start3A_82 = arith.constant 0 : i32
      %dma_start3A_83 = arith.constant 0 : i32
      %dma_start3A_84 = tpu.memref_slice %arg3[%arg1, %dma_start3A_82, %dma_start3A_83] : memref<16x250x80xi32, #tpu.memory_space<hbm>> -> memref<1x250x80xi32, #tpu.memory_space<hbm>>
      %dma_start3A_85 = tpu.memref_squeeze %dma_start3A_84 : memref<1x250x80xi32, #tpu.memory_space<hbm>> -> memref<250x80xi32, #tpu.memory_space<hbm>>
      tpu.enqueue_dma source(%dma_start3A_85 : memref<250x80xi32, #tpu.memory_space<hbm>>) target(%arg7 : memref<250x80xi32, #tpu.memory_space<vmem>>) target_semaphore(%run_scoped3A : memref<!tpu.dma_semaphore, #tpu.memory_space<semaphore_mem>>)
      %dma_wait3A = arith.constant 0 : i32
      %dma_wait3A_86 = arith.constant 0 : i32
      %dma_wait3A_87 = tpu.memref_slice %arg3[%arg1, %dma_wait3A, %dma_wait3A_86] : memref<16x250x80xi32, #tpu.memory_space<hbm>> -> memref<1x250x80xi32, #tpu.memory_space<hbm>>
      %dma_wait3A_88 = tpu.memref_squeeze %dma_wait3A_87 : memref<1x250x80xi32, #tpu.memory_space<hbm>> -> memref<250x80xi32, #tpu.memory_space<hbm>>
      %dma_wait3A_89 = arith.constant 0 : i32
      %dma_wait3A_90 = arith.constant 0 : i32
      %dma_wait3A_91 = tpu.memref_slice %arg3[%arg1, %dma_wait3A_89, %dma_wait3A_90] : memref<16x250x80xi32, #tpu.memory_space<hbm>> -> memref<1x250x80xi32, #tpu.memory_space<hbm>>
      %dma_wait3A_92 = tpu.memref_squeeze %dma_wait3A_91 : memref<1x250x80xi32, #tpu.memory_space<hbm>> -> memref<250x80xi32, #tpu.memory_space<hbm>>
      tpu.wait_dma2 semaphore(%run_scoped3A : memref<!tpu.dma_semaphore, #tpu.memory_space<semaphore_mem>>) src(%dma_wait3A_92 : memref<250x80xi32, #tpu.memory_space<hbm>>) dst(%arg7 : memref<250x80xi32, #tpu.memory_space<vmem>>)
      tpu.yield
    }) : () -> ()
    "tpu.region"() ({
      %run_scoped3A = tpu.sem_alloc : memref<!tpu.dma_semaphore, #tpu.memory_space<semaphore_mem>>
      %dma_start3A_78 = arith.constant 0 : i32
      %dma_start3A_79 = arith.constant 0 : i32
      %dma_start3A_80 = tpu.memref_slice %arg4[%arg1, %dma_start3A_78, %dma_start3A_79] : memref<16x250x80xi32, #tpu.memory_space<hbm>> -> memref<1x250x80xi32, #tpu.memory_space<hbm>>
      %dma_start3A_81 = tpu.memref_squeeze %dma_start3A_80 : memref<1x250x80xi32, #tpu.memory_space<hbm>> -> memref<250x80xi32, #tpu.memory_space<hbm>>
      %dma_start3A_82 = arith.constant 0 : i32
      %dma_start3A_83 = arith.constant 0 : i32
      %dma_start3A_84 = tpu.memref_slice %arg4[%arg1, %dma_start3A_82, %dma_start3A_83] : memref<16x250x80xi32, #tpu.memory_space<hbm>> -> memref<1x250x80xi32, #tpu.memory_space<hbm>>
      %dma_start3A_85 = tpu.memref_squeeze %dma_start3A_84 : memref<1x250x80xi32, #tpu.memory_space<hbm>> -> memref<250x80xi32, #tpu.memory_space<hbm>>
      tpu.enqueue_dma source(%dma_start3A_85 : memref<250x80xi32, #tpu.memory_space<hbm>>) target(%arg8 : memref<250x80xi32, #tpu.memory_space<vmem>>) target_semaphore(%run_scoped3A : memref<!tpu.dma_semaphore, #tpu.memory_space<semaphore_mem>>)
      %dma_wait3A = arith.constant 0 : i32
      %dma_wait3A_86 = arith.constant 0 : i32
      %dma_wait3A_87 = tpu.memref_slice %arg4[%arg1, %dma_wait3A, %dma_wait3A_86] : memref<16x250x80xi32, #tpu.memory_space<hbm>> -> memref<1x250x80xi32, #tpu.memory_space<hbm>>
      %dma_wait3A_88 = tpu.memref_squeeze %dma_wait3A_87 : memref<1x250x80xi32, #tpu.memory_space<hbm>> -> memref<250x80xi32, #tpu.memory_space<hbm>>
      %dma_wait3A_89 = arith.constant 0 : i32
      %dma_wait3A_90 = arith.constant 0 : i32
      %dma_wait3A_91 = tpu.memref_slice %arg4[%arg1, %dma_wait3A_89, %dma_wait3A_90] : memref<16x250x80xi32, #tpu.memory_space<hbm>> -> memref<1x250x80xi32, #tpu.memory_space<hbm>>
      %dma_wait3A_92 = tpu.memref_squeeze %dma_wait3A_91 : memref<1x250x80xi32, #tpu.memory_space<hbm>> -> memref<250x80xi32, #tpu.memory_space<hbm>>
      tpu.wait_dma2 semaphore(%run_scoped3A : memref<!tpu.dma_semaphore, #tpu.memory_space<semaphore_mem>>) src(%dma_wait3A_92 : memref<250x80xi32, #tpu.memory_space<hbm>>) dst(%arg8 : memref<250x80xi32, #tpu.memory_space<vmem>>)
      tpu.yield
    }) : () -> ()
    %scan3A_24 = arith.constant 0 : i32
    %scan3A_25 = arith.constant 0 : i32
    %scan3A_26 = arith.constant 1250 : i32
    %scan3A_27 = arith.addi %scan3A_25, %scan3A_26 : i32
    %scan3A_28 = arith.constant 1 : i32
    scf.for %scan3A_78 = %scan3A_25 to %scan3A_27 step %scan3A_28  : i32 {
      %jit3A = arith.constant 5 : i32
      %div3A = arith.divsi %scan3A_78, %jit3A : i32
      %sign3A = arith.constant 0 : i32
      %sign3A_79 = arith.cmpi sgt, %scan3A_78, %sign3A : i32
      %sign3A_80 = arith.extui %sign3A_79 : i1 to i32
      %sign3A_81 = arith.constant 0 : i32
      %sign3A_82 = arith.cmpi slt, %scan3A_78, %sign3A_81 : i32
      %sign3A_83 = arith.extui %sign3A_82 : i1 to i32
      %sign3A_84 = arith.subi %sign3A_80, %sign3A_83 : i32
      %sign3A_85 = arith.constant 0 : i32
      %sign3A_86 = arith.cmpi sgt, %jit3A, %sign3A_85 : i32
      %sign3A_87 = arith.extui %sign3A_86 : i1 to i32
      %sign3A_88 = arith.constant 0 : i32
      %sign3A_89 = arith.cmpi slt, %jit3A, %sign3A_88 : i32
      %sign3A_90 = arith.extui %sign3A_89 : i1 to i32
      %sign3A_91 = arith.subi %sign3A_87, %sign3A_90 : i32
      %ne3A = arith.cmpi ne, %sign3A_84, %sign3A_91 : i32
      %rem3A = arith.remsi %scan3A_78, %jit3A : i32
      %ne3A_92 = arith.constant 0 : i32
      %ne3A_93 = arith.cmpi ne, %rem3A, %ne3A_92 : i32
      %and3A = arith.andi %ne3A, %ne3A_93 : i1
      %sub3A = arith.constant 1 : i32
      %sub3A_94 = arith.subi %div3A, %sub3A : i32
      %select_n3A = arith.select %and3A, %sub3A_94, %div3A : i32
      %jit3A_95 = arith.constant 5 : i32
      %eq3A_96 = arith.constant 0 : i32
      %eq3A_97 = arith.cmpi eq, %jit3A_95, %eq3A_96 : i32
      %jit3A_98 = arith.constant 1 : i32
      %select_n3A_99 = arith.select %eq3A_97, %jit3A_98, %jit3A_95 : i32
      %rem3A_100 = arith.remsi %scan3A_78, %select_n3A_99 : i32
      %ne3A_101 = arith.constant 0 : i32
      %ne3A_102 = arith.cmpi ne, %rem3A_100, %ne3A_101 : i32
      %lt3A = arith.constant 0 : i32
      %lt3A_103 = arith.cmpi slt, %rem3A_100, %lt3A : i32
      %lt3A_104 = arith.constant 0 : i32
      %lt3A_105 = arith.cmpi slt, %select_n3A_99, %lt3A_104 : i32
      %ne3A_106 = arith.xori %lt3A_103, %lt3A_105 : i1
      %and3A_107 = arith.andi %ne3A_106, %ne3A_102 : i1
      %add3A_108 = arith.addi %rem3A_100, %select_n3A_99 : i32
      %select_n3A_109 = arith.select %and3A_107, %add3A_108, %rem3A_100 : i32
      %mul3A_110 = arith.constant 16 : i32
      %mul3A_111 = arith.muli %select_n3A_109, %mul3A_110 : i32
      %get3A = arith.index_cast %select_n3A : i32 to index
      %get3A_112 = arith.index_cast %mul3A_111 : i32 to index
      %get3A_113 = tpu.vector_load %arg7[%get3A, %get3A_112] {strides = array<i32>} : memref<250x80xi32, #tpu.memory_space<vmem>>, vector<1x16xi32>,
      %get3A_114 = vector.shape_cast %get3A_113 : vector<1x16xi32> to vector<16xi32>
      %mul3A_115 = arith.constant 2 : i32
      %mul3A_116 = vector.broadcast %mul3A_115 : i32 to vector<16xi32>
      %mul3A_117 = arith.muli %get3A_114, %mul3A_116 : vector<16xi32>
      %add3A_118 = vector.broadcast %arg0 : i32 to vector<16xi32>
      %add3A_119 = arith.addi %mul3A_117, %add3A_118 : vector<16xi32>
      %swap3A = arith.index_cast %select_n3A : i32 to index
      %swap3A_120 = arith.index_cast %mul3A_111 : i32 to index
      %swap3A_121 = tpu.vector_load %arg7[%swap3A, %swap3A_120] {strides = array<i32>} : memref<250x80xi32, #tpu.memory_space<vmem>>, vector<1x16xi32>,
      %swap3A_122 = vector.shape_cast %swap3A_121 : vector<1x16xi32> to vector<16xi32>
      %swap3A_123 = vector.shape_cast %add3A_119 : vector<16xi32> to vector<1x16xi32>
      tpu.vector_store %arg7[%swap3A, %swap3A_120], %swap3A_123 {strides = array<i32>} : memref<250x80xi32, #tpu.memory_space<vmem>>, vector<1x16xi32>,
    }
    %scan3A_29 = arith.constant 1250 : i32
    %barrier3A = arith.constant 0 : index
    tpu.barrier barrier_id(%barrier3A)
    %dma_start3A = arith.constant 0 : i32
    %dma_start3A_30 = arith.constant 0 : i32
    %dma_start3A_31 = tpu.memref_slice %arg7[%dma_start3A, %dma_start3A_30] : memref<250x80xi32, #tpu.memory_space<vmem>> -> memref<1x80xi32, #tpu.memory_space<vmem>>
    %dma_start3A_32 = tpu.memref_squeeze %dma_start3A_31 : memref<1x80xi32, #tpu.memory_space<vmem>> -> memref<80xi32, #tpu.memory_space<vmem>>
    %dma_start3A_33 = arith.constant 0 : i32
    %dma_start3A_34 = arith.constant 0 : i32
    %dma_start3A_35 = tpu.memref_slice %arg2[%dma_start3A_33, %dma_start3A_34] : memref<20000x64xf32, #tpu.memory_space<hbm>> -> memref<20000x64xf32, #tpu.memory_space<hbm>>
    tpu.enqueue_indirect_dma source(%dma_start3A_35 : memref<20000x64xf32, #tpu.memory_space<hbm>>) target(%arg9 : memref<80x64xf32, #tpu.memory_space<vmem>>) offsets(%dma_start3A_32 : memref<80xi32, #tpu.memory_space<vmem>>) semaphore(%arg16 : memref<!tpu.dma_semaphore, #tpu.memory_space<semaphore_mem>>)
    %dma_start3A_36 = arith.constant 1 : i32
    %dma_start3A_37 = arith.constant 0 : i32
    %dma_start3A_38 = tpu.memref_slice %arg7[%dma_start3A_36, %dma_start3A_37] : memref<250x80xi32, #tpu.memory_space<vmem>> -> memref<1x80xi32, #tpu.memory_space<vmem>>
    %dma_start3A_39 = tpu.memref_squeeze %dma_start3A_38 : memref<1x80xi32, #tpu.memory_space<vmem>> -> memref<80xi32, #tpu.memory_space<vmem>>
    %dma_start3A_40 = arith.constant 0 : i32
    %dma_start3A_41 = arith.constant 0 : i32
    %dma_start3A_42 = tpu.memref_slice %arg2[%dma_start3A_40, %dma_start3A_41] : memref<20000x64xf32, #tpu.memory_space<hbm>> -> memref<20000x64xf32, #tpu.memory_space<hbm>>
    tpu.enqueue_indirect_dma source(%dma_start3A_42 : memref<20000x64xf32, #tpu.memory_space<hbm>>) target(%arg10 : memref<80x64xf32, #tpu.memory_space<vmem>>) offsets(%dma_start3A_39 : memref<80xi32, #tpu.memory_space<vmem>>) semaphore(%arg17 : memref<!tpu.dma_semaphore, #tpu.memory_space<semaphore_mem>>)
    %dma_start3A_43 = arith.constant 2 : i32
    %dma_start3A_44 = arith.constant 0 : i32
    %dma_start3A_45 = tpu.memref_slice %arg7[%dma_start3A_43, %dma_start3A_44] : memref<250x80xi32, #tpu.memory_space<vmem>> -> memref<1x80xi32, #tpu.memory_space<vmem>>
    %dma_start3A_46 = tpu.memref_squeeze %dma_start3A_45 : memref<1x80xi32, #tpu.memory_space<vmem>> -> memref<80xi32, #tpu.memory_space<vmem>>
    %dma_start3A_47 = arith.constant 0 : i32
    %dma_start3A_48 = arith.constant 0 : i32
    %dma_start3A_49 = tpu.memref_slice %arg2[%dma_start3A_47, %dma_start3A_48] : memref<20000x64xf32, #tpu.memory_space<hbm>> -> memref<20000x64xf32, #tpu.memory_space<hbm>>
    tpu.enqueue_indirect_dma source(%dma_start3A_49 : memref<20000x64xf32, #tpu.memory_space<hbm>>) target(%arg11 : memref<80x64xf32, #tpu.memory_space<vmem>>) offsets(%dma_start3A_46 : memref<80xi32, #tpu.memory_space<vmem>>) semaphore(%arg18 : memref<!tpu.dma_semaphore, #tpu.memory_space<semaphore_mem>>)
    %dma_start3A_50 = arith.constant 3 : i32
    %dma_start3A_51 = arith.constant 0 : i32
    %dma_start3A_52 = tpu.memref_slice %arg7[%dma_start3A_50, %dma_start3A_51] : memref<250x80xi32, #tpu.memory_space<vmem>> -> memref<1x80xi32, #tpu.memory_space<vmem>>
    %dma_start3A_53 = tpu.memref_squeeze %dma_start3A_52 : memref<1x80xi32, #tpu.memory_space<vmem>> -> memref<80xi32, #tpu.memory_space<vmem>>
    %dma_start3A_54 = arith.constant 0 : i32
    %dma_start3A_55 = arith.constant 0 : i32
    %dma_start3A_56 = tpu.memref_slice %arg2[%dma_start3A_54, %dma_start3A_55] : memref<20000x64xf32, #tpu.memory_space<hbm>> -> memref<20000x64xf32, #tpu.memory_space<hbm>>
    tpu.enqueue_indirect_dma source(%dma_start3A_56 : memref<20000x64xf32, #tpu.memory_space<hbm>>) target(%arg12 : memref<80x64xf32, #tpu.memory_space<vmem>>) offsets(%dma_start3A_53 : memref<80xi32, #tpu.memory_space<vmem>>) semaphore(%arg19 : memref<!tpu.dma_semaphore, #tpu.memory_space<semaphore_mem>>)
    %dma_start3A_57 = arith.constant 4 : i32
    %dma_start3A_58 = arith.constant 0 : i32
    %dma_start3A_59 = tpu.memref_slice %arg7[%dma_start3A_57, %dma_start3A_58] : memref<250x80xi32, #tpu.memory_space<vmem>> -> memref<1x80xi32, #tpu.memory_space<vmem>>
    %dma_start3A_60 = tpu.memref_squeeze %dma_start3A_59 : memref<1x80xi32, #tpu.memory_space<vmem>> -> memref<80xi32, #tpu.memory_space<vmem>>
    %dma_start3A_61 = arith.constant 0 : i32
    %dma_start3A_62 = arith.constant 0 : i32
    %dma_start3A_63 = tpu.memref_slice %arg2[%dma_start3A_61, %dma_start3A_62] : memref<20000x64xf32, #tpu.memory_space<hbm>> -> memref<20000x64xf32, #tpu.memory_space<hbm>>
    tpu.enqueue_indirect_dma source(%dma_start3A_63 : memref<20000x64xf32, #tpu.memory_space<hbm>>) target(%arg13 : memref<80x64xf32, #tpu.memory_space<vmem>>) offsets(%dma_start3A_60 : memref<80xi32, #tpu.memory_space<vmem>>) semaphore(%arg20 : memref<!tpu.dma_semaphore, #tpu.memory_space<semaphore_mem>>)
    %scan3A_64 = arith.constant 0 : i32
    %scan3A_65 = arith.constant 0 : i32
    %scan3A_66 = arith.constant 50 : i32
    %scan3A_67 = arith.addi %scan3A_65, %scan3A_66 : i32
    %scan3A_68 = arith.constant 1 : i32
    scf.for %scan3A_78 = %scan3A_65 to %scan3A_67 step %scan3A_68  : i32 {
      %mul3A_79 = arith.constant 5 : i32
      %mul3A_80 = arith.muli %scan3A_78, %mul3A_79 : i32
      %add3A_81 = arith.constant 0 : i32
      %add3A_82 = arith.addi %mul3A_80, %add3A_81 : i32
      %dma_wait3A = arith.constant 0 : i32
      %dma_wait3A_83 = tpu.memref_slice %arg7[%add3A_82, %dma_wait3A] : memref<250x80xi32, #tpu.memory_space<vmem>> -> memref<1x80xi32, #tpu.memory_space<vmem>>
      %dma_wait3A_84 = tpu.memref_squeeze %dma_wait3A_83 : memref<1x80xi32, #tpu.memory_space<vmem>> -> memref<80xi32, #tpu.memory_space<vmem>>
      %dma_wait3A_85 = arith.constant 0 : i32
      %dma_wait3A_86 = arith.constant 0 : i32
      %dma_wait3A_87 = tpu.memref_slice %arg2[%dma_wait3A_85, %dma_wait3A_86] : memref<20000x64xf32, #tpu.memory_space<hbm>> -> memref<20000x64xf32, #tpu.memory_space<hbm>>
      tpu.wait_indirect_dma semaphore(%arg16 : memref<!tpu.dma_semaphore, #tpu.memory_space<semaphore_mem>>) src(%dma_wait3A_87 : memref<20000x64xf32, #tpu.memory_space<hbm>>) dst(%arg9 : memref<80x64xf32, #tpu.memory_space<vmem>>)
      %add3A_88 = arith.constant 0 : i32
      %add3A_89 = arith.addi %mul3A_80, %add3A_88 : i32
      %dma_start3A_90 = arith.constant 0 : i32
      %dma_start3A_91 = tpu.memref_slice %arg8[%add3A_89, %dma_start3A_90] : memref<250x80xi32, #tpu.memory_space<vmem>> -> memref<1x80xi32, #tpu.memory_space<vmem>>
      %dma_start3A_92 = tpu.memref_squeeze %dma_start3A_91 : memref<1x80xi32, #tpu.memory_space<vmem>> -> memref<80xi32, #tpu.memory_space<vmem>>
      %dma_start3A_93 = arith.constant 0 : i32
      %dma_start3A_94 = arith.constant 0 : i32
      %dma_start3A_95 = tpu.memref_slice %arg15[%dma_start3A_93, %dma_start3A_94] : memref<10000x64xf32, #tpu.memory_space<vmem_shared>> -> memref<10000x64xf32, #tpu.memory_space<vmem_shared>>
      tpu.enqueue_indirect_dma source(%arg9 : memref<80x64xf32, #tpu.memory_space<vmem>>) target(%dma_start3A_95 : memref<10000x64xf32, #tpu.memory_space<vmem_shared>>) offsets(%dma_start3A_92 : memref<80xi32, #tpu.memory_space<vmem>>) semaphore(%arg21 : memref<!tpu.dma_semaphore, #tpu.memory_space<semaphore_mem>>) {add = true}
      %add3A_96 = arith.constant 1 : i32
      %add3A_97 = arith.addi %mul3A_80, %add3A_96 : i32
      %dma_wait3A_98 = arith.constant 0 : i32
      %dma_wait3A_99 = tpu.memref_slice %arg7[%add3A_97, %dma_wait3A_98] : memref<250x80xi32, #tpu.memory_space<vmem>> -> memref<1x80xi32, #tpu.memory_space<vmem>>
      %dma_wait3A_100 = tpu.memref_squeeze %dma_wait3A_99 : memref<1x80xi32, #tpu.memory_space<vmem>> -> memref<80xi32, #tpu.memory_space<vmem>>
      %dma_wait3A_101 = arith.constant 0 : i32
      %dma_wait3A_102 = arith.constant 0 : i32
      %dma_wait3A_103 = tpu.memref_slice %arg2[%dma_wait3A_101, %dma_wait3A_102] : memref<20000x64xf32, #tpu.memory_space<hbm>> -> memref<20000x64xf32, #tpu.memory_space<hbm>>
      tpu.wait_indirect_dma semaphore(%arg17 : memref<!tpu.dma_semaphore, #tpu.memory_space<semaphore_mem>>) src(%dma_wait3A_103 : memref<20000x64xf32, #tpu.memory_space<hbm>>) dst(%arg10 : memref<80x64xf32, #tpu.memory_space<vmem>>)
      %add3A_104 = arith.constant 1 : i32
      %add3A_105 = arith.addi %mul3A_80, %add3A_104 : i32
      %dma_start3A_106 = arith.constant 0 : i32
      %dma_start3A_107 = tpu.memref_slice %arg8[%add3A_105, %dma_start3A_106] : memref<250x80xi32, #tpu.memory_space<vmem>> -> memref<1x80xi32, #tpu.memory_space<vmem>>
      %dma_start3A_108 = tpu.memref_squeeze %dma_start3A_107 : memref<1x80xi32, #tpu.memory_space<vmem>> -> memref<80xi32, #tpu.memory_space<vmem>>
      %dma_start3A_109 = arith.constant 0 : i32
      %dma_start3A_110 = arith.constant 0 : i32
      %dma_start3A_111 = tpu.memref_slice %arg15[%dma_start3A_109, %dma_start3A_110] : memref<10000x64xf32, #tpu.memory_space<vmem_shared>> -> memref<10000x64xf32, #tpu.memory_space<vmem_shared>>
      tpu.enqueue_indirect_dma source(%arg10 : memref<80x64xf32, #tpu.memory_space<vmem>>) target(%dma_start3A_111 : memref<10000x64xf32, #tpu.memory_space<vmem_shared>>) offsets(%dma_start3A_108 : memref<80xi32, #tpu.memory_space<vmem>>) semaphore(%arg22 : memref<!tpu.dma_semaphore, #tpu.memory_space<semaphore_mem>>) {add = true}
      %add3A_112 = arith.constant 2 : i32
      %add3A_113 = arith.addi %mul3A_80, %add3A_112 : i32
      %dma_wait3A_114 = arith.constant 0 : i32
      %dma_wait3A_115 = tpu.memref_slice %arg7[%add3A_113, %dma_wait3A_114] : memref<250x80xi32, #tpu.memory_space<vmem>> -> memref<1x80xi32, #tpu.memory_space<vmem>>
      %dma_wait3A_116 = tpu.memref_squeeze %dma_wait3A_115 : memref<1x80xi32, #tpu.memory_space<vmem>> -> memref<80xi32, #tpu.memory_space<vmem>>
      %dma_wait3A_117 = arith.constant 0 : i32
      %dma_wait3A_118 = arith.constant 0 : i32
      %dma_wait3A_119 = tpu.memref_slice %arg2[%dma_wait3A_117, %dma_wait3A_118] : memref<20000x64xf32, #tpu.memory_space<hbm>> -> memref<20000x64xf32, #tpu.memory_space<hbm>>
      tpu.wait_indirect_dma semaphore(%arg18 : memref<!tpu.dma_semaphore, #tpu.memory_space<semaphore_mem>>) src(%dma_wait3A_119 : memref<20000x64xf32, #tpu.memory_space<hbm>>) dst(%arg11 : memref<80x64xf32, #tpu.memory_space<vmem>>)
      %add3A_120 = arith.constant 2 : i32
      %add3A_121 = arith.addi %mul3A_80, %add3A_120 : i32
      %dma_start3A_122 = arith.constant 0 : i32
      %dma_start3A_123 = tpu.memref_slice %arg8[%add3A_121, %dma_start3A_122] : memref<250x80xi32, #tpu.memory_space<vmem>> -> memref<1x80xi32, #tpu.memory_space<vmem>>
      %dma_start3A_124 = tpu.memref_squeeze %dma_start3A_123 : memref<1x80xi32, #tpu.memory_space<vmem>> -> memref<80xi32, #tpu.memory_space<vmem>>
      %dma_start3A_125 = arith.constant 0 : i32
      %dma_start3A_126 = arith.constant 0 : i32
      %dma_start3A_127 = tpu.memref_slice %arg15[%dma_start3A_125, %dma_start3A_126] : memref<10000x64xf32, #tpu.memory_space<vmem_shared>> -> memref<10000x64xf32, #tpu.memory_space<vmem_shared>>
      tpu.enqueue_indirect_dma source(%arg11 : memref<80x64xf32, #tpu.memory_space<vmem>>) target(%dma_start3A_127 : memref<10000x64xf32, #tpu.memory_space<vmem_shared>>) offsets(%dma_start3A_124 : memref<80xi32, #tpu.memory_space<vmem>>) semaphore(%arg23 : memref<!tpu.dma_semaphore, #tpu.memory_space<semaphore_mem>>) {add = true}
      %add3A_128 = arith.constant 3 : i32
      %add3A_129 = arith.addi %mul3A_80, %add3A_128 : i32
      %dma_wait3A_130 = arith.constant 0 : i32
      %dma_wait3A_131 = tpu.memref_slice %arg7[%add3A_129, %dma_wait3A_130] : memref<250x80xi32, #tpu.memory_space<vmem>> -> memref<1x80xi32, #tpu.memory_space<vmem>>
      %dma_wait3A_132 = tpu.memref_squeeze %dma_wait3A_131 : memref<1x80xi32, #tpu.memory_space<vmem>> -> memref<80xi32, #tpu.memory_space<vmem>>
      %dma_wait3A_133 = arith.constant 0 : i32
      %dma_wait3A_134 = arith.constant 0 : i32
      %dma_wait3A_135 = tpu.memref_slice %arg2[%dma_wait3A_133, %dma_wait3A_134] : memref<20000x64xf32, #tpu.memory_space<hbm>> -> memref<20000x64xf32, #tpu.memory_space<hbm>>
      tpu.wait_indirect_dma semaphore(%arg19 : memref<!tpu.dma_semaphore, #tpu.memory_space<semaphore_mem>>) src(%dma_wait3A_135 : memref<20000x64xf32, #tpu.memory_space<hbm>>) dst(%arg12 : memref<80x64xf32, #tpu.memory_space<vmem>>)
      %add3A_136 = arith.constant 3 : i32
      %add3A_137 = arith.addi %mul3A_80, %add3A_136 : i32
      %dma_start3A_138 = arith.constant 0 : i32
      %dma_start3A_139 = tpu.memref_slice %arg8[%add3A_137, %dma_start3A_138] : memref<250x80xi32, #tpu.memory_space<vmem>> -> memref<1x80xi32, #tpu.memory_space<vmem>>
      %dma_start3A_140 = tpu.memref_squeeze %dma_start3A_139 : memref<1x80xi32, #tpu.memory_space<vmem>> -> memref<80xi32, #tpu.memory_space<vmem>>
      %dma_start3A_141 = arith.constant 0 : i32
      %dma_start3A_142 = arith.constant 0 : i32
      %dma_start3A_143 = tpu.memref_slice %arg15[%dma_start3A_141, %dma_start3A_142] : memref<10000x64xf32, #tpu.memory_space<vmem_shared>> -> memref<10000x64xf32, #tpu.memory_space<vmem_shared>>
      tpu.enqueue_indirect_dma source(%arg12 : memref<80x64xf32, #tpu.memory_space<vmem>>) target(%dma_start3A_143 : memref<10000x64xf32, #tpu.memory_space<vmem_shared>>) offsets(%dma_start3A_140 : memref<80xi32, #tpu.memory_space<vmem>>) semaphore(%arg24 : memref<!tpu.dma_semaphore, #tpu.memory_space<semaphore_mem>>) {add = true}
      %add3A_144 = arith.constant 4 : i32
      %add3A_145 = arith.addi %mul3A_80, %add3A_144 : i32
      %dma_wait3A_146 = arith.constant 0 : i32
      %dma_wait3A_147 = tpu.memref_slice %arg7[%add3A_145, %dma_wait3A_146] : memref<250x80xi32, #tpu.memory_space<vmem>> -> memref<1x80xi32, #tpu.memory_space<vmem>>
      %dma_wait3A_148 = tpu.memref_squeeze %dma_wait3A_147 : memref<1x80xi32, #tpu.memory_space<vmem>> -> memref<80xi32, #tpu.memory_space<vmem>>
      %dma_wait3A_149 = arith.constant 0 : i32
      %dma_wait3A_150 = arith.constant 0 : i32
      %dma_wait3A_151 = tpu.memref_slice %arg2[%dma_wait3A_149, %dma_wait3A_150] : memref<20000x64xf32, #tpu.memory_space<hbm>> -> memref<20000x64xf32, #tpu.memory_space<hbm>>
      tpu.wait_indirect_dma semaphore(%arg20 : memref<!tpu.dma_semaphore, #tpu.memory_space<semaphore_mem>>) src(%dma_wait3A_151 : memref<20000x64xf32, #tpu.memory_space<hbm>>) dst(%arg13 : memref<80x64xf32, #tpu.memory_space<vmem>>)
      %add3A_152 = arith.constant 4 : i32
      %add3A_153 = arith.addi %mul3A_80, %add3A_152 : i32
      %dma_start3A_154 = arith.constant 0 : i32
      %dma_start3A_155 = tpu.memref_slice %arg8[%add3A_153, %dma_start3A_154] : memref<250x80xi32, #tpu.memory_space<vmem>> -> memref<1x80xi32, #tpu.memory_space<vmem>>
      %dma_start3A_156 = tpu.memref_squeeze %dma_start3A_155 : memref<1x80xi32, #tpu.memory_space<vmem>> -> memref<80xi32, #tpu.memory_space<vmem>>
      %dma_start3A_157 = arith.constant 0 : i32
      %dma_start3A_158 = arith.constant 0 : i32
      %dma_start3A_159 = tpu.memref_slice %arg15[%dma_start3A_157, %dma_start3A_158] : memref<10000x64xf32, #tpu.memory_space<vmem_shared>> -> memref<10000x64xf32, #tpu.memory_space<vmem_shared>>
      tpu.enqueue_indirect_dma source(%arg13 : memref<80x64xf32, #tpu.memory_space<vmem>>) target(%dma_start3A_159 : memref<10000x64xf32, #tpu.memory_space<vmem_shared>>) offsets(%dma_start3A_156 : memref<80xi32, #tpu.memory_space<vmem>>) semaphore(%arg25 : memref<!tpu.dma_semaphore, #tpu.memory_space<semaphore_mem>>) {add = true}
      %add3A_160 = arith.constant 0 : i32
      %add3A_161 = arith.addi %mul3A_80, %add3A_160 : i32
      %dma_wait3A_162 = arith.constant 0 : i32
      %dma_wait3A_163 = tpu.memref_slice %arg8[%add3A_161, %dma_wait3A_162] : memref<250x80xi32, #tpu.memory_space<vmem>> -> memref<1x80xi32, #tpu.memory_space<vmem>>
      %dma_wait3A_164 = tpu.memref_squeeze %dma_wait3A_163 : memref<1x80xi32, #tpu.memory_space<vmem>> -> memref<80xi32, #tpu.memory_space<vmem>>
      %dma_wait3A_165 = arith.constant 0 : i32
      %dma_wait3A_166 = arith.constant 0 : i32
      %dma_wait3A_167 = tpu.memref_slice %arg15[%dma_wait3A_165, %dma_wait3A_166] : memref<10000x64xf32, #tpu.memory_space<vmem_shared>> -> memref<10000x64xf32, #tpu.memory_space<vmem_shared>>
      tpu.wait_indirect_dma semaphore(%arg21 : memref<!tpu.dma_semaphore, #tpu.memory_space<semaphore_mem>>) src(%arg9 : memref<80x64xf32, #tpu.memory_space<vmem>>) dst(%dma_wait3A_167 : memref<10000x64xf32, #tpu.memory_space<vmem_shared>>)
      %lt3A = arith.constant 49 : i32
      %lt3A_168 = arith.cmpi slt, %scan3A_78, %lt3A : i32
      %convert_element_type3A_169 = arith.extui %lt3A_168 : i1 to i32
      %cond3A_170 = arith.constant 0 : i32
      %cond3A_171 = arith.cmpi ne, %convert_element_type3A_169, %cond3A_170 : i32
      scf.if %cond3A_171 {
        %add3A_224 = arith.constant 5 : i32
        %add3A_225 = arith.addi %mul3A_80, %add3A_224 : i32
        %add3A_226 = arith.constant 0 : i32
        %add3A_227 = arith.addi %add3A_225, %add3A_226 : i32
        %dma_start3A_228 = arith.constant 0 : i32
        %dma_start3A_229 = tpu.memref_slice %arg7[%add3A_227, %dma_start3A_228] : memref<250x80xi32, #tpu.memory_space<vmem>> -> memref<1x80xi32, #tpu.memory_space<vmem>>
        %dma_start3A_230 = tpu.memref_squeeze %dma_start3A_229 : memref<1x80xi32, #tpu.memory_space<vmem>> -> memref<80xi32, #tpu.memory_space<vmem>>
        %dma_start3A_231 = arith.constant 0 : i32
        %dma_start3A_232 = arith.constant 0 : i32
        %dma_start3A_233 = tpu.memref_slice %arg2[%dma_start3A_231, %dma_start3A_232] : memref<20000x64xf32, #tpu.memory_space<hbm>> -> memref<20000x64xf32, #tpu.memory_space<hbm>>
        tpu.enqueue_indirect_dma source(%dma_start3A_233 : memref<20000x64xf32, #tpu.memory_space<hbm>>) target(%arg9 : memref<80x64xf32, #tpu.memory_space<vmem>>) offsets(%dma_start3A_230 : memref<80xi32, #tpu.memory_space<vmem>>) semaphore(%arg16 : memref<!tpu.dma_semaphore, #tpu.memory_space<semaphore_mem>>)
      } else {
      }
      %add3A_172 = arith.constant 1 : i32
      %add3A_173 = arith.addi %mul3A_80, %add3A_172 : i32
      %dma_wait3A_174 = arith.constant 0 : i32
      %dma_wait3A_175 = tpu.memref_slice %arg8[%add3A_173, %dma_wait3A_174] : memref<250x80xi32, #tpu.memory_space<vmem>> -> memref<1x80xi32, #tpu.memory_space<vmem>>
      %dma_wait3A_176 = tpu.memref_squeeze %dma_wait3A_175 : memref<1x80xi32, #tpu.memory_space<vmem>> -> memref<80xi32, #tpu.memory_space<vmem>>
      %dma_wait3A_177 = arith.constant 0 : i32
      %dma_wait3A_178 = arith.constant 0 : i32
      %dma_wait3A_179 = tpu.memref_slice %arg15[%dma_wait3A_177, %dma_wait3A_178] : memref<10000x64xf32, #tpu.memory_space<vmem_shared>> -> memref<10000x64xf32, #tpu.memory_space<vmem_shared>>
      tpu.wait_indirect_dma semaphore(%arg22 : memref<!tpu.dma_semaphore, #tpu.memory_space<semaphore_mem>>) src(%arg10 : memref<80x64xf32, #tpu.memory_space<vmem>>) dst(%dma_wait3A_179 : memref<10000x64xf32, #tpu.memory_space<vmem_shared>>)
      %lt3A_180 = arith.constant 49 : i32
      %lt3A_181 = arith.cmpi slt, %scan3A_78, %lt3A_180 : i32
      %convert_element_type3A_182 = arith.extui %lt3A_181 : i1 to i32
      %cond3A_183 = arith.constant 0 : i32
      %cond3A_184 = arith.cmpi ne, %convert_element_type3A_182, %cond3A_183 : i32
      scf.if %cond3A_184 {
        %add3A_224 = arith.constant 5 : i32
        %add3A_225 = arith.addi %mul3A_80, %add3A_224 : i32
        %add3A_226 = arith.constant 1 : i32
        %add3A_227 = arith.addi %add3A_225, %add3A_226 : i32
        %dma_start3A_228 = arith.constant 0 : i32
        %dma_start3A_229 = tpu.memref_slice %arg7[%add3A_227, %dma_start3A_228] : memref<250x80xi32, #tpu.memory_space<vmem>> -> memref<1x80xi32, #tpu.memory_space<vmem>>
        %dma_start3A_230 = tpu.memref_squeeze %dma_start3A_229 : memref<1x80xi32, #tpu.memory_space<vmem>> -> memref<80xi32, #tpu.memory_space<vmem>>
        %dma_start3A_231 = arith.constant 0 : i32
        %dma_start3A_232 = arith.constant 0 : i32
        %dma_start3A_233 = tpu.memref_slice %arg2[%dma_start3A_231, %dma_start3A_232] : memref<20000x64xf32, #tpu.memory_space<hbm>> -> memref<20000x64xf32, #tpu.memory_space<hbm>>
        tpu.enqueue_indirect_dma source(%dma_start3A_233 : memref<20000x64xf32, #tpu.memory_space<hbm>>) target(%arg10 : memref<80x64xf32, #tpu.memory_space<vmem>>) offsets(%dma_start3A_230 : memref<80xi32, #tpu.memory_space<vmem>>) semaphore(%arg17 : memref<!tpu.dma_semaphore, #tpu.memory_space<semaphore_mem>>)
      } else {
      }
      %add3A_185 = arith.constant 2 : i32
      %add3A_186 = arith.addi %mul3A_80, %add3A_185 : i32
      %dma_wait3A_187 = arith.constant 0 : i32
      %dma_wait3A_188 = tpu.memref_slice %arg8[%add3A_186, %dma_wait3A_187] : memref<250x80xi32, #tpu.memory_space<vmem>> -> memref<1x80xi32, #tpu.memory_space<vmem>>
      %dma_wait3A_189 = tpu.memref_squeeze %dma_wait3A_188 : memref<1x80xi32, #tpu.memory_space<vmem>> -> memref<80xi32, #tpu.memory_space<vmem>>
      %dma_wait3A_190 = arith.constant 0 : i32
      %dma_wait3A_191 = arith.constant 0 : i32
      %dma_wait3A_192 = tpu.memref_slice %arg15[%dma_wait3A_190, %dma_wait3A_191] : memref<10000x64xf32, #tpu.memory_space<vmem_shared>> -> memref<10000x64xf32, #tpu.memory_space<vmem_shared>>
      tpu.wait_indirect_dma semaphore(%arg23 : memref<!tpu.dma_semaphore, #tpu.memory_space<semaphore_mem>>) src(%arg11 : memref<80x64xf32, #tpu.memory_space<vmem>>) dst(%dma_wait3A_192 : memref<10000x64xf32, #tpu.memory_space<vmem_shared>>)
      %lt3A_193 = arith.constant 49 : i32
      %lt3A_194 = arith.cmpi slt, %scan3A_78, %lt3A_193 : i32
      %convert_element_type3A_195 = arith.extui %lt3A_194 : i1 to i32
      %cond3A_196 = arith.constant 0 : i32
      %cond3A_197 = arith.cmpi ne, %convert_element_type3A_195, %cond3A_196 : i32
      scf.if %cond3A_197 {
        %add3A_224 = arith.constant 5 : i32
        %add3A_225 = arith.addi %mul3A_80, %add3A_224 : i32
        %add3A_226 = arith.constant 2 : i32
        %add3A_227 = arith.addi %add3A_225, %add3A_226 : i32
        %dma_start3A_228 = arith.constant 0 : i32
        %dma_start3A_229 = tpu.memref_slice %arg7[%add3A_227, %dma_start3A_228] : memref<250x80xi32, #tpu.memory_space<vmem>> -> memref<1x80xi32, #tpu.memory_space<vmem>>
        %dma_start3A_230 = tpu.memref_squeeze %dma_start3A_229 : memref<1x80xi32, #tpu.memory_space<vmem>> -> memref<80xi32, #tpu.memory_space<vmem>>
        %dma_start3A_231 = arith.constant 0 : i32
        %dma_start3A_232 = arith.constant 0 : i32
        %dma_start3A_233 = tpu.memref_slice %arg2[%dma_start3A_231, %dma_start3A_232] : memref<20000x64xf32, #tpu.memory_space<hbm>> -> memref<20000x64xf32, #tpu.memory_space<hbm>>
        tpu.enqueue_indirect_dma source(%dma_start3A_233 : memref<20000x64xf32, #tpu.memory_space<hbm>>) target(%arg11 : memref<80x64xf32, #tpu.memory_space<vmem>>) offsets(%dma_start3A_230 : memref<80xi32, #tpu.memory_space<vmem>>) semaphore(%arg18 : memref<!tpu.dma_semaphore, #tpu.memory_space<semaphore_mem>>)
      } else {
      }
      %add3A_198 = arith.constant 3 : i32
      %add3A_199 = arith.addi %mul3A_80, %add3A_198 : i32
      %dma_wait3A_200 = arith.constant 0 : i32
      %dma_wait3A_201 = tpu.memref_slice %arg8[%add3A_199, %dma_wait3A_200] : memref<250x80xi32, #tpu.memory_space<vmem>> -> memref<1x80xi32, #tpu.memory_space<vmem>>
      %dma_wait3A_202 = tpu.memref_squeeze %dma_wait3A_201 : memref<1x80xi32, #tpu.memory_space<vmem>> -> memref<80xi32, #tpu.memory_space<vmem>>
      %dma_wait3A_203 = arith.constant 0 : i32
      %dma_wait3A_204 = arith.constant 0 : i32
      %dma_wait3A_205 = tpu.memref_slice %arg15[%dma_wait3A_203, %dma_wait3A_204] : memref<10000x64xf32, #tpu.memory_space<vmem_shared>> -> memref<10000x64xf32, #tpu.memory_space<vmem_shared>>
      tpu.wait_indirect_dma semaphore(%arg24 : memref<!tpu.dma_semaphore, #tpu.memory_space<semaphore_mem>>) src(%arg12 : memref<80x64xf32, #tpu.memory_space<vmem>>) dst(%dma_wait3A_205 : memref<10000x64xf32, #tpu.memory_space<vmem_shared>>)
      %lt3A_206 = arith.constant 49 : i32
      %lt3A_207 = arith.cmpi slt, %scan3A_78, %lt3A_206 : i32
      %convert_element_type3A_208 = arith.extui %lt3A_207 : i1 to i32
      %cond3A_209 = arith.constant 0 : i32
      %cond3A_210 = arith.cmpi ne, %convert_element_type3A_208, %cond3A_209 : i32
      scf.if %cond3A_210 {
        %add3A_224 = arith.constant 5 : i32
        %add3A_225 = arith.addi %mul3A_80, %add3A_224 : i32
        %add3A_226 = arith.constant 3 : i32
        %add3A_227 = arith.addi %add3A_225, %add3A_226 : i32
        %dma_start3A_228 = arith.constant 0 : i32
        %dma_start3A_229 = tpu.memref_slice %arg7[%add3A_227, %dma_start3A_228] : memref<250x80xi32, #tpu.memory_space<vmem>> -> memref<1x80xi32, #tpu.memory_space<vmem>>
        %dma_start3A_230 = tpu.memref_squeeze %dma_start3A_229 : memref<1x80xi32, #tpu.memory_space<vmem>> -> memref<80xi32, #tpu.memory_space<vmem>>
        %dma_start3A_231 = arith.constant 0 : i32
        %dma_start3A_232 = arith.constant 0 : i32
        %dma_start3A_233 = tpu.memref_slice %arg2[%dma_start3A_231, %dma_start3A_232] : memref<20000x64xf32, #tpu.memory_space<hbm>> -> memref<20000x64xf32, #tpu.memory_space<hbm>>
        tpu.enqueue_indirect_dma source(%dma_start3A_233 : memref<20000x64xf32, #tpu.memory_space<hbm>>) target(%arg12 : memref<80x64xf32, #tpu.memory_space<vmem>>) offsets(%dma_start3A_230 : memref<80xi32, #tpu.memory_space<vmem>>) semaphore(%arg19 : memref<!tpu.dma_semaphore, #tpu.memory_space<semaphore_mem>>)
      } else {
      }
      %add3A_211 = arith.constant 4 : i32
      %add3A_212 = arith.addi %mul3A_80, %add3A_211 : i32
      %dma_wait3A_213 = arith.constant 0 : i32
      %dma_wait3A_214 = tpu.memref_slice %arg8[%add3A_212, %dma_wait3A_213] : memref<250x80xi32, #tpu.memory_space<vmem>> -> memref<1x80xi32, #tpu.memory_space<vmem>>
      %dma_wait3A_215 = tpu.memref_squeeze %dma_wait3A_214 : memref<1x80xi32, #tpu.memory_space<vmem>> -> memref<80xi32, #tpu.memory_space<vmem>>
      %dma_wait3A_216 = arith.constant 0 : i32
      %dma_wait3A_217 = arith.constant 0 : i32
      %dma_wait3A_218 = tpu.memref_slice %arg15[%dma_wait3A_216, %dma_wait3A_217] : memref<10000x64xf32, #tpu.memory_space<vmem_shared>> -> memref<10000x64xf32, #tpu.memory_space<vmem_shared>>
      tpu.wait_indirect_dma semaphore(%arg25 : memref<!tpu.dma_semaphore, #tpu.memory_space<semaphore_mem>>) src(%arg13 : memref<80x64xf32, #tpu.memory_space<vmem>>) dst(%dma_wait3A_218 : memref<10000x64xf32, #tpu.memory_space<vmem_shared>>)
      %lt3A_219 = arith.constant 49 : i32
      %lt3A_220 = arith.cmpi slt, %scan3A_78, %lt3A_219 : i32
      %convert_element_type3A_221 = arith.extui %lt3A_220 : i1 to i32
      %cond3A_222 = arith.constant 0 : i32
      %cond3A_223 = arith.cmpi ne, %convert_element_type3A_221, %cond3A_222 : i32
      scf.if %cond3A_223 {
        %add3A_224 = arith.constant 5 : i32
        %add3A_225 = arith.addi %mul3A_80, %add3A_224 : i32
        %add3A_226 = arith.constant 4 : i32
        %add3A_227 = arith.addi %add3A_225, %add3A_226 : i32
        %dma_start3A_228 = arith.constant 0 : i32
        %dma_start3A_229 = tpu.memref_slice %arg7[%add3A_227, %dma_start3A_228] : memref<250x80xi32, #tpu.memory_space<vmem>> -> memref<1x80xi32, #tpu.memory_space<vmem>>
        %dma_start3A_230 = tpu.memref_squeeze %dma_start3A_229 : memref<1x80xi32, #tpu.memory_space<vmem>> -> memref<80xi32, #tpu.memory_space<vmem>>
        %dma_start3A_231 = arith.constant 0 : i32
        %dma_start3A_232 = arith.constant 0 : i32
        %dma_start3A_233 = tpu.memref_slice %arg2[%dma_start3A_231, %dma_start3A_232] : memref<20000x64xf32, #tpu.memory_space<hbm>> -> memref<20000x64xf32, #tpu.memory_space<hbm>>
        tpu.enqueue_indirect_dma source(%dma_start3A_233 : memref<20000x64xf32, #tpu.memory_space<hbm>>) target(%arg13 : memref<80x64xf32, #tpu.memory_space<vmem>>) offsets(%dma_start3A_230 : memref<80xi32, #tpu.memory_space<vmem>>) semaphore(%arg20 : memref<!tpu.dma_semaphore, #tpu.memory_space<semaphore_mem>>)
      } else {
      }
    }
    %scan3A_69 = arith.constant 50 : i32
    %barrier3A_70 = arith.constant 0 : index
    tpu.barrier barrier_id(%barrier3A_70)
    %eq3A = arith.constant 0 : i32
    %eq3A_71 = arith.cmpi eq, %arg0, %eq3A : i32
    %convert_element_type3A = arith.extui %eq3A_71 : i1 to i32
    %cond3A = arith.constant 0 : i32
    %cond3A_72 = arith.cmpi ne, %convert_element_type3A, %cond3A : i32
    scf.if %cond3A_72 {
      %mul3A_78 = arith.constant 625 : i32
      %mul3A_79 = arith.muli %arg1, %mul3A_78 : i32
      %add3A_80 = arith.constant 0 : i32
      %add3A_81 = arith.addi %mul3A_79, %add3A_80 : i32
      "tpu.region"() ({
        %run_scoped3A = tpu.sem_alloc : memref<!tpu.dma_semaphore, #tpu.memory_space<semaphore_mem>>
        %dma_start3A_98 = arith.constant 0 : i32
        %dma_start3A_99 = tpu.memref_slice %arg5[%add3A_81, %dma_start3A_98] : memref<10000x64xf32, #tpu.memory_space<hbm>> -> memref<125x64xf32, #tpu.memory_space<hbm>>
        %dma_start3A_100 = arith.constant 0 : i32
        %dma_start3A_101 = tpu.memref_slice %arg15[%add3A_81, %dma_start3A_100] : memref<10000x64xf32, #tpu.memory_space<vmem_shared>> -> memref<125x64xf32, #tpu.memory_space<vmem_shared>>
        tpu.enqueue_dma source(%dma_start3A_101 : memref<125x64xf32, #tpu.memory_space<vmem_shared>>) target(%dma_start3A_99 : memref<125x64xf32, #tpu.memory_space<hbm>>) target_semaphore(%run_scoped3A : memref<!tpu.dma_semaphore, #tpu.memory_space<semaphore_mem>>)
        %dma_wait3A = arith.constant 0 : i32
        %dma_wait3A_102 = tpu.memref_slice %arg5[%add3A_81, %dma_wait3A] : memref<10000x64xf32, #tpu.memory_space<hbm>> -> memref<125x64xf32, #tpu.memory_space<hbm>>
        %dma_wait3A_103 = arith.constant 0 : i32
        %dma_wait3A_104 = tpu.memref_slice %arg15[%add3A_81, %dma_wait3A_103] : memref<10000x64xf32, #tpu.memory_space<vmem_shared>> -> memref<125x64xf32, #tpu.memory_space<vmem_shared>>
        tpu.wait_dma2 semaphore(%run_scoped3A : memref<!tpu.dma_semaphore, #tpu.memory_space<semaphore_mem>>) src(%dma_wait3A_104 : memref<125x64xf32, #tpu.memory_space<vmem_shared>>) dst(%dma_wait3A_102 : memref<125x64xf32, #tpu.memory_space<hbm>>)
        tpu.yield
      }) : () -> ()
      %mul3A_82 = arith.constant 625 : i32
      %mul3A_83 = arith.muli %arg1, %mul3A_82 : i32
      %add3A_84 = arith.constant 125 : i32
      %add3A_85 = arith.addi %mul3A_83, %add3A_84 : i32
      "tpu.region"() ({
        %run_scoped3A = tpu.sem_alloc : memref<!tpu.dma_semaphore, #tpu.memory_space<semaphore_mem>>
        %dma_start3A_98 = arith.constant 0 : i32
        %dma_start3A_99 = tpu.memref_slice %arg5[%add3A_85, %dma_start3A_98] : memref<10000x64xf32, #tpu.memory_space<hbm>> -> memref<125x64xf32, #tpu.memory_space<hbm>>
        %dma_start3A_100 = arith.constant 0 : i32
        %dma_start3A_101 = tpu.memref_slice %arg15[%add3A_85, %dma_start3A_100] : memref<10000x64xf32, #tpu.memory_space<vmem_shared>> -> memref<125x64xf32, #tpu.memory_space<vmem_shared>>
        tpu.enqueue_dma source(%dma_start3A_101 : memref<125x64xf32, #tpu.memory_space<vmem_shared>>) target(%dma_start3A_99 : memref<125x64xf32, #tpu.memory_space<hbm>>) target_semaphore(%run_scoped3A : memref<!tpu.dma_semaphore, #tpu.memory_space<semaphore_mem>>)
        %dma_wait3A = arith.constant 0 : i32
        %dma_wait3A_102 = tpu.memref_slice %arg5[%add3A_85, %dma_wait3A] : memref<10000x64xf32, #tpu.memory_space<hbm>> -> memref<125x64xf32, #tpu.memory_space<hbm>>
        %dma_wait3A_103 = arith.constant 0 : i32
        %dma_wait3A_104 = tpu.memref_slice %arg15[%add3A_85, %dma_wait3A_103] : memref<10000x64xf32, #tpu.memory_space<vmem_shared>> -> memref<125x64xf32, #tpu.memory_space<vmem_shared>>
        tpu.wait_dma2 semaphore(%run_scoped3A : memref<!tpu.dma_semaphore, #tpu.memory_space<semaphore_mem>>) src(%dma_wait3A_104 : memref<125x64xf32, #tpu.memory_space<vmem_shared>>) dst(%dma_wait3A_102 : memref<125x64xf32, #tpu.memory_space<hbm>>)
        tpu.yield
      }) : () -> ()
      %mul3A_86 = arith.constant 625 : i32
      %mul3A_87 = arith.muli %arg1, %mul3A_86 : i32
      %add3A_88 = arith.constant 250 : i32
      %add3A_89 = arith.addi %mul3A_87, %add3A_88 : i32
      "tpu.region"() ({
        %run_scoped3A = tpu.sem_alloc : memref<!tpu.dma_semaphore, #tpu.memory_space<semaphore_mem>>
        %dma_start3A_98 = arith.constant 0 : i32
        %dma_start3A_99 = tpu.memref_slice %arg5[%add3A_89, %dma_start3A_98] : memref<10000x64xf32, #tpu.memory_space<hbm>> -> memref<125x64xf32, #tpu.memory_space<hbm>>
        %dma_start3A_100 = arith.constant 0 : i32
        %dma_start3A_101 = tpu.memref_slice %arg15[%add3A_89, %dma_start3A_100] : memref<10000x64xf32, #tpu.memory_space<vmem_shared>> -> memref<125x64xf32, #tpu.memory_space<vmem_shared>>
        tpu.enqueue_dma source(%dma_start3A_101 : memref<125x64xf32, #tpu.memory_space<vmem_shared>>) target(%dma_start3A_99 : memref<125x64xf32, #tpu.memory_space<hbm>>) target_semaphore(%run_scoped3A : memref<!tpu.dma_semaphore, #tpu.memory_space<semaphore_mem>>)
        %dma_wait3A = arith.constant 0 : i32
        %dma_wait3A_102 = tpu.memref_slice %arg5[%add3A_89, %dma_wait3A] : memref<10000x64xf32, #tpu.memory_space<hbm>> -> memref<125x64xf32, #tpu.memory_space<hbm>>
        %dma_wait3A_103 = arith.constant 0 : i32
        %dma_wait3A_104 = tpu.memref_slice %arg15[%add3A_89, %dma_wait3A_103] : memref<10000x64xf32, #tpu.memory_space<vmem_shared>> -> memref<125x64xf32, #tpu.memory_space<vmem_shared>>
        tpu.wait_dma2 semaphore(%run_scoped3A : memref<!tpu.dma_semaphore, #tpu.memory_space<semaphore_mem>>) src(%dma_wait3A_104 : memref<125x64xf32, #tpu.memory_space<vmem_shared>>) dst(%dma_wait3A_102 : memref<125x64xf32, #tpu.memory_space<hbm>>)
        tpu.yield
      }) : () -> ()
      %mul3A_90 = arith.constant 625 : i32
      %mul3A_91 = arith.muli %arg1, %mul3A_90 : i32
      %add3A_92 = arith.constant 375 : i32
      %add3A_93 = arith.addi %mul3A_91, %add3A_92 : i32
      "tpu.region"() ({
        %run_scoped3A = tpu.sem_alloc : memref<!tpu.dma_semaphore, #tpu.memory_space<semaphore_mem>>
        %dma_start3A_98 = arith.constant 0 : i32
        %dma_start3A_99 = tpu.memref_slice %arg5[%add3A_93, %dma_start3A_98] : memref<10000x64xf32, #tpu.memory_space<hbm>> -> memref<125x64xf32, #tpu.memory_space<hbm>>
        %dma_start3A_100 = arith.constant 0 : i32
        %dma_start3A_101 = tpu.memref_slice %arg15[%add3A_93, %dma_start3A_100] : memref<10000x64xf32, #tpu.memory_space<vmem_shared>> -> memref<125x64xf32, #tpu.memory_space<vmem_shared>>
        tpu.enqueue_dma source(%dma_start3A_101 : memref<125x64xf32, #tpu.memory_space<vmem_shared>>) target(%dma_start3A_99 : memref<125x64xf32, #tpu.memory_space<hbm>>) target_semaphore(%run_scoped3A : memref<!tpu.dma_semaphore, #tpu.memory_space<semaphore_mem>>)
        %dma_wait3A = arith.constant 0 : i32
        %dma_wait3A_102 = tpu.memref_slice %arg5[%add3A_93, %dma_wait3A] : memref<10000x64xf32, #tpu.memory_space<hbm>> -> memref<125x64xf32, #tpu.memory_space<hbm>>
        %dma_wait3A_103 = arith.constant 0 : i32
        %dma_wait3A_104 = tpu.memref_slice %arg15[%add3A_93, %dma_wait3A_103] : memref<10000x64xf32, #tpu.memory_space<vmem_shared>> -> memref<125x64xf32, #tpu.memory_space<vmem_shared>>
        tpu.wait_dma2 semaphore(%run_scoped3A : memref<!tpu.dma_semaphore, #tpu.memory_space<semaphore_mem>>) src(%dma_wait3A_104 : memref<125x64xf32, #tpu.memory_space<vmem_shared>>) dst(%dma_wait3A_102 : memref<125x64xf32, #tpu.memory_space<hbm>>)
        tpu.yield
      }) : () -> ()
      %mul3A_94 = arith.constant 625 : i32
      %mul3A_95 = arith.muli %arg1, %mul3A_94 : i32
      %add3A_96 = arith.constant 500 : i32
      %add3A_97 = arith.addi %mul3A_95, %add3A_96 : i32
      "tpu.region"() ({
        %run_scoped3A = tpu.sem_alloc : memref<!tpu.dma_semaphore, #tpu.memory_space<semaphore_mem>>
        %dma_start3A_98 = arith.constant 0 : i32
        %dma_start3A_99 = tpu.memref_slice %arg5[%add3A_97, %dma_start3A_98] : memref<10000x64xf32, #tpu.memory_space<hbm>> -> memref<125x64xf32, #tpu.memory_space<hbm>>
        %dma_start3A_100 = arith.constant 0 : i32
        %dma_start3A_101 = tpu.memref_slice %arg15[%add3A_97, %dma_start3A_100] : memref<10000x64xf32, #tpu.memory_space<vmem_shared>> -> memref<125x64xf32, #tpu.memory_space<vmem_shared>>
        tpu.enqueue_dma source(%dma_start3A_101 : memref<125x64xf32, #tpu.memory_space<vmem_shared>>) target(%dma_start3A_99 : memref<125x64xf32, #tpu.memory_space<hbm>>) target_semaphore(%run_scoped3A : memref<!tpu.dma_semaphore, #tpu.memory_space<semaphore_mem>>)
        %dma_wait3A = arith.constant 0 : i32
        %dma_wait3A_102 = tpu.memref_slice %arg5[%add3A_97, %dma_wait3A] : memref<10000x64xf32, #tpu.memory_space<hbm>> -> memref<125x64xf32, #tpu.memory_space<hbm>>
        %dma_wait3A_103 = arith.constant 0 : i32
        %dma_wait3A_104 = tpu.memref_slice %arg15[%add3A_97, %dma_wait3A_103] : memref<10000x64xf32, #tpu.memory_space<vmem_shared>> -> memref<125x64xf32, #tpu.memory_space<vmem_shared>>
        tpu.wait_dma2 semaphore(%run_scoped3A : memref<!tpu.dma_semaphore, #tpu.memory_space<semaphore_mem>>) src(%dma_wait3A_104 : memref<125x64xf32, #tpu.memory_space<vmem_shared>>) dst(%dma_wait3A_102 : memref<125x64xf32, #tpu.memory_space<hbm>>)
        tpu.yield
      }) : () -> ()
    } else {
    }
    %eq3A_73 = arith.constant 1 : i32
    %eq3A_74 = arith.cmpi eq, %arg0, %eq3A_73 : i32
    %convert_element_type3A_75 = arith.extui %eq3A_74 : i1 to i32
    %cond3A_76 = arith.constant 0 : i32
    %cond3A_77 = arith.cmpi ne, %convert_element_type3A_75, %cond3A_76 : i32
    scf.if %cond3A_77 {
      %mul3A_78 = arith.constant 625 : i32
      %mul3A_79 = arith.muli %arg1, %mul3A_78 : i32
      %add3A_80 = arith.constant 0 : i32
      %add3A_81 = arith.addi %mul3A_79, %add3A_80 : i32
      "tpu.region"() ({
        %run_scoped3A = tpu.sem_alloc : memref<!tpu.dma_semaphore, #tpu.memory_space<semaphore_mem>>
        %dma_start3A_98 = arith.constant 0 : i32
        %dma_start3A_99 = tpu.memref_slice %arg6[%add3A_81, %dma_start3A_98] : memref<10000x64xf32, #tpu.memory_space<hbm>> -> memref<125x64xf32, #tpu.memory_space<hbm>>
        %dma_start3A_100 = arith.constant 0 : i32
        %dma_start3A_101 = tpu.memref_slice %arg15[%add3A_81, %dma_start3A_100] : memref<10000x64xf32, #tpu.memory_space<vmem_shared>> -> memref<125x64xf32, #tpu.memory_space<vmem_shared>>
        tpu.enqueue_dma source(%dma_start3A_101 : memref<125x64xf32, #tpu.memory_space<vmem_shared>>) target(%dma_start3A_99 : memref<125x64xf32, #tpu.memory_space<hbm>>) target_semaphore(%run_scoped3A : memref<!tpu.dma_semaphore, #tpu.memory_space<semaphore_mem>>)
        %dma_wait3A = arith.constant 0 : i32
        %dma_wait3A_102 = tpu.memref_slice %arg6[%add3A_81, %dma_wait3A] : memref<10000x64xf32, #tpu.memory_space<hbm>> -> memref<125x64xf32, #tpu.memory_space<hbm>>
        %dma_wait3A_103 = arith.constant 0 : i32
        %dma_wait3A_104 = tpu.memref_slice %arg15[%add3A_81, %dma_wait3A_103] : memref<10000x64xf32, #tpu.memory_space<vmem_shared>> -> memref<125x64xf32, #tpu.memory_space<vmem_shared>>
        tpu.wait_dma2 semaphore(%run_scoped3A : memref<!tpu.dma_semaphore, #tpu.memory_space<semaphore_mem>>) src(%dma_wait3A_104 : memref<125x64xf32, #tpu.memory_space<vmem_shared>>) dst(%dma_wait3A_102 : memref<125x64xf32, #tpu.memory_space<hbm>>)
        tpu.yield
      }) : () -> ()
      %mul3A_82 = arith.constant 625 : i32
      %mul3A_83 = arith.muli %arg1, %mul3A_82 : i32
      %add3A_84 = arith.constant 125 : i32
      %add3A_85 = arith.addi %mul3A_83, %add3A_84 : i32
      "tpu.region"() ({
        %run_scoped3A = tpu.sem_alloc : memref<!tpu.dma_semaphore, #tpu.memory_space<semaphore_mem>>
        %dma_start3A_98 = arith.constant 0 : i32
        %dma_start3A_99 = tpu.memref_slice %arg6[%add3A_85, %dma_start3A_98] : memref<10000x64xf32, #tpu.memory_space<hbm>> -> memref<125x64xf32, #tpu.memory_space<hbm>>
        %dma_start3A_100 = arith.constant 0 : i32
        %dma_start3A_101 = tpu.memref_slice %arg15[%add3A_85, %dma_start3A_100] : memref<10000x64xf32, #tpu.memory_space<vmem_shared>> -> memref<125x64xf32, #tpu.memory_space<vmem_shared>>
        tpu.enqueue_dma source(%dma_start3A_101 : memref<125x64xf32, #tpu.memory_space<vmem_shared>>) target(%dma_start3A_99 : memref<125x64xf32, #tpu.memory_space<hbm>>) target_semaphore(%run_scoped3A : memref<!tpu.dma_semaphore, #tpu.memory_space<semaphore_mem>>)
        %dma_wait3A = arith.constant 0 : i32
        %dma_wait3A_102 = tpu.memref_slice %arg6[%add3A_85, %dma_wait3A] : memref<10000x64xf32, #tpu.memory_space<hbm>> -> memref<125x64xf32, #tpu.memory_space<hbm>>
        %dma_wait3A_103 = arith.constant 0 : i32
        %dma_wait3A_104 = tpu.memref_slice %arg15[%add3A_85, %dma_wait3A_103] : memref<10000x64xf32, #tpu.memory_space<vmem_shared>> -> memref<125x64xf32, #tpu.memory_space<vmem_shared>>
        tpu.wait_dma2 semaphore(%run_scoped3A : memref<!tpu.dma_semaphore, #tpu.memory_space<semaphore_mem>>) src(%dma_wait3A_104 : memref<125x64xf32, #tpu.memory_space<vmem_shared>>) dst(%dma_wait3A_102 : memref<125x64xf32, #tpu.memory_space<hbm>>)
        tpu.yield
      }) : () -> ()
      %mul3A_86 = arith.constant 625 : i32
      %mul3A_87 = arith.muli %arg1, %mul3A_86 : i32
      %add3A_88 = arith.constant 250 : i32
      %add3A_89 = arith.addi %mul3A_87, %add3A_88 : i32
      "tpu.region"() ({
        %run_scoped3A = tpu.sem_alloc : memref<!tpu.dma_semaphore, #tpu.memory_space<semaphore_mem>>
        %dma_start3A_98 = arith.constant 0 : i32
        %dma_start3A_99 = tpu.memref_slice %arg6[%add3A_89, %dma_start3A_98] : memref<10000x64xf32, #tpu.memory_space<hbm>> -> memref<125x64xf32, #tpu.memory_space<hbm>>
        %dma_start3A_100 = arith.constant 0 : i32
        %dma_start3A_101 = tpu.memref_slice %arg15[%add3A_89, %dma_start3A_100] : memref<10000x64xf32, #tpu.memory_space<vmem_shared>> -> memref<125x64xf32, #tpu.memory_space<vmem_shared>>
        tpu.enqueue_dma source(%dma_start3A_101 : memref<125x64xf32, #tpu.memory_space<vmem_shared>>) target(%dma_start3A_99 : memref<125x64xf32, #tpu.memory_space<hbm>>) target_semaphore(%run_scoped3A : memref<!tpu.dma_semaphore, #tpu.memory_space<semaphore_mem>>)
        %dma_wait3A = arith.constant 0 : i32
        %dma_wait3A_102 = tpu.memref_slice %arg6[%add3A_89, %dma_wait3A] : memref<10000x64xf32, #tpu.memory_space<hbm>> -> memref<125x64xf32, #tpu.memory_space<hbm>>
        %dma_wait3A_103 = arith.constant 0 : i32
        %dma_wait3A_104 = tpu.memref_slice %arg15[%add3A_89, %dma_wait3A_103] : memref<10000x64xf32, #tpu.memory_space<vmem_shared>> -> memref<125x64xf32, #tpu.memory_space<vmem_shared>>
        tpu.wait_dma2 semaphore(%run_scoped3A : memref<!tpu.dma_semaphore, #tpu.memory_space<semaphore_mem>>) src(%dma_wait3A_104 : memref<125x64xf32, #tpu.memory_space<vmem_shared>>) dst(%dma_wait3A_102 : memref<125x64xf32, #tpu.memory_space<hbm>>)
        tpu.yield
      }) : () -> ()
      %mul3A_90 = arith.constant 625 : i32
      %mul3A_91 = arith.muli %arg1, %mul3A_90 : i32
      %add3A_92 = arith.constant 375 : i32
      %add3A_93 = arith.addi %mul3A_91, %add3A_92 : i32
      "tpu.region"() ({
        %run_scoped3A = tpu.sem_alloc : memref<!tpu.dma_semaphore, #tpu.memory_space<semaphore_mem>>
        %dma_start3A_98 = arith.constant 0 : i32
        %dma_start3A_99 = tpu.memref_slice %arg6[%add3A_93, %dma_start3A_98] : memref<10000x64xf32, #tpu.memory_space<hbm>> -> memref<125x64xf32, #tpu.memory_space<hbm>>
        %dma_start3A_100 = arith.constant 0 : i32
        %dma_start3A_101 = tpu.memref_slice %arg15[%add3A_93, %dma_start3A_100] : memref<10000x64xf32, #tpu.memory_space<vmem_shared>> -> memref<125x64xf32, #tpu.memory_space<vmem_shared>>
        tpu.enqueue_dma source(%dma_start3A_101 : memref<125x64xf32, #tpu.memory_space<vmem_shared>>) target(%dma_start3A_99 : memref<125x64xf32, #tpu.memory_space<hbm>>) target_semaphore(%run_scoped3A : memref<!tpu.dma_semaphore, #tpu.memory_space<semaphore_mem>>)
        %dma_wait3A = arith.constant 0 : i32
        %dma_wait3A_102 = tpu.memref_slice %arg6[%add3A_93, %dma_wait3A] : memref<10000x64xf32, #tpu.memory_space<hbm>> -> memref<125x64xf32, #tpu.memory_space<hbm>>
        %dma_wait3A_103 = arith.constant 0 : i32
        %dma_wait3A_104 = tpu.memref_slice %arg15[%add3A_93, %dma_wait3A_103] : memref<10000x64xf32, #tpu.memory_space<vmem_shared>> -> memref<125x64xf32, #tpu.memory_space<vmem_shared>>
        tpu.wait_dma2 semaphore(%run_scoped3A : memref<!tpu.dma_semaphore, #tpu.memory_space<semaphore_mem>>) src(%dma_wait3A_104 : memref<125x64xf32, #tpu.memory_space<vmem_shared>>) dst(%dma_wait3A_102 : memref<125x64xf32, #tpu.memory_space<hbm>>)
        tpu.yield
      }) : () -> ()
      %mul3A_94 = arith.constant 625 : i32
      %mul3A_95 = arith.muli %arg1, %mul3A_94 : i32
      %add3A_96 = arith.constant 500 : i32
      %add3A_97 = arith.addi %mul3A_95, %add3A_96 : i32
      "tpu.region"() ({
        %run_scoped3A = tpu.sem_alloc : memref<!tpu.dma_semaphore, #tpu.memory_space<semaphore_mem>>
        %dma_start3A_98 = arith.constant 0 : i32
        %dma_start3A_99 = tpu.memref_slice %arg6[%add3A_97, %dma_start3A_98] : memref<10000x64xf32, #tpu.memory_space<hbm>> -> memref<125x64xf32, #tpu.memory_space<hbm>>
        %dma_start3A_100 = arith.constant 0 : i32
        %dma_start3A_101 = tpu.memref_slice %arg15[%add3A_97, %dma_start3A_100] : memref<10000x64xf32, #tpu.memory_space<vmem_shared>> -> memref<125x64xf32, #tpu.memory_space<vmem_shared>>
        tpu.enqueue_dma source(%dma_start3A_101 : memref<125x64xf32, #tpu.memory_space<vmem_shared>>) target(%dma_start3A_99 : memref<125x64xf32, #tpu.memory_space<hbm>>) target_semaphore(%run_scoped3A : memref<!tpu.dma_semaphore, #tpu.memory_space<semaphore_mem>>)
        %dma_wait3A = arith.constant 0 : i32
        %dma_wait3A_102 = tpu.memref_slice %arg6[%add3A_97, %dma_wait3A] : memref<10000x64xf32, #tpu.memory_space<hbm>> -> memref<125x64xf32, #tpu.memory_space<hbm>>
        %dma_wait3A_103 = arith.constant 0 : i32
        %dma_wait3A_104 = tpu.memref_slice %arg15[%add3A_97, %dma_wait3A_103] : memref<10000x64xf32, #tpu.memory_space<vmem_shared>> -> memref<125x64xf32, #tpu.memory_space<vmem_shared>>
        tpu.wait_dma2 semaphore(%run_scoped3A : memref<!tpu.dma_semaphore, #tpu.memory_space<semaphore_mem>>) src(%dma_wait3A_104 : memref<125x64xf32, #tpu.memory_space<vmem_shared>>) dst(%dma_wait3A_102 : memref<125x64xf32, #tpu.memory_space<hbm>>)
        tpu.yield
      }) : () -> ()
    } else {
    }
    return
  }
}

#map = affine_map<(d0, d1) -> (0, 0)>
#map1 = affine_map<(d0, d1) -> (0, 0, 0)>
module attributes {stable_mosaic.version = 14 : i64} {
  func.func @edge_kernel(%arg0: i32, %arg1: i32, %arg2: memref<20000x64xf32, #tpu.memory_space<hbm>>, %arg3: memref<16x250x80xi32, #tpu.memory_space<hbm>>, %arg4: memref<16x250x80xi32, #tpu.memory_space<hbm>>, %arg5: memref<10000x64xf32, #tpu.memory_space<hbm>>, %arg6: memref<10000x64xf32, #tpu.memory_space<hbm>>, %arg7: memref<250x80xi32, #tpu.memory_space<vmem>>, %arg8: memref<250x80xi32, #tpu.memory_space<vmem>>, %arg9: memref<80x64xf32, #tpu.memory_space<vmem>>, %arg10: memref<80x64xf32, #tpu.memory_space<vmem>>, %arg11: memref<80x64xf32, #tpu.memory_space<vmem>>, %arg12: memref<80x64xf32, #tpu.memory_space<vmem>>, %arg13: memref<80x64xf32, #tpu.memory_space<vmem>>, %arg14: memref<125x64xf32, #tpu.memory_space<vmem>>, %arg15: memref<10000x64xf32, #tpu.memory_space<vmem_shared>>, %arg16: memref<!tpu.dma_semaphore, #tpu.memory_space<semaphore_mem>>, %arg17: memref<!tpu.dma_semaphore, #tpu.memory_space<semaphore_mem>>, %arg18: memref<!tpu.dma_semaphore, #tpu.memory_space<semaphore_mem>>, %arg19: memref<!tpu.dma_semaphore, #tpu.memory_space<semaphore_mem>>, %arg20: memref<!tpu.dma_semaphore, #tpu.memory_space<semaphore_mem>>, %arg21: memref<!tpu.dma_semaphore, #tpu.memory_space<semaphore_mem>>, %arg22: memref<!tpu.dma_semaphore, #tpu.memory_space<semaphore_mem>>, %arg23: memref<!tpu.dma_semaphore, #tpu.memory_space<semaphore_mem>>, %arg24: memref<!tpu.dma_semaphore, #tpu.memory_space<semaphore_mem>>, %arg25: memref<!tpu.dma_semaphore, #tpu.memory_space<semaphore_mem>>) attributes {dimension_semantics = [#tpu.dimension_semantics<core_parallel>, #tpu.dimension_semantics<subcore_parallel>], iteration_bounds = array<i64: 2, 16>, scalar_prefetch = 0 : i64, scratch_operands = 19 : i64, tpu.core_type = #tpu.core_type<sc_vector_subcore>, window_params = [{transform_indices = #map}, {transform_indices = #map1}, {transform_indices = #map1}, {transform_indices = #map}, {transform_indices = #map}]} {
    %broadcast_in_dim3A = arith.constant 0.000000e+00 : f32
    %broadcast_in_dim3A_0 = vector.broadcast %broadcast_in_dim3A : f32 to vector<16xf32>
    %scan3A = arith.constant 0 : i32
    %scan3A_1 = arith.constant 0 : i32
    %scan3A_2 = arith.constant 500 : i32
    %scan3A_3 = arith.addi %scan3A_1, %scan3A_2 : i32
    %scan3A_4 = arith.constant 1 : i32
    scf.for %scan3A_78 = %scan3A_1 to %scan3A_3 step %scan3A_4  : i32 {
      %jit3A = arith.constant 4 : i32
      %div3A = arith.divsi %scan3A_78, %jit3A : i32
      %sign3A = arith.constant 0 : i32
      %sign3A_79 = arith.cmpi sgt, %scan3A_78, %sign3A : i32
      %sign3A_80 = arith.extui %sign3A_79 : i1 to i32
      %sign3A_81 = arith.constant 0 : i32
      %sign3A_82 = arith.cmpi slt, %scan3A_78, %sign3A_81 : i32
      %sign3A_83 = arith.extui %sign3A_82 : i1 to i32
      %sign3A_84 = arith.subi %sign3A_80, %sign3A_83 : i32
      %sign3A_85 = arith.constant 0 : i32
      %sign3A_86 = arith.cmpi sgt, %jit3A, %sign3A_85 : i32
      %sign3A_87 = arith.extui %sign3A_86 : i1 to i32
      %sign3A_88 = arith.constant 0 : i32
      %sign3A_89 = arith.cmpi slt, %jit3A, %sign3A_88 : i32
      %sign3A_90 = arith.extui %sign3A_89 : i1 to i32
      %sign3A_91 = arith.subi %sign3A_87, %sign3A_90 : i32
      %ne3A = arith.cmpi ne, %sign3A_84, %sign3A_91 : i32
      %rem3A = arith.remsi %scan3A_78, %jit3A : i32
      %ne3A_92 = arith.constant 0 : i32
      %ne3A_93 = arith.cmpi ne, %rem3A, %ne3A_92 : i32
      %and3A = arith.andi %ne3A, %ne3A_93 : i1
      %sub3A = arith.constant 1 : i32
      %sub3A_94 = arith.subi %div3A, %sub3A : i32
      %select_n3A = arith.select %and3A, %sub3A_94, %div3A : i32
      %jit3A_95 = arith.constant 4 : i32
      %eq3A_96 = arith.constant 0 : i32
      %eq3A_97 = arith.cmpi eq, %jit3A_95, %eq3A_96 : i32
      %jit3A_98 = arith.constant 1 : i32
      %select_n3A_99 = arith.select %eq3A_97, %jit3A_98, %jit3A_95 : i32
      %rem3A_100 = arith.remsi %scan3A_78, %select_n3A_99 : i32
      %ne3A_101 = arith.constant 0 : i32
      %ne3A_102 = arith.cmpi ne, %rem3A_100, %ne3A_101 : i32
      %lt3A = arith.constant 0 : i32
      %lt3A_103 = arith.cmpi slt, %rem3A_100, %lt3A : i32
      %lt3A_104 = arith.constant 0 : i32
      %lt3A_105 = arith.cmpi slt, %select_n3A_99, %lt3A_104 : i32
      %ne3A_106 = arith.xori %lt3A_103, %lt3A_105 : i1
      %and3A_107 = arith.andi %ne3A_106, %ne3A_102 : i1
      %add3A_108 = arith.addi %rem3A_100, %select_n3A_99 : i32
      %select_n3A_109 = arith.select %and3A_107, %add3A_108, %rem3A_100 : i32
      %mul3A_110 = arith.constant 16 : i32
      %mul3A_111 = arith.muli %select_n3A_109, %mul3A_110 : i32
      %swap3A = arith.index_cast %select_n3A : i32 to index
      %swap3A_112 = arith.index_cast %mul3A_111 : i32 to index
      %swap3A_113 = tpu.vector_load %arg14[%swap3A, %swap3A_112] {strides = array<i32>} : memref<125x64xf32, #tpu.memory_space<vmem>>, vector<1x16xf32>,
      %swap3A_114 = vector.shape_cast %swap3A_113 : vector<1x16xf32> to vector<16xf32>
      %swap3A_115 = vector.shape_cast %broadcast_in_dim3A_0 : vector<16xf32> to vector<1x16xf32>
      tpu.vector_store %arg14[%swap3A, %swap3A_112], %swap3A_115 {strides = array<i32>} : memref<125x64xf32, #tpu.memory_space<vmem>>, vector<1x16xf32>,
    }
    %scan3A_5 = arith.constant 500 : i32
    %mul3A = arith.constant 625 : i32
    %mul3A_6 = arith.muli %arg1, %mul3A : i32
    %add3A = arith.constant 0 : i32
    %add3A_7 = arith.addi %mul3A_6, %add3A : i32
    "tpu.region"() ({
      %run_scoped3A = tpu.sem_alloc : memref<!tpu.dma_semaphore, #tpu.memory_space<semaphore_mem>>
      %dma_start3A_78 = arith.constant 0 : i32
      %dma_start3A_79 = tpu.memref_slice %arg15[%add3A_7, %dma_start3A_78] : memref<10000x64xf32, #tpu.memory_space<vmem_shared>> -> memref<125x64xf32, #tpu.memory_space<vmem_shared>>
      %dma_start3A_80 = arith.constant 0 : i32
      %dma_start3A_81 = tpu.memref_slice %arg15[%add3A_7, %dma_start3A_80] : memref<10000x64xf32, #tpu.memory_space<vmem_shared>> -> memref<125x64xf32, #tpu.memory_space<vmem_shared>>
      tpu.enqueue_dma source(%arg14 : memref<125x64xf32, #tpu.memory_space<vmem>>) target(%dma_start3A_81 : memref<125x64xf32, #tpu.memory_space<vmem_shared>>) target_semaphore(%run_scoped3A : memref<!tpu.dma_semaphore, #tpu.memory_space<semaphore_mem>>)
      %dma_wait3A = arith.constant 0 : i32
      %dma_wait3A_82 = tpu.memref_slice %arg15[%add3A_7, %dma_wait3A] : memref<10000x64xf32, #tpu.memory_space<vmem_shared>> -> memref<125x64xf32, #tpu.memory_space<vmem_shared>>
      %dma_wait3A_83 = arith.constant 0 : i32
      %dma_wait3A_84 = tpu.memref_slice %arg15[%add3A_7, %dma_wait3A_83] : memref<10000x64xf32, #tpu.memory_space<vmem_shared>> -> memref<125x64xf32, #tpu.memory_space<vmem_shared>>
      tpu.wait_dma2 semaphore(%run_scoped3A : memref<!tpu.dma_semaphore, #tpu.memory_space<semaphore_mem>>) src(%arg14 : memref<125x64xf32, #tpu.memory_space<vmem>>) dst(%dma_wait3A_84 : memref<125x64xf32, #tpu.memory_space<vmem_shared>>)
      tpu.yield
    }) : () -> ()
    %mul3A_8 = arith.constant 625 : i32
    %mul3A_9 = arith.muli %arg1, %mul3A_8 : i32
    %add3A_10 = arith.constant 125 : i32
    %add3A_11 = arith.addi %mul3A_9, %add3A_10 : i32
    "tpu.region"() ({
      %run_scoped3A = tpu.sem_alloc : memref<!tpu.dma_semaphore, #tpu.memory_space<semaphore_mem>>
      %dma_start3A_78 = arith.constant 0 : i32
      %dma_start3A_79 = tpu.memref_slice %arg15[%add3A_11, %dma_start3A_78] : memref<10000x64xf32, #tpu.memory_space<vmem_shared>> -> memref<125x64xf32, #tpu.memory_space<vmem_shared>>
      %dma_start3A_80 = arith.constant 0 : i32
      %dma_start3A_81 = tpu.memref_slice %arg15[%add3A_11, %dma_start3A_80] : memref<10000x64xf32, #tpu.memory_space<vmem_shared>> -> memref<125x64xf32, #tpu.memory_space<vmem_shared>>
      tpu.enqueue_dma source(%arg14 : memref<125x64xf32, #tpu.memory_space<vmem>>) target(%dma_start3A_81 : memref<125x64xf32, #tpu.memory_space<vmem_shared>>) target_semaphore(%run_scoped3A : memref<!tpu.dma_semaphore, #tpu.memory_space<semaphore_mem>>)
      %dma_wait3A = arith.constant 0 : i32
      %dma_wait3A_82 = tpu.memref_slice %arg15[%add3A_11, %dma_wait3A] : memref<10000x64xf32, #tpu.memory_space<vmem_shared>> -> memref<125x64xf32, #tpu.memory_space<vmem_shared>>
      %dma_wait3A_83 = arith.constant 0 : i32
      %dma_wait3A_84 = tpu.memref_slice %arg15[%add3A_11, %dma_wait3A_83] : memref<10000x64xf32, #tpu.memory_space<vmem_shared>> -> memref<125x64xf32, #tpu.memory_space<vmem_shared>>
      tpu.wait_dma2 semaphore(%run_scoped3A : memref<!tpu.dma_semaphore, #tpu.memory_space<semaphore_mem>>) src(%arg14 : memref<125x64xf32, #tpu.memory_space<vmem>>) dst(%dma_wait3A_84 : memref<125x64xf32, #tpu.memory_space<vmem_shared>>)
      tpu.yield
    }) : () -> ()
    %mul3A_12 = arith.constant 625 : i32
    %mul3A_13 = arith.muli %arg1, %mul3A_12 : i32
    %add3A_14 = arith.constant 250 : i32
    %add3A_15 = arith.addi %mul3A_13, %add3A_14 : i32
    "tpu.region"() ({
      %run_scoped3A = tpu.sem_alloc : memref<!tpu.dma_semaphore, #tpu.memory_space<semaphore_mem>>
      %dma_start3A_78 = arith.constant 0 : i32
      %dma_start3A_79 = tpu.memref_slice %arg15[%add3A_15, %dma_start3A_78] : memref<10000x64xf32, #tpu.memory_space<vmem_shared>> -> memref<125x64xf32, #tpu.memory_space<vmem_shared>>
      %dma_start3A_80 = arith.constant 0 : i32
      %dma_start3A_81 = tpu.memref_slice %arg15[%add3A_15, %dma_start3A_80] : memref<10000x64xf32, #tpu.memory_space<vmem_shared>> -> memref<125x64xf32, #tpu.memory_space<vmem_shared>>
      tpu.enqueue_dma source(%arg14 : memref<125x64xf32, #tpu.memory_space<vmem>>) target(%dma_start3A_81 : memref<125x64xf32, #tpu.memory_space<vmem_shared>>) target_semaphore(%run_scoped3A : memref<!tpu.dma_semaphore, #tpu.memory_space<semaphore_mem>>)
      %dma_wait3A = arith.constant 0 : i32
      %dma_wait3A_82 = tpu.memref_slice %arg15[%add3A_15, %dma_wait3A] : memref<10000x64xf32, #tpu.memory_space<vmem_shared>> -> memref<125x64xf32, #tpu.memory_space<vmem_shared>>
      %dma_wait3A_83 = arith.constant 0 : i32
      %dma_wait3A_84 = tpu.memref_slice %arg15[%add3A_15, %dma_wait3A_83] : memref<10000x64xf32, #tpu.memory_space<vmem_shared>> -> memref<125x64xf32, #tpu.memory_space<vmem_shared>>
      tpu.wait_dma2 semaphore(%run_scoped3A : memref<!tpu.dma_semaphore, #tpu.memory_space<semaphore_mem>>) src(%arg14 : memref<125x64xf32, #tpu.memory_space<vmem>>) dst(%dma_wait3A_84 : memref<125x64xf32, #tpu.memory_space<vmem_shared>>)
      tpu.yield
    }) : () -> ()
    %mul3A_16 = arith.constant 625 : i32
    %mul3A_17 = arith.muli %arg1, %mul3A_16 : i32
    %add3A_18 = arith.constant 375 : i32
    %add3A_19 = arith.addi %mul3A_17, %add3A_18 : i32
    "tpu.region"() ({
      %run_scoped3A = tpu.sem_alloc : memref<!tpu.dma_semaphore, #tpu.memory_space<semaphore_mem>>
      %dma_start3A_78 = arith.constant 0 : i32
      %dma_start3A_79 = tpu.memref_slice %arg15[%add3A_19, %dma_start3A_78] : memref<10000x64xf32, #tpu.memory_space<vmem_shared>> -> memref<125x64xf32, #tpu.memory_space<vmem_shared>>
      %dma_start3A_80 = arith.constant 0 : i32
      %dma_start3A_81 = tpu.memref_slice %arg15[%add3A_19, %dma_start3A_80] : memref<10000x64xf32, #tpu.memory_space<vmem_shared>> -> memref<125x64xf32, #tpu.memory_space<vmem_shared>>
      tpu.enqueue_dma source(%arg14 : memref<125x64xf32, #tpu.memory_space<vmem>>) target(%dma_start3A_81 : memref<125x64xf32, #tpu.memory_space<vmem_shared>>) target_semaphore(%run_scoped3A : memref<!tpu.dma_semaphore, #tpu.memory_space<semaphore_mem>>)
      %dma_wait3A = arith.constant 0 : i32
      %dma_wait3A_82 = tpu.memref_slice %arg15[%add3A_19, %dma_wait3A] : memref<10000x64xf32, #tpu.memory_space<vmem_shared>> -> memref<125x64xf32, #tpu.memory_space<vmem_shared>>
      %dma_wait3A_83 = arith.constant 0 : i32
      %dma_wait3A_84 = tpu.memref_slice %arg15[%add3A_19, %dma_wait3A_83] : memref<10000x64xf32, #tpu.memory_space<vmem_shared>> -> memref<125x64xf32, #tpu.memory_space<vmem_shared>>
      tpu.wait_dma2 semaphore(%run_scoped3A : memref<!tpu.dma_semaphore, #tpu.memory_space<semaphore_mem>>) src(%arg14 : memref<125x64xf32, #tpu.memory_space<vmem>>) dst(%dma_wait3A_84 : memref<125x64xf32, #tpu.memory_space<vmem_shared>>)
      tpu.yield
    }) : () -> ()
    %mul3A_20 = arith.constant 625 : i32
    %mul3A_21 = arith.muli %arg1, %mul3A_20 : i32
    %add3A_22 = arith.constant 500 : i32
    %add3A_23 = arith.addi %mul3A_21, %add3A_22 : i32
    "tpu.region"() ({
      %run_scoped3A = tpu.sem_alloc : memref<!tpu.dma_semaphore, #tpu.memory_space<semaphore_mem>>
      %dma_start3A_78 = arith.constant 0 : i32
      %dma_start3A_79 = tpu.memref_slice %arg15[%add3A_23, %dma_start3A_78] : memref<10000x64xf32, #tpu.memory_space<vmem_shared>> -> memref<125x64xf32, #tpu.memory_space<vmem_shared>>
      %dma_start3A_80 = arith.constant 0 : i32
      %dma_start3A_81 = tpu.memref_slice %arg15[%add3A_23, %dma_start3A_80] : memref<10000x64xf32, #tpu.memory_space<vmem_shared>> -> memref<125x64xf32, #tpu.memory_space<vmem_shared>>
      tpu.enqueue_dma source(%arg14 : memref<125x64xf32, #tpu.memory_space<vmem>>) target(%dma_start3A_81 : memref<125x64xf32, #tpu.memory_space<vmem_shared>>) target_semaphore(%run_scoped3A : memref<!tpu.dma_semaphore, #tpu.memory_space<semaphore_mem>>)
      %dma_wait3A = arith.constant 0 : i32
      %dma_wait3A_82 = tpu.memref_slice %arg15[%add3A_23, %dma_wait3A] : memref<10000x64xf32, #tpu.memory_space<vmem_shared>> -> memref<125x64xf32, #tpu.memory_space<vmem_shared>>
      %dma_wait3A_83 = arith.constant 0 : i32
      %dma_wait3A_84 = tpu.memref_slice %arg15[%add3A_23, %dma_wait3A_83] : memref<10000x64xf32, #tpu.memory_space<vmem_shared>> -> memref<125x64xf32, #tpu.memory_space<vmem_shared>>
      tpu.wait_dma2 semaphore(%run_scoped3A : memref<!tpu.dma_semaphore, #tpu.memory_space<semaphore_mem>>) src(%arg14 : memref<125x64xf32, #tpu.memory_space<vmem>>) dst(%dma_wait3A_84 : memref<125x64xf32, #tpu.memory_space<vmem_shared>>)
      tpu.yield
    }) : () -> ()
    "tpu.region"() ({
      %run_scoped3A = tpu.sem_alloc : memref<!tpu.dma_semaphore, #tpu.memory_space<semaphore_mem>>
      %dma_start3A_78 = arith.constant 0 : i32
      %dma_start3A_79 = arith.constant 0 : i32
      %dma_start3A_80 = tpu.memref_slice %arg3[%arg1, %dma_start3A_78, %dma_start3A_79] : memref<16x250x80xi32, #tpu.memory_space<hbm>> -> memref<1x250x80xi32, #tpu.memory_space<hbm>>
      %dma_start3A_81 = tpu.memref_squeeze %dma_start3A_80 : memref<1x250x80xi32, #tpu.memory_space<hbm>> -> memref<250x80xi32, #tpu.memory_space<hbm>>
      %dma_start3A_82 = arith.constant 0 : i32
      %dma_start3A_83 = arith.constant 0 : i32
      %dma_start3A_84 = tpu.memref_slice %arg3[%arg1, %dma_start3A_82, %dma_start3A_83] : memref<16x250x80xi32, #tpu.memory_space<hbm>> -> memref<1x250x80xi32, #tpu.memory_space<hbm>>
      %dma_start3A_85 = tpu.memref_squeeze %dma_start3A_84 : memref<1x250x80xi32, #tpu.memory_space<hbm>> -> memref<250x80xi32, #tpu.memory_space<hbm>>
      tpu.enqueue_dma source(%dma_start3A_85 : memref<250x80xi32, #tpu.memory_space<hbm>>) target(%arg7 : memref<250x80xi32, #tpu.memory_space<vmem>>) target_semaphore(%run_scoped3A : memref<!tpu.dma_semaphore, #tpu.memory_space<semaphore_mem>>)
      %dma_wait3A = arith.constant 0 : i32
      %dma_wait3A_86 = arith.constant 0 : i32
      %dma_wait3A_87 = tpu.memref_slice %arg3[%arg1, %dma_wait3A, %dma_wait3A_86] : memref<16x250x80xi32, #tpu.memory_space<hbm>> -> memref<1x250x80xi32, #tpu.memory_space<hbm>>
      %dma_wait3A_88 = tpu.memref_squeeze %dma_wait3A_87 : memref<1x250x80xi32, #tpu.memory_space<hbm>> -> memref<250x80xi32, #tpu.memory_space<hbm>>
      %dma_wait3A_89 = arith.constant 0 : i32
      %dma_wait3A_90 = arith.constant 0 : i32
      %dma_wait3A_91 = tpu.memref_slice %arg3[%arg1, %dma_wait3A_89, %dma_wait3A_90] : memref<16x250x80xi32, #tpu.memory_space<hbm>> -> memref<1x250x80xi32, #tpu.memory_space<hbm>>
      %dma_wait3A_92 = tpu.memref_squeeze %dma_wait3A_91 : memref<1x250x80xi32, #tpu.memory_space<hbm>> -> memref<250x80xi32, #tpu.memory_space<hbm>>
      tpu.wait_dma2 semaphore(%run_scoped3A : memref<!tpu.dma_semaphore, #tpu.memory_space<semaphore_mem>>) src(%dma_wait3A_92 : memref<250x80xi32, #tpu.memory_space<hbm>>) dst(%arg7 : memref<250x80xi32, #tpu.memory_space<vmem>>)
      tpu.yield
    }) : () -> ()
    "tpu.region"() ({
      %run_scoped3A = tpu.sem_alloc : memref<!tpu.dma_semaphore, #tpu.memory_space<semaphore_mem>>
      %dma_start3A_78 = arith.constant 0 : i32
      %dma_start3A_79 = arith.constant 0 : i32
      %dma_start3A_80 = tpu.memref_slice %arg4[%arg1, %dma_start3A_78, %dma_start3A_79] : memref<16x250x80xi32, #tpu.memory_space<hbm>> -> memref<1x250x80xi32, #tpu.memory_space<hbm>>
      %dma_start3A_81 = tpu.memref_squeeze %dma_start3A_80 : memref<1x250x80xi32, #tpu.memory_space<hbm>> -> memref<250x80xi32, #tpu.memory_space<hbm>>
      %dma_start3A_82 = arith.constant 0 : i32
      %dma_start3A_83 = arith.constant 0 : i32
      %dma_start3A_84 = tpu.memref_slice %arg4[%arg1, %dma_start3A_82, %dma_start3A_83] : memref<16x250x80xi32, #tpu.memory_space<hbm>> -> memref<1x250x80xi32, #tpu.memory_space<hbm>>
      %dma_start3A_85 = tpu.memref_squeeze %dma_start3A_84 : memref<1x250x80xi32, #tpu.memory_space<hbm>> -> memref<250x80xi32, #tpu.memory_space<hbm>>
      tpu.enqueue_dma source(%dma_start3A_85 : memref<250x80xi32, #tpu.memory_space<hbm>>) target(%arg8 : memref<250x80xi32, #tpu.memory_space<vmem>>) target_semaphore(%run_scoped3A : memref<!tpu.dma_semaphore, #tpu.memory_space<semaphore_mem>>)
      %dma_wait3A = arith.constant 0 : i32
      %dma_wait3A_86 = arith.constant 0 : i32
      %dma_wait3A_87 = tpu.memref_slice %arg4[%arg1, %dma_wait3A, %dma_wait3A_86] : memref<16x250x80xi32, #tpu.memory_space<hbm>> -> memref<1x250x80xi32, #tpu.memory_space<hbm>>
      %dma_wait3A_88 = tpu.memref_squeeze %dma_wait3A_87 : memref<1x250x80xi32, #tpu.memory_space<hbm>> -> memref<250x80xi32, #tpu.memory_space<hbm>>
      %dma_wait3A_89 = arith.constant 0 : i32
      %dma_wait3A_90 = arith.constant 0 : i32
      %dma_wait3A_91 = tpu.memref_slice %arg4[%arg1, %dma_wait3A_89, %dma_wait3A_90] : memref<16x250x80xi32, #tpu.memory_space<hbm>> -> memref<1x250x80xi32, #tpu.memory_space<hbm>>
      %dma_wait3A_92 = tpu.memref_squeeze %dma_wait3A_91 : memref<1x250x80xi32, #tpu.memory_space<hbm>> -> memref<250x80xi32, #tpu.memory_space<hbm>>
      tpu.wait_dma2 semaphore(%run_scoped3A : memref<!tpu.dma_semaphore, #tpu.memory_space<semaphore_mem>>) src(%dma_wait3A_92 : memref<250x80xi32, #tpu.memory_space<hbm>>) dst(%arg8 : memref<250x80xi32, #tpu.memory_space<vmem>>)
      tpu.yield
    }) : () -> ()
    %scan3A_24 = arith.constant 0 : i32
    %scan3A_25 = arith.constant 0 : i32
    %scan3A_26 = arith.constant 1250 : i32
    %scan3A_27 = arith.addi %scan3A_25, %scan3A_26 : i32
    %scan3A_28 = arith.constant 1 : i32
    scf.for %scan3A_78 = %scan3A_25 to %scan3A_27 step %scan3A_28  : i32 {
      %jit3A = arith.constant 5 : i32
      %div3A = arith.divsi %scan3A_78, %jit3A : i32
      %sign3A = arith.constant 0 : i32
      %sign3A_79 = arith.cmpi sgt, %scan3A_78, %sign3A : i32
      %sign3A_80 = arith.extui %sign3A_79 : i1 to i32
      %sign3A_81 = arith.constant 0 : i32
      %sign3A_82 = arith.cmpi slt, %scan3A_78, %sign3A_81 : i32
      %sign3A_83 = arith.extui %sign3A_82 : i1 to i32
      %sign3A_84 = arith.subi %sign3A_80, %sign3A_83 : i32
      %sign3A_85 = arith.constant 0 : i32
      %sign3A_86 = arith.cmpi sgt, %jit3A, %sign3A_85 : i32
      %sign3A_87 = arith.extui %sign3A_86 : i1 to i32
      %sign3A_88 = arith.constant 0 : i32
      %sign3A_89 = arith.cmpi slt, %jit3A, %sign3A_88 : i32
      %sign3A_90 = arith.extui %sign3A_89 : i1 to i32
      %sign3A_91 = arith.subi %sign3A_87, %sign3A_90 : i32
      %ne3A = arith.cmpi ne, %sign3A_84, %sign3A_91 : i32
      %rem3A = arith.remsi %scan3A_78, %jit3A : i32
      %ne3A_92 = arith.constant 0 : i32
      %ne3A_93 = arith.cmpi ne, %rem3A, %ne3A_92 : i32
      %and3A = arith.andi %ne3A, %ne3A_93 : i1
      %sub3A = arith.constant 1 : i32
      %sub3A_94 = arith.subi %div3A, %sub3A : i32
      %select_n3A = arith.select %and3A, %sub3A_94, %div3A : i32
      %jit3A_95 = arith.constant 5 : i32
      %eq3A_96 = arith.constant 0 : i32
      %eq3A_97 = arith.cmpi eq, %jit3A_95, %eq3A_96 : i32
      %jit3A_98 = arith.constant 1 : i32
      %select_n3A_99 = arith.select %eq3A_97, %jit3A_98, %jit3A_95 : i32
      %rem3A_100 = arith.remsi %scan3A_78, %select_n3A_99 : i32
      %ne3A_101 = arith.constant 0 : i32
      %ne3A_102 = arith.cmpi ne, %rem3A_100, %ne3A_101 : i32
      %lt3A = arith.constant 0 : i32
      %lt3A_103 = arith.cmpi slt, %rem3A_100, %lt3A : i32
      %lt3A_104 = arith.constant 0 : i32
      %lt3A_105 = arith.cmpi slt, %select_n3A_99, %lt3A_104 : i32
      %ne3A_106 = arith.xori %lt3A_103, %lt3A_105 : i1
      %and3A_107 = arith.andi %ne3A_106, %ne3A_102 : i1
      %add3A_108 = arith.addi %rem3A_100, %select_n3A_99 : i32
      %select_n3A_109 = arith.select %and3A_107, %add3A_108, %rem3A_100 : i32
      %mul3A_110 = arith.constant 16 : i32
      %mul3A_111 = arith.muli %select_n3A_109, %mul3A_110 : i32
      %get3A = arith.index_cast %select_n3A : i32 to index
      %get3A_112 = arith.index_cast %mul3A_111 : i32 to index
      %get3A_113 = tpu.vector_load %arg7[%get3A, %get3A_112] {strides = array<i32>} : memref<250x80xi32, #tpu.memory_space<vmem>>, vector<1x16xi32>,
      %get3A_114 = vector.shape_cast %get3A_113 : vector<1x16xi32> to vector<16xi32>
      %mul3A_115 = arith.constant 2 : i32
      %mul3A_116 = vector.broadcast %mul3A_115 : i32 to vector<16xi32>
      %mul3A_117 = arith.muli %get3A_114, %mul3A_116 : vector<16xi32>
      %add3A_118 = vector.broadcast %arg0 : i32 to vector<16xi32>
      %add3A_119 = arith.addi %mul3A_117, %add3A_118 : vector<16xi32>
      %swap3A = arith.index_cast %select_n3A : i32 to index
      %swap3A_120 = arith.index_cast %mul3A_111 : i32 to index
      %swap3A_121 = tpu.vector_load %arg7[%swap3A, %swap3A_120] {strides = array<i32>} : memref<250x80xi32, #tpu.memory_space<vmem>>, vector<1x16xi32>,
      %swap3A_122 = vector.shape_cast %swap3A_121 : vector<1x16xi32> to vector<16xi32>
      %swap3A_123 = vector.shape_cast %add3A_119 : vector<16xi32> to vector<1x16xi32>
      tpu.vector_store %arg7[%swap3A, %swap3A_120], %swap3A_123 {strides = array<i32>} : memref<250x80xi32, #tpu.memory_space<vmem>>, vector<1x16xi32>,
    }
    %scan3A_29 = arith.constant 1250 : i32
    %barrier3A = arith.constant 0 : index
    tpu.barrier barrier_id(%barrier3A)
    %dma_start3A = arith.constant 0 : i32
    %dma_start3A_30 = arith.constant 0 : i32
    %dma_start3A_31 = tpu.memref_slice %arg7[%dma_start3A, %dma_start3A_30] : memref<250x80xi32, #tpu.memory_space<vmem>> -> memref<1x80xi32, #tpu.memory_space<vmem>>
    %dma_start3A_32 = tpu.memref_squeeze %dma_start3A_31 : memref<1x80xi32, #tpu.memory_space<vmem>> -> memref<80xi32, #tpu.memory_space<vmem>>
    %dma_start3A_33 = arith.constant 0 : i32
    %dma_start3A_34 = arith.constant 0 : i32
    %dma_start3A_35 = tpu.memref_slice %arg2[%dma_start3A_33, %dma_start3A_34] : memref<20000x64xf32, #tpu.memory_space<hbm>> -> memref<20000x64xf32, #tpu.memory_space<hbm>>
    tpu.enqueue_indirect_dma source(%dma_start3A_35 : memref<20000x64xf32, #tpu.memory_space<hbm>>) target(%arg9 : memref<80x64xf32, #tpu.memory_space<vmem>>) offsets(%dma_start3A_32 : memref<80xi32, #tpu.memory_space<vmem>>) semaphore(%arg16 : memref<!tpu.dma_semaphore, #tpu.memory_space<semaphore_mem>>)
    %dma_start3A_36 = arith.constant 1 : i32
    %dma_start3A_37 = arith.constant 0 : i32
    %dma_start3A_38 = tpu.memref_slice %arg7[%dma_start3A_36, %dma_start3A_37] : memref<250x80xi32, #tpu.memory_space<vmem>> -> memref<1x80xi32, #tpu.memory_space<vmem>>
    %dma_start3A_39 = tpu.memref_squeeze %dma_start3A_38 : memref<1x80xi32, #tpu.memory_space<vmem>> -> memref<80xi32, #tpu.memory_space<vmem>>
    %dma_start3A_40 = arith.constant 0 : i32
    %dma_start3A_41 = arith.constant 0 : i32
    %dma_start3A_42 = tpu.memref_slice %arg2[%dma_start3A_40, %dma_start3A_41] : memref<20000x64xf32, #tpu.memory_space<hbm>> -> memref<20000x64xf32, #tpu.memory_space<hbm>>
    tpu.enqueue_indirect_dma source(%dma_start3A_42 : memref<20000x64xf32, #tpu.memory_space<hbm>>) target(%arg10 : memref<80x64xf32, #tpu.memory_space<vmem>>) offsets(%dma_start3A_39 : memref<80xi32, #tpu.memory_space<vmem>>) semaphore(%arg17 : memref<!tpu.dma_semaphore, #tpu.memory_space<semaphore_mem>>)
    %dma_start3A_43 = arith.constant 2 : i32
    %dma_start3A_44 = arith.constant 0 : i32
    %dma_start3A_45 = tpu.memref_slice %arg7[%dma_start3A_43, %dma_start3A_44] : memref<250x80xi32, #tpu.memory_space<vmem>> -> memref<1x80xi32, #tpu.memory_space<vmem>>
    %dma_start3A_46 = tpu.memref_squeeze %dma_start3A_45 : memref<1x80xi32, #tpu.memory_space<vmem>> -> memref<80xi32, #tpu.memory_space<vmem>>
    %dma_start3A_47 = arith.constant 0 : i32
    %dma_start3A_48 = arith.constant 0 : i32
    %dma_start3A_49 = tpu.memref_slice %arg2[%dma_start3A_47, %dma_start3A_48] : memref<20000x64xf32, #tpu.memory_space<hbm>> -> memref<20000x64xf32, #tpu.memory_space<hbm>>
    tpu.enqueue_indirect_dma source(%dma_start3A_49 : memref<20000x64xf32, #tpu.memory_space<hbm>>) target(%arg11 : memref<80x64xf32, #tpu.memory_space<vmem>>) offsets(%dma_start3A_46 : memref<80xi32, #tpu.memory_space<vmem>>) semaphore(%arg18 : memref<!tpu.dma_semaphore, #tpu.memory_space<semaphore_mem>>)
    %dma_start3A_50 = arith.constant 3 : i32
    %dma_start3A_51 = arith.constant 0 : i32
    %dma_start3A_52 = tpu.memref_slice %arg7[%dma_start3A_50, %dma_start3A_51] : memref<250x80xi32, #tpu.memory_space<vmem>> -> memref<1x80xi32, #tpu.memory_space<vmem>>
    %dma_start3A_53 = tpu.memref_squeeze %dma_start3A_52 : memref<1x80xi32, #tpu.memory_space<vmem>> -> memref<80xi32, #tpu.memory_space<vmem>>
    %dma_start3A_54 = arith.constant 0 : i32
    %dma_start3A_55 = arith.constant 0 : i32
    %dma_start3A_56 = tpu.memref_slice %arg2[%dma_start3A_54, %dma_start3A_55] : memref<20000x64xf32, #tpu.memory_space<hbm>> -> memref<20000x64xf32, #tpu.memory_space<hbm>>
    tpu.enqueue_indirect_dma source(%dma_start3A_56 : memref<20000x64xf32, #tpu.memory_space<hbm>>) target(%arg12 : memref<80x64xf32, #tpu.memory_space<vmem>>) offsets(%dma_start3A_53 : memref<80xi32, #tpu.memory_space<vmem>>) semaphore(%arg19 : memref<!tpu.dma_semaphore, #tpu.memory_space<semaphore_mem>>)
    %dma_start3A_57 = arith.constant 4 : i32
    %dma_start3A_58 = arith.constant 0 : i32
    %dma_start3A_59 = tpu.memref_slice %arg7[%dma_start3A_57, %dma_start3A_58] : memref<250x80xi32, #tpu.memory_space<vmem>> -> memref<1x80xi32, #tpu.memory_space<vmem>>
    %dma_start3A_60 = tpu.memref_squeeze %dma_start3A_59 : memref<1x80xi32, #tpu.memory_space<vmem>> -> memref<80xi32, #tpu.memory_space<vmem>>
    %dma_start3A_61 = arith.constant 0 : i32
    %dma_start3A_62 = arith.constant 0 : i32
    %dma_start3A_63 = tpu.memref_slice %arg2[%dma_start3A_61, %dma_start3A_62] : memref<20000x64xf32, #tpu.memory_space<hbm>> -> memref<20000x64xf32, #tpu.memory_space<hbm>>
    tpu.enqueue_indirect_dma source(%dma_start3A_63 : memref<20000x64xf32, #tpu.memory_space<hbm>>) target(%arg13 : memref<80x64xf32, #tpu.memory_space<vmem>>) offsets(%dma_start3A_60 : memref<80xi32, #tpu.memory_space<vmem>>) semaphore(%arg20 : memref<!tpu.dma_semaphore, #tpu.memory_space<semaphore_mem>>)
    %scan3A_64 = arith.constant 0 : i32
    %scan3A_65 = arith.constant 0 : i32
    %scan3A_66 = arith.constant 50 : i32
    %scan3A_67 = arith.addi %scan3A_65, %scan3A_66 : i32
    %scan3A_68 = arith.constant 1 : i32
    scf.for %scan3A_78 = %scan3A_65 to %scan3A_67 step %scan3A_68  : i32 {
      %mul3A_79 = arith.constant 5 : i32
      %mul3A_80 = arith.muli %scan3A_78, %mul3A_79 : i32
      %add3A_81 = arith.constant 0 : i32
      %add3A_82 = arith.addi %mul3A_80, %add3A_81 : i32
      %dma_wait3A = arith.constant 0 : i32
      %dma_wait3A_83 = tpu.memref_slice %arg7[%add3A_82, %dma_wait3A] : memref<250x80xi32, #tpu.memory_space<vmem>> -> memref<1x80xi32, #tpu.memory_space<vmem>>
      %dma_wait3A_84 = tpu.memref_squeeze %dma_wait3A_83 : memref<1x80xi32, #tpu.memory_space<vmem>> -> memref<80xi32, #tpu.memory_space<vmem>>
      %dma_wait3A_85 = arith.constant 0 : i32
      %dma_wait3A_86 = arith.constant 0 : i32
      %dma_wait3A_87 = tpu.memref_slice %arg2[%dma_wait3A_85, %dma_wait3A_86] : memref<20000x64xf32, #tpu.memory_space<hbm>> -> memref<20000x64xf32, #tpu.memory_space<hbm>>
      tpu.wait_indirect_dma semaphore(%arg16 : memref<!tpu.dma_semaphore, #tpu.memory_space<semaphore_mem>>) src(%dma_wait3A_87 : memref<20000x64xf32, #tpu.memory_space<hbm>>) dst(%arg9 : memref<80x64xf32, #tpu.memory_space<vmem>>)
      %add3A_88 = arith.constant 0 : i32
      %add3A_89 = arith.addi %mul3A_80, %add3A_88 : i32
      %dma_start3A_90 = arith.constant 0 : i32
      %dma_start3A_91 = tpu.memref_slice %arg8[%add3A_89, %dma_start3A_90] : memref<250x80xi32, #tpu.memory_space<vmem>> -> memref<1x80xi32, #tpu.memory_space<vmem>>
      %dma_start3A_92 = tpu.memref_squeeze %dma_start3A_91 : memref<1x80xi32, #tpu.memory_space<vmem>> -> memref<80xi32, #tpu.memory_space<vmem>>
      %dma_start3A_93 = arith.constant 0 : i32
      %dma_start3A_94 = arith.constant 0 : i32
      %dma_start3A_95 = tpu.memref_slice %arg15[%dma_start3A_93, %dma_start3A_94] : memref<10000x64xf32, #tpu.memory_space<vmem_shared>> -> memref<10000x64xf32, #tpu.memory_space<vmem_shared>>
      tpu.enqueue_indirect_dma source(%arg9 : memref<80x64xf32, #tpu.memory_space<vmem>>) target(%dma_start3A_95 : memref<10000x64xf32, #tpu.memory_space<vmem_shared>>) offsets(%dma_start3A_92 : memref<80xi32, #tpu.memory_space<vmem>>) semaphore(%arg21 : memref<!tpu.dma_semaphore, #tpu.memory_space<semaphore_mem>>) {add = true}
      %add3A_96 = arith.constant 1 : i32
      %add3A_97 = arith.addi %mul3A_80, %add3A_96 : i32
      %dma_wait3A_98 = arith.constant 0 : i32
      %dma_wait3A_99 = tpu.memref_slice %arg7[%add3A_97, %dma_wait3A_98] : memref<250x80xi32, #tpu.memory_space<vmem>> -> memref<1x80xi32, #tpu.memory_space<vmem>>
      %dma_wait3A_100 = tpu.memref_squeeze %dma_wait3A_99 : memref<1x80xi32, #tpu.memory_space<vmem>> -> memref<80xi32, #tpu.memory_space<vmem>>
      %dma_wait3A_101 = arith.constant 0 : i32
      %dma_wait3A_102 = arith.constant 0 : i32
      %dma_wait3A_103 = tpu.memref_slice %arg2[%dma_wait3A_101, %dma_wait3A_102] : memref<20000x64xf32, #tpu.memory_space<hbm>> -> memref<20000x64xf32, #tpu.memory_space<hbm>>
      tpu.wait_indirect_dma semaphore(%arg17 : memref<!tpu.dma_semaphore, #tpu.memory_space<semaphore_mem>>) src(%dma_wait3A_103 : memref<20000x64xf32, #tpu.memory_space<hbm>>) dst(%arg10 : memref<80x64xf32, #tpu.memory_space<vmem>>)
      %add3A_104 = arith.constant 1 : i32
      %add3A_105 = arith.addi %mul3A_80, %add3A_104 : i32
      %dma_start3A_106 = arith.constant 0 : i32
      %dma_start3A_107 = tpu.memref_slice %arg8[%add3A_105, %dma_start3A_106] : memref<250x80xi32, #tpu.memory_space<vmem>> -> memref<1x80xi32, #tpu.memory_space<vmem>>
      %dma_start3A_108 = tpu.memref_squeeze %dma_start3A_107 : memref<1x80xi32, #tpu.memory_space<vmem>> -> memref<80xi32, #tpu.memory_space<vmem>>
      %dma_start3A_109 = arith.constant 0 : i32
      %dma_start3A_110 = arith.constant 0 : i32
      %dma_start3A_111 = tpu.memref_slice %arg15[%dma_start3A_109, %dma_start3A_110] : memref<10000x64xf32, #tpu.memory_space<vmem_shared>> -> memref<10000x64xf32, #tpu.memory_space<vmem_shared>>
      tpu.enqueue_indirect_dma source(%arg10 : memref<80x64xf32, #tpu.memory_space<vmem>>) target(%dma_start3A_111 : memref<10000x64xf32, #tpu.memory_space<vmem_shared>>) offsets(%dma_start3A_108 : memref<80xi32, #tpu.memory_space<vmem>>) semaphore(%arg22 : memref<!tpu.dma_semaphore, #tpu.memory_space<semaphore_mem>>) {add = true}
      %add3A_112 = arith.constant 2 : i32
      %add3A_113 = arith.addi %mul3A_80, %add3A_112 : i32
      %dma_wait3A_114 = arith.constant 0 : i32
      %dma_wait3A_115 = tpu.memref_slice %arg7[%add3A_113, %dma_wait3A_114] : memref<250x80xi32, #tpu.memory_space<vmem>> -> memref<1x80xi32, #tpu.memory_space<vmem>>
      %dma_wait3A_116 = tpu.memref_squeeze %dma_wait3A_115 : memref<1x80xi32, #tpu.memory_space<vmem>> -> memref<80xi32, #tpu.memory_space<vmem>>
      %dma_wait3A_117 = arith.constant 0 : i32
      %dma_wait3A_118 = arith.constant 0 : i32
      %dma_wait3A_119 = tpu.memref_slice %arg2[%dma_wait3A_117, %dma_wait3A_118] : memref<20000x64xf32, #tpu.memory_space<hbm>> -> memref<20000x64xf32, #tpu.memory_space<hbm>>
      tpu.wait_indirect_dma semaphore(%arg18 : memref<!tpu.dma_semaphore, #tpu.memory_space<semaphore_mem>>) src(%dma_wait3A_119 : memref<20000x64xf32, #tpu.memory_space<hbm>>) dst(%arg11 : memref<80x64xf32, #tpu.memory_space<vmem>>)
      %add3A_120 = arith.constant 2 : i32
      %add3A_121 = arith.addi %mul3A_80, %add3A_120 : i32
      %dma_start3A_122 = arith.constant 0 : i32
      %dma_start3A_123 = tpu.memref_slice %arg8[%add3A_121, %dma_start3A_122] : memref<250x80xi32, #tpu.memory_space<vmem>> -> memref<1x80xi32, #tpu.memory_space<vmem>>
      %dma_start3A_124 = tpu.memref_squeeze %dma_start3A_123 : memref<1x80xi32, #tpu.memory_space<vmem>> -> memref<80xi32, #tpu.memory_space<vmem>>
      %dma_start3A_125 = arith.constant 0 : i32
      %dma_start3A_126 = arith.constant 0 : i32
      %dma_start3A_127 = tpu.memref_slice %arg15[%dma_start3A_125, %dma_start3A_126] : memref<10000x64xf32, #tpu.memory_space<vmem_shared>> -> memref<10000x64xf32, #tpu.memory_space<vmem_shared>>
      tpu.enqueue_indirect_dma source(%arg11 : memref<80x64xf32, #tpu.memory_space<vmem>>) target(%dma_start3A_127 : memref<10000x64xf32, #tpu.memory_space<vmem_shared>>) offsets(%dma_start3A_124 : memref<80xi32, #tpu.memory_space<vmem>>) semaphore(%arg23 : memref<!tpu.dma_semaphore, #tpu.memory_space<semaphore_mem>>) {add = true}
      %add3A_128 = arith.constant 3 : i32
      %add3A_129 = arith.addi %mul3A_80, %add3A_128 : i32
      %dma_wait3A_130 = arith.constant 0 : i32
      %dma_wait3A_131 = tpu.memref_slice %arg7[%add3A_129, %dma_wait3A_130] : memref<250x80xi32, #tpu.memory_space<vmem>> -> memref<1x80xi32, #tpu.memory_space<vmem>>
      %dma_wait3A_132 = tpu.memref_squeeze %dma_wait3A_131 : memref<1x80xi32, #tpu.memory_space<vmem>> -> memref<80xi32, #tpu.memory_space<vmem>>
      %dma_wait3A_133 = arith.constant 0 : i32
      %dma_wait3A_134 = arith.constant 0 : i32
      %dma_wait3A_135 = tpu.memref_slice %arg2[%dma_wait3A_133, %dma_wait3A_134] : memref<20000x64xf32, #tpu.memory_space<hbm>> -> memref<20000x64xf32, #tpu.memory_space<hbm>>
      tpu.wait_indirect_dma semaphore(%arg19 : memref<!tpu.dma_semaphore, #tpu.memory_space<semaphore_mem>>) src(%dma_wait3A_135 : memref<20000x64xf32, #tpu.memory_space<hbm>>) dst(%arg12 : memref<80x64xf32, #tpu.memory_space<vmem>>)
      %add3A_136 = arith.constant 3 : i32
      %add3A_137 = arith.addi %mul3A_80, %add3A_136 : i32
      %dma_start3A_138 = arith.constant 0 : i32
      %dma_start3A_139 = tpu.memref_slice %arg8[%add3A_137, %dma_start3A_138] : memref<250x80xi32, #tpu.memory_space<vmem>> -> memref<1x80xi32, #tpu.memory_space<vmem>>
      %dma_start3A_140 = tpu.memref_squeeze %dma_start3A_139 : memref<1x80xi32, #tpu.memory_space<vmem>> -> memref<80xi32, #tpu.memory_space<vmem>>
      %dma_start3A_141 = arith.constant 0 : i32
      %dma_start3A_142 = arith.constant 0 : i32
      %dma_start3A_143 = tpu.memref_slice %arg15[%dma_start3A_141, %dma_start3A_142] : memref<10000x64xf32, #tpu.memory_space<vmem_shared>> -> memref<10000x64xf32, #tpu.memory_space<vmem_shared>>
      tpu.enqueue_indirect_dma source(%arg12 : memref<80x64xf32, #tpu.memory_space<vmem>>) target(%dma_start3A_143 : memref<10000x64xf32, #tpu.memory_space<vmem_shared>>) offsets(%dma_start3A_140 : memref<80xi32, #tpu.memory_space<vmem>>) semaphore(%arg24 : memref<!tpu.dma_semaphore, #tpu.memory_space<semaphore_mem>>) {add = true}
      %add3A_144 = arith.constant 4 : i32
      %add3A_145 = arith.addi %mul3A_80, %add3A_144 : i32
      %dma_wait3A_146 = arith.constant 0 : i32
      %dma_wait3A_147 = tpu.memref_slice %arg7[%add3A_145, %dma_wait3A_146] : memref<250x80xi32, #tpu.memory_space<vmem>> -> memref<1x80xi32, #tpu.memory_space<vmem>>
      %dma_wait3A_148 = tpu.memref_squeeze %dma_wait3A_147 : memref<1x80xi32, #tpu.memory_space<vmem>> -> memref<80xi32, #tpu.memory_space<vmem>>
      %dma_wait3A_149 = arith.constant 0 : i32
      %dma_wait3A_150 = arith.constant 0 : i32
      %dma_wait3A_151 = tpu.memref_slice %arg2[%dma_wait3A_149, %dma_wait3A_150] : memref<20000x64xf32, #tpu.memory_space<hbm>> -> memref<20000x64xf32, #tpu.memory_space<hbm>>
      tpu.wait_indirect_dma semaphore(%arg20 : memref<!tpu.dma_semaphore, #tpu.memory_space<semaphore_mem>>) src(%dma_wait3A_151 : memref<20000x64xf32, #tpu.memory_space<hbm>>) dst(%arg13 : memref<80x64xf32, #tpu.memory_space<vmem>>)
      %add3A_152 = arith.constant 4 : i32
      %add3A_153 = arith.addi %mul3A_80, %add3A_152 : i32
      %dma_start3A_154 = arith.constant 0 : i32
      %dma_start3A_155 = tpu.memref_slice %arg8[%add3A_153, %dma_start3A_154] : memref<250x80xi32, #tpu.memory_space<vmem>> -> memref<1x80xi32, #tpu.memory_space<vmem>>
      %dma_start3A_156 = tpu.memref_squeeze %dma_start3A_155 : memref<1x80xi32, #tpu.memory_space<vmem>> -> memref<80xi32, #tpu.memory_space<vmem>>
      %dma_start3A_157 = arith.constant 0 : i32
      %dma_start3A_158 = arith.constant 0 : i32
      %dma_start3A_159 = tpu.memref_slice %arg15[%dma_start3A_157, %dma_start3A_158] : memref<10000x64xf32, #tpu.memory_space<vmem_shared>> -> memref<10000x64xf32, #tpu.memory_space<vmem_shared>>
      tpu.enqueue_indirect_dma source(%arg13 : memref<80x64xf32, #tpu.memory_space<vmem>>) target(%dma_start3A_159 : memref<10000x64xf32, #tpu.memory_space<vmem_shared>>) offsets(%dma_start3A_156 : memref<80xi32, #tpu.memory_space<vmem>>) semaphore(%arg25 : memref<!tpu.dma_semaphore, #tpu.memory_space<semaphore_mem>>) {add = true}
      %add3A_160 = arith.constant 0 : i32
      %add3A_161 = arith.addi %mul3A_80, %add3A_160 : i32
      %dma_wait3A_162 = arith.constant 0 : i32
      %dma_wait3A_163 = tpu.memref_slice %arg8[%add3A_161, %dma_wait3A_162] : memref<250x80xi32, #tpu.memory_space<vmem>> -> memref<1x80xi32, #tpu.memory_space<vmem>>
      %dma_wait3A_164 = tpu.memref_squeeze %dma_wait3A_163 : memref<1x80xi32, #tpu.memory_space<vmem>> -> memref<80xi32, #tpu.memory_space<vmem>>
      %dma_wait3A_165 = arith.constant 0 : i32
      %dma_wait3A_166 = arith.constant 0 : i32
      %dma_wait3A_167 = tpu.memref_slice %arg15[%dma_wait3A_165, %dma_wait3A_166] : memref<10000x64xf32, #tpu.memory_space<vmem_shared>> -> memref<10000x64xf32, #tpu.memory_space<vmem_shared>>
      tpu.wait_indirect_dma semaphore(%arg21 : memref<!tpu.dma_semaphore, #tpu.memory_space<semaphore_mem>>) src(%arg9 : memref<80x64xf32, #tpu.memory_space<vmem>>) dst(%dma_wait3A_167 : memref<10000x64xf32, #tpu.memory_space<vmem_shared>>)
      %lt3A = arith.constant 49 : i32
      %lt3A_168 = arith.cmpi slt, %scan3A_78, %lt3A : i32
      %convert_element_type3A_169 = arith.extui %lt3A_168 : i1 to i32
      %cond3A_170 = arith.constant 0 : i32
      %cond3A_171 = arith.cmpi ne, %convert_element_type3A_169, %cond3A_170 : i32
      scf.if %cond3A_171 {
        %add3A_224 = arith.constant 5 : i32
        %add3A_225 = arith.addi %mul3A_80, %add3A_224 : i32
        %add3A_226 = arith.constant 0 : i32
        %add3A_227 = arith.addi %add3A_225, %add3A_226 : i32
        %dma_start3A_228 = arith.constant 0 : i32
        %dma_start3A_229 = tpu.memref_slice %arg7[%add3A_227, %dma_start3A_228] : memref<250x80xi32, #tpu.memory_space<vmem>> -> memref<1x80xi32, #tpu.memory_space<vmem>>
        %dma_start3A_230 = tpu.memref_squeeze %dma_start3A_229 : memref<1x80xi32, #tpu.memory_space<vmem>> -> memref<80xi32, #tpu.memory_space<vmem>>
        %dma_start3A_231 = arith.constant 0 : i32
        %dma_start3A_232 = arith.constant 0 : i32
        %dma_start3A_233 = tpu.memref_slice %arg2[%dma_start3A_231, %dma_start3A_232] : memref<20000x64xf32, #tpu.memory_space<hbm>> -> memref<20000x64xf32, #tpu.memory_space<hbm>>
        tpu.enqueue_indirect_dma source(%dma_start3A_233 : memref<20000x64xf32, #tpu.memory_space<hbm>>) target(%arg9 : memref<80x64xf32, #tpu.memory_space<vmem>>) offsets(%dma_start3A_230 : memref<80xi32, #tpu.memory_space<vmem>>) semaphore(%arg16 : memref<!tpu.dma_semaphore, #tpu.memory_space<semaphore_mem>>)
      } else {
      }
      %add3A_172 = arith.constant 1 : i32
      %add3A_173 = arith.addi %mul3A_80, %add3A_172 : i32
      %dma_wait3A_174 = arith.constant 0 : i32
      %dma_wait3A_175 = tpu.memref_slice %arg8[%add3A_173, %dma_wait3A_174] : memref<250x80xi32, #tpu.memory_space<vmem>> -> memref<1x80xi32, #tpu.memory_space<vmem>>
      %dma_wait3A_176 = tpu.memref_squeeze %dma_wait3A_175 : memref<1x80xi32, #tpu.memory_space<vmem>> -> memref<80xi32, #tpu.memory_space<vmem>>
      %dma_wait3A_177 = arith.constant 0 : i32
      %dma_wait3A_178 = arith.constant 0 : i32
      %dma_wait3A_179 = tpu.memref_slice %arg15[%dma_wait3A_177, %dma_wait3A_178] : memref<10000x64xf32, #tpu.memory_space<vmem_shared>> -> memref<10000x64xf32, #tpu.memory_space<vmem_shared>>
      tpu.wait_indirect_dma semaphore(%arg22 : memref<!tpu.dma_semaphore, #tpu.memory_space<semaphore_mem>>) src(%arg10 : memref<80x64xf32, #tpu.memory_space<vmem>>) dst(%dma_wait3A_179 : memref<10000x64xf32, #tpu.memory_space<vmem_shared>>)
      %lt3A_180 = arith.constant 49 : i32
      %lt3A_181 = arith.cmpi slt, %scan3A_78, %lt3A_180 : i32
      %convert_element_type3A_182 = arith.extui %lt3A_181 : i1 to i32
      %cond3A_183 = arith.constant 0 : i32
      %cond3A_184 = arith.cmpi ne, %convert_element_type3A_182, %cond3A_183 : i32
      scf.if %cond3A_184 {
        %add3A_224 = arith.constant 5 : i32
        %add3A_225 = arith.addi %mul3A_80, %add3A_224 : i32
        %add3A_226 = arith.constant 1 : i32
        %add3A_227 = arith.addi %add3A_225, %add3A_226 : i32
        %dma_start3A_228 = arith.constant 0 : i32
        %dma_start3A_229 = tpu.memref_slice %arg7[%add3A_227, %dma_start3A_228] : memref<250x80xi32, #tpu.memory_space<vmem>> -> memref<1x80xi32, #tpu.memory_space<vmem>>
        %dma_start3A_230 = tpu.memref_squeeze %dma_start3A_229 : memref<1x80xi32, #tpu.memory_space<vmem>> -> memref<80xi32, #tpu.memory_space<vmem>>
        %dma_start3A_231 = arith.constant 0 : i32
        %dma_start3A_232 = arith.constant 0 : i32
        %dma_start3A_233 = tpu.memref_slice %arg2[%dma_start3A_231, %dma_start3A_232] : memref<20000x64xf32, #tpu.memory_space<hbm>> -> memref<20000x64xf32, #tpu.memory_space<hbm>>
        tpu.enqueue_indirect_dma source(%dma_start3A_233 : memref<20000x64xf32, #tpu.memory_space<hbm>>) target(%arg10 : memref<80x64xf32, #tpu.memory_space<vmem>>) offsets(%dma_start3A_230 : memref<80xi32, #tpu.memory_space<vmem>>) semaphore(%arg17 : memref<!tpu.dma_semaphore, #tpu.memory_space<semaphore_mem>>)
      } else {
      }
      %add3A_185 = arith.constant 2 : i32
      %add3A_186 = arith.addi %mul3A_80, %add3A_185 : i32
      %dma_wait3A_187 = arith.constant 0 : i32
      %dma_wait3A_188 = tpu.memref_slice %arg8[%add3A_186, %dma_wait3A_187] : memref<250x80xi32, #tpu.memory_space<vmem>> -> memref<1x80xi32, #tpu.memory_space<vmem>>
      %dma_wait3A_189 = tpu.memref_squeeze %dma_wait3A_188 : memref<1x80xi32, #tpu.memory_space<vmem>> -> memref<80xi32, #tpu.memory_space<vmem>>
      %dma_wait3A_190 = arith.constant 0 : i32
      %dma_wait3A_191 = arith.constant 0 : i32
      %dma_wait3A_192 = tpu.memref_slice %arg15[%dma_wait3A_190, %dma_wait3A_191] : memref<10000x64xf32, #tpu.memory_space<vmem_shared>> -> memref<10000x64xf32, #tpu.memory_space<vmem_shared>>
      tpu.wait_indirect_dma semaphore(%arg23 : memref<!tpu.dma_semaphore, #tpu.memory_space<semaphore_mem>>) src(%arg11 : memref<80x64xf32, #tpu.memory_space<vmem>>) dst(%dma_wait3A_192 : memref<10000x64xf32, #tpu.memory_space<vmem_shared>>)
      %lt3A_193 = arith.constant 49 : i32
      %lt3A_194 = arith.cmpi slt, %scan3A_78, %lt3A_193 : i32
      %convert_element_type3A_195 = arith.extui %lt3A_194 : i1 to i32
      %cond3A_196 = arith.constant 0 : i32
      %cond3A_197 = arith.cmpi ne, %convert_element_type3A_195, %cond3A_196 : i32
      scf.if %cond3A_197 {
        %add3A_224 = arith.constant 5 : i32
        %add3A_225 = arith.addi %mul3A_80, %add3A_224 : i32
        %add3A_226 = arith.constant 2 : i32
        %add3A_227 = arith.addi %add3A_225, %add3A_226 : i32
        %dma_start3A_228 = arith.constant 0 : i32
        %dma_start3A_229 = tpu.memref_slice %arg7[%add3A_227, %dma_start3A_228] : memref<250x80xi32, #tpu.memory_space<vmem>> -> memref<1x80xi32, #tpu.memory_space<vmem>>
        %dma_start3A_230 = tpu.memref_squeeze %dma_start3A_229 : memref<1x80xi32, #tpu.memory_space<vmem>> -> memref<80xi32, #tpu.memory_space<vmem>>
        %dma_start3A_231 = arith.constant 0 : i32
        %dma_start3A_232 = arith.constant 0 : i32
        %dma_start3A_233 = tpu.memref_slice %arg2[%dma_start3A_231, %dma_start3A_232] : memref<20000x64xf32, #tpu.memory_space<hbm>> -> memref<20000x64xf32, #tpu.memory_space<hbm>>
        tpu.enqueue_indirect_dma source(%dma_start3A_233 : memref<20000x64xf32, #tpu.memory_space<hbm>>) target(%arg11 : memref<80x64xf32, #tpu.memory_space<vmem>>) offsets(%dma_start3A_230 : memref<80xi32, #tpu.memory_space<vmem>>) semaphore(%arg18 : memref<!tpu.dma_semaphore, #tpu.memory_space<semaphore_mem>>)
      } else {
      }
      %add3A_198 = arith.constant 3 : i32
      %add3A_199 = arith.addi %mul3A_80, %add3A_198 : i32
      %dma_wait3A_200 = arith.constant 0 : i32
      %dma_wait3A_201 = tpu.memref_slice %arg8[%add3A_199, %dma_wait3A_200] : memref<250x80xi32, #tpu.memory_space<vmem>> -> memref<1x80xi32, #tpu.memory_space<vmem>>
      %dma_wait3A_202 = tpu.memref_squeeze %dma_wait3A_201 : memref<1x80xi32, #tpu.memory_space<vmem>> -> memref<80xi32, #tpu.memory_space<vmem>>
      %dma_wait3A_203 = arith.constant 0 : i32
      %dma_wait3A_204 = arith.constant 0 : i32
      %dma_wait3A_205 = tpu.memref_slice %arg15[%dma_wait3A_203, %dma_wait3A_204] : memref<10000x64xf32, #tpu.memory_space<vmem_shared>> -> memref<10000x64xf32, #tpu.memory_space<vmem_shared>>
      tpu.wait_indirect_dma semaphore(%arg24 : memref<!tpu.dma_semaphore, #tpu.memory_space<semaphore_mem>>) src(%arg12 : memref<80x64xf32, #tpu.memory_space<vmem>>) dst(%dma_wait3A_205 : memref<10000x64xf32, #tpu.memory_space<vmem_shared>>)
      %lt3A_206 = arith.constant 49 : i32
      %lt3A_207 = arith.cmpi slt, %scan3A_78, %lt3A_206 : i32
      %convert_element_type3A_208 = arith.extui %lt3A_207 : i1 to i32
      %cond3A_209 = arith.constant 0 : i32
      %cond3A_210 = arith.cmpi ne, %convert_element_type3A_208, %cond3A_209 : i32
      scf.if %cond3A_210 {
        %add3A_224 = arith.constant 5 : i32
        %add3A_225 = arith.addi %mul3A_80, %add3A_224 : i32
        %add3A_226 = arith.constant 3 : i32
        %add3A_227 = arith.addi %add3A_225, %add3A_226 : i32
        %dma_start3A_228 = arith.constant 0 : i32
        %dma_start3A_229 = tpu.memref_slice %arg7[%add3A_227, %dma_start3A_228] : memref<250x80xi32, #tpu.memory_space<vmem>> -> memref<1x80xi32, #tpu.memory_space<vmem>>
        %dma_start3A_230 = tpu.memref_squeeze %dma_start3A_229 : memref<1x80xi32, #tpu.memory_space<vmem>> -> memref<80xi32, #tpu.memory_space<vmem>>
        %dma_start3A_231 = arith.constant 0 : i32
        %dma_start3A_232 = arith.constant 0 : i32
        %dma_start3A_233 = tpu.memref_slice %arg2[%dma_start3A_231, %dma_start3A_232] : memref<20000x64xf32, #tpu.memory_space<hbm>> -> memref<20000x64xf32, #tpu.memory_space<hbm>>
        tpu.enqueue_indirect_dma source(%dma_start3A_233 : memref<20000x64xf32, #tpu.memory_space<hbm>>) target(%arg12 : memref<80x64xf32, #tpu.memory_space<vmem>>) offsets(%dma_start3A_230 : memref<80xi32, #tpu.memory_space<vmem>>) semaphore(%arg19 : memref<!tpu.dma_semaphore, #tpu.memory_space<semaphore_mem>>)
      } else {
      }
      %add3A_211 = arith.constant 4 : i32
      %add3A_212 = arith.addi %mul3A_80, %add3A_211 : i32
      %dma_wait3A_213 = arith.constant 0 : i32
      %dma_wait3A_214 = tpu.memref_slice %arg8[%add3A_212, %dma_wait3A_213] : memref<250x80xi32, #tpu.memory_space<vmem>> -> memref<1x80xi32, #tpu.memory_space<vmem>>
      %dma_wait3A_215 = tpu.memref_squeeze %dma_wait3A_214 : memref<1x80xi32, #tpu.memory_space<vmem>> -> memref<80xi32, #tpu.memory_space<vmem>>
      %dma_wait3A_216 = arith.constant 0 : i32
      %dma_wait3A_217 = arith.constant 0 : i32
      %dma_wait3A_218 = tpu.memref_slice %arg15[%dma_wait3A_216, %dma_wait3A_217] : memref<10000x64xf32, #tpu.memory_space<vmem_shared>> -> memref<10000x64xf32, #tpu.memory_space<vmem_shared>>
      tpu.wait_indirect_dma semaphore(%arg25 : memref<!tpu.dma_semaphore, #tpu.memory_space<semaphore_mem>>) src(%arg13 : memref<80x64xf32, #tpu.memory_space<vmem>>) dst(%dma_wait3A_218 : memref<10000x64xf32, #tpu.memory_space<vmem_shared>>)
      %lt3A_219 = arith.constant 49 : i32
      %lt3A_220 = arith.cmpi slt, %scan3A_78, %lt3A_219 : i32
      %convert_element_type3A_221 = arith.extui %lt3A_220 : i1 to i32
      %cond3A_222 = arith.constant 0 : i32
      %cond3A_223 = arith.cmpi ne, %convert_element_type3A_221, %cond3A_222 : i32
      scf.if %cond3A_223 {
        %add3A_224 = arith.constant 5 : i32
        %add3A_225 = arith.addi %mul3A_80, %add3A_224 : i32
        %add3A_226 = arith.constant 4 : i32
        %add3A_227 = arith.addi %add3A_225, %add3A_226 : i32
        %dma_start3A_228 = arith.constant 0 : i32
        %dma_start3A_229 = tpu.memref_slice %arg7[%add3A_227, %dma_start3A_228] : memref<250x80xi32, #tpu.memory_space<vmem>> -> memref<1x80xi32, #tpu.memory_space<vmem>>
        %dma_start3A_230 = tpu.memref_squeeze %dma_start3A_229 : memref<1x80xi32, #tpu.memory_space<vmem>> -> memref<80xi32, #tpu.memory_space<vmem>>
        %dma_start3A_231 = arith.constant 0 : i32
        %dma_start3A_232 = arith.constant 0 : i32
        %dma_start3A_233 = tpu.memref_slice %arg2[%dma_start3A_231, %dma_start3A_232] : memref<20000x64xf32, #tpu.memory_space<hbm>> -> memref<20000x64xf32, #tpu.memory_space<hbm>>
        tpu.enqueue_indirect_dma source(%dma_start3A_233 : memref<20000x64xf32, #tpu.memory_space<hbm>>) target(%arg13 : memref<80x64xf32, #tpu.memory_space<vmem>>) offsets(%dma_start3A_230 : memref<80xi32, #tpu.memory_space<vmem>>) semaphore(%arg20 : memref<!tpu.dma_semaphore, #tpu.memory_space<semaphore_mem>>)
      } else {
      }
    }
    %scan3A_69 = arith.constant 50 : i32
    %barrier3A_70 = arith.constant 0 : index
    tpu.barrier barrier_id(%barrier3A_70)
    %eq3A = arith.constant 0 : i32
    %eq3A_71 = arith.cmpi eq, %arg0, %eq3A : i32
    %convert_element_type3A = arith.extui %eq3A_71 : i1 to i32
    %cond3A = arith.constant 0 : i32
    %cond3A_72 = arith.cmpi ne, %convert_element_type3A, %cond3A : i32
    scf.if %cond3A_72 {
      %mul3A_78 = arith.constant 625 : i32
      %mul3A_79 = arith.muli %arg1, %mul3A_78 : i32
      %add3A_80 = arith.constant 0 : i32
      %add3A_81 = arith.addi %mul3A_79, %add3A_80 : i32
      "tpu.region"() ({
        %run_scoped3A = tpu.sem_alloc : memref<!tpu.dma_semaphore, #tpu.memory_space<semaphore_mem>>
        %dma_start3A_98 = arith.constant 0 : i32
        %dma_start3A_99 = tpu.memref_slice %arg5[%add3A_81, %dma_start3A_98] : memref<10000x64xf32, #tpu.memory_space<hbm>> -> memref<125x64xf32, #tpu.memory_space<hbm>>
        %dma_start3A_100 = arith.constant 0 : i32
        %dma_start3A_101 = tpu.memref_slice %arg15[%add3A_81, %dma_start3A_100] : memref<10000x64xf32, #tpu.memory_space<vmem_shared>> -> memref<125x64xf32, #tpu.memory_space<vmem_shared>>
        tpu.enqueue_dma source(%dma_start3A_101 : memref<125x64xf32, #tpu.memory_space<vmem_shared>>) target(%dma_start3A_99 : memref<125x64xf32, #tpu.memory_space<hbm>>) target_semaphore(%run_scoped3A : memref<!tpu.dma_semaphore, #tpu.memory_space<semaphore_mem>>)
        %dma_wait3A = arith.constant 0 : i32
        %dma_wait3A_102 = tpu.memref_slice %arg5[%add3A_81, %dma_wait3A] : memref<10000x64xf32, #tpu.memory_space<hbm>> -> memref<125x64xf32, #tpu.memory_space<hbm>>
        %dma_wait3A_103 = arith.constant 0 : i32
        %dma_wait3A_104 = tpu.memref_slice %arg15[%add3A_81, %dma_wait3A_103] : memref<10000x64xf32, #tpu.memory_space<vmem_shared>> -> memref<125x64xf32, #tpu.memory_space<vmem_shared>>
        tpu.wait_dma2 semaphore(%run_scoped3A : memref<!tpu.dma_semaphore, #tpu.memory_space<semaphore_mem>>) src(%dma_wait3A_104 : memref<125x64xf32, #tpu.memory_space<vmem_shared>>) dst(%dma_wait3A_102 : memref<125x64xf32, #tpu.memory_space<hbm>>)
        tpu.yield
      }) : () -> ()
      %mul3A_82 = arith.constant 625 : i32
      %mul3A_83 = arith.muli %arg1, %mul3A_82 : i32
      %add3A_84 = arith.constant 125 : i32
      %add3A_85 = arith.addi %mul3A_83, %add3A_84 : i32
      "tpu.region"() ({
        %run_scoped3A = tpu.sem_alloc : memref<!tpu.dma_semaphore, #tpu.memory_space<semaphore_mem>>
        %dma_start3A_98 = arith.constant 0 : i32
        %dma_start3A_99 = tpu.memref_slice %arg5[%add3A_85, %dma_start3A_98] : memref<10000x64xf32, #tpu.memory_space<hbm>> -> memref<125x64xf32, #tpu.memory_space<hbm>>
        %dma_start3A_100 = arith.constant 0 : i32
        %dma_start3A_101 = tpu.memref_slice %arg15[%add3A_85, %dma_start3A_100] : memref<10000x64xf32, #tpu.memory_space<vmem_shared>> -> memref<125x64xf32, #tpu.memory_space<vmem_shared>>
        tpu.enqueue_dma source(%dma_start3A_101 : memref<125x64xf32, #tpu.memory_space<vmem_shared>>) target(%dma_start3A_99 : memref<125x64xf32, #tpu.memory_space<hbm>>) target_semaphore(%run_scoped3A : memref<!tpu.dma_semaphore, #tpu.memory_space<semaphore_mem>>)
        %dma_wait3A = arith.constant 0 : i32
        %dma_wait3A_102 = tpu.memref_slice %arg5[%add3A_85, %dma_wait3A] : memref<10000x64xf32, #tpu.memory_space<hbm>> -> memref<125x64xf32, #tpu.memory_space<hbm>>
        %dma_wait3A_103 = arith.constant 0 : i32
        %dma_wait3A_104 = tpu.memref_slice %arg15[%add3A_85, %dma_wait3A_103] : memref<10000x64xf32, #tpu.memory_space<vmem_shared>> -> memref<125x64xf32, #tpu.memory_space<vmem_shared>>
        tpu.wait_dma2 semaphore(%run_scoped3A : memref<!tpu.dma_semaphore, #tpu.memory_space<semaphore_mem>>) src(%dma_wait3A_104 : memref<125x64xf32, #tpu.memory_space<vmem_shared>>) dst(%dma_wait3A_102 : memref<125x64xf32, #tpu.memory_space<hbm>>)
        tpu.yield
      }) : () -> ()
      %mul3A_86 = arith.constant 625 : i32
      %mul3A_87 = arith.muli %arg1, %mul3A_86 : i32
      %add3A_88 = arith.constant 250 : i32
      %add3A_89 = arith.addi %mul3A_87, %add3A_88 : i32
      "tpu.region"() ({
        %run_scoped3A = tpu.sem_alloc : memref<!tpu.dma_semaphore, #tpu.memory_space<semaphore_mem>>
        %dma_start3A_98 = arith.constant 0 : i32
        %dma_start3A_99 = tpu.memref_slice %arg5[%add3A_89, %dma_start3A_98] : memref<10000x64xf32, #tpu.memory_space<hbm>> -> memref<125x64xf32, #tpu.memory_space<hbm>>
        %dma_start3A_100 = arith.constant 0 : i32
        %dma_start3A_101 = tpu.memref_slice %arg15[%add3A_89, %dma_start3A_100] : memref<10000x64xf32, #tpu.memory_space<vmem_shared>> -> memref<125x64xf32, #tpu.memory_space<vmem_shared>>
        tpu.enqueue_dma source(%dma_start3A_101 : memref<125x64xf32, #tpu.memory_space<vmem_shared>>) target(%dma_start3A_99 : memref<125x64xf32, #tpu.memory_space<hbm>>) target_semaphore(%run_scoped3A : memref<!tpu.dma_semaphore, #tpu.memory_space<semaphore_mem>>)
        %dma_wait3A = arith.constant 0 : i32
        %dma_wait3A_102 = tpu.memref_slice %arg5[%add3A_89, %dma_wait3A] : memref<10000x64xf32, #tpu.memory_space<hbm>> -> memref<125x64xf32, #tpu.memory_space<hbm>>
        %dma_wait3A_103 = arith.constant 0 : i32
        %dma_wait3A_104 = tpu.memref_slice %arg15[%add3A_89, %dma_wait3A_103] : memref<10000x64xf32, #tpu.memory_space<vmem_shared>> -> memref<125x64xf32, #tpu.memory_space<vmem_shared>>
        tpu.wait_dma2 semaphore(%run_scoped3A : memref<!tpu.dma_semaphore, #tpu.memory_space<semaphore_mem>>) src(%dma_wait3A_104 : memref<125x64xf32, #tpu.memory_space<vmem_shared>>) dst(%dma_wait3A_102 : memref<125x64xf32, #tpu.memory_space<hbm>>)
        tpu.yield
      }) : () -> ()
      %mul3A_90 = arith.constant 625 : i32
      %mul3A_91 = arith.muli %arg1, %mul3A_90 : i32
      %add3A_92 = arith.constant 375 : i32
      %add3A_93 = arith.addi %mul3A_91, %add3A_92 : i32
      "tpu.region"() ({
        %run_scoped3A = tpu.sem_alloc : memref<!tpu.dma_semaphore, #tpu.memory_space<semaphore_mem>>
        %dma_start3A_98 = arith.constant 0 : i32
        %dma_start3A_99 = tpu.memref_slice %arg5[%add3A_93, %dma_start3A_98] : memref<10000x64xf32, #tpu.memory_space<hbm>> -> memref<125x64xf32, #tpu.memory_space<hbm>>
        %dma_start3A_100 = arith.constant 0 : i32
        %dma_start3A_101 = tpu.memref_slice %arg15[%add3A_93, %dma_start3A_100] : memref<10000x64xf32, #tpu.memory_space<vmem_shared>> -> memref<125x64xf32, #tpu.memory_space<vmem_shared>>
        tpu.enqueue_dma source(%dma_start3A_101 : memref<125x64xf32, #tpu.memory_space<vmem_shared>>) target(%dma_start3A_99 : memref<125x64xf32, #tpu.memory_space<hbm>>) target_semaphore(%run_scoped3A : memref<!tpu.dma_semaphore, #tpu.memory_space<semaphore_mem>>)
        %dma_wait3A = arith.constant 0 : i32
        %dma_wait3A_102 = tpu.memref_slice %arg5[%add3A_93, %dma_wait3A] : memref<10000x64xf32, #tpu.memory_space<hbm>> -> memref<125x64xf32, #tpu.memory_space<hbm>>
        %dma_wait3A_103 = arith.constant 0 : i32
        %dma_wait3A_104 = tpu.memref_slice %arg15[%add3A_93, %dma_wait3A_103] : memref<10000x64xf32, #tpu.memory_space<vmem_shared>> -> memref<125x64xf32, #tpu.memory_space<vmem_shared>>
        tpu.wait_dma2 semaphore(%run_scoped3A : memref<!tpu.dma_semaphore, #tpu.memory_space<semaphore_mem>>) src(%dma_wait3A_104 : memref<125x64xf32, #tpu.memory_space<vmem_shared>>) dst(%dma_wait3A_102 : memref<125x64xf32, #tpu.memory_space<hbm>>)
        tpu.yield
      }) : () -> ()
      %mul3A_94 = arith.constant 625 : i32
      %mul3A_95 = arith.muli %arg1, %mul3A_94 : i32
      %add3A_96 = arith.constant 500 : i32
      %add3A_97 = arith.addi %mul3A_95, %add3A_96 : i32
      "tpu.region"() ({
        %run_scoped3A = tpu.sem_alloc : memref<!tpu.dma_semaphore, #tpu.memory_space<semaphore_mem>>
        %dma_start3A_98 = arith.constant 0 : i32
        %dma_start3A_99 = tpu.memref_slice %arg5[%add3A_97, %dma_start3A_98] : memref<10000x64xf32, #tpu.memory_space<hbm>> -> memref<125x64xf32, #tpu.memory_space<hbm>>
        %dma_start3A_100 = arith.constant 0 : i32
        %dma_start3A_101 = tpu.memref_slice %arg15[%add3A_97, %dma_start3A_100] : memref<10000x64xf32, #tpu.memory_space<vmem_shared>> -> memref<125x64xf32, #tpu.memory_space<vmem_shared>>
        tpu.enqueue_dma source(%dma_start3A_101 : memref<125x64xf32, #tpu.memory_space<vmem_shared>>) target(%dma_start3A_99 : memref<125x64xf32, #tpu.memory_space<hbm>>) target_semaphore(%run_scoped3A : memref<!tpu.dma_semaphore, #tpu.memory_space<semaphore_mem>>)
        %dma_wait3A = arith.constant 0 : i32
        %dma_wait3A_102 = tpu.memref_slice %arg5[%add3A_97, %dma_wait3A] : memref<10000x64xf32, #tpu.memory_space<hbm>> -> memref<125x64xf32, #tpu.memory_space<hbm>>
        %dma_wait3A_103 = arith.constant 0 : i32
        %dma_wait3A_104 = tpu.memref_slice %arg15[%add3A_97, %dma_wait3A_103] : memref<10000x64xf32, #tpu.memory_space<vmem_shared>> -> memref<125x64xf32, #tpu.memory_space<vmem_shared>>
        tpu.wait_dma2 semaphore(%run_scoped3A : memref<!tpu.dma_semaphore, #tpu.memory_space<semaphore_mem>>) src(%dma_wait3A_104 : memref<125x64xf32, #tpu.memory_space<vmem_shared>>) dst(%dma_wait3A_102 : memref<125x64xf32, #tpu.memory_space<hbm>>)
        tpu.yield
      }) : () -> ()
    } else {
    }
    %eq3A_73 = arith.constant 1 : i32
    %eq3A_74 = arith.cmpi eq, %arg0, %eq3A_73 : i32
    %convert_element_type3A_75 = arith.extui %eq3A_74 : i1 to i32
    %cond3A_76 = arith.constant 0 : i32
    %cond3A_77 = arith.cmpi ne, %convert_element_type3A_75, %cond3A_76 : i32
    scf.if %cond3A_77 {
      %mul3A_78 = arith.constant 625 : i32
      %mul3A_79 = arith.muli %arg1, %mul3A_78 : i32
      %add3A_80 = arith.constant 0 : i32
      %add3A_81 = arith.addi %mul3A_79, %add3A_80 : i32
      "tpu.region"() ({
        %run_scoped3A = tpu.sem_alloc : memref<!tpu.dma_semaphore, #tpu.memory_space<semaphore_mem>>
        %dma_start3A_98 = arith.constant 0 : i32
        %dma_start3A_99 = tpu.memref_slice %arg6[%add3A_81, %dma_start3A_98] : memref<10000x64xf32, #tpu.memory_space<hbm>> -> memref<125x64xf32, #tpu.memory_space<hbm>>
        %dma_start3A_100 = arith.constant 0 : i32
        %dma_start3A_101 = tpu.memref_slice %arg15[%add3A_81, %dma_start3A_100] : memref<10000x64xf32, #tpu.memory_space<vmem_shared>> -> memref<125x64xf32, #tpu.memory_space<vmem_shared>>
        tpu.enqueue_dma source(%dma_start3A_101 : memref<125x64xf32, #tpu.memory_space<vmem_shared>>) target(%dma_start3A_99 : memref<125x64xf32, #tpu.memory_space<hbm>>) target_semaphore(%run_scoped3A : memref<!tpu.dma_semaphore, #tpu.memory_space<semaphore_mem>>)
        %dma_wait3A = arith.constant 0 : i32
        %dma_wait3A_102 = tpu.memref_slice %arg6[%add3A_81, %dma_wait3A] : memref<10000x64xf32, #tpu.memory_space<hbm>> -> memref<125x64xf32, #tpu.memory_space<hbm>>
        %dma_wait3A_103 = arith.constant 0 : i32
        %dma_wait3A_104 = tpu.memref_slice %arg15[%add3A_81, %dma_wait3A_103] : memref<10000x64xf32, #tpu.memory_space<vmem_shared>> -> memref<125x64xf32, #tpu.memory_space<vmem_shared>>
        tpu.wait_dma2 semaphore(%run_scoped3A : memref<!tpu.dma_semaphore, #tpu.memory_space<semaphore_mem>>) src(%dma_wait3A_104 : memref<125x64xf32, #tpu.memory_space<vmem_shared>>) dst(%dma_wait3A_102 : memref<125x64xf32, #tpu.memory_space<hbm>>)
        tpu.yield
      }) : () -> ()
      %mul3A_82 = arith.constant 625 : i32
      %mul3A_83 = arith.muli %arg1, %mul3A_82 : i32
      %add3A_84 = arith.constant 125 : i32
      %add3A_85 = arith.addi %mul3A_83, %add3A_84 : i32
      "tpu.region"() ({
        %run_scoped3A = tpu.sem_alloc : memref<!tpu.dma_semaphore, #tpu.memory_space<semaphore_mem>>
        %dma_start3A_98 = arith.constant 0 : i32
        %dma_start3A_99 = tpu.memref_slice %arg6[%add3A_85, %dma_start3A_98] : memref<10000x64xf32, #tpu.memory_space<hbm>> -> memref<125x64xf32, #tpu.memory_space<hbm>>
        %dma_start3A_100 = arith.constant 0 : i32
        %dma_start3A_101 = tpu.memref_slice %arg15[%add3A_85, %dma_start3A_100] : memref<10000x64xf32, #tpu.memory_space<vmem_shared>> -> memref<125x64xf32, #tpu.memory_space<vmem_shared>>
        tpu.enqueue_dma source(%dma_start3A_101 : memref<125x64xf32, #tpu.memory_space<vmem_shared>>) target(%dma_start3A_99 : memref<125x64xf32, #tpu.memory_space<hbm>>) target_semaphore(%run_scoped3A : memref<!tpu.dma_semaphore, #tpu.memory_space<semaphore_mem>>)
        %dma_wait3A = arith.constant 0 : i32
        %dma_wait3A_102 = tpu.memref_slice %arg6[%add3A_85, %dma_wait3A] : memref<10000x64xf32, #tpu.memory_space<hbm>> -> memref<125x64xf32, #tpu.memory_space<hbm>>
        %dma_wait3A_103 = arith.constant 0 : i32
        %dma_wait3A_104 = tpu.memref_slice %arg15[%add3A_85, %dma_wait3A_103] : memref<10000x64xf32, #tpu.memory_space<vmem_shared>> -> memref<125x64xf32, #tpu.memory_space<vmem_shared>>
        tpu.wait_dma2 semaphore(%run_scoped3A : memref<!tpu.dma_semaphore, #tpu.memory_space<semaphore_mem>>) src(%dma_wait3A_104 : memref<125x64xf32, #tpu.memory_space<vmem_shared>>) dst(%dma_wait3A_102 : memref<125x64xf32, #tpu.memory_space<hbm>>)
        tpu.yield
      }) : () -> ()
      %mul3A_86 = arith.constant 625 : i32
      %mul3A_87 = arith.muli %arg1, %mul3A_86 : i32
      %add3A_88 = arith.constant 250 : i32
      %add3A_89 = arith.addi %mul3A_87, %add3A_88 : i32
      "tpu.region"() ({
        %run_scoped3A = tpu.sem_alloc : memref<!tpu.dma_semaphore, #tpu.memory_space<semaphore_mem>>
        %dma_start3A_98 = arith.constant 0 : i32
        %dma_start3A_99 = tpu.memref_slice %arg6[%add3A_89, %dma_start3A_98] : memref<10000x64xf32, #tpu.memory_space<hbm>> -> memref<125x64xf32, #tpu.memory_space<hbm>>
        %dma_start3A_100 = arith.constant 0 : i32
        %dma_start3A_101 = tpu.memref_slice %arg15[%add3A_89, %dma_start3A_100] : memref<10000x64xf32, #tpu.memory_space<vmem_shared>> -> memref<125x64xf32, #tpu.memory_space<vmem_shared>>
        tpu.enqueue_dma source(%dma_start3A_101 : memref<125x64xf32, #tpu.memory_space<vmem_shared>>) target(%dma_start3A_99 : memref<125x64xf32, #tpu.memory_space<hbm>>) target_semaphore(%run_scoped3A : memref<!tpu.dma_semaphore, #tpu.memory_space<semaphore_mem>>)
        %dma_wait3A = arith.constant 0 : i32
        %dma_wait3A_102 = tpu.memref_slice %arg6[%add3A_89, %dma_wait3A] : memref<10000x64xf32, #tpu.memory_space<hbm>> -> memref<125x64xf32, #tpu.memory_space<hbm>>
        %dma_wait3A_103 = arith.constant 0 : i32
        %dma_wait3A_104 = tpu.memref_slice %arg15[%add3A_89, %dma_wait3A_103] : memref<10000x64xf32, #tpu.memory_space<vmem_shared>> -> memref<125x64xf32, #tpu.memory_space<vmem_shared>>
        tpu.wait_dma2 semaphore(%run_scoped3A : memref<!tpu.dma_semaphore, #tpu.memory_space<semaphore_mem>>) src(%dma_wait3A_104 : memref<125x64xf32, #tpu.memory_space<vmem_shared>>) dst(%dma_wait3A_102 : memref<125x64xf32, #tpu.memory_space<hbm>>)
        tpu.yield
      }) : () -> ()
      %mul3A_90 = arith.constant 625 : i32
      %mul3A_91 = arith.muli %arg1, %mul3A_90 : i32
      %add3A_92 = arith.constant 375 : i32
      %add3A_93 = arith.addi %mul3A_91, %add3A_92 : i32
      "tpu.region"() ({
        %run_scoped3A = tpu.sem_alloc : memref<!tpu.dma_semaphore, #tpu.memory_space<semaphore_mem>>
        %dma_start3A_98 = arith.constant 0 : i32
        %dma_start3A_99 = tpu.memref_slice %arg6[%add3A_93, %dma_start3A_98] : memref<10000x64xf32, #tpu.memory_space<hbm>> -> memref<125x64xf32, #tpu.memory_space<hbm>>
        %dma_start3A_100 = arith.constant 0 : i32
        %dma_start3A_101 = tpu.memref_slice %arg15[%add3A_93, %dma_start3A_100] : memref<10000x64xf32, #tpu.memory_space<vmem_shared>> -> memref<125x64xf32, #tpu.memory_space<vmem_shared>>
        tpu.enqueue_dma source(%dma_start3A_101 : memref<125x64xf32, #tpu.memory_space<vmem_shared>>) target(%dma_start3A_99 : memref<125x64xf32, #tpu.memory_space<hbm>>) target_semaphore(%run_scoped3A : memref<!tpu.dma_semaphore, #tpu.memory_space<semaphore_mem>>)
        %dma_wait3A = arith.constant 0 : i32
        %dma_wait3A_102 = tpu.memref_slice %arg6[%add3A_93, %dma_wait3A] : memref<10000x64xf32, #tpu.memory_space<hbm>> -> memref<125x64xf32, #tpu.memory_space<hbm>>
        %dma_wait3A_103 = arith.constant 0 : i32
        %dma_wait3A_104 = tpu.memref_slice %arg15[%add3A_93, %dma_wait3A_103] : memref<10000x64xf32, #tpu.memory_space<vmem_shared>> -> memref<125x64xf32, #tpu.memory_space<vmem_shared>>
        tpu.wait_dma2 semaphore(%run_scoped3A : memref<!tpu.dma_semaphore, #tpu.memory_space<semaphore_mem>>) src(%dma_wait3A_104 : memref<125x64xf32, #tpu.memory_space<vmem_shared>>) dst(%dma_wait3A_102 : memref<125x64xf32, #tpu.memory_space<hbm>>)
        tpu.yield
      }) : () -> ()
      %mul3A_94 = arith.constant 625 : i32
      %mul3A_95 = arith.muli %arg1, %mul3A_94 : i32
      %add3A_96 = arith.constant 500 : i32
      %add3A_97 = arith.addi %mul3A_95, %add3A_96 : i32
      "tpu.region"() ({
        %run_scoped3A = tpu.sem_alloc : memref<!tpu.dma_semaphore, #tpu.memory_space<semaphore_mem>>
        %dma_start3A_98 = arith.constant 0 : i32
        %dma_start3A_99 = tpu.memref_slice %arg6[%add3A_97, %dma_start3A_98] : memref<10000x64xf32, #tpu.memory_space<hbm>> -> memref<125x64xf32, #tpu.memory_space<hbm>>
        %dma_start3A_100 = arith.constant 0 : i32
        %dma_start3A_101 = tpu.memref_slice %arg15[%add3A_97, %dma_start3A_100] : memref<10000x64xf32, #tpu.memory_space<vmem_shared>> -> memref<125x64xf32, #tpu.memory_space<vmem_shared>>
        tpu.enqueue_dma source(%dma_start3A_101 : memref<125x64xf32, #tpu.memory_space<vmem_shared>>) target(%dma_start3A_99 : memref<125x64xf32, #tpu.memory_space<hbm>>) target_semaphore(%run_scoped3A : memref<!tpu.dma_semaphore, #tpu.memory_space<semaphore_mem>>)
        %dma_wait3A = arith.constant 0 : i32
        %dma_wait3A_102 = tpu.memref_slice %arg6[%add3A_97, %dma_wait3A] : memref<10000x64xf32, #tpu.memory_space<hbm>> -> memref<125x64xf32, #tpu.memory_space<hbm>>
        %dma_wait3A_103 = arith.constant 0 : i32
        %dma_wait3A_104 = tpu.memref_slice %arg15[%add3A_97, %dma_wait3A_103] : memref<10000x64xf32, #tpu.memory_space<vmem_shared>> -> memref<125x64xf32, #tpu.memory_space<vmem_shared>>
        tpu.wait_dma2 semaphore(%run_scoped3A : memref<!tpu.dma_semaphore, #tpu.memory_space<semaphore_mem>>) src(%dma_wait3A_104 : memref<125x64xf32, #tpu.memory_space<vmem_shared>>) dst(%dma_wait3A_102 : memref<125x64xf32, #tpu.memory_space<hbm>>)
        tpu.yield
      }) : () -> ()
    } else {
    }
    return
  }
}

#map = affine_map<(d0, d1) -> (0, 0)>
#map1 = affine_map<(d0, d1) -> (0, 0, 0)>
module attributes {stable_mosaic.version = 14 : i64} {
  func.func @edge_kernel(%arg0: i32, %arg1: i32, %arg2: memref<10000x16xf32, #tpu.memory_space<hbm>>, %arg3: memref<32x125x80xi32, #tpu.memory_space<hbm>>, %arg4: memref<32x125x80xi32, #tpu.memory_space<hbm>>, %arg5: memref<10000x16xf32, #tpu.memory_space<hbm>>, %arg6: memref<10000x16xf32, #tpu.memory_space<hbm>>, %arg7: memref<125x80xi32, #tpu.memory_space<vmem>>, %arg8: memref<125x80xi32, #tpu.memory_space<vmem>>, %arg9: memref<80x16xf32, #tpu.memory_space<vmem>>, %arg10: memref<80x16xf32, #tpu.memory_space<vmem>>, %arg11: memref<80x16xf32, #tpu.memory_space<vmem>>, %arg12: memref<80x16xf32, #tpu.memory_space<vmem>>, %arg13: memref<80x16xf32, #tpu.memory_space<vmem>>, %arg14: memref<125x16xf32, #tpu.memory_space<vmem>>, %arg15: memref<10000x16xf32, #tpu.memory_space<vmem_shared>>, %arg16: memref<!tpu.dma_semaphore, #tpu.memory_space<semaphore_mem>>, %arg17: memref<!tpu.dma_semaphore, #tpu.memory_space<semaphore_mem>>, %arg18: memref<!tpu.dma_semaphore, #tpu.memory_space<semaphore_mem>>, %arg19: memref<!tpu.dma_semaphore, #tpu.memory_space<semaphore_mem>>, %arg20: memref<!tpu.dma_semaphore, #tpu.memory_space<semaphore_mem>>, %arg21: memref<!tpu.dma_semaphore, #tpu.memory_space<semaphore_mem>>, %arg22: memref<!tpu.dma_semaphore, #tpu.memory_space<semaphore_mem>>, %arg23: memref<!tpu.dma_semaphore, #tpu.memory_space<semaphore_mem>>, %arg24: memref<!tpu.dma_semaphore, #tpu.memory_space<semaphore_mem>>, %arg25: memref<!tpu.dma_semaphore, #tpu.memory_space<semaphore_mem>>) attributes {dimension_semantics = [#tpu.dimension_semantics<core_parallel>, #tpu.dimension_semantics<subcore_parallel>], iteration_bounds = array<i64: 2, 16>, scalar_prefetch = 0 : i64, scratch_operands = 19 : i64, tpu.core_type = #tpu.core_type<sc_vector_subcore>, window_params = [{transform_indices = #map}, {transform_indices = #map1}, {transform_indices = #map1}, {transform_indices = #map}, {transform_indices = #map}]} {
    %mul3A = arith.constant 16 : i32
    %mul3A_0 = arith.muli %arg0, %mul3A : i32
    %add3A = arith.addi %mul3A_0, %arg1 : i32
    %broadcast_in_dim3A = arith.constant 0.000000e+00 : f32
    %broadcast_in_dim3A_1 = vector.broadcast %broadcast_in_dim3A : f32 to vector<16xf32>
    %scan3A = arith.constant 0 : i32
    %scan3A_2 = arith.constant 0 : i32
    %scan3A_3 = arith.constant 125 : i32
    %scan3A_4 = arith.addi %scan3A_2, %scan3A_3 : i32
    %scan3A_5 = arith.constant 1 : i32
    scf.for %scan3A_75 = %scan3A_2 to %scan3A_4 step %scan3A_5  : i32 {
      %jit3A = arith.constant 1 : i32
      %div3A = arith.divsi %scan3A_75, %jit3A : i32
      %sign3A = arith.constant 0 : i32
      %sign3A_76 = arith.cmpi sgt, %scan3A_75, %sign3A : i32
      %sign3A_77 = arith.extui %sign3A_76 : i1 to i32
      %sign3A_78 = arith.constant 0 : i32
      %sign3A_79 = arith.cmpi slt, %scan3A_75, %sign3A_78 : i32
      %sign3A_80 = arith.extui %sign3A_79 : i1 to i32
      %sign3A_81 = arith.subi %sign3A_77, %sign3A_80 : i32
      %sign3A_82 = arith.constant 0 : i32
      %sign3A_83 = arith.cmpi sgt, %jit3A, %sign3A_82 : i32
      %sign3A_84 = arith.extui %sign3A_83 : i1 to i32
      %sign3A_85 = arith.constant 0 : i32
      %sign3A_86 = arith.cmpi slt, %jit3A, %sign3A_85 : i32
      %sign3A_87 = arith.extui %sign3A_86 : i1 to i32
      %sign3A_88 = arith.subi %sign3A_84, %sign3A_87 : i32
      %ne3A = arith.cmpi ne, %sign3A_81, %sign3A_88 : i32
      %rem3A = arith.remsi %scan3A_75, %jit3A : i32
      %ne3A_89 = arith.constant 0 : i32
      %ne3A_90 = arith.cmpi ne, %rem3A, %ne3A_89 : i32
      %and3A = arith.andi %ne3A, %ne3A_90 : i1
      %sub3A = arith.constant 1 : i32
      %sub3A_91 = arith.subi %div3A, %sub3A : i32
      %select_n3A = arith.select %and3A, %sub3A_91, %div3A : i32
      %jit3A_92 = arith.constant 1 : i32
      %eq3A_93 = arith.constant 0 : i32
      %eq3A_94 = arith.cmpi eq, %jit3A_92, %eq3A_93 : i32
      %jit3A_95 = arith.constant 1 : i32
      %select_n3A_96 = arith.select %eq3A_94, %jit3A_95, %jit3A_92 : i32
      %rem3A_97 = arith.remsi %scan3A_75, %select_n3A_96 : i32
      %ne3A_98 = arith.constant 0 : i32
      %ne3A_99 = arith.cmpi ne, %rem3A_97, %ne3A_98 : i32
      %lt3A = arith.constant 0 : i32
      %lt3A_100 = arith.cmpi slt, %rem3A_97, %lt3A : i32
      %lt3A_101 = arith.constant 0 : i32
      %lt3A_102 = arith.cmpi slt, %select_n3A_96, %lt3A_101 : i32
      %ne3A_103 = arith.xori %lt3A_100, %lt3A_102 : i1
      %and3A_104 = arith.andi %ne3A_103, %ne3A_99 : i1
      %add3A_105 = arith.addi %rem3A_97, %select_n3A_96 : i32
      %select_n3A_106 = arith.select %and3A_104, %add3A_105, %rem3A_97 : i32
      %mul3A_107 = arith.constant 16 : i32
      %mul3A_108 = arith.muli %select_n3A_106, %mul3A_107 : i32
      %swap3A = arith.index_cast %select_n3A : i32 to index
      %swap3A_109 = arith.index_cast %mul3A_108 : i32 to index
      %swap3A_110 = tpu.vector_load %arg14[%swap3A, %swap3A_109] {strides = array<i32>} : memref<125x16xf32, #tpu.memory_space<vmem>>, vector<1x16xf32>,
      %swap3A_111 = vector.shape_cast %swap3A_110 : vector<1x16xf32> to vector<16xf32>
      %swap3A_112 = vector.shape_cast %broadcast_in_dim3A_1 : vector<16xf32> to vector<1x16xf32>
      tpu.vector_store %arg14[%swap3A, %swap3A_109], %swap3A_112 {strides = array<i32>} : memref<125x16xf32, #tpu.memory_space<vmem>>, vector<1x16xf32>,
    }
    %scan3A_6 = arith.constant 125 : i32
    %mul3A_7 = arith.constant 625 : i32
    %mul3A_8 = arith.muli %arg1, %mul3A_7 : i32
    %add3A_9 = arith.constant 0 : i32
    %add3A_10 = arith.addi %mul3A_8, %add3A_9 : i32
    "tpu.region"() ({
      %run_scoped3A = tpu.sem_alloc : memref<!tpu.dma_semaphore, #tpu.memory_space<semaphore_mem>>
      %dma_start3A_75 = arith.constant 0 : i32
      %dma_start3A_76 = tpu.memref_slice %arg15[%add3A_10, %dma_start3A_75] : memref<10000x16xf32, #tpu.memory_space<vmem_shared>> -> memref<125x16xf32, #tpu.memory_space<vmem_shared>>
      %dma_start3A_77 = arith.constant 0 : i32
      %dma_start3A_78 = tpu.memref_slice %arg15[%add3A_10, %dma_start3A_77] : memref<10000x16xf32, #tpu.memory_space<vmem_shared>> -> memref<125x16xf32, #tpu.memory_space<vmem_shared>>
      tpu.enqueue_dma source(%arg14 : memref<125x16xf32, #tpu.memory_space<vmem>>) target(%dma_start3A_78 : memref<125x16xf32, #tpu.memory_space<vmem_shared>>) target_semaphore(%run_scoped3A : memref<!tpu.dma_semaphore, #tpu.memory_space<semaphore_mem>>)
      %dma_wait3A = arith.constant 0 : i32
      %dma_wait3A_79 = tpu.memref_slice %arg15[%add3A_10, %dma_wait3A] : memref<10000x16xf32, #tpu.memory_space<vmem_shared>> -> memref<125x16xf32, #tpu.memory_space<vmem_shared>>
      %dma_wait3A_80 = arith.constant 0 : i32
      %dma_wait3A_81 = tpu.memref_slice %arg15[%add3A_10, %dma_wait3A_80] : memref<10000x16xf32, #tpu.memory_space<vmem_shared>> -> memref<125x16xf32, #tpu.memory_space<vmem_shared>>
      tpu.wait_dma2 semaphore(%run_scoped3A : memref<!tpu.dma_semaphore, #tpu.memory_space<semaphore_mem>>) src(%arg14 : memref<125x16xf32, #tpu.memory_space<vmem>>) dst(%dma_wait3A_81 : memref<125x16xf32, #tpu.memory_space<vmem_shared>>)
      tpu.yield
    }) : () -> ()
    %mul3A_11 = arith.constant 625 : i32
    %mul3A_12 = arith.muli %arg1, %mul3A_11 : i32
    %add3A_13 = arith.constant 125 : i32
    %add3A_14 = arith.addi %mul3A_12, %add3A_13 : i32
    "tpu.region"() ({
      %run_scoped3A = tpu.sem_alloc : memref<!tpu.dma_semaphore, #tpu.memory_space<semaphore_mem>>
      %dma_start3A_75 = arith.constant 0 : i32
      %dma_start3A_76 = tpu.memref_slice %arg15[%add3A_14, %dma_start3A_75] : memref<10000x16xf32, #tpu.memory_space<vmem_shared>> -> memref<125x16xf32, #tpu.memory_space<vmem_shared>>
      %dma_start3A_77 = arith.constant 0 : i32
      %dma_start3A_78 = tpu.memref_slice %arg15[%add3A_14, %dma_start3A_77] : memref<10000x16xf32, #tpu.memory_space<vmem_shared>> -> memref<125x16xf32, #tpu.memory_space<vmem_shared>>
      tpu.enqueue_dma source(%arg14 : memref<125x16xf32, #tpu.memory_space<vmem>>) target(%dma_start3A_78 : memref<125x16xf32, #tpu.memory_space<vmem_shared>>) target_semaphore(%run_scoped3A : memref<!tpu.dma_semaphore, #tpu.memory_space<semaphore_mem>>)
      %dma_wait3A = arith.constant 0 : i32
      %dma_wait3A_79 = tpu.memref_slice %arg15[%add3A_14, %dma_wait3A] : memref<10000x16xf32, #tpu.memory_space<vmem_shared>> -> memref<125x16xf32, #tpu.memory_space<vmem_shared>>
      %dma_wait3A_80 = arith.constant 0 : i32
      %dma_wait3A_81 = tpu.memref_slice %arg15[%add3A_14, %dma_wait3A_80] : memref<10000x16xf32, #tpu.memory_space<vmem_shared>> -> memref<125x16xf32, #tpu.memory_space<vmem_shared>>
      tpu.wait_dma2 semaphore(%run_scoped3A : memref<!tpu.dma_semaphore, #tpu.memory_space<semaphore_mem>>) src(%arg14 : memref<125x16xf32, #tpu.memory_space<vmem>>) dst(%dma_wait3A_81 : memref<125x16xf32, #tpu.memory_space<vmem_shared>>)
      tpu.yield
    }) : () -> ()
    %mul3A_15 = arith.constant 625 : i32
    %mul3A_16 = arith.muli %arg1, %mul3A_15 : i32
    %add3A_17 = arith.constant 250 : i32
    %add3A_18 = arith.addi %mul3A_16, %add3A_17 : i32
    "tpu.region"() ({
      %run_scoped3A = tpu.sem_alloc : memref<!tpu.dma_semaphore, #tpu.memory_space<semaphore_mem>>
      %dma_start3A_75 = arith.constant 0 : i32
      %dma_start3A_76 = tpu.memref_slice %arg15[%add3A_18, %dma_start3A_75] : memref<10000x16xf32, #tpu.memory_space<vmem_shared>> -> memref<125x16xf32, #tpu.memory_space<vmem_shared>>
      %dma_start3A_77 = arith.constant 0 : i32
      %dma_start3A_78 = tpu.memref_slice %arg15[%add3A_18, %dma_start3A_77] : memref<10000x16xf32, #tpu.memory_space<vmem_shared>> -> memref<125x16xf32, #tpu.memory_space<vmem_shared>>
      tpu.enqueue_dma source(%arg14 : memref<125x16xf32, #tpu.memory_space<vmem>>) target(%dma_start3A_78 : memref<125x16xf32, #tpu.memory_space<vmem_shared>>) target_semaphore(%run_scoped3A : memref<!tpu.dma_semaphore, #tpu.memory_space<semaphore_mem>>)
      %dma_wait3A = arith.constant 0 : i32
      %dma_wait3A_79 = tpu.memref_slice %arg15[%add3A_18, %dma_wait3A] : memref<10000x16xf32, #tpu.memory_space<vmem_shared>> -> memref<125x16xf32, #tpu.memory_space<vmem_shared>>
      %dma_wait3A_80 = arith.constant 0 : i32
      %dma_wait3A_81 = tpu.memref_slice %arg15[%add3A_18, %dma_wait3A_80] : memref<10000x16xf32, #tpu.memory_space<vmem_shared>> -> memref<125x16xf32, #tpu.memory_space<vmem_shared>>
      tpu.wait_dma2 semaphore(%run_scoped3A : memref<!tpu.dma_semaphore, #tpu.memory_space<semaphore_mem>>) src(%arg14 : memref<125x16xf32, #tpu.memory_space<vmem>>) dst(%dma_wait3A_81 : memref<125x16xf32, #tpu.memory_space<vmem_shared>>)
      tpu.yield
    }) : () -> ()
    %mul3A_19 = arith.constant 625 : i32
    %mul3A_20 = arith.muli %arg1, %mul3A_19 : i32
    %add3A_21 = arith.constant 375 : i32
    %add3A_22 = arith.addi %mul3A_20, %add3A_21 : i32
    "tpu.region"() ({
      %run_scoped3A = tpu.sem_alloc : memref<!tpu.dma_semaphore, #tpu.memory_space<semaphore_mem>>
      %dma_start3A_75 = arith.constant 0 : i32
      %dma_start3A_76 = tpu.memref_slice %arg15[%add3A_22, %dma_start3A_75] : memref<10000x16xf32, #tpu.memory_space<vmem_shared>> -> memref<125x16xf32, #tpu.memory_space<vmem_shared>>
      %dma_start3A_77 = arith.constant 0 : i32
      %dma_start3A_78 = tpu.memref_slice %arg15[%add3A_22, %dma_start3A_77] : memref<10000x16xf32, #tpu.memory_space<vmem_shared>> -> memref<125x16xf32, #tpu.memory_space<vmem_shared>>
      tpu.enqueue_dma source(%arg14 : memref<125x16xf32, #tpu.memory_space<vmem>>) target(%dma_start3A_78 : memref<125x16xf32, #tpu.memory_space<vmem_shared>>) target_semaphore(%run_scoped3A : memref<!tpu.dma_semaphore, #tpu.memory_space<semaphore_mem>>)
      %dma_wait3A = arith.constant 0 : i32
      %dma_wait3A_79 = tpu.memref_slice %arg15[%add3A_22, %dma_wait3A] : memref<10000x16xf32, #tpu.memory_space<vmem_shared>> -> memref<125x16xf32, #tpu.memory_space<vmem_shared>>
      %dma_wait3A_80 = arith.constant 0 : i32
      %dma_wait3A_81 = tpu.memref_slice %arg15[%add3A_22, %dma_wait3A_80] : memref<10000x16xf32, #tpu.memory_space<vmem_shared>> -> memref<125x16xf32, #tpu.memory_space<vmem_shared>>
      tpu.wait_dma2 semaphore(%run_scoped3A : memref<!tpu.dma_semaphore, #tpu.memory_space<semaphore_mem>>) src(%arg14 : memref<125x16xf32, #tpu.memory_space<vmem>>) dst(%dma_wait3A_81 : memref<125x16xf32, #tpu.memory_space<vmem_shared>>)
      tpu.yield
    }) : () -> ()
    %mul3A_23 = arith.constant 625 : i32
    %mul3A_24 = arith.muli %arg1, %mul3A_23 : i32
    %add3A_25 = arith.constant 500 : i32
    %add3A_26 = arith.addi %mul3A_24, %add3A_25 : i32
    "tpu.region"() ({
      %run_scoped3A = tpu.sem_alloc : memref<!tpu.dma_semaphore, #tpu.memory_space<semaphore_mem>>
      %dma_start3A_75 = arith.constant 0 : i32
      %dma_start3A_76 = tpu.memref_slice %arg15[%add3A_26, %dma_start3A_75] : memref<10000x16xf32, #tpu.memory_space<vmem_shared>> -> memref<125x16xf32, #tpu.memory_space<vmem_shared>>
      %dma_start3A_77 = arith.constant 0 : i32
      %dma_start3A_78 = tpu.memref_slice %arg15[%add3A_26, %dma_start3A_77] : memref<10000x16xf32, #tpu.memory_space<vmem_shared>> -> memref<125x16xf32, #tpu.memory_space<vmem_shared>>
      tpu.enqueue_dma source(%arg14 : memref<125x16xf32, #tpu.memory_space<vmem>>) target(%dma_start3A_78 : memref<125x16xf32, #tpu.memory_space<vmem_shared>>) target_semaphore(%run_scoped3A : memref<!tpu.dma_semaphore, #tpu.memory_space<semaphore_mem>>)
      %dma_wait3A = arith.constant 0 : i32
      %dma_wait3A_79 = tpu.memref_slice %arg15[%add3A_26, %dma_wait3A] : memref<10000x16xf32, #tpu.memory_space<vmem_shared>> -> memref<125x16xf32, #tpu.memory_space<vmem_shared>>
      %dma_wait3A_80 = arith.constant 0 : i32
      %dma_wait3A_81 = tpu.memref_slice %arg15[%add3A_26, %dma_wait3A_80] : memref<10000x16xf32, #tpu.memory_space<vmem_shared>> -> memref<125x16xf32, #tpu.memory_space<vmem_shared>>
      tpu.wait_dma2 semaphore(%run_scoped3A : memref<!tpu.dma_semaphore, #tpu.memory_space<semaphore_mem>>) src(%arg14 : memref<125x16xf32, #tpu.memory_space<vmem>>) dst(%dma_wait3A_81 : memref<125x16xf32, #tpu.memory_space<vmem_shared>>)
      tpu.yield
    }) : () -> ()
    "tpu.region"() ({
      %run_scoped3A = tpu.sem_alloc : memref<!tpu.dma_semaphore, #tpu.memory_space<semaphore_mem>>
      %dma_start3A_75 = arith.constant 0 : i32
      %dma_start3A_76 = arith.constant 0 : i32
      %dma_start3A_77 = tpu.memref_slice %arg3[%add3A, %dma_start3A_75, %dma_start3A_76] : memref<32x125x80xi32, #tpu.memory_space<hbm>> -> memref<1x125x80xi32, #tpu.memory_space<hbm>>
      %dma_start3A_78 = tpu.memref_squeeze %dma_start3A_77 : memref<1x125x80xi32, #tpu.memory_space<hbm>> -> memref<125x80xi32, #tpu.memory_space<hbm>>
      %dma_start3A_79 = arith.constant 0 : i32
      %dma_start3A_80 = arith.constant 0 : i32
      %dma_start3A_81 = tpu.memref_slice %arg3[%add3A, %dma_start3A_79, %dma_start3A_80] : memref<32x125x80xi32, #tpu.memory_space<hbm>> -> memref<1x125x80xi32, #tpu.memory_space<hbm>>
      %dma_start3A_82 = tpu.memref_squeeze %dma_start3A_81 : memref<1x125x80xi32, #tpu.memory_space<hbm>> -> memref<125x80xi32, #tpu.memory_space<hbm>>
      tpu.enqueue_dma source(%dma_start3A_82 : memref<125x80xi32, #tpu.memory_space<hbm>>) target(%arg7 : memref<125x80xi32, #tpu.memory_space<vmem>>) target_semaphore(%run_scoped3A : memref<!tpu.dma_semaphore, #tpu.memory_space<semaphore_mem>>)
      %dma_wait3A = arith.constant 0 : i32
      %dma_wait3A_83 = arith.constant 0 : i32
      %dma_wait3A_84 = tpu.memref_slice %arg3[%add3A, %dma_wait3A, %dma_wait3A_83] : memref<32x125x80xi32, #tpu.memory_space<hbm>> -> memref<1x125x80xi32, #tpu.memory_space<hbm>>
      %dma_wait3A_85 = tpu.memref_squeeze %dma_wait3A_84 : memref<1x125x80xi32, #tpu.memory_space<hbm>> -> memref<125x80xi32, #tpu.memory_space<hbm>>
      %dma_wait3A_86 = arith.constant 0 : i32
      %dma_wait3A_87 = arith.constant 0 : i32
      %dma_wait3A_88 = tpu.memref_slice %arg3[%add3A, %dma_wait3A_86, %dma_wait3A_87] : memref<32x125x80xi32, #tpu.memory_space<hbm>> -> memref<1x125x80xi32, #tpu.memory_space<hbm>>
      %dma_wait3A_89 = tpu.memref_squeeze %dma_wait3A_88 : memref<1x125x80xi32, #tpu.memory_space<hbm>> -> memref<125x80xi32, #tpu.memory_space<hbm>>
      tpu.wait_dma2 semaphore(%run_scoped3A : memref<!tpu.dma_semaphore, #tpu.memory_space<semaphore_mem>>) src(%dma_wait3A_89 : memref<125x80xi32, #tpu.memory_space<hbm>>) dst(%arg7 : memref<125x80xi32, #tpu.memory_space<vmem>>)
      tpu.yield
    }) : () -> ()
    "tpu.region"() ({
      %run_scoped3A = tpu.sem_alloc : memref<!tpu.dma_semaphore, #tpu.memory_space<semaphore_mem>>
      %dma_start3A_75 = arith.constant 0 : i32
      %dma_start3A_76 = arith.constant 0 : i32
      %dma_start3A_77 = tpu.memref_slice %arg4[%add3A, %dma_start3A_75, %dma_start3A_76] : memref<32x125x80xi32, #tpu.memory_space<hbm>> -> memref<1x125x80xi32, #tpu.memory_space<hbm>>
      %dma_start3A_78 = tpu.memref_squeeze %dma_start3A_77 : memref<1x125x80xi32, #tpu.memory_space<hbm>> -> memref<125x80xi32, #tpu.memory_space<hbm>>
      %dma_start3A_79 = arith.constant 0 : i32
      %dma_start3A_80 = arith.constant 0 : i32
      %dma_start3A_81 = tpu.memref_slice %arg4[%add3A, %dma_start3A_79, %dma_start3A_80] : memref<32x125x80xi32, #tpu.memory_space<hbm>> -> memref<1x125x80xi32, #tpu.memory_space<hbm>>
      %dma_start3A_82 = tpu.memref_squeeze %dma_start3A_81 : memref<1x125x80xi32, #tpu.memory_space<hbm>> -> memref<125x80xi32, #tpu.memory_space<hbm>>
      tpu.enqueue_dma source(%dma_start3A_82 : memref<125x80xi32, #tpu.memory_space<hbm>>) target(%arg8 : memref<125x80xi32, #tpu.memory_space<vmem>>) target_semaphore(%run_scoped3A : memref<!tpu.dma_semaphore, #tpu.memory_space<semaphore_mem>>)
      %dma_wait3A = arith.constant 0 : i32
      %dma_wait3A_83 = arith.constant 0 : i32
      %dma_wait3A_84 = tpu.memref_slice %arg4[%add3A, %dma_wait3A, %dma_wait3A_83] : memref<32x125x80xi32, #tpu.memory_space<hbm>> -> memref<1x125x80xi32, #tpu.memory_space<hbm>>
      %dma_wait3A_85 = tpu.memref_squeeze %dma_wait3A_84 : memref<1x125x80xi32, #tpu.memory_space<hbm>> -> memref<125x80xi32, #tpu.memory_space<hbm>>
      %dma_wait3A_86 = arith.constant 0 : i32
      %dma_wait3A_87 = arith.constant 0 : i32
      %dma_wait3A_88 = tpu.memref_slice %arg4[%add3A, %dma_wait3A_86, %dma_wait3A_87] : memref<32x125x80xi32, #tpu.memory_space<hbm>> -> memref<1x125x80xi32, #tpu.memory_space<hbm>>
      %dma_wait3A_89 = tpu.memref_squeeze %dma_wait3A_88 : memref<1x125x80xi32, #tpu.memory_space<hbm>> -> memref<125x80xi32, #tpu.memory_space<hbm>>
      tpu.wait_dma2 semaphore(%run_scoped3A : memref<!tpu.dma_semaphore, #tpu.memory_space<semaphore_mem>>) src(%dma_wait3A_89 : memref<125x80xi32, #tpu.memory_space<hbm>>) dst(%arg8 : memref<125x80xi32, #tpu.memory_space<vmem>>)
      tpu.yield
    }) : () -> ()
    %barrier3A = arith.constant 0 : index
    tpu.barrier barrier_id(%barrier3A)
    %dma_start3A = arith.constant 0 : i32
    %dma_start3A_27 = arith.constant 0 : i32
    %dma_start3A_28 = tpu.memref_slice %arg7[%dma_start3A, %dma_start3A_27] : memref<125x80xi32, #tpu.memory_space<vmem>> -> memref<1x80xi32, #tpu.memory_space<vmem>>
    %dma_start3A_29 = tpu.memref_squeeze %dma_start3A_28 : memref<1x80xi32, #tpu.memory_space<vmem>> -> memref<80xi32, #tpu.memory_space<vmem>>
    %dma_start3A_30 = arith.constant 0 : i32
    %dma_start3A_31 = arith.constant 0 : i32
    %dma_start3A_32 = tpu.memref_slice %arg2[%dma_start3A_30, %dma_start3A_31] : memref<10000x16xf32, #tpu.memory_space<hbm>> -> memref<10000x16xf32, #tpu.memory_space<hbm>>
    tpu.enqueue_indirect_dma source(%dma_start3A_32 : memref<10000x16xf32, #tpu.memory_space<hbm>>) target(%arg9 : memref<80x16xf32, #tpu.memory_space<vmem>>) offsets(%dma_start3A_29 : memref<80xi32, #tpu.memory_space<vmem>>) semaphore(%arg16 : memref<!tpu.dma_semaphore, #tpu.memory_space<semaphore_mem>>)
    %dma_start3A_33 = arith.constant 1 : i32
    %dma_start3A_34 = arith.constant 0 : i32
    %dma_start3A_35 = tpu.memref_slice %arg7[%dma_start3A_33, %dma_start3A_34] : memref<125x80xi32, #tpu.memory_space<vmem>> -> memref<1x80xi32, #tpu.memory_space<vmem>>
    %dma_start3A_36 = tpu.memref_squeeze %dma_start3A_35 : memref<1x80xi32, #tpu.memory_space<vmem>> -> memref<80xi32, #tpu.memory_space<vmem>>
    %dma_start3A_37 = arith.constant 0 : i32
    %dma_start3A_38 = arith.constant 0 : i32
    %dma_start3A_39 = tpu.memref_slice %arg2[%dma_start3A_37, %dma_start3A_38] : memref<10000x16xf32, #tpu.memory_space<hbm>> -> memref<10000x16xf32, #tpu.memory_space<hbm>>
    tpu.enqueue_indirect_dma source(%dma_start3A_39 : memref<10000x16xf32, #tpu.memory_space<hbm>>) target(%arg10 : memref<80x16xf32, #tpu.memory_space<vmem>>) offsets(%dma_start3A_36 : memref<80xi32, #tpu.memory_space<vmem>>) semaphore(%arg17 : memref<!tpu.dma_semaphore, #tpu.memory_space<semaphore_mem>>)
    %dma_start3A_40 = arith.constant 2 : i32
    %dma_start3A_41 = arith.constant 0 : i32
    %dma_start3A_42 = tpu.memref_slice %arg7[%dma_start3A_40, %dma_start3A_41] : memref<125x80xi32, #tpu.memory_space<vmem>> -> memref<1x80xi32, #tpu.memory_space<vmem>>
    %dma_start3A_43 = tpu.memref_squeeze %dma_start3A_42 : memref<1x80xi32, #tpu.memory_space<vmem>> -> memref<80xi32, #tpu.memory_space<vmem>>
    %dma_start3A_44 = arith.constant 0 : i32
    %dma_start3A_45 = arith.constant 0 : i32
    %dma_start3A_46 = tpu.memref_slice %arg2[%dma_start3A_44, %dma_start3A_45] : memref<10000x16xf32, #tpu.memory_space<hbm>> -> memref<10000x16xf32, #tpu.memory_space<hbm>>
    tpu.enqueue_indirect_dma source(%dma_start3A_46 : memref<10000x16xf32, #tpu.memory_space<hbm>>) target(%arg11 : memref<80x16xf32, #tpu.memory_space<vmem>>) offsets(%dma_start3A_43 : memref<80xi32, #tpu.memory_space<vmem>>) semaphore(%arg18 : memref<!tpu.dma_semaphore, #tpu.memory_space<semaphore_mem>>)
    %dma_start3A_47 = arith.constant 3 : i32
    %dma_start3A_48 = arith.constant 0 : i32
    %dma_start3A_49 = tpu.memref_slice %arg7[%dma_start3A_47, %dma_start3A_48] : memref<125x80xi32, #tpu.memory_space<vmem>> -> memref<1x80xi32, #tpu.memory_space<vmem>>
    %dma_start3A_50 = tpu.memref_squeeze %dma_start3A_49 : memref<1x80xi32, #tpu.memory_space<vmem>> -> memref<80xi32, #tpu.memory_space<vmem>>
    %dma_start3A_51 = arith.constant 0 : i32
    %dma_start3A_52 = arith.constant 0 : i32
    %dma_start3A_53 = tpu.memref_slice %arg2[%dma_start3A_51, %dma_start3A_52] : memref<10000x16xf32, #tpu.memory_space<hbm>> -> memref<10000x16xf32, #tpu.memory_space<hbm>>
    tpu.enqueue_indirect_dma source(%dma_start3A_53 : memref<10000x16xf32, #tpu.memory_space<hbm>>) target(%arg12 : memref<80x16xf32, #tpu.memory_space<vmem>>) offsets(%dma_start3A_50 : memref<80xi32, #tpu.memory_space<vmem>>) semaphore(%arg19 : memref<!tpu.dma_semaphore, #tpu.memory_space<semaphore_mem>>)
    %dma_start3A_54 = arith.constant 4 : i32
    %dma_start3A_55 = arith.constant 0 : i32
    %dma_start3A_56 = tpu.memref_slice %arg7[%dma_start3A_54, %dma_start3A_55] : memref<125x80xi32, #tpu.memory_space<vmem>> -> memref<1x80xi32, #tpu.memory_space<vmem>>
    %dma_start3A_57 = tpu.memref_squeeze %dma_start3A_56 : memref<1x80xi32, #tpu.memory_space<vmem>> -> memref<80xi32, #tpu.memory_space<vmem>>
    %dma_start3A_58 = arith.constant 0 : i32
    %dma_start3A_59 = arith.constant 0 : i32
    %dma_start3A_60 = tpu.memref_slice %arg2[%dma_start3A_58, %dma_start3A_59] : memref<10000x16xf32, #tpu.memory_space<hbm>> -> memref<10000x16xf32, #tpu.memory_space<hbm>>
    tpu.enqueue_indirect_dma source(%dma_start3A_60 : memref<10000x16xf32, #tpu.memory_space<hbm>>) target(%arg13 : memref<80x16xf32, #tpu.memory_space<vmem>>) offsets(%dma_start3A_57 : memref<80xi32, #tpu.memory_space<vmem>>) semaphore(%arg20 : memref<!tpu.dma_semaphore, #tpu.memory_space<semaphore_mem>>)
    %scan3A_61 = arith.constant 0 : i32
    %scan3A_62 = arith.constant 0 : i32
    %scan3A_63 = arith.constant 25 : i32
    %scan3A_64 = arith.addi %scan3A_62, %scan3A_63 : i32
    %scan3A_65 = arith.constant 1 : i32
    scf.for %scan3A_75 = %scan3A_62 to %scan3A_64 step %scan3A_65  : i32 {
      %mul3A_76 = arith.constant 5 : i32
      %mul3A_77 = arith.muli %scan3A_75, %mul3A_76 : i32
      %add3A_78 = arith.constant 0 : i32
      %add3A_79 = arith.addi %mul3A_77, %add3A_78 : i32
      %dma_wait3A = arith.constant 0 : i32
      %dma_wait3A_80 = tpu.memref_slice %arg7[%add3A_79, %dma_wait3A] : memref<125x80xi32, #tpu.memory_space<vmem>> -> memref<1x80xi32, #tpu.memory_space<vmem>>
      %dma_wait3A_81 = tpu.memref_squeeze %dma_wait3A_80 : memref<1x80xi32, #tpu.memory_space<vmem>> -> memref<80xi32, #tpu.memory_space<vmem>>
      %dma_wait3A_82 = arith.constant 0 : i32
      %dma_wait3A_83 = arith.constant 0 : i32
      %dma_wait3A_84 = tpu.memref_slice %arg2[%dma_wait3A_82, %dma_wait3A_83] : memref<10000x16xf32, #tpu.memory_space<hbm>> -> memref<10000x16xf32, #tpu.memory_space<hbm>>
      tpu.wait_indirect_dma semaphore(%arg16 : memref<!tpu.dma_semaphore, #tpu.memory_space<semaphore_mem>>) src(%dma_wait3A_84 : memref<10000x16xf32, #tpu.memory_space<hbm>>) dst(%arg9 : memref<80x16xf32, #tpu.memory_space<vmem>>)
      %add3A_85 = arith.constant 0 : i32
      %add3A_86 = arith.addi %mul3A_77, %add3A_85 : i32
      %dma_start3A_87 = arith.constant 0 : i32
      %dma_start3A_88 = tpu.memref_slice %arg8[%add3A_86, %dma_start3A_87] : memref<125x80xi32, #tpu.memory_space<vmem>> -> memref<1x80xi32, #tpu.memory_space<vmem>>
      %dma_start3A_89 = tpu.memref_squeeze %dma_start3A_88 : memref<1x80xi32, #tpu.memory_space<vmem>> -> memref<80xi32, #tpu.memory_space<vmem>>
      %dma_start3A_90 = arith.constant 0 : i32
      %dma_start3A_91 = arith.constant 0 : i32
      %dma_start3A_92 = tpu.memref_slice %arg15[%dma_start3A_90, %dma_start3A_91] : memref<10000x16xf32, #tpu.memory_space<vmem_shared>> -> memref<10000x16xf32, #tpu.memory_space<vmem_shared>>
      tpu.enqueue_indirect_dma source(%arg9 : memref<80x16xf32, #tpu.memory_space<vmem>>) target(%dma_start3A_92 : memref<10000x16xf32, #tpu.memory_space<vmem_shared>>) offsets(%dma_start3A_89 : memref<80xi32, #tpu.memory_space<vmem>>) semaphore(%arg21 : memref<!tpu.dma_semaphore, #tpu.memory_space<semaphore_mem>>) {add = true}
      %add3A_93 = arith.constant 1 : i32
      %add3A_94 = arith.addi %mul3A_77, %add3A_93 : i32
      %dma_wait3A_95 = arith.constant 0 : i32
      %dma_wait3A_96 = tpu.memref_slice %arg7[%add3A_94, %dma_wait3A_95] : memref<125x80xi32, #tpu.memory_space<vmem>> -> memref<1x80xi32, #tpu.memory_space<vmem>>
      %dma_wait3A_97 = tpu.memref_squeeze %dma_wait3A_96 : memref<1x80xi32, #tpu.memory_space<vmem>> -> memref<80xi32, #tpu.memory_space<vmem>>
      %dma_wait3A_98 = arith.constant 0 : i32
      %dma_wait3A_99 = arith.constant 0 : i32
      %dma_wait3A_100 = tpu.memref_slice %arg2[%dma_wait3A_98, %dma_wait3A_99] : memref<10000x16xf32, #tpu.memory_space<hbm>> -> memref<10000x16xf32, #tpu.memory_space<hbm>>
      tpu.wait_indirect_dma semaphore(%arg17 : memref<!tpu.dma_semaphore, #tpu.memory_space<semaphore_mem>>) src(%dma_wait3A_100 : memref<10000x16xf32, #tpu.memory_space<hbm>>) dst(%arg10 : memref<80x16xf32, #tpu.memory_space<vmem>>)
      %add3A_101 = arith.constant 1 : i32
      %add3A_102 = arith.addi %mul3A_77, %add3A_101 : i32
      %dma_start3A_103 = arith.constant 0 : i32
      %dma_start3A_104 = tpu.memref_slice %arg8[%add3A_102, %dma_start3A_103] : memref<125x80xi32, #tpu.memory_space<vmem>> -> memref<1x80xi32, #tpu.memory_space<vmem>>
      %dma_start3A_105 = tpu.memref_squeeze %dma_start3A_104 : memref<1x80xi32, #tpu.memory_space<vmem>> -> memref<80xi32, #tpu.memory_space<vmem>>
      %dma_start3A_106 = arith.constant 0 : i32
      %dma_start3A_107 = arith.constant 0 : i32
      %dma_start3A_108 = tpu.memref_slice %arg15[%dma_start3A_106, %dma_start3A_107] : memref<10000x16xf32, #tpu.memory_space<vmem_shared>> -> memref<10000x16xf32, #tpu.memory_space<vmem_shared>>
      tpu.enqueue_indirect_dma source(%arg10 : memref<80x16xf32, #tpu.memory_space<vmem>>) target(%dma_start3A_108 : memref<10000x16xf32, #tpu.memory_space<vmem_shared>>) offsets(%dma_start3A_105 : memref<80xi32, #tpu.memory_space<vmem>>) semaphore(%arg22 : memref<!tpu.dma_semaphore, #tpu.memory_space<semaphore_mem>>) {add = true}
      %add3A_109 = arith.constant 2 : i32
      %add3A_110 = arith.addi %mul3A_77, %add3A_109 : i32
      %dma_wait3A_111 = arith.constant 0 : i32
      %dma_wait3A_112 = tpu.memref_slice %arg7[%add3A_110, %dma_wait3A_111] : memref<125x80xi32, #tpu.memory_space<vmem>> -> memref<1x80xi32, #tpu.memory_space<vmem>>
      %dma_wait3A_113 = tpu.memref_squeeze %dma_wait3A_112 : memref<1x80xi32, #tpu.memory_space<vmem>> -> memref<80xi32, #tpu.memory_space<vmem>>
      %dma_wait3A_114 = arith.constant 0 : i32
      %dma_wait3A_115 = arith.constant 0 : i32
      %dma_wait3A_116 = tpu.memref_slice %arg2[%dma_wait3A_114, %dma_wait3A_115] : memref<10000x16xf32, #tpu.memory_space<hbm>> -> memref<10000x16xf32, #tpu.memory_space<hbm>>
      tpu.wait_indirect_dma semaphore(%arg18 : memref<!tpu.dma_semaphore, #tpu.memory_space<semaphore_mem>>) src(%dma_wait3A_116 : memref<10000x16xf32, #tpu.memory_space<hbm>>) dst(%arg11 : memref<80x16xf32, #tpu.memory_space<vmem>>)
      %add3A_117 = arith.constant 2 : i32
      %add3A_118 = arith.addi %mul3A_77, %add3A_117 : i32
      %dma_start3A_119 = arith.constant 0 : i32
      %dma_start3A_120 = tpu.memref_slice %arg8[%add3A_118, %dma_start3A_119] : memref<125x80xi32, #tpu.memory_space<vmem>> -> memref<1x80xi32, #tpu.memory_space<vmem>>
      %dma_start3A_121 = tpu.memref_squeeze %dma_start3A_120 : memref<1x80xi32, #tpu.memory_space<vmem>> -> memref<80xi32, #tpu.memory_space<vmem>>
      %dma_start3A_122 = arith.constant 0 : i32
      %dma_start3A_123 = arith.constant 0 : i32
      %dma_start3A_124 = tpu.memref_slice %arg15[%dma_start3A_122, %dma_start3A_123] : memref<10000x16xf32, #tpu.memory_space<vmem_shared>> -> memref<10000x16xf32, #tpu.memory_space<vmem_shared>>
      tpu.enqueue_indirect_dma source(%arg11 : memref<80x16xf32, #tpu.memory_space<vmem>>) target(%dma_start3A_124 : memref<10000x16xf32, #tpu.memory_space<vmem_shared>>) offsets(%dma_start3A_121 : memref<80xi32, #tpu.memory_space<vmem>>) semaphore(%arg23 : memref<!tpu.dma_semaphore, #tpu.memory_space<semaphore_mem>>) {add = true}
      %add3A_125 = arith.constant 3 : i32
      %add3A_126 = arith.addi %mul3A_77, %add3A_125 : i32
      %dma_wait3A_127 = arith.constant 0 : i32
      %dma_wait3A_128 = tpu.memref_slice %arg7[%add3A_126, %dma_wait3A_127] : memref<125x80xi32, #tpu.memory_space<vmem>> -> memref<1x80xi32, #tpu.memory_space<vmem>>
      %dma_wait3A_129 = tpu.memref_squeeze %dma_wait3A_128 : memref<1x80xi32, #tpu.memory_space<vmem>> -> memref<80xi32, #tpu.memory_space<vmem>>
      %dma_wait3A_130 = arith.constant 0 : i32
      %dma_wait3A_131 = arith.constant 0 : i32
      %dma_wait3A_132 = tpu.memref_slice %arg2[%dma_wait3A_130, %dma_wait3A_131] : memref<10000x16xf32, #tpu.memory_space<hbm>> -> memref<10000x16xf32, #tpu.memory_space<hbm>>
      tpu.wait_indirect_dma semaphore(%arg19 : memref<!tpu.dma_semaphore, #tpu.memory_space<semaphore_mem>>) src(%dma_wait3A_132 : memref<10000x16xf32, #tpu.memory_space<hbm>>) dst(%arg12 : memref<80x16xf32, #tpu.memory_space<vmem>>)
      %add3A_133 = arith.constant 3 : i32
      %add3A_134 = arith.addi %mul3A_77, %add3A_133 : i32
      %dma_start3A_135 = arith.constant 0 : i32
      %dma_start3A_136 = tpu.memref_slice %arg8[%add3A_134, %dma_start3A_135] : memref<125x80xi32, #tpu.memory_space<vmem>> -> memref<1x80xi32, #tpu.memory_space<vmem>>
      %dma_start3A_137 = tpu.memref_squeeze %dma_start3A_136 : memref<1x80xi32, #tpu.memory_space<vmem>> -> memref<80xi32, #tpu.memory_space<vmem>>
      %dma_start3A_138 = arith.constant 0 : i32
      %dma_start3A_139 = arith.constant 0 : i32
      %dma_start3A_140 = tpu.memref_slice %arg15[%dma_start3A_138, %dma_start3A_139] : memref<10000x16xf32, #tpu.memory_space<vmem_shared>> -> memref<10000x16xf32, #tpu.memory_space<vmem_shared>>
      tpu.enqueue_indirect_dma source(%arg12 : memref<80x16xf32, #tpu.memory_space<vmem>>) target(%dma_start3A_140 : memref<10000x16xf32, #tpu.memory_space<vmem_shared>>) offsets(%dma_start3A_137 : memref<80xi32, #tpu.memory_space<vmem>>) semaphore(%arg24 : memref<!tpu.dma_semaphore, #tpu.memory_space<semaphore_mem>>) {add = true}
      %add3A_141 = arith.constant 4 : i32
      %add3A_142 = arith.addi %mul3A_77, %add3A_141 : i32
      %dma_wait3A_143 = arith.constant 0 : i32
      %dma_wait3A_144 = tpu.memref_slice %arg7[%add3A_142, %dma_wait3A_143] : memref<125x80xi32, #tpu.memory_space<vmem>> -> memref<1x80xi32, #tpu.memory_space<vmem>>
      %dma_wait3A_145 = tpu.memref_squeeze %dma_wait3A_144 : memref<1x80xi32, #tpu.memory_space<vmem>> -> memref<80xi32, #tpu.memory_space<vmem>>
      %dma_wait3A_146 = arith.constant 0 : i32
      %dma_wait3A_147 = arith.constant 0 : i32
      %dma_wait3A_148 = tpu.memref_slice %arg2[%dma_wait3A_146, %dma_wait3A_147] : memref<10000x16xf32, #tpu.memory_space<hbm>> -> memref<10000x16xf32, #tpu.memory_space<hbm>>
      tpu.wait_indirect_dma semaphore(%arg20 : memref<!tpu.dma_semaphore, #tpu.memory_space<semaphore_mem>>) src(%dma_wait3A_148 : memref<10000x16xf32, #tpu.memory_space<hbm>>) dst(%arg13 : memref<80x16xf32, #tpu.memory_space<vmem>>)
      %add3A_149 = arith.constant 4 : i32
      %add3A_150 = arith.addi %mul3A_77, %add3A_149 : i32
      %dma_start3A_151 = arith.constant 0 : i32
      %dma_start3A_152 = tpu.memref_slice %arg8[%add3A_150, %dma_start3A_151] : memref<125x80xi32, #tpu.memory_space<vmem>> -> memref<1x80xi32, #tpu.memory_space<vmem>>
      %dma_start3A_153 = tpu.memref_squeeze %dma_start3A_152 : memref<1x80xi32, #tpu.memory_space<vmem>> -> memref<80xi32, #tpu.memory_space<vmem>>
      %dma_start3A_154 = arith.constant 0 : i32
      %dma_start3A_155 = arith.constant 0 : i32
      %dma_start3A_156 = tpu.memref_slice %arg15[%dma_start3A_154, %dma_start3A_155] : memref<10000x16xf32, #tpu.memory_space<vmem_shared>> -> memref<10000x16xf32, #tpu.memory_space<vmem_shared>>
      tpu.enqueue_indirect_dma source(%arg13 : memref<80x16xf32, #tpu.memory_space<vmem>>) target(%dma_start3A_156 : memref<10000x16xf32, #tpu.memory_space<vmem_shared>>) offsets(%dma_start3A_153 : memref<80xi32, #tpu.memory_space<vmem>>) semaphore(%arg25 : memref<!tpu.dma_semaphore, #tpu.memory_space<semaphore_mem>>) {add = true}
      %add3A_157 = arith.constant 0 : i32
      %add3A_158 = arith.addi %mul3A_77, %add3A_157 : i32
      %dma_wait3A_159 = arith.constant 0 : i32
      %dma_wait3A_160 = tpu.memref_slice %arg8[%add3A_158, %dma_wait3A_159] : memref<125x80xi32, #tpu.memory_space<vmem>> -> memref<1x80xi32, #tpu.memory_space<vmem>>
      %dma_wait3A_161 = tpu.memref_squeeze %dma_wait3A_160 : memref<1x80xi32, #tpu.memory_space<vmem>> -> memref<80xi32, #tpu.memory_space<vmem>>
      %dma_wait3A_162 = arith.constant 0 : i32
      %dma_wait3A_163 = arith.constant 0 : i32
      %dma_wait3A_164 = tpu.memref_slice %arg15[%dma_wait3A_162, %dma_wait3A_163] : memref<10000x16xf32, #tpu.memory_space<vmem_shared>> -> memref<10000x16xf32, #tpu.memory_space<vmem_shared>>
      tpu.wait_indirect_dma semaphore(%arg21 : memref<!tpu.dma_semaphore, #tpu.memory_space<semaphore_mem>>) src(%arg9 : memref<80x16xf32, #tpu.memory_space<vmem>>) dst(%dma_wait3A_164 : memref<10000x16xf32, #tpu.memory_space<vmem_shared>>)
      %lt3A = arith.constant 24 : i32
      %lt3A_165 = arith.cmpi slt, %scan3A_75, %lt3A : i32
      %convert_element_type3A_166 = arith.extui %lt3A_165 : i1 to i32
      %cond3A_167 = arith.constant 0 : i32
      %cond3A_168 = arith.cmpi ne, %convert_element_type3A_166, %cond3A_167 : i32
      scf.if %cond3A_168 {
        %add3A_221 = arith.constant 5 : i32
        %add3A_222 = arith.addi %mul3A_77, %add3A_221 : i32
        %add3A_223 = arith.constant 0 : i32
        %add3A_224 = arith.addi %add3A_222, %add3A_223 : i32
        %dma_start3A_225 = arith.constant 0 : i32
        %dma_start3A_226 = tpu.memref_slice %arg7[%add3A_224, %dma_start3A_225] : memref<125x80xi32, #tpu.memory_space<vmem>> -> memref<1x80xi32, #tpu.memory_space<vmem>>
        %dma_start3A_227 = tpu.memref_squeeze %dma_start3A_226 : memref<1x80xi32, #tpu.memory_space<vmem>> -> memref<80xi32, #tpu.memory_space<vmem>>
        %dma_start3A_228 = arith.constant 0 : i32
        %dma_start3A_229 = arith.constant 0 : i32
        %dma_start3A_230 = tpu.memref_slice %arg2[%dma_start3A_228, %dma_start3A_229] : memref<10000x16xf32, #tpu.memory_space<hbm>> -> memref<10000x16xf32, #tpu.memory_space<hbm>>
        tpu.enqueue_indirect_dma source(%dma_start3A_230 : memref<10000x16xf32, #tpu.memory_space<hbm>>) target(%arg9 : memref<80x16xf32, #tpu.memory_space<vmem>>) offsets(%dma_start3A_227 : memref<80xi32, #tpu.memory_space<vmem>>) semaphore(%arg16 : memref<!tpu.dma_semaphore, #tpu.memory_space<semaphore_mem>>)
      } else {
      }
      %add3A_169 = arith.constant 1 : i32
      %add3A_170 = arith.addi %mul3A_77, %add3A_169 : i32
      %dma_wait3A_171 = arith.constant 0 : i32
      %dma_wait3A_172 = tpu.memref_slice %arg8[%add3A_170, %dma_wait3A_171] : memref<125x80xi32, #tpu.memory_space<vmem>> -> memref<1x80xi32, #tpu.memory_space<vmem>>
      %dma_wait3A_173 = tpu.memref_squeeze %dma_wait3A_172 : memref<1x80xi32, #tpu.memory_space<vmem>> -> memref<80xi32, #tpu.memory_space<vmem>>
      %dma_wait3A_174 = arith.constant 0 : i32
      %dma_wait3A_175 = arith.constant 0 : i32
      %dma_wait3A_176 = tpu.memref_slice %arg15[%dma_wait3A_174, %dma_wait3A_175] : memref<10000x16xf32, #tpu.memory_space<vmem_shared>> -> memref<10000x16xf32, #tpu.memory_space<vmem_shared>>
      tpu.wait_indirect_dma semaphore(%arg22 : memref<!tpu.dma_semaphore, #tpu.memory_space<semaphore_mem>>) src(%arg10 : memref<80x16xf32, #tpu.memory_space<vmem>>) dst(%dma_wait3A_176 : memref<10000x16xf32, #tpu.memory_space<vmem_shared>>)
      %lt3A_177 = arith.constant 24 : i32
      %lt3A_178 = arith.cmpi slt, %scan3A_75, %lt3A_177 : i32
      %convert_element_type3A_179 = arith.extui %lt3A_178 : i1 to i32
      %cond3A_180 = arith.constant 0 : i32
      %cond3A_181 = arith.cmpi ne, %convert_element_type3A_179, %cond3A_180 : i32
      scf.if %cond3A_181 {
        %add3A_221 = arith.constant 5 : i32
        %add3A_222 = arith.addi %mul3A_77, %add3A_221 : i32
        %add3A_223 = arith.constant 1 : i32
        %add3A_224 = arith.addi %add3A_222, %add3A_223 : i32
        %dma_start3A_225 = arith.constant 0 : i32
        %dma_start3A_226 = tpu.memref_slice %arg7[%add3A_224, %dma_start3A_225] : memref<125x80xi32, #tpu.memory_space<vmem>> -> memref<1x80xi32, #tpu.memory_space<vmem>>
        %dma_start3A_227 = tpu.memref_squeeze %dma_start3A_226 : memref<1x80xi32, #tpu.memory_space<vmem>> -> memref<80xi32, #tpu.memory_space<vmem>>
        %dma_start3A_228 = arith.constant 0 : i32
        %dma_start3A_229 = arith.constant 0 : i32
        %dma_start3A_230 = tpu.memref_slice %arg2[%dma_start3A_228, %dma_start3A_229] : memref<10000x16xf32, #tpu.memory_space<hbm>> -> memref<10000x16xf32, #tpu.memory_space<hbm>>
        tpu.enqueue_indirect_dma source(%dma_start3A_230 : memref<10000x16xf32, #tpu.memory_space<hbm>>) target(%arg10 : memref<80x16xf32, #tpu.memory_space<vmem>>) offsets(%dma_start3A_227 : memref<80xi32, #tpu.memory_space<vmem>>) semaphore(%arg17 : memref<!tpu.dma_semaphore, #tpu.memory_space<semaphore_mem>>)
      } else {
      }
      %add3A_182 = arith.constant 2 : i32
      %add3A_183 = arith.addi %mul3A_77, %add3A_182 : i32
      %dma_wait3A_184 = arith.constant 0 : i32
      %dma_wait3A_185 = tpu.memref_slice %arg8[%add3A_183, %dma_wait3A_184] : memref<125x80xi32, #tpu.memory_space<vmem>> -> memref<1x80xi32, #tpu.memory_space<vmem>>
      %dma_wait3A_186 = tpu.memref_squeeze %dma_wait3A_185 : memref<1x80xi32, #tpu.memory_space<vmem>> -> memref<80xi32, #tpu.memory_space<vmem>>
      %dma_wait3A_187 = arith.constant 0 : i32
      %dma_wait3A_188 = arith.constant 0 : i32
      %dma_wait3A_189 = tpu.memref_slice %arg15[%dma_wait3A_187, %dma_wait3A_188] : memref<10000x16xf32, #tpu.memory_space<vmem_shared>> -> memref<10000x16xf32, #tpu.memory_space<vmem_shared>>
      tpu.wait_indirect_dma semaphore(%arg23 : memref<!tpu.dma_semaphore, #tpu.memory_space<semaphore_mem>>) src(%arg11 : memref<80x16xf32, #tpu.memory_space<vmem>>) dst(%dma_wait3A_189 : memref<10000x16xf32, #tpu.memory_space<vmem_shared>>)
      %lt3A_190 = arith.constant 24 : i32
      %lt3A_191 = arith.cmpi slt, %scan3A_75, %lt3A_190 : i32
      %convert_element_type3A_192 = arith.extui %lt3A_191 : i1 to i32
      %cond3A_193 = arith.constant 0 : i32
      %cond3A_194 = arith.cmpi ne, %convert_element_type3A_192, %cond3A_193 : i32
      scf.if %cond3A_194 {
        %add3A_221 = arith.constant 5 : i32
        %add3A_222 = arith.addi %mul3A_77, %add3A_221 : i32
        %add3A_223 = arith.constant 2 : i32
        %add3A_224 = arith.addi %add3A_222, %add3A_223 : i32
        %dma_start3A_225 = arith.constant 0 : i32
        %dma_start3A_226 = tpu.memref_slice %arg7[%add3A_224, %dma_start3A_225] : memref<125x80xi32, #tpu.memory_space<vmem>> -> memref<1x80xi32, #tpu.memory_space<vmem>>
        %dma_start3A_227 = tpu.memref_squeeze %dma_start3A_226 : memref<1x80xi32, #tpu.memory_space<vmem>> -> memref<80xi32, #tpu.memory_space<vmem>>
        %dma_start3A_228 = arith.constant 0 : i32
        %dma_start3A_229 = arith.constant 0 : i32
        %dma_start3A_230 = tpu.memref_slice %arg2[%dma_start3A_228, %dma_start3A_229] : memref<10000x16xf32, #tpu.memory_space<hbm>> -> memref<10000x16xf32, #tpu.memory_space<hbm>>
        tpu.enqueue_indirect_dma source(%dma_start3A_230 : memref<10000x16xf32, #tpu.memory_space<hbm>>) target(%arg11 : memref<80x16xf32, #tpu.memory_space<vmem>>) offsets(%dma_start3A_227 : memref<80xi32, #tpu.memory_space<vmem>>) semaphore(%arg18 : memref<!tpu.dma_semaphore, #tpu.memory_space<semaphore_mem>>)
      } else {
      }
      %add3A_195 = arith.constant 3 : i32
      %add3A_196 = arith.addi %mul3A_77, %add3A_195 : i32
      %dma_wait3A_197 = arith.constant 0 : i32
      %dma_wait3A_198 = tpu.memref_slice %arg8[%add3A_196, %dma_wait3A_197] : memref<125x80xi32, #tpu.memory_space<vmem>> -> memref<1x80xi32, #tpu.memory_space<vmem>>
      %dma_wait3A_199 = tpu.memref_squeeze %dma_wait3A_198 : memref<1x80xi32, #tpu.memory_space<vmem>> -> memref<80xi32, #tpu.memory_space<vmem>>
      %dma_wait3A_200 = arith.constant 0 : i32
      %dma_wait3A_201 = arith.constant 0 : i32
      %dma_wait3A_202 = tpu.memref_slice %arg15[%dma_wait3A_200, %dma_wait3A_201] : memref<10000x16xf32, #tpu.memory_space<vmem_shared>> -> memref<10000x16xf32, #tpu.memory_space<vmem_shared>>
      tpu.wait_indirect_dma semaphore(%arg24 : memref<!tpu.dma_semaphore, #tpu.memory_space<semaphore_mem>>) src(%arg12 : memref<80x16xf32, #tpu.memory_space<vmem>>) dst(%dma_wait3A_202 : memref<10000x16xf32, #tpu.memory_space<vmem_shared>>)
      %lt3A_203 = arith.constant 24 : i32
      %lt3A_204 = arith.cmpi slt, %scan3A_75, %lt3A_203 : i32
      %convert_element_type3A_205 = arith.extui %lt3A_204 : i1 to i32
      %cond3A_206 = arith.constant 0 : i32
      %cond3A_207 = arith.cmpi ne, %convert_element_type3A_205, %cond3A_206 : i32
      scf.if %cond3A_207 {
        %add3A_221 = arith.constant 5 : i32
        %add3A_222 = arith.addi %mul3A_77, %add3A_221 : i32
        %add3A_223 = arith.constant 3 : i32
        %add3A_224 = arith.addi %add3A_222, %add3A_223 : i32
        %dma_start3A_225 = arith.constant 0 : i32
        %dma_start3A_226 = tpu.memref_slice %arg7[%add3A_224, %dma_start3A_225] : memref<125x80xi32, #tpu.memory_space<vmem>> -> memref<1x80xi32, #tpu.memory_space<vmem>>
        %dma_start3A_227 = tpu.memref_squeeze %dma_start3A_226 : memref<1x80xi32, #tpu.memory_space<vmem>> -> memref<80xi32, #tpu.memory_space<vmem>>
        %dma_start3A_228 = arith.constant 0 : i32
        %dma_start3A_229 = arith.constant 0 : i32
        %dma_start3A_230 = tpu.memref_slice %arg2[%dma_start3A_228, %dma_start3A_229] : memref<10000x16xf32, #tpu.memory_space<hbm>> -> memref<10000x16xf32, #tpu.memory_space<hbm>>
        tpu.enqueue_indirect_dma source(%dma_start3A_230 : memref<10000x16xf32, #tpu.memory_space<hbm>>) target(%arg12 : memref<80x16xf32, #tpu.memory_space<vmem>>) offsets(%dma_start3A_227 : memref<80xi32, #tpu.memory_space<vmem>>) semaphore(%arg19 : memref<!tpu.dma_semaphore, #tpu.memory_space<semaphore_mem>>)
      } else {
      }
      %add3A_208 = arith.constant 4 : i32
      %add3A_209 = arith.addi %mul3A_77, %add3A_208 : i32
      %dma_wait3A_210 = arith.constant 0 : i32
      %dma_wait3A_211 = tpu.memref_slice %arg8[%add3A_209, %dma_wait3A_210] : memref<125x80xi32, #tpu.memory_space<vmem>> -> memref<1x80xi32, #tpu.memory_space<vmem>>
      %dma_wait3A_212 = tpu.memref_squeeze %dma_wait3A_211 : memref<1x80xi32, #tpu.memory_space<vmem>> -> memref<80xi32, #tpu.memory_space<vmem>>
      %dma_wait3A_213 = arith.constant 0 : i32
      %dma_wait3A_214 = arith.constant 0 : i32
      %dma_wait3A_215 = tpu.memref_slice %arg15[%dma_wait3A_213, %dma_wait3A_214] : memref<10000x16xf32, #tpu.memory_space<vmem_shared>> -> memref<10000x16xf32, #tpu.memory_space<vmem_shared>>
      tpu.wait_indirect_dma semaphore(%arg25 : memref<!tpu.dma_semaphore, #tpu.memory_space<semaphore_mem>>) src(%arg13 : memref<80x16xf32, #tpu.memory_space<vmem>>) dst(%dma_wait3A_215 : memref<10000x16xf32, #tpu.memory_space<vmem_shared>>)
      %lt3A_216 = arith.constant 24 : i32
      %lt3A_217 = arith.cmpi slt, %scan3A_75, %lt3A_216 : i32
      %convert_element_type3A_218 = arith.extui %lt3A_217 : i1 to i32
      %cond3A_219 = arith.constant 0 : i32
      %cond3A_220 = arith.cmpi ne, %convert_element_type3A_218, %cond3A_219 : i32
      scf.if %cond3A_220 {
        %add3A_221 = arith.constant 5 : i32
        %add3A_222 = arith.addi %mul3A_77, %add3A_221 : i32
        %add3A_223 = arith.constant 4 : i32
        %add3A_224 = arith.addi %add3A_222, %add3A_223 : i32
        %dma_start3A_225 = arith.constant 0 : i32
        %dma_start3A_226 = tpu.memref_slice %arg7[%add3A_224, %dma_start3A_225] : memref<125x80xi32, #tpu.memory_space<vmem>> -> memref<1x80xi32, #tpu.memory_space<vmem>>
        %dma_start3A_227 = tpu.memref_squeeze %dma_start3A_226 : memref<1x80xi32, #tpu.memory_space<vmem>> -> memref<80xi32, #tpu.memory_space<vmem>>
        %dma_start3A_228 = arith.constant 0 : i32
        %dma_start3A_229 = arith.constant 0 : i32
        %dma_start3A_230 = tpu.memref_slice %arg2[%dma_start3A_228, %dma_start3A_229] : memref<10000x16xf32, #tpu.memory_space<hbm>> -> memref<10000x16xf32, #tpu.memory_space<hbm>>
        tpu.enqueue_indirect_dma source(%dma_start3A_230 : memref<10000x16xf32, #tpu.memory_space<hbm>>) target(%arg13 : memref<80x16xf32, #tpu.memory_space<vmem>>) offsets(%dma_start3A_227 : memref<80xi32, #tpu.memory_space<vmem>>) semaphore(%arg20 : memref<!tpu.dma_semaphore, #tpu.memory_space<semaphore_mem>>)
      } else {
      }
    }
    %scan3A_66 = arith.constant 25 : i32
    %barrier3A_67 = arith.constant 0 : index
    tpu.barrier barrier_id(%barrier3A_67)
    %eq3A = arith.constant 0 : i32
    %eq3A_68 = arith.cmpi eq, %arg0, %eq3A : i32
    %convert_element_type3A = arith.extui %eq3A_68 : i1 to i32
    %cond3A = arith.constant 0 : i32
    %cond3A_69 = arith.cmpi ne, %convert_element_type3A, %cond3A : i32
    scf.if %cond3A_69 {
      %mul3A_75 = arith.constant 625 : i32
      %mul3A_76 = arith.muli %arg1, %mul3A_75 : i32
      %add3A_77 = arith.constant 0 : i32
      %add3A_78 = arith.addi %mul3A_76, %add3A_77 : i32
      "tpu.region"() ({
        %run_scoped3A = tpu.sem_alloc : memref<!tpu.dma_semaphore, #tpu.memory_space<semaphore_mem>>
        %dma_start3A_95 = arith.constant 0 : i32
        %dma_start3A_96 = tpu.memref_slice %arg5[%add3A_78, %dma_start3A_95] : memref<10000x16xf32, #tpu.memory_space<hbm>> -> memref<125x16xf32, #tpu.memory_space<hbm>>
        %dma_start3A_97 = arith.constant 0 : i32
        %dma_start3A_98 = tpu.memref_slice %arg15[%add3A_78, %dma_start3A_97] : memref<10000x16xf32, #tpu.memory_space<vmem_shared>> -> memref<125x16xf32, #tpu.memory_space<vmem_shared>>
        tpu.enqueue_dma source(%dma_start3A_98 : memref<125x16xf32, #tpu.memory_space<vmem_shared>>) target(%dma_start3A_96 : memref<125x16xf32, #tpu.memory_space<hbm>>) target_semaphore(%run_scoped3A : memref<!tpu.dma_semaphore, #tpu.memory_space<semaphore_mem>>)
        %dma_wait3A = arith.constant 0 : i32
        %dma_wait3A_99 = tpu.memref_slice %arg5[%add3A_78, %dma_wait3A] : memref<10000x16xf32, #tpu.memory_space<hbm>> -> memref<125x16xf32, #tpu.memory_space<hbm>>
        %dma_wait3A_100 = arith.constant 0 : i32
        %dma_wait3A_101 = tpu.memref_slice %arg15[%add3A_78, %dma_wait3A_100] : memref<10000x16xf32, #tpu.memory_space<vmem_shared>> -> memref<125x16xf32, #tpu.memory_space<vmem_shared>>
        tpu.wait_dma2 semaphore(%run_scoped3A : memref<!tpu.dma_semaphore, #tpu.memory_space<semaphore_mem>>) src(%dma_wait3A_101 : memref<125x16xf32, #tpu.memory_space<vmem_shared>>) dst(%dma_wait3A_99 : memref<125x16xf32, #tpu.memory_space<hbm>>)
        tpu.yield
      }) : () -> ()
      %mul3A_79 = arith.constant 625 : i32
      %mul3A_80 = arith.muli %arg1, %mul3A_79 : i32
      %add3A_81 = arith.constant 125 : i32
      %add3A_82 = arith.addi %mul3A_80, %add3A_81 : i32
      "tpu.region"() ({
        %run_scoped3A = tpu.sem_alloc : memref<!tpu.dma_semaphore, #tpu.memory_space<semaphore_mem>>
        %dma_start3A_95 = arith.constant 0 : i32
        %dma_start3A_96 = tpu.memref_slice %arg5[%add3A_82, %dma_start3A_95] : memref<10000x16xf32, #tpu.memory_space<hbm>> -> memref<125x16xf32, #tpu.memory_space<hbm>>
        %dma_start3A_97 = arith.constant 0 : i32
        %dma_start3A_98 = tpu.memref_slice %arg15[%add3A_82, %dma_start3A_97] : memref<10000x16xf32, #tpu.memory_space<vmem_shared>> -> memref<125x16xf32, #tpu.memory_space<vmem_shared>>
        tpu.enqueue_dma source(%dma_start3A_98 : memref<125x16xf32, #tpu.memory_space<vmem_shared>>) target(%dma_start3A_96 : memref<125x16xf32, #tpu.memory_space<hbm>>) target_semaphore(%run_scoped3A : memref<!tpu.dma_semaphore, #tpu.memory_space<semaphore_mem>>)
        %dma_wait3A = arith.constant 0 : i32
        %dma_wait3A_99 = tpu.memref_slice %arg5[%add3A_82, %dma_wait3A] : memref<10000x16xf32, #tpu.memory_space<hbm>> -> memref<125x16xf32, #tpu.memory_space<hbm>>
        %dma_wait3A_100 = arith.constant 0 : i32
        %dma_wait3A_101 = tpu.memref_slice %arg15[%add3A_82, %dma_wait3A_100] : memref<10000x16xf32, #tpu.memory_space<vmem_shared>> -> memref<125x16xf32, #tpu.memory_space<vmem_shared>>
        tpu.wait_dma2 semaphore(%run_scoped3A : memref<!tpu.dma_semaphore, #tpu.memory_space<semaphore_mem>>) src(%dma_wait3A_101 : memref<125x16xf32, #tpu.memory_space<vmem_shared>>) dst(%dma_wait3A_99 : memref<125x16xf32, #tpu.memory_space<hbm>>)
        tpu.yield
      }) : () -> ()
      %mul3A_83 = arith.constant 625 : i32
      %mul3A_84 = arith.muli %arg1, %mul3A_83 : i32
      %add3A_85 = arith.constant 250 : i32
      %add3A_86 = arith.addi %mul3A_84, %add3A_85 : i32
      "tpu.region"() ({
        %run_scoped3A = tpu.sem_alloc : memref<!tpu.dma_semaphore, #tpu.memory_space<semaphore_mem>>
        %dma_start3A_95 = arith.constant 0 : i32
        %dma_start3A_96 = tpu.memref_slice %arg5[%add3A_86, %dma_start3A_95] : memref<10000x16xf32, #tpu.memory_space<hbm>> -> memref<125x16xf32, #tpu.memory_space<hbm>>
        %dma_start3A_97 = arith.constant 0 : i32
        %dma_start3A_98 = tpu.memref_slice %arg15[%add3A_86, %dma_start3A_97] : memref<10000x16xf32, #tpu.memory_space<vmem_shared>> -> memref<125x16xf32, #tpu.memory_space<vmem_shared>>
        tpu.enqueue_dma source(%dma_start3A_98 : memref<125x16xf32, #tpu.memory_space<vmem_shared>>) target(%dma_start3A_96 : memref<125x16xf32, #tpu.memory_space<hbm>>) target_semaphore(%run_scoped3A : memref<!tpu.dma_semaphore, #tpu.memory_space<semaphore_mem>>)
        %dma_wait3A = arith.constant 0 : i32
        %dma_wait3A_99 = tpu.memref_slice %arg5[%add3A_86, %dma_wait3A] : memref<10000x16xf32, #tpu.memory_space<hbm>> -> memref<125x16xf32, #tpu.memory_space<hbm>>
        %dma_wait3A_100 = arith.constant 0 : i32
        %dma_wait3A_101 = tpu.memref_slice %arg15[%add3A_86, %dma_wait3A_100] : memref<10000x16xf32, #tpu.memory_space<vmem_shared>> -> memref<125x16xf32, #tpu.memory_space<vmem_shared>>
        tpu.wait_dma2 semaphore(%run_scoped3A : memref<!tpu.dma_semaphore, #tpu.memory_space<semaphore_mem>>) src(%dma_wait3A_101 : memref<125x16xf32, #tpu.memory_space<vmem_shared>>) dst(%dma_wait3A_99 : memref<125x16xf32, #tpu.memory_space<hbm>>)
        tpu.yield
      }) : () -> ()
      %mul3A_87 = arith.constant 625 : i32
      %mul3A_88 = arith.muli %arg1, %mul3A_87 : i32
      %add3A_89 = arith.constant 375 : i32
      %add3A_90 = arith.addi %mul3A_88, %add3A_89 : i32
      "tpu.region"() ({
        %run_scoped3A = tpu.sem_alloc : memref<!tpu.dma_semaphore, #tpu.memory_space<semaphore_mem>>
        %dma_start3A_95 = arith.constant 0 : i32
        %dma_start3A_96 = tpu.memref_slice %arg5[%add3A_90, %dma_start3A_95] : memref<10000x16xf32, #tpu.memory_space<hbm>> -> memref<125x16xf32, #tpu.memory_space<hbm>>
        %dma_start3A_97 = arith.constant 0 : i32
        %dma_start3A_98 = tpu.memref_slice %arg15[%add3A_90, %dma_start3A_97] : memref<10000x16xf32, #tpu.memory_space<vmem_shared>> -> memref<125x16xf32, #tpu.memory_space<vmem_shared>>
        tpu.enqueue_dma source(%dma_start3A_98 : memref<125x16xf32, #tpu.memory_space<vmem_shared>>) target(%dma_start3A_96 : memref<125x16xf32, #tpu.memory_space<hbm>>) target_semaphore(%run_scoped3A : memref<!tpu.dma_semaphore, #tpu.memory_space<semaphore_mem>>)
        %dma_wait3A = arith.constant 0 : i32
        %dma_wait3A_99 = tpu.memref_slice %arg5[%add3A_90, %dma_wait3A] : memref<10000x16xf32, #tpu.memory_space<hbm>> -> memref<125x16xf32, #tpu.memory_space<hbm>>
        %dma_wait3A_100 = arith.constant 0 : i32
        %dma_wait3A_101 = tpu.memref_slice %arg15[%add3A_90, %dma_wait3A_100] : memref<10000x16xf32, #tpu.memory_space<vmem_shared>> -> memref<125x16xf32, #tpu.memory_space<vmem_shared>>
        tpu.wait_dma2 semaphore(%run_scoped3A : memref<!tpu.dma_semaphore, #tpu.memory_space<semaphore_mem>>) src(%dma_wait3A_101 : memref<125x16xf32, #tpu.memory_space<vmem_shared>>) dst(%dma_wait3A_99 : memref<125x16xf32, #tpu.memory_space<hbm>>)
        tpu.yield
      }) : () -> ()
      %mul3A_91 = arith.constant 625 : i32
      %mul3A_92 = arith.muli %arg1, %mul3A_91 : i32
      %add3A_93 = arith.constant 500 : i32
      %add3A_94 = arith.addi %mul3A_92, %add3A_93 : i32
      "tpu.region"() ({
        %run_scoped3A = tpu.sem_alloc : memref<!tpu.dma_semaphore, #tpu.memory_space<semaphore_mem>>
        %dma_start3A_95 = arith.constant 0 : i32
        %dma_start3A_96 = tpu.memref_slice %arg5[%add3A_94, %dma_start3A_95] : memref<10000x16xf32, #tpu.memory_space<hbm>> -> memref<125x16xf32, #tpu.memory_space<hbm>>
        %dma_start3A_97 = arith.constant 0 : i32
        %dma_start3A_98 = tpu.memref_slice %arg15[%add3A_94, %dma_start3A_97] : memref<10000x16xf32, #tpu.memory_space<vmem_shared>> -> memref<125x16xf32, #tpu.memory_space<vmem_shared>>
        tpu.enqueue_dma source(%dma_start3A_98 : memref<125x16xf32, #tpu.memory_space<vmem_shared>>) target(%dma_start3A_96 : memref<125x16xf32, #tpu.memory_space<hbm>>) target_semaphore(%run_scoped3A : memref<!tpu.dma_semaphore, #tpu.memory_space<semaphore_mem>>)
        %dma_wait3A = arith.constant 0 : i32
        %dma_wait3A_99 = tpu.memref_slice %arg5[%add3A_94, %dma_wait3A] : memref<10000x16xf32, #tpu.memory_space<hbm>> -> memref<125x16xf32, #tpu.memory_space<hbm>>
        %dma_wait3A_100 = arith.constant 0 : i32
        %dma_wait3A_101 = tpu.memref_slice %arg15[%add3A_94, %dma_wait3A_100] : memref<10000x16xf32, #tpu.memory_space<vmem_shared>> -> memref<125x16xf32, #tpu.memory_space<vmem_shared>>
        tpu.wait_dma2 semaphore(%run_scoped3A : memref<!tpu.dma_semaphore, #tpu.memory_space<semaphore_mem>>) src(%dma_wait3A_101 : memref<125x16xf32, #tpu.memory_space<vmem_shared>>) dst(%dma_wait3A_99 : memref<125x16xf32, #tpu.memory_space<hbm>>)
        tpu.yield
      }) : () -> ()
    } else {
    }
    %eq3A_70 = arith.constant 1 : i32
    %eq3A_71 = arith.cmpi eq, %arg0, %eq3A_70 : i32
    %convert_element_type3A_72 = arith.extui %eq3A_71 : i1 to i32
    %cond3A_73 = arith.constant 0 : i32
    %cond3A_74 = arith.cmpi ne, %convert_element_type3A_72, %cond3A_73 : i32
    scf.if %cond3A_74 {
      %mul3A_75 = arith.constant 625 : i32
      %mul3A_76 = arith.muli %arg1, %mul3A_75 : i32
      %add3A_77 = arith.constant 0 : i32
      %add3A_78 = arith.addi %mul3A_76, %add3A_77 : i32
      "tpu.region"() ({
        %run_scoped3A = tpu.sem_alloc : memref<!tpu.dma_semaphore, #tpu.memory_space<semaphore_mem>>
        %dma_start3A_95 = arith.constant 0 : i32
        %dma_start3A_96 = tpu.memref_slice %arg6[%add3A_78, %dma_start3A_95] : memref<10000x16xf32, #tpu.memory_space<hbm>> -> memref<125x16xf32, #tpu.memory_space<hbm>>
        %dma_start3A_97 = arith.constant 0 : i32
        %dma_start3A_98 = tpu.memref_slice %arg15[%add3A_78, %dma_start3A_97] : memref<10000x16xf32, #tpu.memory_space<vmem_shared>> -> memref<125x16xf32, #tpu.memory_space<vmem_shared>>
        tpu.enqueue_dma source(%dma_start3A_98 : memref<125x16xf32, #tpu.memory_space<vmem_shared>>) target(%dma_start3A_96 : memref<125x16xf32, #tpu.memory_space<hbm>>) target_semaphore(%run_scoped3A : memref<!tpu.dma_semaphore, #tpu.memory_space<semaphore_mem>>)
        %dma_wait3A = arith.constant 0 : i32
        %dma_wait3A_99 = tpu.memref_slice %arg6[%add3A_78, %dma_wait3A] : memref<10000x16xf32, #tpu.memory_space<hbm>> -> memref<125x16xf32, #tpu.memory_space<hbm>>
        %dma_wait3A_100 = arith.constant 0 : i32
        %dma_wait3A_101 = tpu.memref_slice %arg15[%add3A_78, %dma_wait3A_100] : memref<10000x16xf32, #tpu.memory_space<vmem_shared>> -> memref<125x16xf32, #tpu.memory_space<vmem_shared>>
        tpu.wait_dma2 semaphore(%run_scoped3A : memref<!tpu.dma_semaphore, #tpu.memory_space<semaphore_mem>>) src(%dma_wait3A_101 : memref<125x16xf32, #tpu.memory_space<vmem_shared>>) dst(%dma_wait3A_99 : memref<125x16xf32, #tpu.memory_space<hbm>>)
        tpu.yield
      }) : () -> ()
      %mul3A_79 = arith.constant 625 : i32
      %mul3A_80 = arith.muli %arg1, %mul3A_79 : i32
      %add3A_81 = arith.constant 125 : i32
      %add3A_82 = arith.addi %mul3A_80, %add3A_81 : i32
      "tpu.region"() ({
        %run_scoped3A = tpu.sem_alloc : memref<!tpu.dma_semaphore, #tpu.memory_space<semaphore_mem>>
        %dma_start3A_95 = arith.constant 0 : i32
        %dma_start3A_96 = tpu.memref_slice %arg6[%add3A_82, %dma_start3A_95] : memref<10000x16xf32, #tpu.memory_space<hbm>> -> memref<125x16xf32, #tpu.memory_space<hbm>>
        %dma_start3A_97 = arith.constant 0 : i32
        %dma_start3A_98 = tpu.memref_slice %arg15[%add3A_82, %dma_start3A_97] : memref<10000x16xf32, #tpu.memory_space<vmem_shared>> -> memref<125x16xf32, #tpu.memory_space<vmem_shared>>
        tpu.enqueue_dma source(%dma_start3A_98 : memref<125x16xf32, #tpu.memory_space<vmem_shared>>) target(%dma_start3A_96 : memref<125x16xf32, #tpu.memory_space<hbm>>) target_semaphore(%run_scoped3A : memref<!tpu.dma_semaphore, #tpu.memory_space<semaphore_mem>>)
        %dma_wait3A = arith.constant 0 : i32
        %dma_wait3A_99 = tpu.memref_slice %arg6[%add3A_82, %dma_wait3A] : memref<10000x16xf32, #tpu.memory_space<hbm>> -> memref<125x16xf32, #tpu.memory_space<hbm>>
        %dma_wait3A_100 = arith.constant 0 : i32
        %dma_wait3A_101 = tpu.memref_slice %arg15[%add3A_82, %dma_wait3A_100] : memref<10000x16xf32, #tpu.memory_space<vmem_shared>> -> memref<125x16xf32, #tpu.memory_space<vmem_shared>>
        tpu.wait_dma2 semaphore(%run_scoped3A : memref<!tpu.dma_semaphore, #tpu.memory_space<semaphore_mem>>) src(%dma_wait3A_101 : memref<125x16xf32, #tpu.memory_space<vmem_shared>>) dst(%dma_wait3A_99 : memref<125x16xf32, #tpu.memory_space<hbm>>)
        tpu.yield
      }) : () -> ()
      %mul3A_83 = arith.constant 625 : i32
      %mul3A_84 = arith.muli %arg1, %mul3A_83 : i32
      %add3A_85 = arith.constant 250 : i32
      %add3A_86 = arith.addi %mul3A_84, %add3A_85 : i32
      "tpu.region"() ({
        %run_scoped3A = tpu.sem_alloc : memref<!tpu.dma_semaphore, #tpu.memory_space<semaphore_mem>>
        %dma_start3A_95 = arith.constant 0 : i32
        %dma_start3A_96 = tpu.memref_slice %arg6[%add3A_86, %dma_start3A_95] : memref<10000x16xf32, #tpu.memory_space<hbm>> -> memref<125x16xf32, #tpu.memory_space<hbm>>
        %dma_start3A_97 = arith.constant 0 : i32
        %dma_start3A_98 = tpu.memref_slice %arg15[%add3A_86, %dma_start3A_97] : memref<10000x16xf32, #tpu.memory_space<vmem_shared>> -> memref<125x16xf32, #tpu.memory_space<vmem_shared>>
        tpu.enqueue_dma source(%dma_start3A_98 : memref<125x16xf32, #tpu.memory_space<vmem_shared>>) target(%dma_start3A_96 : memref<125x16xf32, #tpu.memory_space<hbm>>) target_semaphore(%run_scoped3A : memref<!tpu.dma_semaphore, #tpu.memory_space<semaphore_mem>>)
        %dma_wait3A = arith.constant 0 : i32
        %dma_wait3A_99 = tpu.memref_slice %arg6[%add3A_86, %dma_wait3A] : memref<10000x16xf32, #tpu.memory_space<hbm>> -> memref<125x16xf32, #tpu.memory_space<hbm>>
        %dma_wait3A_100 = arith.constant 0 : i32
        %dma_wait3A_101 = tpu.memref_slice %arg15[%add3A_86, %dma_wait3A_100] : memref<10000x16xf32, #tpu.memory_space<vmem_shared>> -> memref<125x16xf32, #tpu.memory_space<vmem_shared>>
        tpu.wait_dma2 semaphore(%run_scoped3A : memref<!tpu.dma_semaphore, #tpu.memory_space<semaphore_mem>>) src(%dma_wait3A_101 : memref<125x16xf32, #tpu.memory_space<vmem_shared>>) dst(%dma_wait3A_99 : memref<125x16xf32, #tpu.memory_space<hbm>>)
        tpu.yield
      }) : () -> ()
      %mul3A_87 = arith.constant 625 : i32
      %mul3A_88 = arith.muli %arg1, %mul3A_87 : i32
      %add3A_89 = arith.constant 375 : i32
      %add3A_90 = arith.addi %mul3A_88, %add3A_89 : i32
      "tpu.region"() ({
        %run_scoped3A = tpu.sem_alloc : memref<!tpu.dma_semaphore, #tpu.memory_space<semaphore_mem>>
        %dma_start3A_95 = arith.constant 0 : i32
        %dma_start3A_96 = tpu.memref_slice %arg6[%add3A_90, %dma_start3A_95] : memref<10000x16xf32, #tpu.memory_space<hbm>> -> memref<125x16xf32, #tpu.memory_space<hbm>>
        %dma_start3A_97 = arith.constant 0 : i32
        %dma_start3A_98 = tpu.memref_slice %arg15[%add3A_90, %dma_start3A_97] : memref<10000x16xf32, #tpu.memory_space<vmem_shared>> -> memref<125x16xf32, #tpu.memory_space<vmem_shared>>
        tpu.enqueue_dma source(%dma_start3A_98 : memref<125x16xf32, #tpu.memory_space<vmem_shared>>) target(%dma_start3A_96 : memref<125x16xf32, #tpu.memory_space<hbm>>) target_semaphore(%run_scoped3A : memref<!tpu.dma_semaphore, #tpu.memory_space<semaphore_mem>>)
        %dma_wait3A = arith.constant 0 : i32
        %dma_wait3A_99 = tpu.memref_slice %arg6[%add3A_90, %dma_wait3A] : memref<10000x16xf32, #tpu.memory_space<hbm>> -> memref<125x16xf32, #tpu.memory_space<hbm>>
        %dma_wait3A_100 = arith.constant 0 : i32
        %dma_wait3A_101 = tpu.memref_slice %arg15[%add3A_90, %dma_wait3A_100] : memref<10000x16xf32, #tpu.memory_space<vmem_shared>> -> memref<125x16xf32, #tpu.memory_space<vmem_shared>>
        tpu.wait_dma2 semaphore(%run_scoped3A : memref<!tpu.dma_semaphore, #tpu.memory_space<semaphore_mem>>) src(%dma_wait3A_101 : memref<125x16xf32, #tpu.memory_space<vmem_shared>>) dst(%dma_wait3A_99 : memref<125x16xf32, #tpu.memory_space<hbm>>)
        tpu.yield
      }) : () -> ()
      %mul3A_91 = arith.constant 625 : i32
      %mul3A_92 = arith.muli %arg1, %mul3A_91 : i32
      %add3A_93 = arith.constant 500 : i32
      %add3A_94 = arith.addi %mul3A_92, %add3A_93 : i32
      "tpu.region"() ({
        %run_scoped3A = tpu.sem_alloc : memref<!tpu.dma_semaphore, #tpu.memory_space<semaphore_mem>>
        %dma_start3A_95 = arith.constant 0 : i32
        %dma_start3A_96 = tpu.memref_slice %arg6[%add3A_94, %dma_start3A_95] : memref<10000x16xf32, #tpu.memory_space<hbm>> -> memref<125x16xf32, #tpu.memory_space<hbm>>
        %dma_start3A_97 = arith.constant 0 : i32
        %dma_start3A_98 = tpu.memref_slice %arg15[%add3A_94, %dma_start3A_97] : memref<10000x16xf32, #tpu.memory_space<vmem_shared>> -> memref<125x16xf32, #tpu.memory_space<vmem_shared>>
        tpu.enqueue_dma source(%dma_start3A_98 : memref<125x16xf32, #tpu.memory_space<vmem_shared>>) target(%dma_start3A_96 : memref<125x16xf32, #tpu.memory_space<hbm>>) target_semaphore(%run_scoped3A : memref<!tpu.dma_semaphore, #tpu.memory_space<semaphore_mem>>)
        %dma_wait3A = arith.constant 0 : i32
        %dma_wait3A_99 = tpu.memref_slice %arg6[%add3A_94, %dma_wait3A] : memref<10000x16xf32, #tpu.memory_space<hbm>> -> memref<125x16xf32, #tpu.memory_space<hbm>>
        %dma_wait3A_100 = arith.constant 0 : i32
        %dma_wait3A_101 = tpu.memref_slice %arg15[%add3A_94, %dma_wait3A_100] : memref<10000x16xf32, #tpu.memory_space<vmem_shared>> -> memref<125x16xf32, #tpu.memory_space<vmem_shared>>
        tpu.wait_dma2 semaphore(%run_scoped3A : memref<!tpu.dma_semaphore, #tpu.memory_space<semaphore_mem>>) src(%dma_wait3A_101 : memref<125x16xf32, #tpu.memory_space<vmem_shared>>) dst(%dma_wait3A_99 : memref<125x16xf32, #tpu.memory_space<hbm>>)
        tpu.yield
      }) : () -> ()
    } else {
    }
    return
  }
}

module attributes {stable_mosaic.version = 14 : i64} {
  func.func @body(%arg0: i32, %arg1: memref<2000x128xf32, #tpu.memory_space<vmem>>, %arg2: memref<2000x16xf32, #tpu.memory_space<vmem>>, %arg3: memref<2000x16xf32, #tpu.memory_space<vmem>>, %arg4: memref<1x128xf32, #tpu.memory_space<vmem>>, %arg5: memref<1x128xf32, #tpu.memory_space<vmem>>, %arg6: memref<4x128x128xf32, #tpu.memory_space<vmem>>, %arg7: memref<128x128xf32, #tpu.memory_space<vmem>>, %arg8: memref<1x128xf32, #tpu.memory_space<vmem>>, %arg9: memref<2000x128xf32, #tpu.memory_space<vmem>>) attributes {dimension_semantics = [#tpu.dimension_semantics<arbitrary>], iteration_bounds = array<i64: 5>, scalar_prefetch = 0 : i64, scratch_operands = 0 : i64, tpu.core_type = #tpu.core_type<tc>, window_params = [{transform_indices = @transform_0, window_bounds = array<i64: 2000, 128>}, {transform_indices = @transform_1, window_bounds = array<i64: 2000, 16>}, {transform_indices = @transform_2, window_bounds = array<i64: 2000, 16>}, {pipeline_mode = #tpu.pipeline_mode<synchronous>, transform_indices = @transform_3, window_bounds = array<i64: 1, 128>}, {pipeline_mode = #tpu.pipeline_mode<synchronous>, transform_indices = @transform_4, window_bounds = array<i64: 1, 128>}, {pipeline_mode = #tpu.pipeline_mode<synchronous>, transform_indices = @transform_5, window_bounds = array<i64: 4, 128, 128>}, {pipeline_mode = #tpu.pipeline_mode<synchronous>, transform_indices = @transform_6, window_bounds = array<i64: 128, 128>}, {pipeline_mode = #tpu.pipeline_mode<synchronous>, transform_indices = @transform_7, window_bounds = array<i64: 1, 128>}, {transform_indices = @transform_8, window_bounds = array<i64: 2000, 128>}]} {
    %get3A = arith.constant 0 : index
    %get3A_0 = arith.constant 0 : index
    %get3A_1 = vector.load %arg2[%get3A, %get3A_0] : memref<2000x16xf32, #tpu.memory_space<vmem>>, vector<2000x16xf32>
    %get3A_2 = arith.constant 0 : index
    %get3A_3 = arith.constant 0 : index
    %get3A_4 = vector.load %arg3[%get3A_2, %get3A_3] : memref<2000x16xf32, #tpu.memory_space<vmem>>, vector<2000x16xf32>
    %slice3A = vector.extract_strided_slice %get3A_1 {offsets = [0, 0], sizes = [2000, 1], strides = [1, 1]} : vector<2000x16xf32> to vector<2000x1xf32>
    %slice3A_5 = vector.extract_strided_slice %get3A_4 {offsets = [0, 0], sizes = [2000, 1], strides = [1, 1]} : vector<2000x16xf32> to vector<2000x1xf32>
    %add3A = arith.addf %slice3A, %slice3A_5 : vector<2000x1xf32>
    %add3A_6 = arith.constant 1.000000e+00 : f32
    %add3A_7 = vector.broadcast %add3A_6 : f32 to vector<2000x1xf32>
    %add3A_8 = arith.addf %add3A, %add3A_7 : vector<2000x1xf32>
    %rsqrt3A = math.rsqrt %add3A_8 : vector<2000x1xf32>
    %get3A_9 = arith.constant 0 : index
    %get3A_10 = arith.constant 0 : index
    %get3A_11 = vector.load %arg1[%get3A_9, %get3A_10] : memref<2000x128xf32, #tpu.memory_space<vmem>>, vector<2000x128xf32>
    %get3A_12 = arith.constant 0 : index
    %get3A_13 = arith.constant 0 : index
    %get3A_14 = vector.load %arg4[%get3A_12, %get3A_13] : memref<1x128xf32, #tpu.memory_space<vmem>>, vector<1x128xf32>
    %get3A_15 = arith.constant 0 : index
    %get3A_16 = arith.constant 0 : index
    %get3A_17 = vector.load %arg5[%get3A_15, %get3A_16] : memref<1x128xf32, #tpu.memory_space<vmem>>, vector<1x128xf32>
    %get3A_18 = arith.constant 0 : index
    %get3A_19 = arith.constant 0 : index
    %get3A_20 = arith.constant 0 : index
    %get3A_21 = vector.load %arg6[%get3A_18, %get3A_19, %get3A_20] : memref<4x128x128xf32, #tpu.memory_space<vmem>>, vector<4x128x128xf32>
    %get3A_22 = arith.constant 0 : index
    %get3A_23 = arith.constant 0 : index
    %get3A_24 = vector.load %arg7[%get3A_22, %get3A_23] : memref<128x128xf32, #tpu.memory_space<vmem>>, vector<128x128xf32>
    %get3A_25 = arith.constant 0 : index
    %get3A_26 = arith.constant 0 : index
    %get3A_27 = vector.load %arg8[%get3A_25, %get3A_26] : memref<1x128xf32, #tpu.memory_space<vmem>>, vector<1x128xf32>
    %reduce_sum3A = arith.constant dense<0.000000e+00> : vector<2000xf32>
    %reduce_sum3A_28 = vector.multi_reduction <add>, %get3A_11, %reduce_sum3A [1] : vector<2000x128xf32> to vector<2000xf32>
    %broadcast_in_dim3A = vector.shape_cast %reduce_sum3A_28 : vector<2000xf32> to vector<2000x1xf32>
    %div3A = arith.constant 1.280000e+02 : f32
    %div3A_29 = vector.broadcast %div3A : f32 to vector<2000x1xf32>
    %div3A_30 = arith.divf %broadcast_in_dim3A, %div3A_29 : vector<2000x1xf32>
    %sub3A = vector.broadcast %div3A_30 : vector<2000x1xf32> to vector<2000x128xf32>
    %sub3A_31 = arith.subf %get3A_11, %sub3A : vector<2000x128xf32>
    %integer_pow3A = arith.mulf %sub3A_31, %sub3A_31 : vector<2000x128xf32>
    %reduce_sum3A_32 = arith.constant dense<0.000000e+00> : vector<2000xf32>
    %reduce_sum3A_33 = vector.multi_reduction <add>, %integer_pow3A, %reduce_sum3A_32 [1] : vector<2000x128xf32> to vector<2000xf32>
    %broadcast_in_dim3A_34 = vector.shape_cast %reduce_sum3A_33 : vector<2000xf32> to vector<2000x1xf32>
    %div3A_35 = arith.constant 1.280000e+02 : f32
    %div3A_36 = vector.broadcast %div3A_35 : f32 to vector<2000x1xf32>
    %div3A_37 = arith.divf %broadcast_in_dim3A_34, %div3A_36 : vector<2000x1xf32>
    %sub3A_38 = vector.broadcast %div3A_30 : vector<2000x1xf32> to vector<2000x128xf32>
    %sub3A_39 = arith.subf %get3A_11, %sub3A_38 : vector<2000x128xf32>
    %add3A_40 = arith.constant 9.99999974E-6 : f32
    %add3A_41 = vector.broadcast %add3A_40 : f32 to vector<2000x1xf32>
    %add3A_42 = arith.addf %div3A_37, %add3A_41 : vector<2000x1xf32>
    %rsqrt3A_43 = math.rsqrt %add3A_42 : vector<2000x1xf32>
    %mul3A = vector.broadcast %rsqrt3A_43 : vector<2000x1xf32> to vector<2000x128xf32>
    %mul3A_44 = arith.mulf %sub3A_39, %mul3A : vector<2000x128xf32>
    %mul3A_45 = vector.broadcast %get3A_14 : vector<1x128xf32> to vector<2000x128xf32>
    %mul3A_46 = arith.mulf %mul3A_44, %mul3A_45 : vector<2000x128xf32>
    %add3A_47 = vector.broadcast %get3A_17 : vector<1x128xf32> to vector<2000x128xf32>
    %add3A_48 = arith.addf %mul3A_46, %add3A_47 : vector<2000x128xf32>
    %logistic3A = arith.negf %get3A_11 : vector<2000x128xf32>
    %logistic3A_49 = math.exp %logistic3A : vector<2000x128xf32>
    %logistic3A_50 = arith.constant 1.000000e+00 : f32
    %logistic3A_51 = vector.broadcast %logistic3A_50 : f32 to vector<2000x128xf32>
    %logistic3A_52 = arith.addf %logistic3A_51, %logistic3A_49 : vector<2000x128xf32>
    %logistic3A_53 = arith.divf %logistic3A_51, %logistic3A_52 : vector<2000x128xf32>
    %mul3A_54 = arith.mulf %get3A_11, %logistic3A_53 : vector<2000x128xf32>
    %dot_general3A = arith.constant dense<0.000000e+00> : vector<2000x128xf32>
    %dot_general3A_55 = tpu.matmul %mul3A_54, %get3A_24, %dot_general3A {dimension_numbers = #tpu.dot_dimension_numbers<[1], [0], [0], [1], [0, 0, 1, 1], [], []>, transpose_lhs_hint = false} : vector<2000x128xf32>, vector<128x128xf32>, vector<2000x128xf32> -> vector<2000x128xf32>
    %add3A_56 = vector.broadcast %get3A_27 : vector<1x128xf32> to vector<2000x128xf32>
    %add3A_57 = arith.addf %dot_general3A_55, %add3A_56 : vector<2000x128xf32>
    %sub3A_58 = arith.constant -2.000000e+00 : f32
    %sub3A_59 = vector.broadcast %sub3A_58 : f32 to vector<2000x128xf32>
    %sub3A_60 = arith.subf %add3A_48, %sub3A_59 : vector<2000x128xf32>
    %mul3A_61 = arith.constant 7.500000e-01 : f32
    %mul3A_62 = vector.broadcast %mul3A_61 : f32 to vector<2000x128xf32>
    %mul3A_63 = arith.mulf %sub3A_60, %mul3A_62 : vector<2000x128xf32>
    %integer_pow3A_64 = arith.mulf %mul3A_63, %mul3A_63 : vector<2000x128xf32>
    %neg3A = arith.constant 0.000000e+00 : f32
    %neg3A_65 = vector.broadcast %neg3A : f32 to vector<2000x128xf32>
    %neg3A_66 = arith.subf %neg3A_65, %integer_pow3A_64 : vector<2000x128xf32>
    %exp3A = math.exp %neg3A_66 : vector<2000x128xf32>
    %slice3A_67 = vector.extract_strided_slice %get3A_21 {offsets = [0, 0, 0], sizes = [1, 128, 128], strides = [1, 1, 1]} : vector<4x128x128xf32> to vector<1x128x128xf32>
    %squeeze3A = vector.shape_cast %slice3A_67 : vector<1x128x128xf32> to vector<128x128xf32>
    %dot_general3A_68 = arith.constant dense<0.000000e+00> : vector<2000x128xf32>
    %dot_general3A_69 = tpu.matmul %exp3A, %squeeze3A, %dot_general3A_68 {dimension_numbers = #tpu.dot_dimension_numbers<[1], [0], [0], [1], [0, 0, 1, 1], [], []>, transpose_lhs_hint = false} : vector<2000x128xf32>, vector<128x128xf32>, vector<2000x128xf32> -> vector<2000x128xf32>
    %add3A_70 = arith.addf %add3A_57, %dot_general3A_69 : vector<2000x128xf32>
    %sub3A_71 = arith.constant -0.666666686 : f32
    %sub3A_72 = vector.broadcast %sub3A_71 : f32 to vector<2000x128xf32>
    %sub3A_73 = arith.subf %add3A_48, %sub3A_72 : vector<2000x128xf32>
    %mul3A_74 = arith.constant 7.500000e-01 : f32
    %mul3A_75 = vector.broadcast %mul3A_74 : f32 to vector<2000x128xf32>
    %mul3A_76 = arith.mulf %sub3A_73, %mul3A_75 : vector<2000x128xf32>
    %integer_pow3A_77 = arith.mulf %mul3A_76, %mul3A_76 : vector<2000x128xf32>
    %neg3A_78 = arith.constant 0.000000e+00 : f32
    %neg3A_79 = vector.broadcast %neg3A_78 : f32 to vector<2000x128xf32>
    %neg3A_80 = arith.subf %neg3A_79, %integer_pow3A_77 : vector<2000x128xf32>
    %exp3A_81 = math.exp %neg3A_80 : vector<2000x128xf32>
    %slice3A_82 = vector.extract_strided_slice %get3A_21 {offsets = [1, 0, 0], sizes = [1, 128, 128], strides = [1, 1, 1]} : vector<4x128x128xf32> to vector<1x128x128xf32>
    %squeeze3A_83 = vector.shape_cast %slice3A_82 : vector<1x128x128xf32> to vector<128x128xf32>
    %dot_general3A_84 = arith.constant dense<0.000000e+00> : vector<2000x128xf32>
    %dot_general3A_85 = tpu.matmul %exp3A_81, %squeeze3A_83, %dot_general3A_84 {dimension_numbers = #tpu.dot_dimension_numbers<[1], [0], [0], [1], [0, 0, 1, 1], [], []>, transpose_lhs_hint = false} : vector<2000x128xf32>, vector<128x128xf32>, vector<2000x128xf32> -> vector<2000x128xf32>
    %add3A_86 = arith.addf %add3A_70, %dot_general3A_85 : vector<2000x128xf32>
    %sub3A_87 = arith.constant 0.666666686 : f32
    %sub3A_88 = vector.broadcast %sub3A_87 : f32 to vector<2000x128xf32>
    %sub3A_89 = arith.subf %add3A_48, %sub3A_88 : vector<2000x128xf32>
    %mul3A_90 = arith.constant 7.500000e-01 : f32
    %mul3A_91 = vector.broadcast %mul3A_90 : f32 to vector<2000x128xf32>
    %mul3A_92 = arith.mulf %sub3A_89, %mul3A_91 : vector<2000x128xf32>
    %integer_pow3A_93 = arith.mulf %mul3A_92, %mul3A_92 : vector<2000x128xf32>
    %neg3A_94 = arith.constant 0.000000e+00 : f32
    %neg3A_95 = vector.broadcast %neg3A_94 : f32 to vector<2000x128xf32>
    %neg3A_96 = arith.subf %neg3A_95, %integer_pow3A_93 : vector<2000x128xf32>
    %exp3A_97 = math.exp %neg3A_96 : vector<2000x128xf32>
    %slice3A_98 = vector.extract_strided_slice %get3A_21 {offsets = [2, 0, 0], sizes = [1, 128, 128], strides = [1, 1, 1]} : vector<4x128x128xf32> to vector<1x128x128xf32>
    %squeeze3A_99 = vector.shape_cast %slice3A_98 : vector<1x128x128xf32> to vector<128x128xf32>
    %dot_general3A_100 = arith.constant dense<0.000000e+00> : vector<2000x128xf32>
    %dot_general3A_101 = tpu.matmul %exp3A_97, %squeeze3A_99, %dot_general3A_100 {dimension_numbers = #tpu.dot_dimension_numbers<[1], [0], [0], [1], [0, 0, 1, 1], [], []>, transpose_lhs_hint = false} : vector<2000x128xf32>, vector<128x128xf32>, vector<2000x128xf32> -> vector<2000x128xf32>
    %add3A_102 = arith.addf %add3A_86, %dot_general3A_101 : vector<2000x128xf32>
    %sub3A_103 = arith.constant 2.000000e+00 : f32
    %sub3A_104 = vector.broadcast %sub3A_103 : f32 to vector<2000x128xf32>
    %sub3A_105 = arith.subf %add3A_48, %sub3A_104 : vector<2000x128xf32>
    %mul3A_106 = arith.constant 7.500000e-01 : f32
    %mul3A_107 = vector.broadcast %mul3A_106 : f32 to vector<2000x128xf32>
    %mul3A_108 = arith.mulf %sub3A_105, %mul3A_107 : vector<2000x128xf32>
    %integer_pow3A_109 = arith.mulf %mul3A_108, %mul3A_108 : vector<2000x128xf32>
    %neg3A_110 = arith.constant 0.000000e+00 : f32
    %neg3A_111 = vector.broadcast %neg3A_110 : f32 to vector<2000x128xf32>
    %neg3A_112 = arith.subf %neg3A_111, %integer_pow3A_109 : vector<2000x128xf32>
    %exp3A_113 = math.exp %neg3A_112 : vector<2000x128xf32>
    %slice3A_114 = vector.extract_strided_slice %get3A_21 {offsets = [3, 0, 0], sizes = [1, 128, 128], strides = [1, 1, 1]} : vector<4x128x128xf32> to vector<1x128x128xf32>
    %squeeze3A_115 = vector.shape_cast %slice3A_114 : vector<1x128x128xf32> to vector<128x128xf32>
    %dot_general3A_116 = arith.constant dense<0.000000e+00> : vector<2000x128xf32>
    %dot_general3A_117 = tpu.matmul %exp3A_113, %squeeze3A_115, %dot_general3A_116 {dimension_numbers = #tpu.dot_dimension_numbers<[1], [0], [0], [1], [0, 0, 1, 1], [], []>, transpose_lhs_hint = false} : vector<2000x128xf32>, vector<128x128xf32>, vector<2000x128xf32> -> vector<2000x128xf32>
    %add3A_118 = arith.addf %add3A_102, %dot_general3A_117 : vector<2000x128xf32>
    %mul3A_119 = vector.broadcast %rsqrt3A : vector<2000x1xf32> to vector<2000x128xf32>
    %mul3A_120 = arith.mulf %add3A_118, %mul3A_119 : vector<2000x128xf32>
    %swap3A = arith.constant 0 : index
    %swap3A_121 = arith.constant 0 : index
    %swap3A_122 = vector.load %arg9[%swap3A, %swap3A_121] : memref<2000x128xf32, #tpu.memory_space<vmem>>, vector<2000x128xf32>
    tpu.vector_store %arg9[%swap3A, %swap3A_121], %mul3A_120 {strides = array<i32>} : memref<2000x128xf32, #tpu.memory_space<vmem>>, vector<2000x128xf32>,
    return
  }
  func.func @transform_0(%arg0: i32) -> (i32, i32) {
    %c0_i32 = arith.constant 0 : i32
    %c0_i32_0 = arith.constant 0 : i32
    return %arg0, %c0_i32 : i32, i32
  }
  func.func @transform_1(%arg0: i32) -> (i32, i32) {
    %c0_i32 = arith.constant 0 : i32
    %c0_i32_0 = arith.constant 0 : i32
    return %arg0, %c0_i32 : i32, i32
  }
  func.func @transform_2(%arg0: i32) -> (i32, i32) {
    %c0_i32 = arith.constant 0 : i32
    %c0_i32_0 = arith.constant 0 : i32
    return %arg0, %c0_i32 : i32, i32
  }
  func.func @transform_3(%arg0: i32) -> (i32, i32) {
    %c0_i32 = arith.constant 0 : i32
    %c0_i32_0 = arith.constant 0 : i32
    %c0_i32_1 = arith.constant 0 : i32
    return %c0_i32, %c0_i32_0 : i32, i32
  }
  func.func @transform_4(%arg0: i32) -> (i32, i32) {
    %c0_i32 = arith.constant 0 : i32
    %c0_i32_0 = arith.constant 0 : i32
    %c0_i32_1 = arith.constant 0 : i32
    return %c0_i32, %c0_i32_0 : i32, i32
  }
  func.func @transform_5(%arg0: i32) -> (i32, i32, i32) {
    %c0_i32 = arith.constant 0 : i32
    %c0_i32_0 = arith.constant 0 : i32
    %c0_i32_1 = arith.constant 0 : i32
    %c0_i32_2 = arith.constant 0 : i32
    return %c0_i32, %c0_i32_0, %c0_i32_1 : i32, i32, i32
  }
  func.func @transform_6(%arg0: i32) -> (i32, i32) {
    %c0_i32 = arith.constant 0 : i32
    %c0_i32_0 = arith.constant 0 : i32
    %c0_i32_1 = arith.constant 0 : i32
    return %c0_i32, %c0_i32_0 : i32, i32
  }
  func.func @transform_7(%arg0: i32) -> (i32, i32) {
    %c0_i32 = arith.constant 0 : i32
    %c0_i32_0 = arith.constant 0 : i32
    %c0_i32_1 = arith.constant 0 : i32
    return %c0_i32, %c0_i32_0 : i32, i32
  }
  func.func @transform_8(%arg0: i32) -> (i32, i32) {
    %c0_i32 = arith.constant 0 : i32
    %c0_i32_0 = arith.constant 0 : i32
    return %arg0, %c0_i32 : i32, i32
  }
}

module attributes {stable_mosaic.version = 14 : i64} {
  func.func @body(%arg0: i32, %arg1: memref<2000x128xf32, #tpu.memory_space<vmem>>, %arg2: memref<2x128xf32, #tpu.memory_space<vmem>>, %arg3: memref<2000x16xf32, #tpu.memory_space<vmem>>, %arg4: memref<2000x16xf32, #tpu.memory_space<vmem>>, %arg5: memref<1x128xf32, #tpu.memory_space<vmem>>, %arg6: memref<1x128xf32, #tpu.memory_space<vmem>>, %arg7: memref<4x128x128xf32, #tpu.memory_space<vmem>>, %arg8: memref<128x128xf32, #tpu.memory_space<vmem>>, %arg9: memref<1x128xf32, #tpu.memory_space<vmem>>, %arg10: memref<1x128xf32, #tpu.memory_space<vmem>>, %arg11: memref<1x128xf32, #tpu.memory_space<vmem>>, %arg12: memref<2000x128xf32, #tpu.memory_space<vmem>>, %arg13: memref<2000x128xf32, #tpu.memory_space<vmem>>) attributes {dimension_semantics = [#tpu.dimension_semantics<arbitrary>], iteration_bounds = array<i64: 5>, scalar_prefetch = 0 : i64, scratch_operands = 0 : i64, tpu.core_type = #tpu.core_type<tc>, window_params = [{transform_indices = @transform_0, window_bounds = array<i64: 2000, 128>}, {pipeline_mode = #tpu.pipeline_mode<synchronous>, transform_indices = @transform_1, window_bounds = array<i64: 2, 128>}, {transform_indices = @transform_2, window_bounds = array<i64: 2000, 16>}, {transform_indices = @transform_3, window_bounds = array<i64: 2000, 16>}, {pipeline_mode = #tpu.pipeline_mode<synchronous>, transform_indices = @transform_4, window_bounds = array<i64: 1, 128>}, {pipeline_mode = #tpu.pipeline_mode<synchronous>, transform_indices = @transform_5, window_bounds = array<i64: 1, 128>}, {pipeline_mode = #tpu.pipeline_mode<synchronous>, transform_indices = @transform_6, window_bounds = array<i64: 4, 128, 128>}, {pipeline_mode = #tpu.pipeline_mode<synchronous>, transform_indices = @transform_7, window_bounds = array<i64: 128, 128>}, {pipeline_mode = #tpu.pipeline_mode<synchronous>, transform_indices = @transform_8, window_bounds = array<i64: 1, 128>}, {pipeline_mode = #tpu.pipeline_mode<synchronous>, transform_indices = @transform_9, window_bounds = array<i64: 1, 128>}, {pipeline_mode = #tpu.pipeline_mode<synchronous>, transform_indices = @transform_10, window_bounds = array<i64: 1, 128>}, {transform_indices = @transform_11, window_bounds = array<i64: 2000, 128>}, {transform_indices = @transform_12, window_bounds = array<i64: 2000, 128>}]} {
    %get3A = arith.constant 0 : index
    %get3A_0 = arith.constant 0 : index
    %get3A_1 = vector.load %arg2[%get3A, %get3A_0] : memref<2x128xf32, #tpu.memory_space<vmem>>, vector<2x128xf32>
    %slice3A = vector.extract_strided_slice %get3A_1 {offsets = [0, 0], sizes = [1, 128], strides = [1, 1]} : vector<2x128xf32> to vector<1x128xf32>
    %mul3A = arith.constant 9.99999974E-5 : f32
    %mul3A_2 = vector.broadcast %mul3A : f32 to vector<1x128xf32>
    %mul3A_3 = arith.mulf %slice3A, %mul3A_2 : vector<1x128xf32>
    %slice3A_4 = vector.extract_strided_slice %get3A_1 {offsets = [1, 0], sizes = [1, 128], strides = [1, 1]} : vector<2x128xf32> to vector<1x128xf32>
    %mul3A_5 = arith.constant 9.99999974E-5 : f32
    %mul3A_6 = vector.broadcast %mul3A_5 : f32 to vector<1x128xf32>
    %mul3A_7 = arith.mulf %slice3A_4, %mul3A_6 : vector<1x128xf32>
    %mul3A_8 = arith.mulf %mul3A_3, %mul3A_3 : vector<1x128xf32>
    %sub3A = arith.subf %mul3A_7, %mul3A_8 : vector<1x128xf32>
    %get3A_9 = arith.constant 0 : index
    %get3A_10 = arith.constant 0 : index
    %get3A_11 = vector.load %arg1[%get3A_9, %get3A_10] : memref<2000x128xf32, #tpu.memory_space<vmem>>, vector<2000x128xf32>
    %sub3A_12 = vector.broadcast %mul3A_3 : vector<1x128xf32> to vector<2000x128xf32>
    %sub3A_13 = arith.subf %get3A_11, %sub3A_12 : vector<2000x128xf32>
    %get3A_14 = arith.constant 0 : index
    %get3A_15 = arith.constant 0 : index
    %get3A_16 = vector.load %arg10[%get3A_14, %get3A_15] : memref<1x128xf32, #tpu.memory_space<vmem>>, vector<1x128xf32>
    %add3A = arith.constant 9.99999974E-6 : f32
    %add3A_17 = vector.broadcast %add3A : f32 to vector<1x128xf32>
    %add3A_18 = arith.addf %sub3A, %add3A_17 : vector<1x128xf32>
    %rsqrt3A = math.rsqrt %add3A_18 : vector<1x128xf32>
    %mul3A_19 = arith.mulf %get3A_16, %rsqrt3A : vector<1x128xf32>
    %mul3A_20 = vector.broadcast %mul3A_19 : vector<1x128xf32> to vector<2000x128xf32>
    %mul3A_21 = arith.mulf %sub3A_13, %mul3A_20 : vector<2000x128xf32>
    %get3A_22 = arith.constant 0 : index
    %get3A_23 = arith.constant 0 : index
    %get3A_24 = vector.load %arg11[%get3A_22, %get3A_23] : memref<1x128xf32, #tpu.memory_space<vmem>>, vector<1x128xf32>
    %add3A_25 = vector.broadcast %get3A_24 : vector<1x128xf32> to vector<2000x128xf32>
    %add3A_26 = arith.addf %mul3A_21, %add3A_25 : vector<2000x128xf32>
    %swap3A = arith.constant 0 : index
    %swap3A_27 = arith.constant 0 : index
    %swap3A_28 = vector.load %arg12[%swap3A, %swap3A_27] : memref<2000x128xf32, #tpu.memory_space<vmem>>, vector<2000x128xf32>
    tpu.vector_store %arg12[%swap3A, %swap3A_27], %add3A_26 {strides = array<i32>} : memref<2000x128xf32, #tpu.memory_space<vmem>>, vector<2000x128xf32>,
    %get3A_29 = arith.constant 0 : index
    %get3A_30 = arith.constant 0 : index
    %get3A_31 = vector.load %arg3[%get3A_29, %get3A_30] : memref<2000x16xf32, #tpu.memory_space<vmem>>, vector<2000x16xf32>
    %get3A_32 = arith.constant 0 : index
    %get3A_33 = arith.constant 0 : index
    %get3A_34 = vector.load %arg4[%get3A_32, %get3A_33] : memref<2000x16xf32, #tpu.memory_space<vmem>>, vector<2000x16xf32>
    %slice3A_35 = vector.extract_strided_slice %get3A_31 {offsets = [0, 0], sizes = [2000, 1], strides = [1, 1]} : vector<2000x16xf32> to vector<2000x1xf32>
    %slice3A_36 = vector.extract_strided_slice %get3A_34 {offsets = [0, 0], sizes = [2000, 1], strides = [1, 1]} : vector<2000x16xf32> to vector<2000x1xf32>
    %add3A_37 = arith.addf %slice3A_35, %slice3A_36 : vector<2000x1xf32>
    %add3A_38 = arith.constant 1.000000e+00 : f32
    %add3A_39 = vector.broadcast %add3A_38 : f32 to vector<2000x1xf32>
    %add3A_40 = arith.addf %add3A_37, %add3A_39 : vector<2000x1xf32>
    %rsqrt3A_41 = math.rsqrt %add3A_40 : vector<2000x1xf32>
    %get3A_42 = arith.constant 0 : index
    %get3A_43 = arith.constant 0 : index
    %get3A_44 = vector.load %arg5[%get3A_42, %get3A_43] : memref<1x128xf32, #tpu.memory_space<vmem>>, vector<1x128xf32>
    %get3A_45 = arith.constant 0 : index
    %get3A_46 = arith.constant 0 : index
    %get3A_47 = vector.load %arg6[%get3A_45, %get3A_46] : memref<1x128xf32, #tpu.memory_space<vmem>>, vector<1x128xf32>
    %get3A_48 = arith.constant 0 : index
    %get3A_49 = arith.constant 0 : index
    %get3A_50 = arith.constant 0 : index
    %get3A_51 = vector.load %arg7[%get3A_48, %get3A_49, %get3A_50] : memref<4x128x128xf32, #tpu.memory_space<vmem>>, vector<4x128x128xf32>
    %get3A_52 = arith.constant 0 : index
    %get3A_53 = arith.constant 0 : index
    %get3A_54 = vector.load %arg8[%get3A_52, %get3A_53] : memref<128x128xf32, #tpu.memory_space<vmem>>, vector<128x128xf32>
    %get3A_55 = arith.constant 0 : index
    %get3A_56 = arith.constant 0 : index
    %get3A_57 = vector.load %arg9[%get3A_55, %get3A_56] : memref<1x128xf32, #tpu.memory_space<vmem>>, vector<1x128xf32>
    %reduce_sum3A = arith.constant dense<0.000000e+00> : vector<2000xf32>
    %reduce_sum3A_58 = vector.multi_reduction <add>, %add3A_26, %reduce_sum3A [1] : vector<2000x128xf32> to vector<2000xf32>
    %broadcast_in_dim3A = vector.shape_cast %reduce_sum3A_58 : vector<2000xf32> to vector<2000x1xf32>
    %div3A = arith.constant 1.280000e+02 : f32
    %div3A_59 = vector.broadcast %div3A : f32 to vector<2000x1xf32>
    %div3A_60 = arith.divf %broadcast_in_dim3A, %div3A_59 : vector<2000x1xf32>
    %sub3A_61 = vector.broadcast %div3A_60 : vector<2000x1xf32> to vector<2000x128xf32>
    %sub3A_62 = arith.subf %add3A_26, %sub3A_61 : vector<2000x128xf32>
    %integer_pow3A = arith.mulf %sub3A_62, %sub3A_62 : vector<2000x128xf32>
    %reduce_sum3A_63 = arith.constant dense<0.000000e+00> : vector<2000xf32>
    %reduce_sum3A_64 = vector.multi_reduction <add>, %integer_pow3A, %reduce_sum3A_63 [1] : vector<2000x128xf32> to vector<2000xf32>
    %broadcast_in_dim3A_65 = vector.shape_cast %reduce_sum3A_64 : vector<2000xf32> to vector<2000x1xf32>
    %div3A_66 = arith.constant 1.280000e+02 : f32
    %div3A_67 = vector.broadcast %div3A_66 : f32 to vector<2000x1xf32>
    %div3A_68 = arith.divf %broadcast_in_dim3A_65, %div3A_67 : vector<2000x1xf32>
    %sub3A_69 = vector.broadcast %div3A_60 : vector<2000x1xf32> to vector<2000x128xf32>
    %sub3A_70 = arith.subf %add3A_26, %sub3A_69 : vector<2000x128xf32>
    %add3A_71 = arith.constant 9.99999974E-6 : f32
    %add3A_72 = vector.broadcast %add3A_71 : f32 to vector<2000x1xf32>
    %add3A_73 = arith.addf %div3A_68, %add3A_72 : vector<2000x1xf32>
    %rsqrt3A_74 = math.rsqrt %add3A_73 : vector<2000x1xf32>
    %mul3A_75 = vector.broadcast %rsqrt3A_74 : vector<2000x1xf32> to vector<2000x128xf32>
    %mul3A_76 = arith.mulf %sub3A_70, %mul3A_75 : vector<2000x128xf32>
    %mul3A_77 = vector.broadcast %get3A_44 : vector<1x128xf32> to vector<2000x128xf32>
    %mul3A_78 = arith.mulf %mul3A_76, %mul3A_77 : vector<2000x128xf32>
    %add3A_79 = vector.broadcast %get3A_47 : vector<1x128xf32> to vector<2000x128xf32>
    %add3A_80 = arith.addf %mul3A_78, %add3A_79 : vector<2000x128xf32>
    %logistic3A = arith.negf %add3A_26 : vector<2000x128xf32>
    %logistic3A_81 = math.exp %logistic3A : vector<2000x128xf32>
    %logistic3A_82 = arith.constant 1.000000e+00 : f32
    %logistic3A_83 = vector.broadcast %logistic3A_82 : f32 to vector<2000x128xf32>
    %logistic3A_84 = arith.addf %logistic3A_83, %logistic3A_81 : vector<2000x128xf32>
    %logistic3A_85 = arith.divf %logistic3A_83, %logistic3A_84 : vector<2000x128xf32>
    %mul3A_86 = arith.mulf %add3A_26, %logistic3A_85 : vector<2000x128xf32>
    %dot_general3A = arith.constant dense<0.000000e+00> : vector<2000x128xf32>
    %dot_general3A_87 = tpu.matmul %mul3A_86, %get3A_54, %dot_general3A {dimension_numbers = #tpu.dot_dimension_numbers<[1], [0], [0], [1], [0, 0, 1, 1], [], []>, transpose_lhs_hint = false} : vector<2000x128xf32>, vector<128x128xf32>, vector<2000x128xf32> -> vector<2000x128xf32>
    %add3A_88 = vector.broadcast %get3A_57 : vector<1x128xf32> to vector<2000x128xf32>
    %add3A_89 = arith.addf %dot_general3A_87, %add3A_88 : vector<2000x128xf32>
    %sub3A_90 = arith.constant -2.000000e+00 : f32
    %sub3A_91 = vector.broadcast %sub3A_90 : f32 to vector<2000x128xf32>
    %sub3A_92 = arith.subf %add3A_80, %sub3A_91 : vector<2000x128xf32>
    %mul3A_93 = arith.constant 7.500000e-01 : f32
    %mul3A_94 = vector.broadcast %mul3A_93 : f32 to vector<2000x128xf32>
    %mul3A_95 = arith.mulf %sub3A_92, %mul3A_94 : vector<2000x128xf32>
    %integer_pow3A_96 = arith.mulf %mul3A_95, %mul3A_95 : vector<2000x128xf32>
    %neg3A = arith.constant 0.000000e+00 : f32
    %neg3A_97 = vector.broadcast %neg3A : f32 to vector<2000x128xf32>
    %neg3A_98 = arith.subf %neg3A_97, %integer_pow3A_96 : vector<2000x128xf32>
    %exp3A = math.exp %neg3A_98 : vector<2000x128xf32>
    %slice3A_99 = vector.extract_strided_slice %get3A_51 {offsets = [0, 0, 0], sizes = [1, 128, 128], strides = [1, 1, 1]} : vector<4x128x128xf32> to vector<1x128x128xf32>
    %squeeze3A = vector.shape_cast %slice3A_99 : vector<1x128x128xf32> to vector<128x128xf32>
    %dot_general3A_100 = arith.constant dense<0.000000e+00> : vector<2000x128xf32>
    %dot_general3A_101 = tpu.matmul %exp3A, %squeeze3A, %dot_general3A_100 {dimension_numbers = #tpu.dot_dimension_numbers<[1], [0], [0], [1], [0, 0, 1, 1], [], []>, transpose_lhs_hint = false} : vector<2000x128xf32>, vector<128x128xf32>, vector<2000x128xf32> -> vector<2000x128xf32>
    %add3A_102 = arith.addf %add3A_89, %dot_general3A_101 : vector<2000x128xf32>
    %sub3A_103 = arith.constant -0.666666686 : f32
    %sub3A_104 = vector.broadcast %sub3A_103 : f32 to vector<2000x128xf32>
    %sub3A_105 = arith.subf %add3A_80, %sub3A_104 : vector<2000x128xf32>
    %mul3A_106 = arith.constant 7.500000e-01 : f32
    %mul3A_107 = vector.broadcast %mul3A_106 : f32 to vector<2000x128xf32>
    %mul3A_108 = arith.mulf %sub3A_105, %mul3A_107 : vector<2000x128xf32>
    %integer_pow3A_109 = arith.mulf %mul3A_108, %mul3A_108 : vector<2000x128xf32>
    %neg3A_110 = arith.constant 0.000000e+00 : f32
    %neg3A_111 = vector.broadcast %neg3A_110 : f32 to vector<2000x128xf32>
    %neg3A_112 = arith.subf %neg3A_111, %integer_pow3A_109 : vector<2000x128xf32>
    %exp3A_113 = math.exp %neg3A_112 : vector<2000x128xf32>
    %slice3A_114 = vector.extract_strided_slice %get3A_51 {offsets = [1, 0, 0], sizes = [1, 128, 128], strides = [1, 1, 1]} : vector<4x128x128xf32> to vector<1x128x128xf32>
    %squeeze3A_115 = vector.shape_cast %slice3A_114 : vector<1x128x128xf32> to vector<128x128xf32>
    %dot_general3A_116 = arith.constant dense<0.000000e+00> : vector<2000x128xf32>
    %dot_general3A_117 = tpu.matmul %exp3A_113, %squeeze3A_115, %dot_general3A_116 {dimension_numbers = #tpu.dot_dimension_numbers<[1], [0], [0], [1], [0, 0, 1, 1], [], []>, transpose_lhs_hint = false} : vector<2000x128xf32>, vector<128x128xf32>, vector<2000x128xf32> -> vector<2000x128xf32>
    %add3A_118 = arith.addf %add3A_102, %dot_general3A_117 : vector<2000x128xf32>
    %sub3A_119 = arith.constant 0.666666686 : f32
    %sub3A_120 = vector.broadcast %sub3A_119 : f32 to vector<2000x128xf32>
    %sub3A_121 = arith.subf %add3A_80, %sub3A_120 : vector<2000x128xf32>
    %mul3A_122 = arith.constant 7.500000e-01 : f32
    %mul3A_123 = vector.broadcast %mul3A_122 : f32 to vector<2000x128xf32>
    %mul3A_124 = arith.mulf %sub3A_121, %mul3A_123 : vector<2000x128xf32>
    %integer_pow3A_125 = arith.mulf %mul3A_124, %mul3A_124 : vector<2000x128xf32>
    %neg3A_126 = arith.constant 0.000000e+00 : f32
    %neg3A_127 = vector.broadcast %neg3A_126 : f32 to vector<2000x128xf32>
    %neg3A_128 = arith.subf %neg3A_127, %integer_pow3A_125 : vector<2000x128xf32>
    %exp3A_129 = math.exp %neg3A_128 : vector<2000x128xf32>
    %slice3A_130 = vector.extract_strided_slice %get3A_51 {offsets = [2, 0, 0], sizes = [1, 128, 128], strides = [1, 1, 1]} : vector<4x128x128xf32> to vector<1x128x128xf32>
    %squeeze3A_131 = vector.shape_cast %slice3A_130 : vector<1x128x128xf32> to vector<128x128xf32>
    %dot_general3A_132 = arith.constant dense<0.000000e+00> : vector<2000x128xf32>
    %dot_general3A_133 = tpu.matmul %exp3A_129, %squeeze3A_131, %dot_general3A_132 {dimension_numbers = #tpu.dot_dimension_numbers<[1], [0], [0], [1], [0, 0, 1, 1], [], []>, transpose_lhs_hint = false} : vector<2000x128xf32>, vector<128x128xf32>, vector<2000x128xf32> -> vector<2000x128xf32>
    %add3A_134 = arith.addf %add3A_118, %dot_general3A_133 : vector<2000x128xf32>
    %sub3A_135 = arith.constant 2.000000e+00 : f32
    %sub3A_136 = vector.broadcast %sub3A_135 : f32 to vector<2000x128xf32>
    %sub3A_137 = arith.subf %add3A_80, %sub3A_136 : vector<2000x128xf32>
    %mul3A_138 = arith.constant 7.500000e-01 : f32
    %mul3A_139 = vector.broadcast %mul3A_138 : f32 to vector<2000x128xf32>
    %mul3A_140 = arith.mulf %sub3A_137, %mul3A_139 : vector<2000x128xf32>
    %integer_pow3A_141 = arith.mulf %mul3A_140, %mul3A_140 : vector<2000x128xf32>
    %neg3A_142 = arith.constant 0.000000e+00 : f32
    %neg3A_143 = vector.broadcast %neg3A_142 : f32 to vector<2000x128xf32>
    %neg3A_144 = arith.subf %neg3A_143, %integer_pow3A_141 : vector<2000x128xf32>
    %exp3A_145 = math.exp %neg3A_144 : vector<2000x128xf32>
    %slice3A_146 = vector.extract_strided_slice %get3A_51 {offsets = [3, 0, 0], sizes = [1, 128, 128], strides = [1, 1, 1]} : vector<4x128x128xf32> to vector<1x128x128xf32>
    %squeeze3A_147 = vector.shape_cast %slice3A_146 : vector<1x128x128xf32> to vector<128x128xf32>
    %dot_general3A_148 = arith.constant dense<0.000000e+00> : vector<2000x128xf32>
    %dot_general3A_149 = tpu.matmul %exp3A_145, %squeeze3A_147, %dot_general3A_148 {dimension_numbers = #tpu.dot_dimension_numbers<[1], [0], [0], [1], [0, 0, 1, 1], [], []>, transpose_lhs_hint = false} : vector<2000x128xf32>, vector<128x128xf32>, vector<2000x128xf32> -> vector<2000x128xf32>
    %add3A_150 = arith.addf %add3A_134, %dot_general3A_149 : vector<2000x128xf32>
    %mul3A_151 = vector.broadcast %rsqrt3A_41 : vector<2000x1xf32> to vector<2000x128xf32>
    %mul3A_152 = arith.mulf %add3A_150, %mul3A_151 : vector<2000x128xf32>
    %swap3A_153 = arith.constant 0 : index
    %swap3A_154 = arith.constant 0 : index
    %swap3A_155 = vector.load %arg13[%swap3A_153, %swap3A_154] : memref<2000x128xf32, #tpu.memory_space<vmem>>, vector<2000x128xf32>
    tpu.vector_store %arg13[%swap3A_153, %swap3A_154], %mul3A_152 {strides = array<i32>} : memref<2000x128xf32, #tpu.memory_space<vmem>>, vector<2000x128xf32>,
    return
  }
  func.func @transform_0(%arg0: i32) -> (i32, i32) {
    %c0_i32 = arith.constant 0 : i32
    %c0_i32_0 = arith.constant 0 : i32
    return %arg0, %c0_i32 : i32, i32
  }
  func.func @transform_1(%arg0: i32) -> (i32, i32) {
    %c0_i32 = arith.constant 0 : i32
    %c0_i32_0 = arith.constant 0 : i32
    %c0_i32_1 = arith.constant 0 : i32
    return %c0_i32, %c0_i32_0 : i32, i32
  }
  func.func @transform_2(%arg0: i32) -> (i32, i32) {
    %c0_i32 = arith.constant 0 : i32
    %c0_i32_0 = arith.constant 0 : i32
    return %arg0, %c0_i32 : i32, i32
  }
  func.func @transform_3(%arg0: i32) -> (i32, i32) {
    %c0_i32 = arith.constant 0 : i32
    %c0_i32_0 = arith.constant 0 : i32
    return %arg0, %c0_i32 : i32, i32
  }
  func.func @transform_4(%arg0: i32) -> (i32, i32) {
    %c0_i32 = arith.constant 0 : i32
    %c0_i32_0 = arith.constant 0 : i32
    %c0_i32_1 = arith.constant 0 : i32
    return %c0_i32, %c0_i32_0 : i32, i32
  }
  func.func @transform_5(%arg0: i32) -> (i32, i32) {
    %c0_i32 = arith.constant 0 : i32
    %c0_i32_0 = arith.constant 0 : i32
    %c0_i32_1 = arith.constant 0 : i32
    return %c0_i32, %c0_i32_0 : i32, i32
  }
  func.func @transform_6(%arg0: i32) -> (i32, i32, i32) {
    %c0_i32 = arith.constant 0 : i32
    %c0_i32_0 = arith.constant 0 : i32
    %c0_i32_1 = arith.constant 0 : i32
    %c0_i32_2 = arith.constant 0 : i32
    return %c0_i32, %c0_i32_0, %c0_i32_1 : i32, i32, i32
  }
  func.func @transform_7(%arg0: i32) -> (i32, i32) {
    %c0_i32 = arith.constant 0 : i32
    %c0_i32_0 = arith.constant 0 : i32
    %c0_i32_1 = arith.constant 0 : i32
    return %c0_i32, %c0_i32_0 : i32, i32
  }
  func.func @transform_8(%arg0: i32) -> (i32, i32) {
    %c0_i32 = arith.constant 0 : i32
    %c0_i32_0 = arith.constant 0 : i32
    %c0_i32_1 = arith.constant 0 : i32
    return %c0_i32, %c0_i32_0 : i32, i32
  }
  func.func @transform_9(%arg0: i32) -> (i32, i32) {
    %c0_i32 = arith.constant 0 : i32
    %c0_i32_0 = arith.constant 0 : i32
    %c0_i32_1 = arith.constant 0 : i32
    return %c0_i32, %c0_i32_0 : i32, i32
  }
  func.func @transform_10(%arg0: i32) -> (i32, i32) {
    %c0_i32 = arith.constant 0 : i32
    %c0_i32_0 = arith.constant 0 : i32
    %c0_i32_1 = arith.constant 0 : i32
    return %c0_i32, %c0_i32_0 : i32, i32
  }
  func.func @transform_11(%arg0: i32) -> (i32, i32) {
    %c0_i32 = arith.constant 0 : i32
    %c0_i32_0 = arith.constant 0 : i32
    return %arg0, %c0_i32 : i32, i32
  }
  func.func @transform_12(%arg0: i32) -> (i32, i32) {
    %c0_i32 = arith.constant 0 : i32
    %c0_i32_0 = arith.constant 0 : i32
    return %arg0, %c0_i32 : i32, i32
  }
}

module attributes {stable_mosaic.version = 14 : i64} {
  func.func @body(%arg0: i32, %arg1: memref<2000x128xf32, #tpu.memory_space<vmem>>, %arg2: memref<2000x64xf32, #tpu.memory_space<vmem>>, %arg3: memref<2000x64xf32, #tpu.memory_space<vmem>>, %arg4: memref<2000x16xf32, #tpu.memory_space<vmem>>, %arg5: memref<2000x16xf32, #tpu.memory_space<vmem>>, %arg6: memref<1x128xf32, #tpu.memory_space<vmem>>, %arg7: memref<2000x128xf32, #tpu.memory_space<vmem>>, %arg8: memref<2x128xf32, #tpu.memory_space<vmem>>) attributes {dimension_semantics = [#tpu.dimension_semantics<arbitrary>], iteration_bounds = array<i64: 5>, scalar_prefetch = 0 : i64, scratch_operands = 0 : i64, tpu.core_type = #tpu.core_type<tc>, window_params = [{transform_indices = @transform_0, window_bounds = array<i64: 2000, 128>}, {transform_indices = @transform_1, window_bounds = array<i64: 2000, 64>}, {transform_indices = @transform_2, window_bounds = array<i64: 2000, 64>}, {transform_indices = @transform_3, window_bounds = array<i64: 2000, 16>}, {transform_indices = @transform_4, window_bounds = array<i64: 2000, 16>}, {pipeline_mode = #tpu.pipeline_mode<synchronous>, transform_indices = @transform_5, window_bounds = array<i64: 1, 128>}, {transform_indices = @transform_6, window_bounds = array<i64: 2000, 128>}, {pipeline_mode = #tpu.pipeline_mode<synchronous>, transform_indices = @transform_7, window_bounds = array<i64: 2, 128>}]} {
    %get3A = arith.constant 0 : index
    %get3A_0 = arith.constant 0 : index
    %get3A_1 = vector.load %arg4[%get3A, %get3A_0] : memref<2000x16xf32, #tpu.memory_space<vmem>>, vector<2000x16xf32>
    %get3A_2 = arith.constant 0 : index
    %get3A_3 = arith.constant 0 : index
    %get3A_4 = vector.load %arg5[%get3A_2, %get3A_3] : memref<2000x16xf32, #tpu.memory_space<vmem>>, vector<2000x16xf32>
    %slice3A = vector.extract_strided_slice %get3A_1 {offsets = [0, 0], sizes = [2000, 1], strides = [1, 1]} : vector<2000x16xf32> to vector<2000x1xf32>
    %slice3A_5 = vector.extract_strided_slice %get3A_4 {offsets = [0, 0], sizes = [2000, 1], strides = [1, 1]} : vector<2000x16xf32> to vector<2000x1xf32>
    %add3A = arith.addf %slice3A, %slice3A_5 : vector<2000x1xf32>
    %add3A_6 = arith.constant 1.000000e+00 : f32
    %add3A_7 = vector.broadcast %add3A_6 : f32 to vector<2000x1xf32>
    %add3A_8 = arith.addf %add3A, %add3A_7 : vector<2000x1xf32>
    %rsqrt3A = math.rsqrt %add3A_8 : vector<2000x1xf32>
    %get3A_9 = arith.constant 0 : index
    %get3A_10 = arith.constant 0 : index
    %get3A_11 = vector.load %arg2[%get3A_9, %get3A_10] : memref<2000x64xf32, #tpu.memory_space<vmem>>, vector<2000x64xf32>
    %get3A_12 = arith.constant 0 : index
    %get3A_13 = arith.constant 0 : index
    %get3A_14 = vector.load %arg3[%get3A_12, %get3A_13] : memref<2000x64xf32, #tpu.memory_space<vmem>>, vector<2000x64xf32>
    %concatenate3A = tpu.concatenate %get3A_11, %get3A_14 in 1 : vector<2000x64xf32>, vector<2000x64xf32> -> vector<2000x128xf32>
    %get3A_15 = arith.constant 0 : index
    %get3A_16 = arith.constant 0 : index
    %get3A_17 = vector.load %arg1[%get3A_15, %get3A_16] : memref<2000x128xf32, #tpu.memory_space<vmem>>, vector<2000x128xf32>
    %add3A_18 = arith.addf %concatenate3A, %get3A_17 : vector<2000x128xf32>
    %mul3A = vector.broadcast %rsqrt3A : vector<2000x1xf32> to vector<2000x128xf32>
    %mul3A_19 = arith.mulf %add3A_18, %mul3A : vector<2000x128xf32>
    %get3A_20 = arith.constant 0 : index
    %get3A_21 = arith.constant 0 : index
    %get3A_22 = vector.load %arg6[%get3A_20, %get3A_21] : memref<1x128xf32, #tpu.memory_space<vmem>>, vector<1x128xf32>
    %add3A_23 = vector.broadcast %get3A_22 : vector<1x128xf32> to vector<2000x128xf32>
    %add3A_24 = arith.addf %mul3A_19, %add3A_23 : vector<2000x128xf32>
    %swap3A = arith.constant 0 : index
    %swap3A_25 = arith.constant 0 : index
    %swap3A_26 = vector.load %arg7[%swap3A, %swap3A_25] : memref<2000x128xf32, #tpu.memory_space<vmem>>, vector<2000x128xf32>
    tpu.vector_store %arg7[%swap3A, %swap3A_25], %add3A_24 {strides = array<i32>} : memref<2000x128xf32, #tpu.memory_space<vmem>>, vector<2000x128xf32>,
    %reduce_sum3A = arith.constant dense<0.000000e+00> : vector<128xf32>
    %reduce_sum3A_27 = vector.multi_reduction <add>, %add3A_24, %reduce_sum3A [0] : vector<2000x128xf32> to vector<128xf32>
    %broadcast_in_dim3A = vector.shape_cast %reduce_sum3A_27 : vector<128xf32> to vector<1x128xf32>
    %mul3A_28 = arith.mulf %add3A_24, %add3A_24 : vector<2000x128xf32>
    %reduce_sum3A_29 = arith.constant dense<0.000000e+00> : vector<128xf32>
    %reduce_sum3A_30 = vector.multi_reduction <add>, %mul3A_28, %reduce_sum3A_29 [0] : vector<2000x128xf32> to vector<128xf32>
    %broadcast_in_dim3A_31 = vector.shape_cast %reduce_sum3A_30 : vector<128xf32> to vector<1x128xf32>
    %concatenate3A_32 = tpu.concatenate %broadcast_in_dim3A, %broadcast_in_dim3A_31 in 0 : vector<1x128xf32>, vector<1x128xf32> -> vector<2x128xf32>
    %eq3A = arith.constant 0 : i32
    %eq3A_33 = arith.cmpi eq, %arg0, %eq3A : i32
    %convert_element_type3A = arith.extui %eq3A_33 : i1 to i32
    %cond3A = arith.constant 0 : i32
    %cond3A_34 = arith.cmpi ne, %convert_element_type3A, %cond3A : i32
    scf.if %cond3A_34 {
      %swap3A_39 = arith.constant 0 : index
      %swap3A_40 = arith.constant 0 : index
      %swap3A_41 = vector.load %arg8[%swap3A_39, %swap3A_40] : memref<2x128xf32, #tpu.memory_space<vmem>>, vector<2x128xf32>
      tpu.vector_store %arg8[%swap3A_39, %swap3A_40], %concatenate3A_32 {strides = array<i32>} : memref<2x128xf32, #tpu.memory_space<vmem>>, vector<2x128xf32>,
    } else {
    }
    %ne3A = arith.constant 0 : i32
    %ne3A_35 = arith.cmpi ne, %arg0, %ne3A : i32
    %convert_element_type3A_36 = arith.extui %ne3A_35 : i1 to i32
    %cond3A_37 = arith.constant 0 : i32
    %cond3A_38 = arith.cmpi ne, %convert_element_type3A_36, %cond3A_37 : i32
    scf.if %cond3A_38 {
      %get3A_39 = arith.constant 0 : index
      %get3A_40 = arith.constant 0 : index
      %get3A_41 = vector.load %arg8[%get3A_39, %get3A_40] : memref<2x128xf32, #tpu.memory_space<vmem>>, vector<2x128xf32>
      %add3A_42 = arith.addf %get3A_41, %concatenate3A_32 : vector<2x128xf32>
      %swap3A_43 = arith.constant 0 : index
      %swap3A_44 = arith.constant 0 : index
      %swap3A_45 = vector.load %arg8[%swap3A_43, %swap3A_44] : memref<2x128xf32, #tpu.memory_space<vmem>>, vector<2x128xf32>
      tpu.vector_store %arg8[%swap3A_43, %swap3A_44], %add3A_42 {strides = array<i32>} : memref<2x128xf32, #tpu.memory_space<vmem>>, vector<2x128xf32>,
    } else {
    }
    return
  }
  func.func @transform_0(%arg0: i32) -> (i32, i32) {
    %c0_i32 = arith.constant 0 : i32
    %c0_i32_0 = arith.constant 0 : i32
    return %arg0, %c0_i32 : i32, i32
  }
  func.func @transform_1(%arg0: i32) -> (i32, i32) {
    %c0_i32 = arith.constant 0 : i32
    %c0_i32_0 = arith.constant 0 : i32
    return %arg0, %c0_i32 : i32, i32
  }
  func.func @transform_2(%arg0: i32) -> (i32, i32) {
    %c0_i32 = arith.constant 0 : i32
    %c0_i32_0 = arith.constant 0 : i32
    return %arg0, %c0_i32 : i32, i32
  }
  func.func @transform_3(%arg0: i32) -> (i32, i32) {
    %c0_i32 = arith.constant 0 : i32
    %c0_i32_0 = arith.constant 0 : i32
    return %arg0, %c0_i32 : i32, i32
  }
  func.func @transform_4(%arg0: i32) -> (i32, i32) {
    %c0_i32 = arith.constant 0 : i32
    %c0_i32_0 = arith.constant 0 : i32
    return %arg0, %c0_i32 : i32, i32
  }
  func.func @transform_5(%arg0: i32) -> (i32, i32) {
    %c0_i32 = arith.constant 0 : i32
    %c0_i32_0 = arith.constant 0 : i32
    %c0_i32_1 = arith.constant 0 : i32
    return %c0_i32, %c0_i32_0 : i32, i32
  }
  func.func @transform_6(%arg0: i32) -> (i32, i32) {
    %c0_i32 = arith.constant 0 : i32
    %c0_i32_0 = arith.constant 0 : i32
    return %arg0, %c0_i32 : i32, i32
  }
  func.func @transform_7(%arg0: i32) -> (i32, i32) {
    %c0_i32 = arith.constant 0 : i32
    %c0_i32_0 = arith.constant 0 : i32
    %c0_i32_1 = arith.constant 0 : i32
    return %c0_i32, %c0_i32_0 : i32, i32
  }
}

module attributes {stable_mosaic.version = 14 : i64} {
  func.func @body(%arg0: i32, %arg1: memref<2000x128xf32, #tpu.memory_space<vmem>>, %arg2: memref<2000x128xf32, #tpu.memory_space<vmem>>, %arg3: memref<2000x128xf32, #tpu.memory_space<vmem>>, %arg4: memref<2x128xf32, #tpu.memory_space<vmem>>, %arg5: memref<2000x16xf32, #tpu.memory_space<vmem>>, %arg6: memref<2000x16xf32, #tpu.memory_space<vmem>>, %arg7: memref<1x384xf32, #tpu.memory_space<vmem>>, %arg8: memref<1x384xf32, #tpu.memory_space<vmem>>, %arg9: memref<4x384x16xf32, #tpu.memory_space<vmem>>, %arg10: memref<384x16xf32, #tpu.memory_space<vmem>>, %arg11: memref<1x16xf32, #tpu.memory_space<vmem>>, %arg12: memref<1x128xf32, #tpu.memory_space<vmem>>, %arg13: memref<1x128xf32, #tpu.memory_space<vmem>>, %arg14: memref<2000x16xf32, #tpu.memory_space<vmem>>) attributes {dimension_semantics = [#tpu.dimension_semantics<arbitrary>], iteration_bounds = array<i64: 5>, scalar_prefetch = 0 : i64, scratch_operands = 0 : i64, tpu.core_type = #tpu.core_type<tc>, window_params = [{transform_indices = @transform_0, window_bounds = array<i64: 2000, 128>}, {transform_indices = @transform_1, window_bounds = array<i64: 2000, 128>}, {transform_indices = @transform_2, window_bounds = array<i64: 2000, 128>}, {pipeline_mode = #tpu.pipeline_mode<synchronous>, transform_indices = @transform_3, window_bounds = array<i64: 2, 128>}, {transform_indices = @transform_4, window_bounds = array<i64: 2000, 16>}, {transform_indices = @transform_5, window_bounds = array<i64: 2000, 16>}, {pipeline_mode = #tpu.pipeline_mode<synchronous>, transform_indices = @transform_6, window_bounds = array<i64: 1, 384>}, {pipeline_mode = #tpu.pipeline_mode<synchronous>, transform_indices = @transform_7, window_bounds = array<i64: 1, 384>}, {pipeline_mode = #tpu.pipeline_mode<synchronous>, transform_indices = @transform_8, window_bounds = array<i64: 4, 384, 16>}, {pipeline_mode = #tpu.pipeline_mode<synchronous>, transform_indices = @transform_9, window_bounds = array<i64: 384, 16>}, {pipeline_mode = #tpu.pipeline_mode<synchronous>, transform_indices = @transform_10, window_bounds = array<i64: 1, 16>}, {pipeline_mode = #tpu.pipeline_mode<synchronous>, transform_indices = @transform_11, window_bounds = array<i64: 1, 128>}, {pipeline_mode = #tpu.pipeline_mode<synchronous>, transform_indices = @transform_12, window_bounds = array<i64: 1, 128>}, {transform_indices = @transform_13, window_bounds = array<i64: 2000, 16>}]} {
    %get3A = arith.constant 0 : index
    %get3A_0 = arith.constant 0 : index
    %get3A_1 = vector.load %arg4[%get3A, %get3A_0] : memref<2x128xf32, #tpu.memory_space<vmem>>, vector<2x128xf32>
    %slice3A = vector.extract_strided_slice %get3A_1 {offsets = [0, 0], sizes = [1, 128], strides = [1, 1]} : vector<2x128xf32> to vector<1x128xf32>
    %mul3A = arith.constant 9.99999974E-5 : f32
    %mul3A_2 = vector.broadcast %mul3A : f32 to vector<1x128xf32>
    %mul3A_3 = arith.mulf %slice3A, %mul3A_2 : vector<1x128xf32>
    %slice3A_4 = vector.extract_strided_slice %get3A_1 {offsets = [1, 0], sizes = [1, 128], strides = [1, 1]} : vector<2x128xf32> to vector<1x128xf32>
    %mul3A_5 = arith.constant 9.99999974E-5 : f32
    %mul3A_6 = vector.broadcast %mul3A_5 : f32 to vector<1x128xf32>
    %mul3A_7 = arith.mulf %slice3A_4, %mul3A_6 : vector<1x128xf32>
    %mul3A_8 = arith.mulf %mul3A_3, %mul3A_3 : vector<1x128xf32>
    %sub3A = arith.subf %mul3A_7, %mul3A_8 : vector<1x128xf32>
    %get3A_9 = arith.constant 0 : index
    %get3A_10 = arith.constant 0 : index
    %get3A_11 = vector.load %arg3[%get3A_9, %get3A_10] : memref<2000x128xf32, #tpu.memory_space<vmem>>, vector<2000x128xf32>
    %sub3A_12 = vector.broadcast %mul3A_3 : vector<1x128xf32> to vector<2000x128xf32>
    %sub3A_13 = arith.subf %get3A_11, %sub3A_12 : vector<2000x128xf32>
    %get3A_14 = arith.constant 0 : index
    %get3A_15 = arith.constant 0 : index
    %get3A_16 = vector.load %arg12[%get3A_14, %get3A_15] : memref<1x128xf32, #tpu.memory_space<vmem>>, vector<1x128xf32>
    %add3A = arith.constant 9.99999974E-6 : f32
    %add3A_17 = vector.broadcast %add3A : f32 to vector<1x128xf32>
    %add3A_18 = arith.addf %sub3A, %add3A_17 : vector<1x128xf32>
    %rsqrt3A = math.rsqrt %add3A_18 : vector<1x128xf32>
    %mul3A_19 = arith.mulf %get3A_16, %rsqrt3A : vector<1x128xf32>
    %mul3A_20 = vector.broadcast %mul3A_19 : vector<1x128xf32> to vector<2000x128xf32>
    %mul3A_21 = arith.mulf %sub3A_13, %mul3A_20 : vector<2000x128xf32>
    %get3A_22 = arith.constant 0 : index
    %get3A_23 = arith.constant 0 : index
    %get3A_24 = vector.load %arg13[%get3A_22, %get3A_23] : memref<1x128xf32, #tpu.memory_space<vmem>>, vector<1x128xf32>
    %add3A_25 = vector.broadcast %get3A_24 : vector<1x128xf32> to vector<2000x128xf32>
    %add3A_26 = arith.addf %mul3A_21, %add3A_25 : vector<2000x128xf32>
    %get3A_27 = arith.constant 0 : index
    %get3A_28 = arith.constant 0 : index
    %get3A_29 = vector.load %arg1[%get3A_27, %get3A_28] : memref<2000x128xf32, #tpu.memory_space<vmem>>, vector<2000x128xf32>
    %get3A_30 = arith.constant 0 : index
    %get3A_31 = arith.constant 0 : index
    %get3A_32 = vector.load %arg2[%get3A_30, %get3A_31] : memref<2000x128xf32, #tpu.memory_space<vmem>>, vector<2000x128xf32>
    %concatenate3A = tpu.concatenate %get3A_29, %get3A_32, %add3A_26 in 1 : vector<2000x128xf32>, vector<2000x128xf32>, vector<2000x128xf32> -> vector<2000x384xf32>
    %get3A_33 = arith.constant 0 : index
    %get3A_34 = arith.constant 0 : index
    %get3A_35 = vector.load %arg5[%get3A_33, %get3A_34] : memref<2000x16xf32, #tpu.memory_space<vmem>>, vector<2000x16xf32>
    %get3A_36 = arith.constant 0 : index
    %get3A_37 = arith.constant 0 : index
    %get3A_38 = vector.load %arg6[%get3A_36, %get3A_37] : memref<2000x16xf32, #tpu.memory_space<vmem>>, vector<2000x16xf32>
    %slice3A_39 = vector.extract_strided_slice %get3A_35 {offsets = [0, 0], sizes = [2000, 1], strides = [1, 1]} : vector<2000x16xf32> to vector<2000x1xf32>
    %slice3A_40 = vector.extract_strided_slice %get3A_38 {offsets = [0, 0], sizes = [2000, 1], strides = [1, 1]} : vector<2000x16xf32> to vector<2000x1xf32>
    %add3A_41 = arith.addf %slice3A_39, %slice3A_40 : vector<2000x1xf32>
    %add3A_42 = arith.constant 1.000000e+00 : f32
    %add3A_43 = vector.broadcast %add3A_42 : f32 to vector<2000x1xf32>
    %add3A_44 = arith.addf %add3A_41, %add3A_43 : vector<2000x1xf32>
    %rsqrt3A_45 = math.rsqrt %add3A_44 : vector<2000x1xf32>
    %get3A_46 = arith.constant 0 : index
    %get3A_47 = arith.constant 0 : index
    %get3A_48 = vector.load %arg7[%get3A_46, %get3A_47] : memref<1x384xf32, #tpu.memory_space<vmem>>, vector<1x384xf32>
    %get3A_49 = arith.constant 0 : index
    %get3A_50 = arith.constant 0 : index
    %get3A_51 = vector.load %arg8[%get3A_49, %get3A_50] : memref<1x384xf32, #tpu.memory_space<vmem>>, vector<1x384xf32>
    %get3A_52 = arith.constant 0 : index
    %get3A_53 = arith.constant 0 : index
    %get3A_54 = arith.constant 0 : index
    %get3A_55 = vector.load %arg9[%get3A_52, %get3A_53, %get3A_54] : memref<4x384x16xf32, #tpu.memory_space<vmem>>, vector<4x384x16xf32>
    %get3A_56 = arith.constant 0 : index
    %get3A_57 = arith.constant 0 : index
    %get3A_58 = vector.load %arg10[%get3A_56, %get3A_57] : memref<384x16xf32, #tpu.memory_space<vmem>>, vector<384x16xf32>
    %get3A_59 = arith.constant 0 : index
    %get3A_60 = arith.constant 0 : index
    %get3A_61 = vector.load %arg11[%get3A_59, %get3A_60] : memref<1x16xf32, #tpu.memory_space<vmem>>, vector<1x16xf32>
    %reduce_sum3A = arith.constant dense<0.000000e+00> : vector<2000xf32>
    %reduce_sum3A_62 = vector.multi_reduction <add>, %concatenate3A, %reduce_sum3A [1] : vector<2000x384xf32> to vector<2000xf32>
    %broadcast_in_dim3A = vector.shape_cast %reduce_sum3A_62 : vector<2000xf32> to vector<2000x1xf32>
    %div3A = arith.constant 3.840000e+02 : f32
    %div3A_63 = vector.broadcast %div3A : f32 to vector<2000x1xf32>
    %div3A_64 = arith.divf %broadcast_in_dim3A, %div3A_63 : vector<2000x1xf32>
    %sub3A_65 = vector.broadcast %div3A_64 : vector<2000x1xf32> to vector<2000x384xf32>
    %sub3A_66 = arith.subf %concatenate3A, %sub3A_65 : vector<2000x384xf32>
    %integer_pow3A = arith.mulf %sub3A_66, %sub3A_66 : vector<2000x384xf32>
    %reduce_sum3A_67 = arith.constant dense<0.000000e+00> : vector<2000xf32>
    %reduce_sum3A_68 = vector.multi_reduction <add>, %integer_pow3A, %reduce_sum3A_67 [1] : vector<2000x384xf32> to vector<2000xf32>
    %broadcast_in_dim3A_69 = vector.shape_cast %reduce_sum3A_68 : vector<2000xf32> to vector<2000x1xf32>
    %div3A_70 = arith.constant 3.840000e+02 : f32
    %div3A_71 = vector.broadcast %div3A_70 : f32 to vector<2000x1xf32>
    %div3A_72 = arith.divf %broadcast_in_dim3A_69, %div3A_71 : vector<2000x1xf32>
    %sub3A_73 = vector.broadcast %div3A_64 : vector<2000x1xf32> to vector<2000x384xf32>
    %sub3A_74 = arith.subf %concatenate3A, %sub3A_73 : vector<2000x384xf32>
    %add3A_75 = arith.constant 9.99999974E-6 : f32
    %add3A_76 = vector.broadcast %add3A_75 : f32 to vector<2000x1xf32>
    %add3A_77 = arith.addf %div3A_72, %add3A_76 : vector<2000x1xf32>
    %rsqrt3A_78 = math.rsqrt %add3A_77 : vector<2000x1xf32>
    %mul3A_79 = vector.broadcast %rsqrt3A_78 : vector<2000x1xf32> to vector<2000x384xf32>
    %mul3A_80 = arith.mulf %sub3A_74, %mul3A_79 : vector<2000x384xf32>
    %mul3A_81 = vector.broadcast %get3A_48 : vector<1x384xf32> to vector<2000x384xf32>
    %mul3A_82 = arith.mulf %mul3A_80, %mul3A_81 : vector<2000x384xf32>
    %add3A_83 = vector.broadcast %get3A_51 : vector<1x384xf32> to vector<2000x384xf32>
    %add3A_84 = arith.addf %mul3A_82, %add3A_83 : vector<2000x384xf32>
    %logistic3A = arith.negf %concatenate3A : vector<2000x384xf32>
    %logistic3A_85 = math.exp %logistic3A : vector<2000x384xf32>
    %logistic3A_86 = arith.constant 1.000000e+00 : f32
    %logistic3A_87 = vector.broadcast %logistic3A_86 : f32 to vector<2000x384xf32>
    %logistic3A_88 = arith.addf %logistic3A_87, %logistic3A_85 : vector<2000x384xf32>
    %logistic3A_89 = arith.divf %logistic3A_87, %logistic3A_88 : vector<2000x384xf32>
    %mul3A_90 = arith.mulf %concatenate3A, %logistic3A_89 : vector<2000x384xf32>
    %dot_general3A = arith.constant dense<0.000000e+00> : vector<2000x16xf32>
    %dot_general3A_91 = tpu.matmul %mul3A_90, %get3A_58, %dot_general3A {dimension_numbers = #tpu.dot_dimension_numbers<[1], [0], [0], [1], [0, 0, 1, 1], [], []>, transpose_lhs_hint = false} : vector<2000x384xf32>, vector<384x16xf32>, vector<2000x16xf32> -> vector<2000x16xf32>
    %add3A_92 = vector.broadcast %get3A_61 : vector<1x16xf32> to vector<2000x16xf32>
    %add3A_93 = arith.addf %dot_general3A_91, %add3A_92 : vector<2000x16xf32>
    %sub3A_94 = arith.constant -2.000000e+00 : f32
    %sub3A_95 = vector.broadcast %sub3A_94 : f32 to vector<2000x384xf32>
    %sub3A_96 = arith.subf %add3A_84, %sub3A_95 : vector<2000x384xf32>
    %mul3A_97 = arith.constant 7.500000e-01 : f32
    %mul3A_98 = vector.broadcast %mul3A_97 : f32 to vector<2000x384xf32>
    %mul3A_99 = arith.mulf %sub3A_96, %mul3A_98 : vector<2000x384xf32>
    %integer_pow3A_100 = arith.mulf %mul3A_99, %mul3A_99 : vector<2000x384xf32>
    %neg3A = arith.constant 0.000000e+00 : f32
    %neg3A_101 = vector.broadcast %neg3A : f32 to vector<2000x384xf32>
    %neg3A_102 = arith.subf %neg3A_101, %integer_pow3A_100 : vector<2000x384xf32>
    %exp3A = math.exp %neg3A_102 : vector<2000x384xf32>
    %slice3A_103 = vector.extract_strided_slice %get3A_55 {offsets = [0, 0, 0], sizes = [1, 384, 16], strides = [1, 1, 1]} : vector<4x384x16xf32> to vector<1x384x16xf32>
    %squeeze3A = vector.shape_cast %slice3A_103 : vector<1x384x16xf32> to vector<384x16xf32>
    %dot_general3A_104 = arith.constant dense<0.000000e+00> : vector<2000x16xf32>
    %dot_general3A_105 = tpu.matmul %exp3A, %squeeze3A, %dot_general3A_104 {dimension_numbers = #tpu.dot_dimension_numbers<[1], [0], [0], [1], [0, 0, 1, 1], [], []>, transpose_lhs_hint = false} : vector<2000x384xf32>, vector<384x16xf32>, vector<2000x16xf32> -> vector<2000x16xf32>
    %add3A_106 = arith.addf %add3A_93, %dot_general3A_105 : vector<2000x16xf32>
    %sub3A_107 = arith.constant -0.666666686 : f32
    %sub3A_108 = vector.broadcast %sub3A_107 : f32 to vector<2000x384xf32>
    %sub3A_109 = arith.subf %add3A_84, %sub3A_108 : vector<2000x384xf32>
    %mul3A_110 = arith.constant 7.500000e-01 : f32
    %mul3A_111 = vector.broadcast %mul3A_110 : f32 to vector<2000x384xf32>
    %mul3A_112 = arith.mulf %sub3A_109, %mul3A_111 : vector<2000x384xf32>
    %integer_pow3A_113 = arith.mulf %mul3A_112, %mul3A_112 : vector<2000x384xf32>
    %neg3A_114 = arith.constant 0.000000e+00 : f32
    %neg3A_115 = vector.broadcast %neg3A_114 : f32 to vector<2000x384xf32>
    %neg3A_116 = arith.subf %neg3A_115, %integer_pow3A_113 : vector<2000x384xf32>
    %exp3A_117 = math.exp %neg3A_116 : vector<2000x384xf32>
    %slice3A_118 = vector.extract_strided_slice %get3A_55 {offsets = [1, 0, 0], sizes = [1, 384, 16], strides = [1, 1, 1]} : vector<4x384x16xf32> to vector<1x384x16xf32>
    %squeeze3A_119 = vector.shape_cast %slice3A_118 : vector<1x384x16xf32> to vector<384x16xf32>
    %dot_general3A_120 = arith.constant dense<0.000000e+00> : vector<2000x16xf32>
    %dot_general3A_121 = tpu.matmul %exp3A_117, %squeeze3A_119, %dot_general3A_120 {dimension_numbers = #tpu.dot_dimension_numbers<[1], [0], [0], [1], [0, 0, 1, 1], [], []>, transpose_lhs_hint = false} : vector<2000x384xf32>, vector<384x16xf32>, vector<2000x16xf32> -> vector<2000x16xf32>
    %add3A_122 = arith.addf %add3A_106, %dot_general3A_121 : vector<2000x16xf32>
    %sub3A_123 = arith.constant 0.666666686 : f32
    %sub3A_124 = vector.broadcast %sub3A_123 : f32 to vector<2000x384xf32>
    %sub3A_125 = arith.subf %add3A_84, %sub3A_124 : vector<2000x384xf32>
    %mul3A_126 = arith.constant 7.500000e-01 : f32
    %mul3A_127 = vector.broadcast %mul3A_126 : f32 to vector<2000x384xf32>
    %mul3A_128 = arith.mulf %sub3A_125, %mul3A_127 : vector<2000x384xf32>
    %integer_pow3A_129 = arith.mulf %mul3A_128, %mul3A_128 : vector<2000x384xf32>
    %neg3A_130 = arith.constant 0.000000e+00 : f32
    %neg3A_131 = vector.broadcast %neg3A_130 : f32 to vector<2000x384xf32>
    %neg3A_132 = arith.subf %neg3A_131, %integer_pow3A_129 : vector<2000x384xf32>
    %exp3A_133 = math.exp %neg3A_132 : vector<2000x384xf32>
    %slice3A_134 = vector.extract_strided_slice %get3A_55 {offsets = [2, 0, 0], sizes = [1, 384, 16], strides = [1, 1, 1]} : vector<4x384x16xf32> to vector<1x384x16xf32>
    %squeeze3A_135 = vector.shape_cast %slice3A_134 : vector<1x384x16xf32> to vector<384x16xf32>
    %dot_general3A_136 = arith.constant dense<0.000000e+00> : vector<2000x16xf32>
    %dot_general3A_137 = tpu.matmul %exp3A_133, %squeeze3A_135, %dot_general3A_136 {dimension_numbers = #tpu.dot_dimension_numbers<[1], [0], [0], [1], [0, 0, 1, 1], [], []>, transpose_lhs_hint = false} : vector<2000x384xf32>, vector<384x16xf32>, vector<2000x16xf32> -> vector<2000x16xf32>
    %add3A_138 = arith.addf %add3A_122, %dot_general3A_137 : vector<2000x16xf32>
    %sub3A_139 = arith.constant 2.000000e+00 : f32
    %sub3A_140 = vector.broadcast %sub3A_139 : f32 to vector<2000x384xf32>
    %sub3A_141 = arith.subf %add3A_84, %sub3A_140 : vector<2000x384xf32>
    %mul3A_142 = arith.constant 7.500000e-01 : f32
    %mul3A_143 = vector.broadcast %mul3A_142 : f32 to vector<2000x384xf32>
    %mul3A_144 = arith.mulf %sub3A_141, %mul3A_143 : vector<2000x384xf32>
    %integer_pow3A_145 = arith.mulf %mul3A_144, %mul3A_144 : vector<2000x384xf32>
    %neg3A_146 = arith.constant 0.000000e+00 : f32
    %neg3A_147 = vector.broadcast %neg3A_146 : f32 to vector<2000x384xf32>
    %neg3A_148 = arith.subf %neg3A_147, %integer_pow3A_145 : vector<2000x384xf32>
    %exp3A_149 = math.exp %neg3A_148 : vector<2000x384xf32>
    %slice3A_150 = vector.extract_strided_slice %get3A_55 {offsets = [3, 0, 0], sizes = [1, 384, 16], strides = [1, 1, 1]} : vector<4x384x16xf32> to vector<1x384x16xf32>
    %squeeze3A_151 = vector.shape_cast %slice3A_150 : vector<1x384x16xf32> to vector<384x16xf32>
    %dot_general3A_152 = arith.constant dense<0.000000e+00> : vector<2000x16xf32>
    %dot_general3A_153 = tpu.matmul %exp3A_149, %squeeze3A_151, %dot_general3A_152 {dimension_numbers = #tpu.dot_dimension_numbers<[1], [0], [0], [1], [0, 0, 1, 1], [], []>, transpose_lhs_hint = false} : vector<2000x384xf32>, vector<384x16xf32>, vector<2000x16xf32> -> vector<2000x16xf32>
    %add3A_154 = arith.addf %add3A_138, %dot_general3A_153 : vector<2000x16xf32>
    %mul3A_155 = vector.broadcast %rsqrt3A_45 : vector<2000x1xf32> to vector<2000x16xf32>
    %mul3A_156 = arith.mulf %add3A_154, %mul3A_155 : vector<2000x16xf32>
    %swap3A = arith.constant 0 : index
    %swap3A_157 = arith.constant 0 : index
    %swap3A_158 = vector.load %arg14[%swap3A, %swap3A_157] : memref<2000x16xf32, #tpu.memory_space<vmem>>, vector<2000x16xf32>
    tpu.vector_store %arg14[%swap3A, %swap3A_157], %mul3A_156 {strides = array<i32>} : memref<2000x16xf32, #tpu.memory_space<vmem>>, vector<2000x16xf32>,
    return
  }
  func.func @transform_0(%arg0: i32) -> (i32, i32) {
    %c0_i32 = arith.constant 0 : i32
    %c0_i32_0 = arith.constant 0 : i32
    return %arg0, %c0_i32 : i32, i32
  }
  func.func @transform_1(%arg0: i32) -> (i32, i32) {
    %c0_i32 = arith.constant 0 : i32
    %c0_i32_0 = arith.constant 0 : i32
    return %arg0, %c0_i32 : i32, i32
  }
  func.func @transform_2(%arg0: i32) -> (i32, i32) {
    %c0_i32 = arith.constant 0 : i32
    %c0_i32_0 = arith.constant 0 : i32
    return %arg0, %c0_i32 : i32, i32
  }
  func.func @transform_3(%arg0: i32) -> (i32, i32) {
    %c0_i32 = arith.constant 0 : i32
    %c0_i32_0 = arith.constant 0 : i32
    %c0_i32_1 = arith.constant 0 : i32
    return %c0_i32, %c0_i32_0 : i32, i32
  }
  func.func @transform_4(%arg0: i32) -> (i32, i32) {
    %c0_i32 = arith.constant 0 : i32
    %c0_i32_0 = arith.constant 0 : i32
    return %arg0, %c0_i32 : i32, i32
  }
  func.func @transform_5(%arg0: i32) -> (i32, i32) {
    %c0_i32 = arith.constant 0 : i32
    %c0_i32_0 = arith.constant 0 : i32
    return %arg0, %c0_i32 : i32, i32
  }
  func.func @transform_6(%arg0: i32) -> (i32, i32) {
    %c0_i32 = arith.constant 0 : i32
    %c0_i32_0 = arith.constant 0 : i32
    %c0_i32_1 = arith.constant 0 : i32
    return %c0_i32, %c0_i32_0 : i32, i32
  }
  func.func @transform_7(%arg0: i32) -> (i32, i32) {
    %c0_i32 = arith.constant 0 : i32
    %c0_i32_0 = arith.constant 0 : i32
    %c0_i32_1 = arith.constant 0 : i32
    return %c0_i32, %c0_i32_0 : i32, i32
  }
  func.func @transform_8(%arg0: i32) -> (i32, i32, i32) {
    %c0_i32 = arith.constant 0 : i32
    %c0_i32_0 = arith.constant 0 : i32
    %c0_i32_1 = arith.constant 0 : i32
    %c0_i32_2 = arith.constant 0 : i32
    return %c0_i32, %c0_i32_0, %c0_i32_1 : i32, i32, i32
  }
  func.func @transform_9(%arg0: i32) -> (i32, i32) {
    %c0_i32 = arith.constant 0 : i32
    %c0_i32_0 = arith.constant 0 : i32
    %c0_i32_1 = arith.constant 0 : i32
    return %c0_i32, %c0_i32_0 : i32, i32
  }
  func.func @transform_10(%arg0: i32) -> (i32, i32) {
    %c0_i32 = arith.constant 0 : i32
    %c0_i32_0 = arith.constant 0 : i32
    %c0_i32_1 = arith.constant 0 : i32
    return %c0_i32, %c0_i32_0 : i32, i32
  }
  func.func @transform_11(%arg0: i32) -> (i32, i32) {
    %c0_i32 = arith.constant 0 : i32
    %c0_i32_0 = arith.constant 0 : i32
    %c0_i32_1 = arith.constant 0 : i32
    return %c0_i32, %c0_i32_0 : i32, i32
  }
  func.func @transform_12(%arg0: i32) -> (i32, i32) {
    %c0_i32 = arith.constant 0 : i32
    %c0_i32_0 = arith.constant 0 : i32
    %c0_i32_1 = arith.constant 0 : i32
    return %c0_i32, %c0_i32_0 : i32, i32
  }
  func.func @transform_13(%arg0: i32) -> (i32, i32) {
    %c0_i32 = arith.constant 0 : i32
    %c0_i32_0 = arith.constant 0 : i32
    return %arg0, %c0_i32 : i32, i32
  }
}

module attributes {stable_mosaic.version = 14 : i64} {
  func.func @body(%arg0: i32, %arg1: memref<2000x16xf32, #tpu.memory_space<vmem>>, %arg2: memref<2000x16xf32, #tpu.memory_space<vmem>>, %arg3: memref<2000x16xf32, #tpu.memory_space<vmem>>, %arg4: memref<2000x16xf32, #tpu.memory_space<vmem>>, %arg5: memref<2000x16xf32, #tpu.memory_space<vmem>>, %arg6: memref<1x16xf32, #tpu.memory_space<vmem>>, %arg7: memref<2000x16xf32, #tpu.memory_space<vmem>>) attributes {dimension_semantics = [#tpu.dimension_semantics<arbitrary>], iteration_bounds = array<i64: 5>, scalar_prefetch = 0 : i64, scratch_operands = 0 : i64, tpu.core_type = #tpu.core_type<tc>, window_params = [{transform_indices = @transform_0, window_bounds = array<i64: 2000, 16>}, {transform_indices = @transform_1, window_bounds = array<i64: 2000, 16>}, {transform_indices = @transform_2, window_bounds = array<i64: 2000, 16>}, {transform_indices = @transform_3, window_bounds = array<i64: 2000, 16>}, {transform_indices = @transform_4, window_bounds = array<i64: 2000, 16>}, {pipeline_mode = #tpu.pipeline_mode<synchronous>, transform_indices = @transform_5, window_bounds = array<i64: 1, 16>}, {transform_indices = @transform_6, window_bounds = array<i64: 2000, 16>}]} {
    %get3A = arith.constant 0 : index
    %get3A_0 = arith.constant 0 : index
    %get3A_1 = vector.load %arg4[%get3A, %get3A_0] : memref<2000x16xf32, #tpu.memory_space<vmem>>, vector<2000x16xf32>
    %get3A_2 = arith.constant 0 : index
    %get3A_3 = arith.constant 0 : index
    %get3A_4 = vector.load %arg5[%get3A_2, %get3A_3] : memref<2000x16xf32, #tpu.memory_space<vmem>>, vector<2000x16xf32>
    %slice3A = vector.extract_strided_slice %get3A_1 {offsets = [0, 0], sizes = [2000, 1], strides = [1, 1]} : vector<2000x16xf32> to vector<2000x1xf32>
    %slice3A_5 = vector.extract_strided_slice %get3A_4 {offsets = [0, 0], sizes = [2000, 1], strides = [1, 1]} : vector<2000x16xf32> to vector<2000x1xf32>
    %add3A = arith.addf %slice3A, %slice3A_5 : vector<2000x1xf32>
    %add3A_6 = arith.constant 1.000000e+00 : f32
    %add3A_7 = vector.broadcast %add3A_6 : f32 to vector<2000x1xf32>
    %add3A_8 = arith.addf %add3A, %add3A_7 : vector<2000x1xf32>
    %rsqrt3A = math.rsqrt %add3A_8 : vector<2000x1xf32>
    %get3A_9 = arith.constant 0 : index
    %get3A_10 = arith.constant 0 : index
    %get3A_11 = vector.load %arg2[%get3A_9, %get3A_10] : memref<2000x16xf32, #tpu.memory_space<vmem>>, vector<2000x16xf32>
    %get3A_12 = arith.constant 0 : index
    %get3A_13 = arith.constant 0 : index
    %get3A_14 = vector.load %arg3[%get3A_12, %get3A_13] : memref<2000x16xf32, #tpu.memory_space<vmem>>, vector<2000x16xf32>
    %add3A_15 = arith.addf %get3A_11, %get3A_14 : vector<2000x16xf32>
    %get3A_16 = arith.constant 0 : index
    %get3A_17 = arith.constant 0 : index
    %get3A_18 = vector.load %arg1[%get3A_16, %get3A_17] : memref<2000x16xf32, #tpu.memory_space<vmem>>, vector<2000x16xf32>
    %add3A_19 = arith.addf %add3A_15, %get3A_18 : vector<2000x16xf32>
    %mul3A = vector.broadcast %rsqrt3A : vector<2000x1xf32> to vector<2000x16xf32>
    %mul3A_20 = arith.mulf %add3A_19, %mul3A : vector<2000x16xf32>
    %get3A_21 = arith.constant 0 : index
    %get3A_22 = arith.constant 0 : index
    %get3A_23 = vector.load %arg6[%get3A_21, %get3A_22] : memref<1x16xf32, #tpu.memory_space<vmem>>, vector<1x16xf32>
    %add3A_24 = vector.broadcast %get3A_23 : vector<1x16xf32> to vector<2000x16xf32>
    %add3A_25 = arith.addf %mul3A_20, %add3A_24 : vector<2000x16xf32>
    %swap3A = arith.constant 0 : index
    %swap3A_26 = arith.constant 0 : index
    %swap3A_27 = vector.load %arg7[%swap3A, %swap3A_26] : memref<2000x16xf32, #tpu.memory_space<vmem>>, vector<2000x16xf32>
    tpu.vector_store %arg7[%swap3A, %swap3A_26], %add3A_25 {strides = array<i32>} : memref<2000x16xf32, #tpu.memory_space<vmem>>, vector<2000x16xf32>,
    return
  }
  func.func @transform_0(%arg0: i32) -> (i32, i32) {
    %c0_i32 = arith.constant 0 : i32
    %c0_i32_0 = arith.constant 0 : i32
    return %arg0, %c0_i32 : i32, i32
  }
  func.func @transform_1(%arg0: i32) -> (i32, i32) {
    %c0_i32 = arith.constant 0 : i32
    %c0_i32_0 = arith.constant 0 : i32
    return %arg0, %c0_i32 : i32, i32
  }
  func.func @transform_2(%arg0: i32) -> (i32, i32) {
    %c0_i32 = arith.constant 0 : i32
    %c0_i32_0 = arith.constant 0 : i32
    return %arg0, %c0_i32 : i32, i32
  }
  func.func @transform_3(%arg0: i32) -> (i32, i32) {
    %c0_i32 = arith.constant 0 : i32
    %c0_i32_0 = arith.constant 0 : i32
    return %arg0, %c0_i32 : i32, i32
  }
  func.func @transform_4(%arg0: i32) -> (i32, i32) {
    %c0_i32 = arith.constant 0 : i32
    %c0_i32_0 = arith.constant 0 : i32
    return %arg0, %c0_i32 : i32, i32
  }
  func.func @transform_5(%arg0: i32) -> (i32, i32) {
    %c0_i32 = arith.constant 0 : i32
    %c0_i32_0 = arith.constant 0 : i32
    %c0_i32_1 = arith.constant 0 : i32
    return %c0_i32, %c0_i32_0 : i32, i32
  }
  func.func @transform_6(%arg0: i32) -> (i32, i32) {
    %c0_i32 = arith.constant 0 : i32
    %c0_i32_0 = arith.constant 0 : i32
    return %arg0, %c0_i32 : i32, i32
  }
}

</mosaic_0001>

<sc_bundles>
// kernel: kernel.12.cloned.1.call-start
scs
__scs_entry_jumppad:
0x0: {  	(pc) =	sbr.rel $0x88, $3  }
0x1: {  	(tag) =	ssettag $0x0;
	lr =	simm.s32 $0x1  }
0x2: {  	[smem:$0x3F8B] =	sst lr;
	_ =	strace $0xD0000000  }
0x3: {  	_ = 	snop  }
0x4: {  	_ = 	snop  }
0x5: {  	_ = 	snop  }
0x6: {  	_ = 	snop  }
0x7: {  	_ = 	snop  }
__scs_overlays_trampoline_lowered:
0x8: {  	[smem:$0x3F9A] =	sst s0  }
0x9: {  	[smem:$0x3F9B] =	sst s1  }
0xa: {  	[smem:$0x3F9C] =	sst s2  }
0xb: {  	[smem:$0x3F9D] =	sst s3  }
0xc: {  	[smem:$0x3F9E] =	sst s4  }
0xd: {  	[smem:$0x3F9F] =	sst s5  }
0xe: {  	[smem:$0x3FA0] =	sst s6  }
0xf: {  	[smem:$0x3FA1] =	sst s7  }
0x10: {  	[smem:$0x3FA2] =	sst s8  }
0x11: {  	[smem:$0x3FA3] =	sst s9;
	s0 =	simm.s32 @!p0 $0x0  }
0x12: {  	s1 =	sld [smem:$0x3F89];
	s0 =	simm.s32 @p0 $0x1  }
0x13: {  	[smem:$0x3FA4] =	sst s0;
	s0 =	simm.s32 @!p1 $0x0  }
0x14: {  	s2 =	sld [smem:$0x3F88];
	s0 =	simm.s32 @p1 $0x1  }
0x15: {  	[smem:$0x3FA5] =	sst s0;
	s0 =	simm.s32 @!p2 $0x0  }
0x16: {  	s3 =	sld [smem:$0x3FDB];
	s0 =	simm.s32 @p2 $0x1  }
0x17: {  	s4 =	simm.s32 $0x1BF5;
	[smem:$0x3FA7] =	sst s0  }
0x18: {  	s0 =	sld [smem:$0x3F8A];
	_ =	swait.ge [sflag:s4], $0x0  }
0x19: {  	s7 =	sld [smem:$0x3F8B]  }
0x1a: {  	s8 =	sadd.s32 $0xFFFFE003, lr  }
0x1b: {  	s9 =	sadd.s32 $0xFFFFFEF7, lr;
	s5 =	simm.s32 $0xFFFFFFFF;
	p2 =	slt.u32 s8, $0xFFFFF086  }
0x1c: {  	p1 =	slt.u32 s9, $0xF7A;
	s5 =	simm.s32 @!p2 $0x0  }
0x1d: {  	s5 =	simm.s32 @p1 $0x1;
	p0 =	seq.s32 s7, s2  }
0x1e: {  	s7 =	smul.u32 @!p0 $0xF7A, s2;
	p2 =	seq.s32 @!p0 s5, $0x0  }
0x1f: {  	s9 =	smul.u32 $0xF7A, s1;
	s8 =	simm.s32 @!p0 $0x1BF5;
	p2 =	por !p2, p0  }
0x20: {  	[sflag:s8] =	ssyncset.s32 @!p0 $0xFFFFF086;
	s6 =	sadd.s32 @!p0 s3, s7;
	s7 =	simm.s32 @!p0 $0x108  }
0x21: {  	s3 =	sadd.s32 s3, s9;
	s6 =	sadd.s32 @!p0 $0x88, s6;
	s7 =	simm.s32 @p2 $0x1082  }
0x22: {  	[simem:s7], [sflag:s8] =	dma.local @!p0 [hbm:s6], $0xF7A  }
0x23: {  	s9 =	sor.u32 $0xD0000000, s2;
	s6 =	simm.s32 $0x108;
	_ =	swait.ge @!p0 [sflag:s8], $0x0  }
0x24: {  	s3 =	sadd.s32 $0x88, s3;
	s6 =	simm.s32 @!p1 $0x1082;
	[sflag:s4] =	ssyncset.s32 $0xFFFFF086  }
0x25: {  	[simem:s6], [sflag:s4] =	dma.local [hbm:s3], $0xF7A  }
0x26: {  	[smem:$0x3F8B] =	sst s1;
	(tag) =	ssettag s2;
	_ =	strace s9  }
0x27: {  	s1 =	sld [smem:$0x3F9B]  }
0x28: {  	s2 =	sld [smem:$0x3F9C]  }
0x29: {  	s4 =	sld [smem:$0x3F9E]  }
0x2a: {  	p0 =	seq.s32 s5, $0x0;
	s5 =	sld [smem:$0x3F9F]  }
0x2b: {  	s6 =	sld [smem:$0x3FA0]  }
0x2c: {  	s7 =	sld [smem:$0x3FA1]  }
0x2d: {  	s3 =	simm.s32 $0x108;
	s8 =	sld [smem:$0x3FA2]  }
0x2e: {  	s3 =	simm.s32 @!p0 $0x1082;
	s9 =	sld [smem:$0x3FA3]  }
0x2f: {  	lr =	sadd.s32 s0, s3;
	s0 =	sld [smem:$0x3F9A]  }
0x30: {  	s3 =	sld [smem:$0x3F9D]  }
0x31: {  	[smem:$0x3FA6] =	sst s10  }
0x32: {  	s10 =	sld [smem:$0x3FA4];
	_ =	sdelay $0x3  }
0x33: {  	p0 =	seq.s32 s10, $0x1;
	s10 =	sld [smem:$0x3FA6];
	_ =	sdelay $0x3  }
0x34: {  	[smem:$0x3FA6] =	sst s10  }
0x35: {  	s10 =	sld [smem:$0x3FA5];
	_ =	sdelay $0x3  }
0x36: {  	p1 =	seq.s32 s10, $0x1;
	s10 =	sld [smem:$0x3FA6];
	_ =	sdelay $0x3  }
0x37: {  	[smem:$0x3FA6] =	sst s10  }
0x38: {  	s10 =	sld [smem:$0x3FA7]  }
0x39: {  	_ = 	snop;
	(pc) =	sbr.ind lr, $3  }
0x3a: {  	_ = 	snop  }
0x3b: {  	_ = 	snop  }
0x3c: {  	p2 =	seq.s32 s10, $0x1;
	s10 =	sld [smem:$0x3FA6]  }
0x3d: {  	_ =	shalt  }
0x3e: {  	_ =	shalt  }
0x3f: {  	_ =	shalt  }
0x40: {  	_ =	shalt  }
0x41: {  	_ =	shalt  }
0x42: {  	_ =	shalt  }
0x43: {  	_ =	shalt  }
0x44: {  	_ =	shalt  }
0x45: {  	_ =	shalt  }
0x46: {  	_ =	shalt  }
0x47: {  	_ =	shalt  }
0x48: {  	_ =	shalt  }
0x49: {  	_ =	shalt  }
0x4a: {  	_ =	shalt  }
0x4b: {  	_ =	shalt  }
0x4c: {  	_ =	shalt  }
0x4d: {  	_ =	shalt  }
0x4e: {  	_ =	shalt  }
0x4f: {  	_ =	shalt  }
0x50: {  	_ =	shalt  }
0x51: {  	_ =	shalt  }
0x52: {  	_ =	shalt  }
0x53: {  	_ =	shalt  }
0x54: {  	_ =	shalt  }
0x55: {  	_ =	shalt  }
0x56: {  	_ =	shalt  }
0x57: {  	_ =	shalt  }
0x58: {  	_ =	shalt  }
0x59: {  	_ =	shalt  }
0x5a: {  	_ =	shalt  }
0x5b: {  	_ =	shalt  }
0x5c: {  	_ =	shalt  }
0x5d: {  	_ =	shalt  }
0x5e: {  	_ =	shalt  }
0x5f: {  	_ =	shalt  }
0x60: {  	_ =	shalt  }
0x61: {  	_ =	shalt  }
0x62: {  	_ =	shalt  }
0x63: {  	_ =	shalt  }
0x64: {  	_ =	shalt  }
0x65: {  	_ =	shalt  }
0x66: {  	_ =	shalt  }
0x67: {  	_ =	shalt  }
0x68: {  	_ =	shalt  }
0x69: {  	_ =	shalt  }
0x6a: {  	_ =	shalt  }
0x6b: {  	_ =	shalt  }
0x6c: {  	_ =	shalt  }
0x6d: {  	_ =	shalt  }
0x6e: {  	_ =	shalt  }
0x6f: {  	_ =	shalt  }
0x70: {  	_ =	shalt  }
0x71: {  	_ =	shalt  }
0x72: {  	_ =	shalt  }
0x73: {  	_ =	shalt  }
0x74: {  	_ =	shalt  }
0x75: {  	_ =	shalt  }
0x76: {  	_ =	shalt  }
0x77: {  	_ =	shalt  }
0x78: {  	_ =	shalt  }
0x79: {  	_ =	shalt  }
0x7a: {  	_ =	shalt  }
0x7b: {  	_ =	shalt  }
0x7c: {  	_ =	shalt  }
0x7d: {  	_ =	shalt  }
0x7e: {  	_ =	shalt  }
0x7f: {  	_ =	shalt  }
0x80: {  	_ =	shalt  }
0x81: {  	_ =	shalt  }
0x82: {  	_ =	shalt  }
0x83: {  	_ =	shalt  }
0x84: {  	_ =	shalt  }
0x85: {  	_ =	shalt  }
0x86: {  	_ =	shalt  }
0x87: {  	_ =	shalt  }
.Lfunc_end0:
.L_simem_size_0:
called_computation_lowered:
.L_overlay_start_0:
0x88: {  	s2 =	sld [smem:$0x3FD9]  }
0x89: {  	s3 =	sld [smem:$0x3FFE];
	_ =	sdelay $0x1  }
0x8a: {  	s1 =	srdreg.scid  }
0x8b: {  	s0 =	sand.u32 $0x1, s1  }
0x8c: {  	s17 =	sshll.u32 s0, $0xA;
	s2 =	sadd.s32 s3, s2  }
0x8d: {  	s2 =	sadd.s32 s2, s17  }
0x8e: {  	[smem:$0x3FB2] =	sst s2  }
0x8f: {  	_ = 	snop  }
0x90: {  	s2 =	sld [smem:$0x3FD0];
	(tm) =	ssettm $0x1  }
0x91: {  	s18 =	sld [smem:$0x3FFB];
	_ =	sdelay $0x3  }
0x92: {  	_ =	strace s18  }
0x93: {  	s3 =	sld [smem:$0x3FFC];
	_ =	sdelay $0x3  }
0x94: {  	_ =	strace s3  }
0x95: {  	s3 =	sld [smem:$0x3FFD];
	_ =	sdelay $0x3  }
0x96: {  	_ =	strace s3  }
0x97: {  	_ =	strace $0x8FFFFFFF  }
0x98: {  	s19 =	sld [smem:$0x3FDB];
	_ =	sdelay $0x1  }
0x99: {  	s4 =	simm.s32 $_scs_section_size  }
0x9a: {  	s5 =	simm.s32 $_size__tile_overlayer_lowered;
	s6 =	simm.s32 $_tile_overlayer_lowered  }
0x9b: {  	s22 =	simm.s32 $0x1BFF;
	s21 =	sshll.u32 s6, $0x1;
	s3 =	sadd.s32 s4, s19  }
0x9c: {  	s7 =	simm.s32 $0x0;
	s20 =	sshll.u32 s5, $0x1;
	s5 =	sadd.s32 s21, s3  }
0x9d: {  	[timem:s7], [sflag:s22] =	dma.local [hbm:s5], s20  }
0x9e: {  	_ =	swait.ge [sflag:s22], s20  }
0x9f: {  	s4 =	ssub.s32 $0x0, s20;
	[sflag:s22] =	ssyncset.done $0x0  }
0xa0: {  	[sflag:s22] =	ssyncadd.s32 s4;
	_ =	sdelay $0x1  }
0xa1: {  	s23 =	simm.s32 $0x1B8B  }
0xa2: {  	_ =	swait.ge [sflag:s23], $0x1  }
0xa3: {  	[sflag:s23] =	ssyncset.done $0x0  }
0xa4: {  	s25 =	simm.s32 $0x1B8E;
	s24 =	sld [smem:$0x3FFE];
	[sflag:s23] =	ssyncadd.s32 $0xFFFFFFFF  }
0xa5: {  	s26 =	simm.s32 $execute0_lowered;
	[smem:$0x3FD2] =	sst s25  }
0xa6: {  	s5 =	sshll.u32 s26, $0x1;
	_ =	strace $0x80000046;
	[dreg:$0x1] =	wrdreg $0xFFFFFFFF  }
0xa7: {  	s28 =	simm.s32 $_size_execute0_lowered;
	s3 =	sadd.s32 s3, s5;
	[dreg:$0x0] =	wrdreg $0x0  }
0xa8: {  	s5 =	sshll.u32 s28, $0x1;
	[dreg:$0x2] =	wrdreg s3  }
0xa9: {  	[dreg:$0x3] =	wrdreg s5  }
0xaa: {  	[dreg:$0x4] =	wrdreg $0xC0  }
0xab: {  	_ =	task [dreg:s7], $0x5FFFF  }
0xac: {  	[dreg:$0x1] =	wrdreg $0xFFFFFFFF  }
0xad: {  	[dreg:$0x0] =	wrdreg $0x60  }
0xae: {  	[dreg:$0x2] =	wrdreg s24  }
0xaf: {  	[dreg:$0x3] =	wrdreg s2  }
0xb0: {  	[dreg:$0x4] =	wrdreg $0x33E00  }
0xb1: {  	[dreg:$0x5] =	wrdreg $0x9  }
0xb2: {  	_ =	task.clear_ibuf [dreg:s7], $0x6FFFF;
	_ =	strace $0x90000046  }
0xb3: {  	s29 =	simm.s32 $0x9;
	_ =	strace $0x80000048  }
0xb4: {  	_ =	swait.ge [sflag:s29], $0x1  }
0xb5: {  	[sflag:s29] =	ssyncadd.s32 $0xFFFFFFFF  }
0xb6: {  	_ =	strace $0x90000048  }
0xb7: {  	_ =	sfence  }
0xb8: {  	s30 =	sld [smem:$0x0];
	_ =	sdelay $0x2  }
0xb9: {  	s31 =	sshll.u32 s1, $0xD;
	s1 =	sshrl.u32 s1, $0x2  }
0xba: {  	s3 =	sand.u32 $0x4000, s31;
	s1 =	sadd.s32 s1, s30  }
0xbb: {  	s0 =	sor.u32 s3, s0;
	s1 =	sshll.u32 s1, $0x11  }
0xbc: {  	s0 =	sor.u32 s1, s0  }
0xbd: {  	s0 =	sadd.s32 $0x8F2B, s0  }
0xbe: {  	[sflag:s0] =	ssyncadd.remote.s32 $0x1  }
0xbf: {  	_ =	sfence.sel $0xFFFF  }
0xc0: {  	[dreg:$0x0] =	wrdreg $0xFFFFFFFF;
	(pc) =	sbr.abs _section_cstart, $3  }
0xc1: {  	[dreg:$0x1] =	wrdreg $0xFFFFFFFF  }
0xc2: {  	_ =	task.clear_ibuf [dreg:s7], $0x2FFFF;
	_ =	strace $0x9FFFFFFF  }
0xc3: {  	(tm) =	ssettm $0x7FFFFFFF  }
tec
execute0_lowered:
.L_overlay_start_1:
0x0: {  	(tag) =	ssettag $0x1  }
0x1: {  	s4 =	rddreg [dreg:$0x0]  }
0x2: {  	s15 =	rddreg [dreg:$0x1]  }
0x3: {  	s0 =	srdreg.scid;
	s2 =	rddreg [dreg:$0x2];
	s3 =	simm.s32 $0x0  }
0x4: {  	s19 =	simm.s32 $0x2710;
	s20 =	simm.s32 $0x1;
	s10 =	sand.u32 $0x1, s0  }
0x5: {  	s0 =	stileid.u32;
	[smem:$0x7FF] =	sst s3;
	s12 =	sadd.s32 $0x1C200, s4  }
0x6: {  	s1 =	sshll.u32 s10, $0x4;
	s6 =	ssub.s32 $0x2, s10;
	s11 =	smul.u32 $0x2710, s0  }
0x7: {  	p0 =	seq.s32 s10, $0x1;
	s5 =	sor.u32 s0, s1;
	s1 =	rddreg [dreg:$0x3]  }
0x8: {  	_ =	strace $0x80000047;
	s31 =	sshrl.u32 s6, $0x1;
	s15 =	smov.u32 @p0 s12  }
0x9: {  	s5 =	smul.u32 $0x4E2, s5;
	s13 =	ssub.s32 s6, s31;
	s14 =	sadd.s32 $0x7D0, s11  }
0xa: {  	s16 =	sadd.s32 $0xFA0, s11;
	s17 =	sadd.s32 $0x1770, s11;
	s18 =	sadd.s32 $0x1F40, s11  }
0xb: {  	s6 =	sadd.s32 s16, s2;
	s7 =	sadd.s32 s17, s2;
	s8 =	sadd.s32 s18, s2  }
0xc: {  	s16 =	sshrl.u32 s16, $0x3;
	s17 =	sshrl.u32 s17, $0x3;
	s18 =	sshrl.u32 s18, $0x3  }
0xd: {  	s10 =	smax.u32 s13, $0x1;
	s9 =	sadd.s32 s5, s4;
	s4 =	sadd.s32 s11, s2  }
0xe: {  	s5 =	sadd.s32 s14, s2;
	s11 =	sshrl.u32 s11, $0x3;
	s14 =	sshrl.u32 s14, $0x3  }
0xf: {  	s13 =	sadd.s32 s15, s16;
	s16 =	simm.s32 $0x2C10;
	s9 =	sadd.s32 $0x12400, s9  }
0x10: {  	s11 =	sadd.s32 s15, s11;
	s12 =	sadd.s32 s15, s14;
	s14 =	sadd.s32 s15, s17  }
0x11: {  	v0 =	vimm.f32 $1.000000000e+00;
	v1 =	vimm.f32 $0.0e+00;
	s15 =	sadd.s32 s15, s18;
	s17 =	simm.s32 $0x2;
	s18 =	simm.s32 $0x50  }
.LBB2_1:
0x12: {  	s21 =	simm.s32 $0x0  }
.LBB2_2:
0x13: {  	p0 =	sne.s32 s21, $0x13C0  }
.Ltmp0:
0x14: {  	_ = 	snop;
	(pc) =	sbr.rel @p0 .LBB2_2-.Ltmp0, $3  }
0x15: {  	_ =	sdelay $0x1  }
0x16: {  	s22 =	sshra.s32 s21, $0x2  }
0x17: {  	s21 =	sadd.s32 $0x40, s21;
	[tilespmem:s22+$0x2710] =	vst v0  }
0x18: {  	s21 =	simm.s32 $0x40;
	s22 =	simm.s32 $0x0  }
.LBB2_4:
0x19: {  	p0 =	sne.s32 s21, $0x1F00;
	[tilespmem:s22+$0x2C10] =	vst v1;
	s22 =	smov.u32 s21;
	s21 =	sadd.s32 $0x40, s21  }
.Ltmp1:
0x1a: {  	(pc) =	sbr.rel @p0 .LBB2_4-.Ltmp1, $2  }
0x1b: {  	_ =	sdelay $0x2  }
0x1c: {  	s22 =	sshra.s32 s22, $0x2  }
0x1d: {  	[tilespmem:s22+$0x2C10] =	vst v1  }
0x1e: {  	[spmem:s4] =	stream.linear.scatter [tilespmem:s16], [sflag:$0x2], $0x7D0, $0x38;
	[tilespmem:$0x5AF0] =	vst v63  }
0x1f: {  	_ =	swait.ge [sflag:s17], $0x7D0  }
0x20: {  	[sflag:s17] =	ssyncset.done $0x0  }
0x21: {  	[sflag:s17] =	ssyncadd.s32 $0xFFFFF830  }
0x22: {  	[spmem:s5] =	stream.linear.scatter [tilespmem:s16], [sflag:$0x2], $0x7D0, $0x38;
	[tilespmem:$0x5AF0] =	vst v63  }
0x23: {  	_ =	swait.ge [sflag:s17], $0x7D0  }
0x24: {  	[sflag:s17] =	ssyncset.done $0x0  }
0x25: {  	[sflag:s17] =	ssyncadd.s32 $0xFFFFF830  }
0x26: {  	[spmem:s6] =	stream.linear.scatter [tilespmem:s16], [sflag:$0x2], $0x7D0, $0x38;
	[tilespmem:$0x5AF0] =	vst v63  }
0x27: {  	_ =	swait.ge [sflag:s17], $0x7D0  }
0x28: {  	[sflag:s17] =	ssyncset.done $0x0  }
0x29: {  	[sflag:s17] =	ssyncadd.s32 $0xFFFFF830  }
0x2a: {  	[spmem:s7] =	stream.linear.scatter [tilespmem:s16], [sflag:$0x2], $0x7D0, $0x38;
	[tilespmem:$0x5AF0] =	vst v63  }
0x2b: {  	_ =	swait.ge [sflag:s17], $0x7D0  }
0x2c: {  	[sflag:s17] =	ssyncset.done $0x0  }
0x2d: {  	[sflag:s17] =	ssyncadd.s32 $0xFFFFF830  }
0x2e: {  	[spmem:s8] =	stream.linear.scatter [tilespmem:s16], [sflag:$0x2], $0x7D0, $0x38;
	[tilespmem:$0x5AF0] =	vst v63  }
0x2f: {  	_ =	swait.ge [sflag:s17], $0x7D0  }
0x30: {  	[sflag:s17] =	ssyncset.done $0x0  }
0x31: {  	s21 =	simm.s32 $0x0;
	[sflag:s17] =	ssyncadd.s32 $0xFFFFF830  }
0x32: {  	[tilespmem:s21], [sflag:$0x2] =	stream.linear.gather [hbm4b:s9+s21], $0x2710, $0x38;
	[tilespmem:$0x5AF0] =	vst v63  }
0x33: {  	_ =	swait.ge [sflag:s17], $0x2710  }
0x34: {  	[sflag:s17] =	ssyncset.done $0x0  }
0x35: {  	[sflag:s17] =	ssyncadd.s32 $0xFFFFD8F0  }
0x36: {  	s26 =	simm.s32 $0x0;
	[bflag:$0x0] =	sbarrier.arrive $0xFFFF  }
0x37: {  	[spmem:s2] =	stream.indirect.scatter.add.f32 [tilespmem:s19], [sflag:$0x1], $0x10, s26, s18, $0xb8;
	[tilespmem:$0x5AF0] =	vst v63  }
0x38: {  	s28 =	simm.s32 $0x50  }
0x39: {  	[spmem:s2] =	stream.indirect.scatter.add.f32 [tilespmem:s19], [sflag:$0x1], $0x10, s28, s18, $0xb8;
	[tilespmem:$0x5AF0] =	vst v63  }
0x3a: {  	s29 =	simm.s32 $0xA0  }
0x3b: {  	[spmem:s2] =	stream.indirect.scatter.add.f32 [tilespmem:s19], [sflag:$0x1], $0x10, s29, s18, $0xb8;
	[tilespmem:$0x5AF0] =	vst v63  }
0x3c: {  	s30 =	simm.s32 $0xF0  }
0x3d: {  	[spmem:s2] =	stream.indirect.scatter.add.f32 [tilespmem:s19], [sflag:$0x1], $0x10, s30, s18, $0xb8;
	[tilespmem:$0x5AF0] =	vst v63  }
0x3e: {  	s31 =	simm.s32 $0x140  }
0x3f: {  	[spmem:s2] =	stream.indirect.scatter.add.f32 [tilespmem:s19], [sflag:$0x1], $0x10, s31, s18, $0xb8;
	[tilespmem:$0x5AF0] =	vst v63  }
0x40: {  	_ =	swait.ge [sflag:s20], $0x500  }
0x41: {  	[sflag:s20] =	ssyncset.done $0x0  }
0x42: {  	[sflag:s20] =	ssyncadd.s32 $0xFFFFFB00  }
0x43: {  	_ =	swait.ge [sflag:s20], $0x500  }
0x44: {  	[sflag:s20] =	ssyncset.done $0x0  }
0x45: {  	[sflag:s20] =	ssyncadd.s32 $0xFFFFFB00  }
0x46: {  	_ =	swait.ge [sflag:s20], $0x500  }
0x47: {  	[sflag:s20] =	ssyncset.done $0x0  }
0x48: {  	[sflag:s20] =	ssyncadd.s32 $0xFFFFFB00  }
0x49: {  	_ =	swait.ge [sflag:s20], $0x500  }
0x4a: {  	[sflag:s20] =	ssyncset.done $0x0  }
0x4b: {  	[sflag:s20] =	ssyncadd.s32 $0xFFFFFB00  }
0x4c: {  	_ =	swait.ge [sflag:s20], $0x500  }
0x4d: {  	s22 =	simm.s32 $0xC80;
	s21 =	simm.s32 $0x640;
	[sflag:s20] =	ssyncset.done $0x0  }
.LBB2_6:
0x4e: {  	s23 =	sshra.s32 s21, $0x2  }
0x4f: {  	[sflag:s20] =	ssyncadd.s32 $0xFFFFFB00;
	s21 =	smov.u32 s22;
	s24 =	sadd.s32 $0x640, s22  }
0x50: {  	[spmem:s2] =	stream.indirect.scatter.add.f32 [tilespmem:s19], [sflag:$0x1], $0x10, s23, s18, $0xb8;
	[tilespmem:$0x5AF0] =	vst v63  }
0x51: {  	p0 =	sne.s32 s22, $0x9600;
	s22 =	sadd.s32 $0x50, s23  }
0x52: {  	[spmem:s2] =	stream.indirect.scatter.add.f32 [tilespmem:s19], [sflag:$0x1], $0x10, s22, s18, $0xb8;
	[tilespmem:$0x5AF0] =	vst v63  }
0x53: {  	s22 =	sadd.s32 $0xA0, s23  }
0x54: {  	[spmem:s2] =	stream.indirect.scatter.add.f32 [tilespmem:s19], [sflag:$0x1], $0x10, s22, s18, $0xb8;
	[tilespmem:$0x5AF0] =	vst v63  }
0x55: {  	s22 =	sadd.s32 $0xF0, s23  }
0x56: {  	[spmem:s2] =	stream.indirect.scatter.add.f32 [tilespmem:s19], [sflag:$0x1], $0x10, s22, s18, $0xb8;
	[tilespmem:$0x5AF0] =	vst v63  }
0x57: {  	s22 =	sadd.s32 $0x140, s23  }
0x58: {  	[spmem:s2] =	stream.indirect.scatter.add.f32 [tilespmem:s19], [sflag:$0x1], $0x10, s22, s18, $0xb8;
	[tilespmem:$0x5AF0] =	vst v63  }
0x59: {  	_ =	swait.ge [sflag:s20], $0x500  }
0x5a: {  	[sflag:s20] =	ssyncset.done $0x0  }
0x5b: {  	[sflag:s20] =	ssyncadd.s32 $0xFFFFFB00  }
0x5c: {  	_ =	swait.ge [sflag:s20], $0x500  }
0x5d: {  	[sflag:s20] =	ssyncset.done $0x0  }
0x5e: {  	[sflag:s20] =	ssyncadd.s32 $0xFFFFFB00  }
0x5f: {  	_ =	swait.ge [sflag:s20], $0x500  }
0x60: {  	[sflag:s20] =	ssyncset.done $0x0  }
0x61: {  	[sflag:s20] =	ssyncadd.s32 $0xFFFFFB00  }
.Ltmp2:
0x62: {  	_ =	swait.ge [sflag:s20], $0x500;
	(pc) =	sbr.rel @p0 .LBB2_6-.Ltmp2, $4  }
0x63: {  	[sflag:s20] =	ssyncset.done $0x0  }
0x64: {  	[sflag:s20] =	ssyncadd.s32 $0xFFFFFB00  }
0x65: {  	_ =	swait.ge [sflag:s20], $0x500  }
0x66: {  	s22 =	smov.u32 s24;
	[sflag:s20] =	ssyncset.done $0x0  }
0x67: {  	s21 =	sshra.s32 s21, $0x2;
	[sflag:s20] =	ssyncadd.s32 $0xFFFFFB00  }
0x68: {  	[spmem:s2] =	stream.indirect.scatter.add.f32 [tilespmem:s19], [sflag:$0x1], $0x10, s21, s18, $0xb8;
	[tilespmem:$0x5AF0] =	vst v63  }
0x69: {  	s22 =	sadd.s32 $0x50, s21  }
0x6a: {  	[spmem:s2] =	stream.indirect.scatter.add.f32 [tilespmem:s19], [sflag:$0x1], $0x10, s22, s18, $0xb8;
	[tilespmem:$0x5AF0] =	vst v63  }
0x6b: {  	s23 =	sadd.s32 $0xA0, s21  }
0x6c: {  	[spmem:s2] =	stream.indirect.scatter.add.f32 [tilespmem:s19], [sflag:$0x1], $0x10, s23, s18, $0xb8;
	[tilespmem:$0x5AF0] =	vst v63  }
0x6d: {  	s24 =	sadd.s32 $0xF0, s21  }
0x6e: {  	[spmem:s2] =	stream.indirect.scatter.add.f32 [tilespmem:s19], [sflag:$0x1], $0x10, s24, s18, $0xb8;
	[tilespmem:$0x5AF0] =	vst v63  }
0x6f: {  	s21 =	sadd.s32 $0x140, s21  }
0x70: {  	[spmem:s2] =	stream.indirect.scatter.add.f32 [tilespmem:s19], [sflag:$0x1], $0x10, s21, s18, $0xb8;
	[tilespmem:$0x5AF0] =	vst v63  }
0x71: {  	_ =	swait.ge [sflag:s20], $0x500  }
0x72: {  	[sflag:s20] =	ssyncset.done $0x0  }
0x73: {  	[sflag:s20] =	ssyncadd.s32 $0xFFFFFB00  }
0x74: {  	_ =	swait.ge [sflag:s20], $0x500  }
0x75: {  	[sflag:s20] =	ssyncset.done $0x0  }
0x76: {  	[sflag:s20] =	ssyncadd.s32 $0xFFFFFB00  }
0x77: {  	_ =	swait.ge [sflag:s20], $0x500  }
0x78: {  	[sflag:s20] =	ssyncset.done $0x0  }
0x79: {  	[sflag:s20] =	ssyncadd.s32 $0xFFFFFB00  }
0x7a: {  	_ =	swait.ge [sflag:s20], $0x500  }
0x7b: {  	[sflag:s20] =	ssyncset.done $0x0  }
0x7c: {  	[sflag:s20] =	ssyncadd.s32 $0xFFFFFB00  }
0x7d: {  	_ =	swait.ge [sflag:s20], $0x500  }
0x7e: {  	[sflag:s20] =	ssyncset.done $0x0  }
0x7f: {  	s25 =	sshll.u32 s0, $0x6;
	[sflag:s20] =	ssyncadd.s32 $0xFFFFFB00  }
0x80: {  	s26 =	sshrl.u32 s4, $0x3;
	s21 =	sor.u32 $0x1C02, s25;
	[bflag:$0x0] =	sbarrier.arrive $0xFFFF  }
0x81: {  	[hbm:s11], [sflag:s21] =	dma.local [spmem:s26], $0xFA  }
0x82: {  	_ =	swait.ge [sflag:s17], $0xFA  }
0x83: {  	[sflag:s17] =	ssyncset.done $0x0  }
0x84: {  	s28 =	sshrl.u32 s5, $0x3;
	[sflag:s17] =	ssyncadd.s32 $0xFFFFFF06  }
0x85: {  	[hbm:s12], [sflag:s21] =	dma.local [spmem:s28], $0xFA  }
0x86: {  	_ =	swait.ge [sflag:s17], $0xFA  }
0x87: {  	[sflag:s17] =	ssyncset.done $0x0  }
0x88: {  	s29 =	sshrl.u32 s6, $0x3;
	[sflag:s17] =	ssyncadd.s32 $0xFFFFFF06  }
0x89: {  	[hbm:s13], [sflag:s21] =	dma.local [spmem:s29], $0xFA  }
0x8a: {  	_ =	swait.ge [sflag:s17], $0xFA  }
0x8b: {  	[sflag:s17] =	ssyncset.done $0x0  }
0x8c: {  	s30 =	sshrl.u32 s7, $0x3;
	[sflag:s17] =	ssyncadd.s32 $0xFFFFFF06  }
0x8d: {  	[hbm:s14], [sflag:s21] =	dma.local [spmem:s30], $0xFA  }
0x8e: {  	s3 =	sadd.s32 $0x1, s3;
	_ =	swait.ge [sflag:s17], $0xFA  }
0x8f: {  	p0 =	sne.s32 s3, s10;
	[sflag:s17] =	ssyncset.done $0x0  }
.Ltmp3:
0x90: {  	s31 =	sshrl.u32 s8, $0x3;
	[sflag:s17] =	ssyncadd.s32 $0xFFFFFF06;
	(pc) =	sbr.rel @p0 .LBB2_1-.Ltmp3, $4  }
0x91: {  	[hbm:s15], [sflag:s21] =	dma.local [spmem:s31], $0xFA  }
0x92: {  	_ =	swait.ge [sflag:s17], $0xFA  }
0x93: {  	[sflag:s17] =	ssyncset.done $0x0  }
0x94: {  	[sflag:s17] =	ssyncadd.s32 $0xFFFFFF06  }
0x95: {  	_ =	sfence.sel $0x180000  }
0x96: {  	[bflag:$0x0] =	sbarrier.arrive $0xFFFF  }
0x97: {  	p0 =	sne.s32 s0, $0x0;
	_ =	strace $0x90000047  }
0x98: {  	s0 =	sadd.s32 @!p0 $0x100000, s1;
	[bflag:$0x2] =	sbarrier.arrive $0xFFFF  }
0x99: {  	[sflag:s0] =	ssyncadd.tile.s32 @!p0 $0x1;
	_ =	shalt  }
.Lfunc_end2:
_tile_overlayer_lowered:
.L_overlay_start_2:
0x9a: {  	(tag) =	ssettag $0x2  }
0x9b: {  	s0 =	rddreg [dreg:$0x0];
	s2 =	stileid.u32  }
0x9c: {  	s1 =	rddreg [dreg:$0x1];
	p0 =	sne.s32 s2, $0x0  }
0x9d: {  	s3 =	rddreg [dreg:$0x2];
	[bflag:$0x3] =	sbarrier.arrive $0xFFFF;
	s2 =	simm.s32 @!p0 $0x1C02  }
0x9e: {  	[timem:s3], [sflag:s2] =	dma.local @!p0 [hbm:s0], s1  }
0x9f: {  	s0 =	simm.s32 @!p0 $0x2  }
0xa0: {  	_ =	swait.ge @!p0 [sflag:s0], s1  }
0xa1: {  	s1 =	ssub.s32 @!p0 $0x0, s1;
	[sflag:s0] =	ssyncset.done @!p0 $0x0  }
0xa2: {  	[sflag:s0] =	ssyncadd.s32 @!p0 s1  }
0xa3: {  	[bflag:$0x3] =	sbarrier.arrive $0xFFFF  }
0xa4: {  	_ =	shalt  }

// kernel: kernel.15.cloned.1.call-start
scs
__scs_entry_jumppad:
0x0: {  	(pc) =	sbr.rel $0x88, $3  }
0x1: {  	(tag) =	ssettag $0x0;
	lr =	simm.s32 $0x1  }
0x2: {  	[smem:$0x3F8B] =	sst lr;
	_ =	strace $0xD0000000  }
0x3: {  	_ = 	snop  }
0x4: {  	_ = 	snop  }
0x5: {  	_ = 	snop  }
0x6: {  	_ = 	snop  }
0x7: {  	_ = 	snop  }
__scs_overlays_trampoline_lowered:
0x8: {  	[smem:$0x3F9A] =	sst s0  }
0x9: {  	[smem:$0x3F9B] =	sst s1  }
0xa: {  	[smem:$0x3F9C] =	sst s2  }
0xb: {  	[smem:$0x3F9D] =	sst s3  }
0xc: {  	[smem:$0x3F9E] =	sst s4  }
0xd: {  	[smem:$0x3F9F] =	sst s5  }
0xe: {  	[smem:$0x3FA0] =	sst s6  }
0xf: {  	[smem:$0x3FA1] =	sst s7  }
0x10: {  	[smem:$0x3FA2] =	sst s8  }
0x11: {  	[smem:$0x3FA3] =	sst s9;
	s0 =	simm.s32 @!p0 $0x0  }
0x12: {  	s1 =	sld [smem:$0x3F89];
	s0 =	simm.s32 @p0 $0x1  }
0x13: {  	[smem:$0x3FA4] =	sst s0;
	s0 =	simm.s32 @!p1 $0x0  }
0x14: {  	s2 =	sld [smem:$0x3F88];
	s0 =	simm.s32 @p1 $0x1  }
0x15: {  	[smem:$0x3FA5] =	sst s0;
	s0 =	simm.s32 @!p2 $0x0  }
0x16: {  	s3 =	sld [smem:$0x3FDB];
	s0 =	simm.s32 @p2 $0x1  }
0x17: {  	s4 =	simm.s32 $0x1BF5;
	[smem:$0x3FA7] =	sst s0  }
0x18: {  	s0 =	sld [smem:$0x3F8A];
	_ =	swait.ge [sflag:s4], $0x0  }
0x19: {  	s7 =	sld [smem:$0x3F8B]  }
0x1a: {  	s8 =	sadd.s32 $0xFFFFE003, lr  }
0x1b: {  	s9 =	sadd.s32 $0xFFFFFEF7, lr;
	s5 =	simm.s32 $0xFFFFFFFF;
	p2 =	slt.u32 s8, $0xFFFFF086  }
0x1c: {  	p1 =	slt.u32 s9, $0xF7A;
	s5 =	simm.s32 @!p2 $0x0  }
0x1d: {  	s5 =	simm.s32 @p1 $0x1;
	p0 =	seq.s32 s7, s2  }
0x1e: {  	s7 =	smul.u32 @!p0 $0xF7A, s2;
	p2 =	seq.s32 @!p0 s5, $0x0  }
0x1f: {  	s9 =	smul.u32 $0xF7A, s1;
	s8 =	simm.s32 @!p0 $0x1BF5;
	p2 =	por !p2, p0  }
0x20: {  	[sflag:s8] =	ssyncset.s32 @!p0 $0xFFFFF086;
	s6 =	sadd.s32 @!p0 s3, s7;
	s7 =	simm.s32 @!p0 $0x108  }
0x21: {  	s3 =	sadd.s32 s3, s9;
	s6 =	sadd.s32 @!p0 $0x88, s6;
	s7 =	simm.s32 @p2 $0x1082  }
0x22: {  	[simem:s7], [sflag:s8] =	dma.local @!p0 [hbm:s6], $0xF7A  }
0x23: {  	s9 =	sor.u32 $0xD0000000, s2;
	s6 =	simm.s32 $0x108;
	_ =	swait.ge @!p0 [sflag:s8], $0x0  }
0x24: {  	s3 =	sadd.s32 $0x88, s3;
	s6 =	simm.s32 @!p1 $0x1082;
	[sflag:s4] =	ssyncset.s32 $0xFFFFF086  }
0x25: {  	[simem:s6], [sflag:s4] =	dma.local [hbm:s3], $0xF7A  }
0x26: {  	[smem:$0x3F8B] =	sst s1;
	(tag) =	ssettag s2;
	_ =	strace s9  }
0x27: {  	s1 =	sld [smem:$0x3F9B]  }
0x28: {  	s2 =	sld [smem:$0x3F9C]  }
0x29: {  	s4 =	sld [smem:$0x3F9E]  }
0x2a: {  	p0 =	seq.s32 s5, $0x0;
	s5 =	sld [smem:$0x3F9F]  }
0x2b: {  	s6 =	sld [smem:$0x3FA0]  }
0x2c: {  	s7 =	sld [smem:$0x3FA1]  }
0x2d: {  	s3 =	simm.s32 $0x108;
	s8 =	sld [smem:$0x3FA2]  }
0x2e: {  	s3 =	simm.s32 @!p0 $0x1082;
	s9 =	sld [smem:$0x3FA3]  }
0x2f: {  	lr =	sadd.s32 s0, s3;
	s0 =	sld [smem:$0x3F9A]  }
0x30: {  	s3 =	sld [smem:$0x3F9D]  }
0x31: {  	[smem:$0x3FA6] =	sst s10  }
0x32: {  	s10 =	sld [smem:$0x3FA4];
	_ =	sdelay $0x3  }
0x33: {  	p0 =	seq.s32 s10, $0x1;
	s10 =	sld [smem:$0x3FA6];
	_ =	sdelay $0x3  }
0x34: {  	[smem:$0x3FA6] =	sst s10  }
0x35: {  	s10 =	sld [smem:$0x3FA5];
	_ =	sdelay $0x3  }
0x36: {  	p1 =	seq.s32 s10, $0x1;
	s10 =	sld [smem:$0x3FA6];
	_ =	sdelay $0x3  }
0x37: {  	[smem:$0x3FA6] =	sst s10  }
0x38: {  	s10 =	sld [smem:$0x3FA7]  }
0x39: {  	_ = 	snop;
	(pc) =	sbr.ind lr, $3  }
0x3a: {  	_ = 	snop  }
0x3b: {  	_ = 	snop  }
0x3c: {  	p2 =	seq.s32 s10, $0x1;
	s10 =	sld [smem:$0x3FA6]  }
0x3d: {  	_ =	shalt  }
0x3e: {  	_ =	shalt  }
0x3f: {  	_ =	shalt  }
0x40: {  	_ =	shalt  }
0x41: {  	_ =	shalt  }
0x42: {  	_ =	shalt  }
0x43: {  	_ =	shalt  }
0x44: {  	_ =	shalt  }
0x45: {  	_ =	shalt  }
0x46: {  	_ =	shalt  }
0x47: {  	_ =	shalt  }
0x48: {  	_ =	shalt  }
0x49: {  	_ =	shalt  }
0x4a: {  	_ =	shalt  }
0x4b: {  	_ =	shalt  }
0x4c: {  	_ =	shalt  }
0x4d: {  	_ =	shalt  }
0x4e: {  	_ =	shalt  }
0x4f: {  	_ =	shalt  }
0x50: {  	_ =	shalt  }
0x51: {  	_ =	shalt  }
0x52: {  	_ =	shalt  }
0x53: {  	_ =	shalt  }
0x54: {  	_ =	shalt  }
0x55: {  	_ =	shalt  }
0x56: {  	_ =	shalt  }
0x57: {  	_ =	shalt  }
0x58: {  	_ =	shalt  }
0x59: {  	_ =	shalt  }
0x5a: {  	_ =	shalt  }
0x5b: {  	_ =	shalt  }
0x5c: {  	_ =	shalt  }
0x5d: {  	_ =	shalt  }
0x5e: {  	_ =	shalt  }
0x5f: {  	_ =	shalt  }
0x60: {  	_ =	shalt  }
0x61: {  	_ =	shalt  }
0x62: {  	_ =	shalt  }
0x63: {  	_ =	shalt  }
0x64: {  	_ =	shalt  }
0x65: {  	_ =	shalt  }
0x66: {  	_ =	shalt  }
0x67: {  	_ =	shalt  }
0x68: {  	_ =	shalt  }
0x69: {  	_ =	shalt  }
0x6a: {  	_ =	shalt  }
0x6b: {  	_ =	shalt  }
0x6c: {  	_ =	shalt  }
0x6d: {  	_ =	shalt  }
0x6e: {  	_ =	shalt  }
0x6f: {  	_ =	shalt  }
0x70: {  	_ =	shalt  }
0x71: {  	_ =	shalt  }
0x72: {  	_ =	shalt  }
0x73: {  	_ =	shalt  }
0x74: {  	_ =	shalt  }
0x75: {  	_ =	shalt  }
0x76: {  	_ =	shalt  }
0x77: {  	_ =	shalt  }
0x78: {  	_ =	shalt  }
0x79: {  	_ =	shalt  }
0x7a: {  	_ =	shalt  }
0x7b: {  	_ =	shalt  }
0x7c: {  	_ =	shalt  }
0x7d: {  	_ =	shalt  }
0x7e: {  	_ =	shalt  }
0x7f: {  	_ =	shalt  }
0x80: {  	_ =	shalt  }
0x81: {  	_ =	shalt  }
0x82: {  	_ =	shalt  }
0x83: {  	_ =	shalt  }
0x84: {  	_ =	shalt  }
0x85: {  	_ =	shalt  }
0x86: {  	_ =	shalt  }
0x87: {  	_ =	shalt  }
.Lfunc_end0:
.L_simem_size_0:
called_computation.1_lowered:
.L_overlay_start_0:
0x88: {  	s2 =	sld [smem:$0x3FD9]  }
0x89: {  	s3 =	sld [smem:$0x3FFE];
	_ =	sdelay $0x1  }
0x8a: {  	s1 =	srdreg.scid  }
0x8b: {  	s0 =	sand.u32 $0x1, s1  }
0x8c: {  	s16 =	sshll.u32 s0, $0xA;
	s2 =	sadd.s32 s3, s2  }
0x8d: {  	s2 =	sadd.s32 s2, s16  }
0x8e: {  	[smem:$0x3FB2] =	sst s2  }
0x8f: {  	_ = 	snop  }
0x90: {  	(tm) =	ssettm $0x1  }
0x91: {  	s17 =	sld [smem:$0x3FFB];
	_ =	sdelay $0x3  }
0x92: {  	_ =	strace s17  }
0x93: {  	s2 =	sld [smem:$0x3FFC];
	_ =	sdelay $0x3  }
0x94: {  	_ =	strace s2  }
0x95: {  	s2 =	sld [smem:$0x3FFD];
	_ =	sdelay $0x3  }
0x96: {  	_ =	strace s2  }
0x97: {  	_ =	strace $0x8FFFFFFF  }
0x98: {  	s18 =	sld [smem:$0x3FDB];
	_ =	sdelay $0x1  }
0x99: {  	s19 =	simm.s32 $_scs_section_size  }
0x9a: {  	s4 =	simm.s32 $_size__tile_overlayer_lowered;
	s5 =	simm.s32 $_tile_overlayer_lowered  }
0x9b: {  	s22 =	simm.s32 $0x1BFF;
	s21 =	sshll.u32 s5, $0x1;
	s2 =	sadd.s32 s19, s18  }
0x9c: {  	s6 =	simm.s32 $0x0;
	s20 =	sshll.u32 s4, $0x1;
	s4 =	sadd.s32 s21, s2  }
0x9d: {  	[timem:s6], [sflag:s22] =	dma.local [hbm:s4], s20  }
0x9e: {  	_ =	swait.ge [sflag:s22], s20  }
0x9f: {  	s3 =	ssub.s32 $0x0, s20;
	[sflag:s22] =	ssyncset.done $0x0  }
0xa0: {  	[sflag:s22] =	ssyncadd.s32 s3;
	_ =	sdelay $0x1  }
0xa1: {  	s23 =	simm.s32 $0x1B8B  }
0xa2: {  	_ =	swait.ge [sflag:s23], $0x1  }
0xa3: {  	[sflag:s23] =	ssyncset.done $0x0  }
0xa4: {  	s25 =	simm.s32 $0x1B8E;
	s24 =	sld [smem:$0x3FFE];
	[sflag:s23] =	ssyncadd.s32 $0xFFFFFFFF  }
0xa5: {  	s26 =	simm.s32 $execute0_lowered;
	[smem:$0x3FD2] =	sst s25  }
0xa6: {  	s4 =	sshll.u32 s26, $0x1;
	_ =	strace $0x80000049;
	[dreg:$0x1] =	wrdreg $0xFFFFFFFF  }
0xa7: {  	s28 =	simm.s32 $_size_execute0_lowered;
	s2 =	sadd.s32 s2, s4;
	[dreg:$0x0] =	wrdreg $0x0  }
0xa8: {  	s4 =	sshll.u32 s28, $0x1;
	[dreg:$0x2] =	wrdreg s2  }
0xa9: {  	[dreg:$0x3] =	wrdreg s4  }
0xaa: {  	[dreg:$0x4] =	wrdreg $0xC0  }
0xab: {  	_ =	task [dreg:s6], $0x5FFFF  }
0xac: {  	[dreg:$0x1] =	wrdreg $0xFFFFFFFF  }
0xad: {  	[dreg:$0x0] =	wrdreg $0x60  }
0xae: {  	[dreg:$0x2] =	wrdreg s24  }
0xaf: {  	[dreg:$0x3] =	wrdreg $0x11F800  }
0xb0: {  	[dreg:$0x4] =	wrdreg $0x9  }
0xb1: {  	_ =	task.clear_ibuf [dreg:s6], $0x5FFFF;
	_ =	strace $0x90000049  }
0xb2: {  	s29 =	simm.s32 $0x9;
	_ =	strace $0x8000004B  }
0xb3: {  	_ =	swait.ge [sflag:s29], $0x1  }
0xb4: {  	[sflag:s29] =	ssyncadd.s32 $0xFFFFFFFF  }
0xb5: {  	_ =	strace $0x9000004B  }
0xb6: {  	_ =	sfence  }
0xb7: {  	s30 =	sld [smem:$0x0];
	_ =	sdelay $0x2  }
0xb8: {  	s31 =	sshll.u32 s1, $0xD;
	s1 =	sshrl.u32 s1, $0x2  }
0xb9: {  	s3 =	sand.u32 $0x4000, s31;
	s1 =	sadd.s32 s1, s30  }
0xba: {  	s0 =	sor.u32 s3, s0;
	s1 =	sshll.u32 s1, $0x11  }
0xbb: {  	s0 =	sor.u32 s1, s0  }
0xbc: {  	s0 =	sadd.s32 $0x8F2B, s0  }
0xbd: {  	[sflag:s0] =	ssyncadd.remote.s32 $0x1  }
0xbe: {  	_ =	sfence.sel $0xFFFF  }
0xbf: {  	[dreg:$0x0] =	wrdreg $0xFFFFFFFF;
	(pc) =	sbr.abs _section_cstart, $3  }
0xc0: {  	[dreg:$0x1] =	wrdreg $0xFFFFFFFF  }
0xc1: {  	_ =	task.clear_ibuf [dreg:s6], $0x2FFFF;
	_ =	strace $0x9FFFFFFF  }
0xc2: {  	(tm) =	ssettm $0x7FFFFFFF  }
0xc3: {  	_ =	shalt  }
tec
execute0_lowered:
.L_overlay_start_1:
0x0: {  	(tag) =	ssettag $0x1  }
0x1: {  	s0 =	rddreg [dreg:$0x0]  }
0x2: {  	s2 =	rddreg [dreg:$0x1];
	s4 =	stileid.u32  }
0x3: {  	s5 =	simm.s32 $0x0;
	s3 =	srdreg.scid;
	s28 =	simm.s32 $0xD840  }
0x4: {  	s30 =	simm.s32 $0xEC40;
	s31 =	simm.s32 $0x1;
	s29 =	simm.s32 $0x7  }
0x5: {  	s1 =	smul.u32 $0x9C4, s4;
	[smem:$0x7FF] =	sst s5;
	s12 =	sand.u32 $0x1, s3  }
0x6: {  	s16 =	smul.u32 $0x9C40, s4;
	s4 =	sadd.s32 $0x6F600, s0;
	s3 =	simm.s32 $0x8  }
0x7: {  	_ =	strace $0x8000004A;
	s18 =	ssub.s32 $0x2, s12;
	p0 =	seq.s32 s12, $0x1  }
0x8: {  	v0 =	vmov s12;
	s12 =	simm.s32 $0x0;
	s1 =	sadd.s32 s1, s0;
	s6 =	sshrl.u32 s18, $0x1  }
0x9: {  	s10 =	sadd.s32 $0x1F40, s16;
	s17 =	sadd.s32 s16, s2;
	s13 =	sadd.s32 $0x3E80, s16  }
0xa: {  	s14 =	sadd.s32 $0x5DC0, s16;
	s15 =	sadd.s32 $0x7D00, s16;
	s21 =	sshrl.u32 s16, $0x3  }
0xb: {  	s11 =	ssub.s32 s18, s6;
	s19 =	sadd.s32 s10, s2;
	s7 =	sadd.s32 s13, s2  }
0xc: {  	s8 =	sadd.s32 s14, s2;
	s9 =	sadd.s32 s15, s2;
	s20 =	sadd.s32 $0x8600, s1  }
0xd: {  	s1 =	sadd.s32 $0x12400, s1;
	s22 =	sshrl.u32 s10, $0x3;
	s10 =	simm.s32 $0xAA200  }
0xe: {  	s13 =	sshrl.u32 s13, $0x3;
	s14 =	sshrl.u32 s14, $0x3;
	[dreg:$0x3] =	wrdreg s19  }
0xf: {  	s15 =	sshrl.u32 s15, $0x3;
	s18 =	simm.s32 $0x10040;
	[dreg:$0x4] =	wrdreg s20  }
0x10: {  	[dreg:$0x5] =	wrdreg s1;
	s10 =	simm.s32 @!p0 $0x96800;
	s23 =	smax.u32 s11, $0x1  }
0x11: {  	s19 =	simm.s32 $0xB;
	s20 =	simm.s32 $0x4;
	s0 =	sadd.s32 s10, s0  }
0x12: {  	s11 =	simm.s32 $0xA;
	[dreg:$0x6] =	wrdreg s23;
	s1 =	sadd.s32 s0, s21  }
0x13: {  	s23 =	simm.s32 $0xB040;
	s24 =	sadd.s32 s0, s22;
	[dreg:$0x7] =	wrdreg s1  }
0x14: {  	s10 =	simm.s32 $0x9;
	s25 =	sadd.s32 s0, s13;
	[dreg:$0x8] =	wrdreg s24  }
0x15: {  	s26 =	sadd.s32 s0, s14;
	s0 =	sadd.s32 s0, s15;
	[dreg:$0x9] =	wrdreg s25  }
0x16: {  	s21 =	simm.s32 $0x50;
	s22 =	simm.s32 $0x9C40;
	[dreg:$0xa] =	wrdreg s26  }
0x17: {  	[dreg:$0xb] =	wrdreg s0;
	s25 =	simm.s32 $0xC440;
	s0 =	simm.s32 $0x2  }
0x18: {  	v1 =	vimm.f32 $0.0e+00;
	s1 =	simm.s32 $0x3;
	s24 =	simm.s32 $0x5;
	s26 =	simm.s32 $0x6  }
.LBB2_1:
0x19: {  	s5 =	simm.s32 $0x0  }
0x1a: {  	s13 =	sand.u32 $0x7F00, s5  }
0x1b: {  	s14 =	sand.u32 $0x30, s5;
	s15 =	sshrl.u32 s13, $0x2  }
0x1c: {  	s13 =	simm.s32 $0x40;
	s15 =	sor.u32 s14, s15;
	s14 =	simm.s32 $0x0  }
.LBB2_2:
0x1d: {  	p0 =	sne.s32 s13, $0x7CC0  }
0x1e: {  	[tilespmem:s15+$0x10040] =	vst v1;
	s14 =	sadd.s32 $0x10, s14;
	s15 =	smov.u32 s13;
	s13 =	sadd.s32 $0x40, s13  }
.Ltmp0:
0x1f: {  	(pc) =	sbr.rel @p0 .LBB2_2-.Ltmp0, $4  }
0x20: {  	_ = 	snop  }
0x21: {  	s15 =	sand.u32 $0x7F00, s15  }
0x22: {  	s16 =	sand.u32 $0x30, s14;
	s15 =	sshrl.u32 s15, $0x2  }
0x23: {  	s15 =	sor.u32 s16, s15  }
0x24: {  	[tilespmem:s15+$0x10040] =	vst v1  }
0x25: {  	[spmem:s17] =	stream.linear.scatter [tilespmem:s18], [sflag:$0xB], $0x1F40, $0x38;
	[tilespmem:$0x1BBC0] =	vst v63  }
0x26: {  	_ =	swait.ge [sflag:s19], $0x1F40  }
0x27: {  	[sflag:s19] =	ssyncset.done $0x0  }
0x28: {  	s5 =	rddreg [dreg:$0x3];
	[sflag:s19] =	ssyncadd.s32 $0xFFFFE0C0  }
0x29: {  	[spmem:s5] =	stream.linear.scatter [tilespmem:s18], [sflag:$0xB], $0x1F40, $0x38;
	[tilespmem:$0x1BBC0] =	vst v63  }
0x2a: {  	_ =	swait.ge [sflag:s19], $0x1F40  }
0x2b: {  	[sflag:s19] =	ssyncset.done $0x0  }
0x2c: {  	[sflag:s19] =	ssyncadd.s32 $0xFFFFE0C0  }
0x2d: {  	[spmem:s7] =	stream.linear.scatter [tilespmem:s18], [sflag:$0xB], $0x1F40, $0x38;
	[tilespmem:$0x1BBC0] =	vst v63  }
0x2e: {  	_ =	swait.ge [sflag:s19], $0x1F40  }
0x2f: {  	[sflag:s19] =	ssyncset.done $0x0  }
0x30: {  	[sflag:s19] =	ssyncadd.s32 $0xFFFFE0C0  }
0x31: {  	[spmem:s8] =	stream.linear.scatter [tilespmem:s18], [sflag:$0xB], $0x1F40, $0x38;
	[tilespmem:$0x1BBC0] =	vst v63  }
0x32: {  	_ =	swait.ge [sflag:s19], $0x1F40  }
0x33: {  	[sflag:s19] =	ssyncset.done $0x0  }
0x34: {  	[sflag:s19] =	ssyncadd.s32 $0xFFFFE0C0  }
0x35: {  	[spmem:s9] =	stream.linear.scatter [tilespmem:s18], [sflag:$0xB], $0x1F40, $0x38;
	[tilespmem:$0x1BBC0] =	vst v63  }
0x36: {  	_ =	swait.ge [sflag:s19], $0x1F40  }
0x37: {  	[sflag:s19] =	ssyncset.done $0x0  }
0x38: {  	s13 =	simm.s32 $0x0;
	s15 =	rddreg [dreg:$0x4];
	[sflag:s19] =	ssyncadd.s32 $0xFFFFE0C0  }
0x39: {  	[tilespmem:s13], [sflag:$0xB] =	stream.linear.gather [hbm4b:s15+s13], $0x4E20, $0x38;
	[tilespmem:$0x1BBC0] =	vst v63  }
0x3a: {  	_ =	swait.ge [sflag:s19], $0x4E20  }
0x3b: {  	s6 =	smov.u32 s17;
	s14 =	smul.u32 $0xCCCD, s13;
	[sflag:s19] =	ssyncset.done $0x0  }
0x3c: {  	s17 =	simm.s32 $0x4E20;
	s16 =	rddreg [dreg:$0x5];
	[sflag:s19] =	ssyncadd.s32 $0xFFFFB1E0  }
0x3d: {  	[tilespmem:s17], [sflag:$0xB] =	stream.linear.gather [hbm4b:s16+s13], $0x4E20, $0x38;
	[tilespmem:$0x1BBC0] =	vst v63  }
0x3e: {  	s16 =	sshrl.u32 s14, $0x12  }
0x3f: {  	s14 =	smul.u32 $0x5, s16;
	_ =	sdelay $0x1  }
0x40: {  	_ =	swait.ge [sflag:s19], $0x4E20;
	s13 =	smul.u32 $0x140, s16;
	s14 =	ssub.s32 $0x0, s14  }
0x41: {  	s15 =	simm.s32 $0x2;
	[sflag:s19] =	ssyncset.done $0x0;
	s17 =	sand.u32 $0xFFFF, s14  }
0x42: {  	s13 =	sshrl.u32 s13, $0x2;
	s14 =	simm.s32 $0x1;
	s5 =	sshll.u32 s17, $0x4  }
0x43: {  	[sflag:s19] =	ssyncadd.s32 $0xFFFFB1E0;
	s16 =	smul.u32 $0xCCCD, s14;
	s13 =	sadd.s32 s5, s13  }
.LBB2_4:
0x44: {  	p0 =	sne.s32 s15, $0x4E1;
	v2 =	vld [tilespmem:s13+$0x0]  }
0x45: {  	s16 =	sshrl.u32 s16, $0x12  }
0x46: {  	s17 =	smul.u32 $0x5, s16  }
.Ltmp1:
0x47: {  	(pc) =	sbr.rel @p0 .LBB2_4-.Ltmp1, $4  }
0x48: {  	s16 =	smul.u32 $0x140, s16;
	s17 =	ssub.s32 s14, s17;
	s14 =	smov.u32 s15  }
0x49: {  	s17 =	sand.u32 $0xFFFF, s17;
	v2 =	vshll.u32 v2, $0x1  }
0x4a: {  	s5 =	sshrl.u32 s16, $0x2;
	s17 =	sshll.u32 s17, $0x4;
	v2 =	vor.u32 v0, v2  }
0x4b: {  	s15 =	sadd.s32 $0x1, s15;
	s16 =	smul.u32 $0xCCCD, s14;
	[tilespmem:s13+$0x0] =	vst v2;
	s13 =	sadd.s32 s17, s5  }
0x4c: {  	v2 =	vld [tilespmem:s13+$0x0]  }
0x4d: {  	s5 =	sshrl.u32 s16, $0x12  }
0x4e: {  	s15 =	smul.u32 $0x5, s5;
	_ =	sdelay $0x1  }
0x4f: {  	s5 =	smul.u32 $0x140, s5;
	s14 =	ssub.s32 s14, s15  }
0x50: {  	s14 =	sand.u32 $0xFFFF, s14;
	v2 =	vshll.u32 v2, $0x1  }
0x51: {  	s5 =	sshrl.u32 s5, $0x2;
	s14 =	sshll.u32 s14, $0x4;
	v2 =	vor.u32 v0, v2  }
0x52: {  	s5 =	sadd.s32 s14, s5;
	[tilespmem:s13+$0x0] =	vst v2  }
0x53: {  	v2 =	vld [tilespmem:s5+$0x0];
	_ =	sdelay $0x4  }
0x54: {  	v2 =	vshll.u32 v2, $0x1  }
0x55: {  	v2 =	vor.u32 v0, v2  }
0x56: {  	[tilespmem:s5+$0x0] =	vst v2  }
0x57: {  	s15 =	simm.s32 $0x0;
	[bflag:$0x0] =	sbarrier.arrive $0xFFFF  }
0x58: {  	[tilespmem:s22], [sflag:$0x1] =	stream.indirect.gather [hbm4b:s4+s21], $0x40, s15, s21, $0xb8;
	[tilespmem:$0x1BBC0] =	vst v63  }
0x59: {  	_ = 	snop  }
0x5a: {  	[tilespmem:s23], [sflag:$0x2] =	stream.indirect.gather [hbm4b:s4+s21], $0x40, s21, s21, $0xb8;
	[tilespmem:$0x1BBC0] =	vst v63  }
0x5b: {  	s16 =	simm.s32 $0xA0  }
0x5c: {  	[tilespmem:s25], [sflag:$0x3] =	stream.indirect.gather [hbm4b:s4+s21], $0x40, s16, s21, $0xb8;
	[tilespmem:$0x1BBC0] =	vst v63  }
0x5d: {  	s17 =	simm.s32 $0xF0  }
0x5e: {  	[tilespmem:s28], [sflag:$0x4] =	stream.indirect.gather [hbm4b:s4+s21], $0x40, s17, s21, $0xb8;
	[tilespmem:$0x1BBC0] =	vst v63  }
0x5f: {  	s13 =	simm.s32 $0x140  }
0x60: {  	[tilespmem:s30], [sflag:$0x5] =	stream.indirect.gather [hbm4b:s4+s21], $0x40, s13, s21, $0xb8;
	[tilespmem:$0x1BBC0] =	vst v63  }
0x61: {  	_ =	swait.ge [sflag:s31], $0x1400  }
0x62: {  	[sflag:s31] =	ssyncset.done $0x0  }
0x63: {  	s14 =	simm.s32 $0x4E20;
	[sflag:s31] =	ssyncadd.s32 $0xFFFFEC00  }
0x64: {  	[spmem:s2] =	stream.indirect.scatter.add.f32 [tilespmem:s22], [sflag:$0x6], $0x40, s14, s21, $0xb8;
	[tilespmem:$0x1BBC0] =	vst v63  }
0x65: {  	_ =	swait.ge [sflag:s0], $0x1400  }
0x66: {  	[sflag:s0] =	ssyncset.done $0x0  }
0x67: {  	s15 =	simm.s32 $0x4E70;
	[sflag:s0] =	ssyncadd.s32 $0xFFFFEC00  }
0x68: {  	[spmem:s2] =	stream.indirect.scatter.add.f32 [tilespmem:s23], [sflag:$0x7], $0x40, s15, s21, $0xb8;
	[tilespmem:$0x1BBC0] =	vst v63  }
0x69: {  	_ =	swait.ge [sflag:s1], $0x1400  }
0x6a: {  	[sflag:s1] =	ssyncset.done $0x0  }
0x6b: {  	s16 =	simm.s32 $0x4EC0;
	[sflag:s1] =	ssyncadd.s32 $0xFFFFEC00  }
0x6c: {  	[spmem:s2] =	stream.indirect.scatter.add.f32 [tilespmem:s25], [sflag:$0x8], $0x40, s16, s21, $0xb8;
	[tilespmem:$0x1BBC0] =	vst v63  }
0x6d: {  	_ =	swait.ge [sflag:s20], $0x1400  }
0x6e: {  	[sflag:s20] =	ssyncset.done $0x0  }
0x6f: {  	s17 =	simm.s32 $0x4F10;
	[sflag:s20] =	ssyncadd.s32 $0xFFFFEC00  }
0x70: {  	[spmem:s2] =	stream.indirect.scatter.add.f32 [tilespmem:s28], [sflag:$0x9], $0x40, s17, s21, $0xb8;
	[tilespmem:$0x1BBC0] =	vst v63  }
0x71: {  	_ =	swait.ge [sflag:s24], $0x1400  }
0x72: {  	[sflag:s24] =	ssyncset.done $0x0  }
0x73: {  	s13 =	simm.s32 $0x4F60;
	[sflag:s24] =	ssyncadd.s32 $0xFFFFEC00  }
0x74: {  	[spmem:s2] =	stream.indirect.scatter.add.f32 [tilespmem:s30], [sflag:$0xA], $0x40, s13, s21, $0xb8;
	[tilespmem:$0x1BBC0] =	vst v63  }
0x75: {  	_ =	swait.ge [sflag:s26], $0x1400  }
0x76: {  	[sflag:s26] =	ssyncset.done $0x0  }
0x77: {  	s14 =	simm.s32 $0x190;
	[sflag:s26] =	ssyncadd.s32 $0xFFFFEC00  }
0x78: {  	[tilespmem:s22], [sflag:$0x1] =	stream.indirect.gather [hbm4b:s4+s21], $0x40, s14, s21, $0xb8;
	[tilespmem:$0x1BBC0] =	vst v63  }
0x79: {  	_ =	swait.ge [sflag:s29], $0x1400  }
0x7a: {  	[sflag:s29] =	ssyncset.done $0x0  }
0x7b: {  	s15 =	simm.s32 $0x1E0;
	[sflag:s29] =	ssyncadd.s32 $0xFFFFEC00  }
0x7c: {  	[tilespmem:s23], [sflag:$0x2] =	stream.indirect.gather [hbm4b:s4+s21], $0x40, s15, s21, $0xb8;
	[tilespmem:$0x1BBC0] =	vst v63  }
0x7d: {  	_ =	swait.ge [sflag:s3], $0x1400  }
0x7e: {  	[sflag:s3] =	ssyncset.done $0x0  }
0x7f: {  	s16 =	simm.s32 $0x230;
	[sflag:s3] =	ssyncadd.s32 $0xFFFFEC00  }
0x80: {  	[tilespmem:s25], [sflag:$0x3] =	stream.indirect.gather [hbm4b:s4+s21], $0x40, s16, s21, $0xb8;
	[tilespmem:$0x1BBC0] =	vst v63  }
0x81: {  	_ =	swait.ge [sflag:s10], $0x1400  }
0x82: {  	[sflag:s10] =	ssyncset.done $0x0  }
0x83: {  	s17 =	simm.s32 $0x280;
	[sflag:s10] =	ssyncadd.s32 $0xFFFFEC00  }
0x84: {  	[tilespmem:s28], [sflag:$0x4] =	stream.indirect.gather [hbm4b:s4+s21], $0x40, s17, s21, $0xb8;
	[tilespmem:$0x1BBC0] =	vst v63  }
0x85: {  	_ =	swait.ge [sflag:s11], $0x1400  }
0x86: {  	[sflag:s11] =	ssyncset.done $0x0  }
0x87: {  	s13 =	simm.s32 $0x640;
	s14 =	simm.s32 $0x2D0;
	[sflag:s11] =	ssyncadd.s32 $0xFFFFEC00  }
.LBB2_6:
0x88: {  	[tilespmem:s30], [sflag:$0x5] =	stream.indirect.gather [hbm4b:s4+s21], $0x40, s14, s21, $0xb8;
	[tilespmem:$0x1BBC0] =	vst v63  }
0x89: {  	s5 =	smov.u32 s13  }
0x8a: {  	p0 =	sne.s32 s13, $0x12C00;
	s13 =	sadd.s32 $0x640, s13;
	_ =	swait.ge [sflag:s31], $0x1400  }
0x8b: {  	s14 =	sshra.s32 s5, $0x2;
	[sflag:s31] =	ssyncset.done $0x0  }
0x8c: {  	s5 =	sadd.s32 $0x4E20, s14;
	[sflag:s31] =	ssyncadd.s32 $0xFFFFEC00  }
0x8d: {  	[spmem:s2] =	stream.indirect.scatter.add.f32 [tilespmem:s22], [sflag:$0x6], $0x40, s5, s21, $0xb8;
	[tilespmem:$0x1BBC0] =	vst v63  }
0x8e: {  	_ =	swait.ge [sflag:s0], $0x1400  }
0x8f: {  	[sflag:s0] =	ssyncset.done $0x0  }
0x90: {  	s5 =	sadd.s32 $0x4E70, s14;
	[sflag:s0] =	ssyncadd.s32 $0xFFFFEC00  }
0x91: {  	[spmem:s2] =	stream.indirect.scatter.add.f32 [tilespmem:s23], [sflag:$0x7], $0x40, s5, s21, $0xb8;
	[tilespmem:$0x1BBC0] =	vst v63  }
0x92: {  	_ =	swait.ge [sflag:s1], $0x1400  }
0x93: {  	[sflag:s1] =	ssyncset.done $0x0  }
0x94: {  	s5 =	sadd.s32 $0x4EC0, s14;
	[sflag:s1] =	ssyncadd.s32 $0xFFFFEC00  }
0x95: {  	[spmem:s2] =	stream.indirect.scatter.add.f32 [tilespmem:s25], [sflag:$0x8], $0x40, s5, s21, $0xb8;
	[tilespmem:$0x1BBC0] =	vst v63  }
0x96: {  	_ =	swait.ge [sflag:s20], $0x1400  }
0x97: {  	[sflag:s20] =	ssyncset.done $0x0  }
0x98: {  	s5 =	sadd.s32 $0x4F10, s14;
	[sflag:s20] =	ssyncadd.s32 $0xFFFFEC00  }
0x99: {  	[spmem:s2] =	stream.indirect.scatter.add.f32 [tilespmem:s28], [sflag:$0x9], $0x40, s5, s21, $0xb8;
	[tilespmem:$0x1BBC0] =	vst v63  }
0x9a: {  	_ =	swait.ge [sflag:s24], $0x1400  }
0x9b: {  	[sflag:s24] =	ssyncset.done $0x0  }
0x9c: {  	s5 =	sadd.s32 $0x4F60, s14;
	[sflag:s24] =	ssyncadd.s32 $0xFFFFEC00  }
0x9d: {  	[spmem:s2] =	stream.indirect.scatter.add.f32 [tilespmem:s30], [sflag:$0xA], $0x40, s5, s21, $0xb8;
	[tilespmem:$0x1BBC0] =	vst v63  }
0x9e: {  	_ =	swait.ge [sflag:s26], $0x1400  }
0x9f: {  	[sflag:s26] =	ssyncset.done $0x0  }
0xa0: {  	s5 =	sadd.s32 $0x190, s14;
	[sflag:s26] =	ssyncadd.s32 $0xFFFFEC00  }
0xa1: {  	[tilespmem:s22], [sflag:$0x1] =	stream.indirect.gather [hbm4b:s4+s21], $0x40, s5, s21, $0xb8;
	[tilespmem:$0x1BBC0] =	vst v63  }
0xa2: {  	_ =	swait.ge [sflag:s29], $0x1400  }
0xa3: {  	[sflag:s29] =	ssyncset.done $0x0  }
0xa4: {  	s5 =	sadd.s32 $0x1E0, s14;
	[sflag:s29] =	ssyncadd.s32 $0xFFFFEC00  }
0xa5: {  	[tilespmem:s23], [sflag:$0x2] =	stream.indirect.gather [hbm4b:s4+s21], $0x40, s5, s21, $0xb8;
	[tilespmem:$0x1BBC0] =	vst v63  }
0xa6: {  	_ =	swait.ge [sflag:s3], $0x1400  }
0xa7: {  	[sflag:s3] =	ssyncset.done $0x0  }
0xa8: {  	s5 =	sadd.s32 $0x230, s14;
	[sflag:s3] =	ssyncadd.s32 $0xFFFFEC00  }
0xa9: {  	[tilespmem:s25], [sflag:$0x3] =	stream.indirect.gather [hbm4b:s4+s21], $0x40, s5, s21, $0xb8;
	[tilespmem:$0x1BBC0] =	vst v63  }
0xaa: {  	_ =	swait.ge [sflag:s10], $0x1400  }
0xab: {  	[sflag:s10] =	ssyncset.done $0x0  }
.Ltmp2:
0xac: {  	s5 =	sadd.s32 $0x280, s14;
	[sflag:s10] =	ssyncadd.s32 $0xFFFFEC00;
	(pc) =	sbr.rel @p0 .LBB2_6-.Ltmp2, $4  }
0xad: {  	[tilespmem:s28], [sflag:$0x4] =	stream.indirect.gather [hbm4b:s4+s21], $0x40, s5, s21, $0xb8;
	[tilespmem:$0x1BBC0] =	vst v63  }
0xae: {  	_ =	swait.ge [sflag:s11], $0x1400  }
0xaf: {  	[sflag:s11] =	ssyncset.done $0x0  }
0xb0: {  	s14 =	sadd.s32 $0x2D0, s14;
	[sflag:s11] =	ssyncadd.s32 $0xFFFFEC00  }
0xb1: {  	[tilespmem:s30], [sflag:$0x5] =	stream.indirect.gather [hbm4b:s4+s21], $0x40, s14, s21, $0xb8;
	[tilespmem:$0x1BBC0] =	vst v63  }
0xb2: {  	_ =	swait.ge [sflag:s31], $0x1400  }
0xb3: {  	[sflag:s31] =	ssyncset.done $0x0  }
0xb4: {  	s5 =	simm.s32 $0x9AB0;
	[sflag:s31] =	ssyncadd.s32 $0xFFFFEC00  }
0xb5: {  	[spmem:s2] =	stream.indirect.scatter.add.f32 [tilespmem:s22], [sflag:$0x6], $0x40, s5, s21, $0xb8;
	[tilespmem:$0x1BBC0] =	vst v63  }
0xb6: {  	_ =	swait.ge [sflag:s0], $0x1400  }
0xb7: {  	[sflag:s0] =	ssyncset.done $0x0  }
0xb8: {  	s16 =	simm.s32 $0x9B00;
	[sflag:s0] =	ssyncadd.s32 $0xFFFFEC00  }
0xb9: {  	[spmem:s2] =	stream.indirect.scatter.add.f32 [tilespmem:s23], [sflag:$0x7], $0x40, s16, s21, $0xb8;
	[tilespmem:$0x1BBC0] =	vst v63  }
0xba: {  	_ =	swait.ge [sflag:s1], $0x1400  }
0xbb: {  	[sflag:s1] =	ssyncset.done $0x0  }
0xbc: {  	s17 =	simm.s32 $0x9B50;
	[sflag:s1] =	ssyncadd.s32 $0xFFFFEC00  }
0xbd: {  	[spmem:s2] =	stream.indirect.scatter.add.f32 [tilespmem:s25], [sflag:$0x8], $0x40, s17, s21, $0xb8;
	[tilespmem:$0x1BBC0] =	vst v63  }
0xbe: {  	_ =	swait.ge [sflag:s20], $0x1400  }
0xbf: {  	[sflag:s20] =	ssyncset.done $0x0  }
0xc0: {  	s13 =	simm.s32 $0x9BA0;
	[sflag:s20] =	ssyncadd.s32 $0xFFFFEC00  }
0xc1: {  	[spmem:s2] =	stream.indirect.scatter.add.f32 [tilespmem:s28], [sflag:$0x9], $0x40, s13, s21, $0xb8;
	[tilespmem:$0x1BBC0] =	vst v63  }
0xc2: {  	_ =	swait.ge [sflag:s24], $0x1400  }
0xc3: {  	[sflag:s24] =	ssyncset.done $0x0  }
0xc4: {  	s14 =	simm.s32 $0x9BF0;
	[sflag:s24] =	ssyncadd.s32 $0xFFFFEC00  }
0xc5: {  	[spmem:s2] =	stream.indirect.scatter.add.f32 [tilespmem:s30], [sflag:$0xA], $0x40, s14, s21, $0xb8;
	[tilespmem:$0x1BBC0] =	vst v63  }
0xc6: {  	_ =	swait.ge [sflag:s26], $0x1400  }
0xc7: {  	[sflag:s26] =	ssyncset.done $0x0  }
0xc8: {  	[sflag:s26] =	ssyncadd.s32 $0xFFFFEC00  }
0xc9: {  	_ =	swait.ge [sflag:s29], $0x1400  }
0xca: {  	[sflag:s29] =	ssyncset.done $0x0  }
0xcb: {  	[sflag:s29] =	ssyncadd.s32 $0xFFFFEC00  }
0xcc: {  	_ =	swait.ge [sflag:s3], $0x1400  }
0xcd: {  	[sflag:s3] =	ssyncset.done $0x0  }
0xce: {  	[sflag:s3] =	ssyncadd.s32 $0xFFFFEC00  }
0xcf: {  	_ =	swait.ge [sflag:s10], $0x1400  }
0xd0: {  	[sflag:s10] =	ssyncset.done $0x0  }
0xd1: {  	[sflag:s10] =	ssyncadd.s32 $0xFFFFEC00  }
0xd2: {  	_ =	swait.ge [sflag:s11], $0x1400  }
0xd3: {  	[sflag:s11] =	ssyncset.done $0x0  }
0xd4: {  	s15 =	stileid.u32;
	[sflag:s11] =	ssyncadd.s32 $0xFFFFEC00  }
0xd5: {  	s5 =	sshll.u32 s15, $0x6;
	[bflag:$0x0] =	sbarrier.arrive $0xFFFF  }
0xd6: {  	s5 =	sor.u32 $0x1C0B, s5;
	s13 =	sshrl.u32 s6, $0x3;
	s16 =	rddreg [dreg:$0x7]  }
0xd7: {  	[hbm:s16], [sflag:s5] =	dma.local [spmem:s13], $0x3E8  }
0xd8: {  	_ =	swait.ge [sflag:s19], $0x3E8  }
0xd9: {  	[sflag:s19] =	ssyncset.done $0x0;
	s14 =	rddreg [dreg:$0x3]  }
0xda: {  	s16 =	rddreg [dreg:$0x8];
	[sflag:s19] =	ssyncadd.s32 $0xFFFFFC18;
	s15 =	sshrl.u32 s14, $0x3  }
0xdb: {  	[hbm:s16], [sflag:s5] =	dma.local [spmem:s15], $0x3E8  }
0xdc: {  	_ =	swait.ge [sflag:s19], $0x3E8  }
0xdd: {  	s17 =	smov.u32 s6;
	[sflag:s19] =	ssyncset.done $0x0  }
0xde: {  	s6 =	sshrl.u32 s7, $0x3;
	s14 =	rddreg [dreg:$0x9];
	[sflag:s19] =	ssyncadd.s32 $0xFFFFFC18  }
0xdf: {  	[hbm:s14], [sflag:s5] =	dma.local [spmem:s6], $0x3E8  }
0xe0: {  	_ =	swait.ge [sflag:s19], $0x3E8  }
0xe1: {  	[sflag:s19] =	ssyncset.done $0x0  }
0xe2: {  	s15 =	sshrl.u32 s8, $0x3;
	s16 =	rddreg [dreg:$0xa];
	[sflag:s19] =	ssyncadd.s32 $0xFFFFFC18  }
0xe3: {  	[hbm:s16], [sflag:s5] =	dma.local [spmem:s15], $0x3E8  }
0xe4: {  	_ =	swait.ge [sflag:s19], $0x3E8  }
0xe5: {  	[sflag:s19] =	ssyncset.done $0x0  }
0xe6: {  	s14 =	sshrl.u32 s9, $0x3;
	s15 =	rddreg [dreg:$0xb];
	[sflag:s19] =	ssyncadd.s32 $0xFFFFFC18  }
0xe7: {  	[hbm:s15], [sflag:s5] =	dma.local [spmem:s14], $0x3E8  }
0xe8: {  	_ =	swait.ge [sflag:s19], $0x3E8  }
0xe9: {  	s12 =	sadd.s32 $0x1, s12;
	s16 =	rddreg [dreg:$0x6]  }
0xea: {  	p0 =	sne.s32 s12, s16  }
.Ltmp3:
0xeb: {  	_ = 	snop;
	(pc) =	sbr.rel @p0 .LBB2_1-.Ltmp3, $3  }
0xec: {  	_ =	sdelay $0x1  }
0xed: {  	[sflag:s19] =	ssyncset.done $0x0  }
0xee: {  	[sflag:s19] =	ssyncadd.s32 $0xFFFFFC18  }
0xef: {  	_ =	sfence.sel $0x180000  }
0xf0: {  	[bflag:$0x0] =	sbarrier.arrive $0xFFFF  }
0xf1: {  	_ =	strace $0x9000004A  }
0xf2: {  	s0 =	stileid.u32;
	[bflag:$0x2] =	sbarrier.arrive $0xFFFF  }
0xf3: {  	p0 =	sne.s32 s0, $0x0;
	s0 =	rddreg [dreg:$0x2]  }
0xf4: {  	s0 =	sadd.s32 @!p0 $0x100000, s0  }
0xf5: {  	[sflag:s0] =	ssyncadd.tile.s32 @!p0 $0x1;
	_ =	shalt  }
.Lfunc_end2:
_tile_overlayer_lowered:
.L_overlay_start_2:
0xf6: {  	(tag) =	ssettag $0x2  }
0xf7: {  	s0 =	rddreg [dreg:$0x0];
	s2 =	stileid.u32  }
0xf8: {  	s1 =	rddreg [dreg:$0x1];
	p0 =	sne.s32 s2, $0x0  }
0xf9: {  	s3 =	rddreg [dreg:$0x2];
	[bflag:$0x3] =	sbarrier.arrive $0xFFFF;
	s2 =	simm.s32 @!p0 $0x1C0B  }
0xfa: {  	[timem:s3], [sflag:s2] =	dma.local @!p0 [hbm:s0], s1  }
0xfb: {  	s0 =	simm.s32 @!p0 $0xB  }
0xfc: {  	_ =	swait.ge @!p0 [sflag:s0], s1  }
0xfd: {  	s1 =	ssub.s32 @!p0 $0x0, s1;
	[sflag:s0] =	ssyncset.done @!p0 $0x0  }
0xfe: {  	[sflag:s0] =	ssyncadd.s32 @!p0 s1  }
0xff: {  	[bflag:$0x3] =	sbarrier.arrive $0xFFFF  }
0x100: {  	_ =	shalt  }

// kernel: kernel.18.cloned.1.call-start
scs
__scs_entry_jumppad:
0x0: {  	(pc) =	sbr.rel $0x88, $3  }
0x1: {  	(tag) =	ssettag $0x0;
	lr =	simm.s32 $0x1  }
0x2: {  	[smem:$0x3F8B] =	sst lr;
	_ =	strace $0xD0000000  }
0x3: {  	_ = 	snop  }
0x4: {  	_ = 	snop  }
0x5: {  	_ = 	snop  }
0x6: {  	_ = 	snop  }
0x7: {  	_ = 	snop  }
__scs_overlays_trampoline_lowered:
0x8: {  	[smem:$0x3F9A] =	sst s0  }
0x9: {  	[smem:$0x3F9B] =	sst s1  }
0xa: {  	[smem:$0x3F9C] =	sst s2  }
0xb: {  	[smem:$0x3F9D] =	sst s3  }
0xc: {  	[smem:$0x3F9E] =	sst s4  }
0xd: {  	[smem:$0x3F9F] =	sst s5  }
0xe: {  	[smem:$0x3FA0] =	sst s6  }
0xf: {  	[smem:$0x3FA1] =	sst s7  }
0x10: {  	[smem:$0x3FA2] =	sst s8  }
0x11: {  	[smem:$0x3FA3] =	sst s9;
	s0 =	simm.s32 @!p0 $0x0  }
0x12: {  	s1 =	sld [smem:$0x3F89];
	s0 =	simm.s32 @p0 $0x1  }
0x13: {  	[smem:$0x3FA4] =	sst s0;
	s0 =	simm.s32 @!p1 $0x0  }
0x14: {  	s2 =	sld [smem:$0x3F88];
	s0 =	simm.s32 @p1 $0x1  }
0x15: {  	[smem:$0x3FA5] =	sst s0;
	s0 =	simm.s32 @!p2 $0x0  }
0x16: {  	s3 =	sld [smem:$0x3FDB];
	s0 =	simm.s32 @p2 $0x1  }
0x17: {  	s4 =	simm.s32 $0x1BF5;
	[smem:$0x3FA7] =	sst s0  }
0x18: {  	s0 =	sld [smem:$0x3F8A];
	_ =	swait.ge [sflag:s4], $0x0  }
0x19: {  	s7 =	sld [smem:$0x3F8B]  }
0x1a: {  	s8 =	sadd.s32 $0xFFFFE003, lr  }
0x1b: {  	s9 =	sadd.s32 $0xFFFFFEF7, lr;
	s5 =	simm.s32 $0xFFFFFFFF;
	p2 =	slt.u32 s8, $0xFFFFF086  }
0x1c: {  	p1 =	slt.u32 s9, $0xF7A;
	s5 =	simm.s32 @!p2 $0x0  }
0x1d: {  	s5 =	simm.s32 @p1 $0x1;
	p0 =	seq.s32 s7, s2  }
0x1e: {  	s7 =	smul.u32 @!p0 $0xF7A, s2;
	p2 =	seq.s32 @!p0 s5, $0x0  }
0x1f: {  	s9 =	smul.u32 $0xF7A, s1;
	s8 =	simm.s32 @!p0 $0x1BF5;
	p2 =	por !p2, p0  }
0x20: {  	[sflag:s8] =	ssyncset.s32 @!p0 $0xFFFFF086;
	s6 =	sadd.s32 @!p0 s3, s7;
	s7 =	simm.s32 @!p0 $0x108  }
0x21: {  	s3 =	sadd.s32 s3, s9;
	s6 =	sadd.s32 @!p0 $0x88, s6;
	s7 =	simm.s32 @p2 $0x1082  }
0x22: {  	[simem:s7], [sflag:s8] =	dma.local @!p0 [hbm:s6], $0xF7A  }
0x23: {  	s9 =	sor.u32 $0xD0000000, s2;
	s6 =	simm.s32 $0x108;
	_ =	swait.ge @!p0 [sflag:s8], $0x0  }
0x24: {  	s3 =	sadd.s32 $0x88, s3;
	s6 =	simm.s32 @!p1 $0x1082;
	[sflag:s4] =	ssyncset.s32 $0xFFFFF086  }
0x25: {  	[simem:s6], [sflag:s4] =	dma.local [hbm:s3], $0xF7A  }
0x26: {  	[smem:$0x3F8B] =	sst s1;
	(tag) =	ssettag s2;
	_ =	strace s9  }
0x27: {  	s1 =	sld [smem:$0x3F9B]  }
0x28: {  	s2 =	sld [smem:$0x3F9C]  }
0x29: {  	s4 =	sld [smem:$0x3F9E]  }
0x2a: {  	p0 =	seq.s32 s5, $0x0;
	s5 =	sld [smem:$0x3F9F]  }
0x2b: {  	s6 =	sld [smem:$0x3FA0]  }
0x2c: {  	s7 =	sld [smem:$0x3FA1]  }
0x2d: {  	s3 =	simm.s32 $0x108;
	s8 =	sld [smem:$0x3FA2]  }
0x2e: {  	s3 =	simm.s32 @!p0 $0x1082;
	s9 =	sld [smem:$0x3FA3]  }
0x2f: {  	lr =	sadd.s32 s0, s3;
	s0 =	sld [smem:$0x3F9A]  }
0x30: {  	s3 =	sld [smem:$0x3F9D]  }
0x31: {  	[smem:$0x3FA6] =	sst s10  }
0x32: {  	s10 =	sld [smem:$0x3FA4];
	_ =	sdelay $0x3  }
0x33: {  	p0 =	seq.s32 s10, $0x1;
	s10 =	sld [smem:$0x3FA6];
	_ =	sdelay $0x3  }
0x34: {  	[smem:$0x3FA6] =	sst s10  }
0x35: {  	s10 =	sld [smem:$0x3FA5];
	_ =	sdelay $0x3  }
0x36: {  	p1 =	seq.s32 s10, $0x1;
	s10 =	sld [smem:$0x3FA6];
	_ =	sdelay $0x3  }
0x37: {  	[smem:$0x3FA6] =	sst s10  }
0x38: {  	s10 =	sld [smem:$0x3FA7]  }
0x39: {  	_ = 	snop;
	(pc) =	sbr.ind lr, $3  }
0x3a: {  	_ = 	snop  }
0x3b: {  	_ = 	snop  }
0x3c: {  	p2 =	seq.s32 s10, $0x1;
	s10 =	sld [smem:$0x3FA6]  }
0x3d: {  	_ =	shalt  }
0x3e: {  	_ =	shalt  }
0x3f: {  	_ =	shalt  }
0x40: {  	_ =	shalt  }
0x41: {  	_ =	shalt  }
0x42: {  	_ =	shalt  }
0x43: {  	_ =	shalt  }
0x44: {  	_ =	shalt  }
0x45: {  	_ =	shalt  }
0x46: {  	_ =	shalt  }
0x47: {  	_ =	shalt  }
0x48: {  	_ =	shalt  }
0x49: {  	_ =	shalt  }
0x4a: {  	_ =	shalt  }
0x4b: {  	_ =	shalt  }
0x4c: {  	_ =	shalt  }
0x4d: {  	_ =	shalt  }
0x4e: {  	_ =	shalt  }
0x4f: {  	_ =	shalt  }
0x50: {  	_ =	shalt  }
0x51: {  	_ =	shalt  }
0x52: {  	_ =	shalt  }
0x53: {  	_ =	shalt  }
0x54: {  	_ =	shalt  }
0x55: {  	_ =	shalt  }
0x56: {  	_ =	shalt  }
0x57: {  	_ =	shalt  }
0x58: {  	_ =	shalt  }
0x59: {  	_ =	shalt  }
0x5a: {  	_ =	shalt  }
0x5b: {  	_ =	shalt  }
0x5c: {  	_ =	shalt  }
0x5d: {  	_ =	shalt  }
0x5e: {  	_ =	shalt  }
0x5f: {  	_ =	shalt  }
0x60: {  	_ =	shalt  }
0x61: {  	_ =	shalt  }
0x62: {  	_ =	shalt  }
0x63: {  	_ =	shalt  }
0x64: {  	_ =	shalt  }
0x65: {  	_ =	shalt  }
0x66: {  	_ =	shalt  }
0x67: {  	_ =	shalt  }
0x68: {  	_ =	shalt  }
0x69: {  	_ =	shalt  }
0x6a: {  	_ =	shalt  }
0x6b: {  	_ =	shalt  }
0x6c: {  	_ =	shalt  }
0x6d: {  	_ =	shalt  }
0x6e: {  	_ =	shalt  }
0x6f: {  	_ =	shalt  }
0x70: {  	_ =	shalt  }
0x71: {  	_ =	shalt  }
0x72: {  	_ =	shalt  }
0x73: {  	_ =	shalt  }
0x74: {  	_ =	shalt  }
0x75: {  	_ =	shalt  }
0x76: {  	_ =	shalt  }
0x77: {  	_ =	shalt  }
0x78: {  	_ =	shalt  }
0x79: {  	_ =	shalt  }
0x7a: {  	_ =	shalt  }
0x7b: {  	_ =	shalt  }
0x7c: {  	_ =	shalt  }
0x7d: {  	_ =	shalt  }
0x7e: {  	_ =	shalt  }
0x7f: {  	_ =	shalt  }
0x80: {  	_ =	shalt  }
0x81: {  	_ =	shalt  }
0x82: {  	_ =	shalt  }
0x83: {  	_ =	shalt  }
0x84: {  	_ =	shalt  }
0x85: {  	_ =	shalt  }
0x86: {  	_ =	shalt  }
0x87: {  	_ =	shalt  }
.Lfunc_end0:
.L_simem_size_0:
called_computation.2_lowered:
.L_overlay_start_0:
0x88: {  	s2 =	sld [smem:$0x3FD9]  }
0x89: {  	s3 =	sld [smem:$0x3FFE];
	_ =	sdelay $0x1  }
0x8a: {  	s1 =	srdreg.scid  }
0x8b: {  	s0 =	sand.u32 $0x1, s1  }
0x8c: {  	s16 =	sshll.u32 s0, $0xA;
	s2 =	sadd.s32 s3, s2  }
0x8d: {  	s2 =	sadd.s32 s2, s16  }
0x8e: {  	[smem:$0x3FB2] =	sst s2  }
0x8f: {  	_ = 	snop  }
0x90: {  	(tm) =	ssettm $0x1  }
0x91: {  	s17 =	sld [smem:$0x3FFB];
	_ =	sdelay $0x3  }
0x92: {  	_ =	strace s17  }
0x93: {  	s2 =	sld [smem:$0x3FFC];
	_ =	sdelay $0x3  }
0x94: {  	_ =	strace s2  }
0x95: {  	s2 =	sld [smem:$0x3FFD];
	_ =	sdelay $0x3  }
0x96: {  	_ =	strace s2  }
0x97: {  	_ =	strace $0x8FFFFFFF  }
0x98: {  	s18 =	sld [smem:$0x3FDB];
	_ =	sdelay $0x1  }
0x99: {  	s19 =	simm.s32 $_scs_section_size  }
0x9a: {  	s4 =	simm.s32 $_size__tile_overlayer_lowered;
	s5 =	simm.s32 $_tile_overlayer_lowered  }
0x9b: {  	s22 =	simm.s32 $0x1BFF;
	s21 =	sshll.u32 s5, $0x1;
	s2 =	sadd.s32 s19, s18  }
0x9c: {  	s6 =	simm.s32 $0x0;
	s20 =	sshll.u32 s4, $0x1;
	s4 =	sadd.s32 s21, s2  }
0x9d: {  	[timem:s6], [sflag:s22] =	dma.local [hbm:s4], s20  }
0x9e: {  	_ =	swait.ge [sflag:s22], s20  }
0x9f: {  	s3 =	ssub.s32 $0x0, s20;
	[sflag:s22] =	ssyncset.done $0x0  }
0xa0: {  	[sflag:s22] =	ssyncadd.s32 s3;
	_ =	sdelay $0x1  }
0xa1: {  	s23 =	simm.s32 $0x1B8B  }
0xa2: {  	_ =	swait.ge [sflag:s23], $0x1  }
0xa3: {  	[sflag:s23] =	ssyncset.done $0x0  }
0xa4: {  	s25 =	simm.s32 $0x1B8E;
	s24 =	sld [smem:$0x3FFE];
	[sflag:s23] =	ssyncadd.s32 $0xFFFFFFFF  }
0xa5: {  	s26 =	simm.s32 $execute0_lowered;
	[smem:$0x3FD2] =	sst s25  }
0xa6: {  	s4 =	sshll.u32 s26, $0x1;
	_ =	strace $0x8000004C;
	[dreg:$0x1] =	wrdreg $0xFFFFFFFF  }
0xa7: {  	s28 =	simm.s32 $_size_execute0_lowered;
	s2 =	sadd.s32 s2, s4;
	[dreg:$0x0] =	wrdreg $0x0  }
0xa8: {  	s4 =	sshll.u32 s28, $0x1;
	[dreg:$0x2] =	wrdreg s2  }
0xa9: {  	[dreg:$0x3] =	wrdreg s4  }
0xaa: {  	[dreg:$0x4] =	wrdreg $0xC0  }
0xab: {  	_ =	task [dreg:s6], $0x5FFFF  }
0xac: {  	[dreg:$0x1] =	wrdreg $0xFFFFFFFF  }
0xad: {  	[dreg:$0x0] =	wrdreg $0x60  }
0xae: {  	[dreg:$0x2] =	wrdreg s24  }
0xaf: {  	[dreg:$0x3] =	wrdreg $0x11F800  }
0xb0: {  	[dreg:$0x4] =	wrdreg $0x9  }
0xb1: {  	_ =	task.clear_ibuf [dreg:s6], $0x5FFFF;
	_ =	strace $0x9000004C  }
0xb2: {  	s29 =	simm.s32 $0x9;
	_ =	strace $0x8000004E  }
0xb3: {  	_ =	swait.ge [sflag:s29], $0x1  }
0xb4: {  	[sflag:s29] =	ssyncadd.s32 $0xFFFFFFFF  }
0xb5: {  	_ =	strace $0x9000004E  }
0xb6: {  	_ =	sfence  }
0xb7: {  	s30 =	sld [smem:$0x0];
	_ =	sdelay $0x2  }
0xb8: {  	s31 =	sshll.u32 s1, $0xD;
	s1 =	sshrl.u32 s1, $0x2  }
0xb9: {  	s3 =	sand.u32 $0x4000, s31;
	s1 =	sadd.s32 s1, s30  }
0xba: {  	s0 =	sor.u32 s3, s0;
	s1 =	sshll.u32 s1, $0x11  }
0xbb: {  	s0 =	sor.u32 s1, s0  }
0xbc: {  	s0 =	sadd.s32 $0x8F2B, s0  }
0xbd: {  	[sflag:s0] =	ssyncadd.remote.s32 $0x1  }
0xbe: {  	_ =	sfence.sel $0xFFFF  }
0xbf: {  	[dreg:$0x0] =	wrdreg $0xFFFFFFFF;
	(pc) =	sbr.abs _section_cstart, $3  }
0xc0: {  	[dreg:$0x1] =	wrdreg $0xFFFFFFFF  }
0xc1: {  	_ =	task.clear_ibuf [dreg:s6], $0x2FFFF;
	_ =	strace $0x9FFFFFFF  }
0xc2: {  	(tm) =	ssettm $0x7FFFFFFF  }
0xc3: {  	_ =	shalt  }
tec
execute0_lowered:
.L_overlay_start_1:
0x0: {  	(tag) =	ssettag $0x1  }
0x1: {  	s0 =	rddreg [dreg:$0x0]  }
0x2: {  	s2 =	rddreg [dreg:$0x1];
	s4 =	stileid.u32  }
0x3: {  	s5 =	simm.s32 $0x0;
	s3 =	srdreg.scid;
	s28 =	simm.s32 $0xD840  }
0x4: {  	s30 =	simm.s32 $0xEC40;
	s31 =	simm.s32 $0x1;
	s29 =	simm.s32 $0x7  }
0x5: {  	s1 =	smul.u32 $0x9C4, s4;
	[smem:$0x7FF] =	sst s5;
	s12 =	sand.u32 $0x1, s3  }
0x6: {  	s16 =	smul.u32 $0x9C40, s4;
	s4 =	sadd.s32 $0x6F600, s0;
	s3 =	simm.s32 $0x8  }
0x7: {  	_ =	strace $0x8000004D;
	s18 =	ssub.s32 $0x2, s12;
	p0 =	seq.s32 s12, $0x1  }
0x8: {  	v0 =	vmov s12;
	s12 =	simm.s32 $0x0;
	s1 =	sadd.s32 s1, s0;
	s6 =	sshrl.u32 s18, $0x1  }
0x9: {  	s10 =	sadd.s32 $0x1F40, s16;
	s17 =	sadd.s32 s16, s2;
	s13 =	sadd.s32 $0x3E80, s16  }
0xa: {  	s14 =	sadd.s32 $0x5DC0, s16;
	s15 =	sadd.s32 $0x7D00, s16;
	s21 =	sshrl.u32 s16, $0x3  }
0xb: {  	s11 =	ssub.s32 s18, s6;
	s19 =	sadd.s32 s10, s2;
	s7 =	sadd.s32 s13, s2  }
0xc: {  	s8 =	sadd.s32 s14, s2;
	s9 =	sadd.s32 s15, s2;
	s20 =	sadd.s32 $0x8600, s1  }
0xd: {  	s1 =	sadd.s32 $0x12400, s1;
	s22 =	sshrl.u32 s10, $0x3;
	s10 =	simm.s32 $0xD1400  }
0xe: {  	s13 =	sshrl.u32 s13, $0x3;
	s14 =	sshrl.u32 s14, $0x3;
	[dreg:$0x3] =	wrdreg s19  }
0xf: {  	s15 =	sshrl.u32 s15, $0x3;
	s18 =	simm.s32 $0x10040;
	[dreg:$0x4] =	wrdreg s20  }
0x10: {  	[dreg:$0x5] =	wrdreg s1;
	s10 =	simm.s32 @!p0 $0xBDA00;
	s23 =	smax.u32 s11, $0x1  }
0x11: {  	s19 =	simm.s32 $0xB;
	s20 =	simm.s32 $0x4;
	s0 =	sadd.s32 s10, s0  }
0x12: {  	s11 =	simm.s32 $0xA;
	[dreg:$0x6] =	wrdreg s23;
	s1 =	sadd.s32 s0, s21  }
0x13: {  	s23 =	simm.s32 $0xB040;
	s24 =	sadd.s32 s0, s22;
	[dreg:$0x7] =	wrdreg s1  }
0x14: {  	s10 =	simm.s32 $0x9;
	s25 =	sadd.s32 s0, s13;
	[dreg:$0x8] =	wrdreg s24  }
0x15: {  	s26 =	sadd.s32 s0, s14;
	s0 =	sadd.s32 s0, s15;
	[dreg:$0x9] =	wrdreg s25  }
0x16: {  	s21 =	simm.s32 $0x50;
	s22 =	simm.s32 $0x9C40;
	[dreg:$0xa] =	wrdreg s26  }
0x17: {  	[dreg:$0xb] =	wrdreg s0;
	s25 =	simm.s32 $0xC440;
	s0 =	simm.s32 $0x2  }
0x18: {  	v1 =	vimm.f32 $0.0e+00;
	s1 =	simm.s32 $0x3;
	s24 =	simm.s32 $0x5;
	s26 =	simm.s32 $0x6  }
.LBB2_1:
0x19: {  	s5 =	simm.s32 $0x0  }
0x1a: {  	s13 =	sand.u32 $0x7F00, s5  }
0x1b: {  	s14 =	sand.u32 $0x30, s5;
	s15 =	sshrl.u32 s13, $0x2  }
0x1c: {  	s13 =	simm.s32 $0x40;
	s15 =	sor.u32 s14, s15;
	s14 =	simm.s32 $0x0  }
.LBB2_2:
0x1d: {  	p0 =	sne.s32 s13, $0x7CC0  }
0x1e: {  	[tilespmem:s15+$0x10040] =	vst v1;
	s14 =	sadd.s32 $0x10, s14;
	s15 =	smov.u32 s13;
	s13 =	sadd.s32 $0x40, s13  }
.Ltmp0:
0x1f: {  	(pc) =	sbr.rel @p0 .LBB2_2-.Ltmp0, $4  }
0x20: {  	_ = 	snop  }
0x21: {  	s15 =	sand.u32 $0x7F00, s15  }
0x22: {  	s16 =	sand.u32 $0x30, s14;
	s15 =	sshrl.u32 s15, $0x2  }
0x23: {  	s15 =	sor.u32 s16, s15  }
0x24: {  	[tilespmem:s15+$0x10040] =	vst v1  }
0x25: {  	[spmem:s17] =	stream.linear.scatter [tilespmem:s18], [sflag:$0xB], $0x1F40, $0x38;
	[tilespmem:$0x1BBC0] =	vst v63  }
0x26: {  	_ =	swait.ge [sflag:s19], $0x1F40  }
0x27: {  	[sflag:s19] =	ssyncset.done $0x0  }
0x28: {  	s5 =	rddreg [dreg:$0x3];
	[sflag:s19] =	ssyncadd.s32 $0xFFFFE0C0  }
0x29: {  	[spmem:s5] =	stream.linear.scatter [tilespmem:s18], [sflag:$0xB], $0x1F40, $0x38;
	[tilespmem:$0x1BBC0] =	vst v63  }
0x2a: {  	_ =	swait.ge [sflag:s19], $0x1F40  }
0x2b: {  	[sflag:s19] =	ssyncset.done $0x0  }
0x2c: {  	[sflag:s19] =	ssyncadd.s32 $0xFFFFE0C0  }
0x2d: {  	[spmem:s7] =	stream.linear.scatter [tilespmem:s18], [sflag:$0xB], $0x1F40, $0x38;
	[tilespmem:$0x1BBC0] =	vst v63  }
0x2e: {  	_ =	swait.ge [sflag:s19], $0x1F40  }
0x2f: {  	[sflag:s19] =	ssyncset.done $0x0  }
0x30: {  	[sflag:s19] =	ssyncadd.s32 $0xFFFFE0C0  }
0x31: {  	[spmem:s8] =	stream.linear.scatter [tilespmem:s18], [sflag:$0xB], $0x1F40, $0x38;
	[tilespmem:$0x1BBC0] =	vst v63  }
0x32: {  	_ =	swait.ge [sflag:s19], $0x1F40  }
0x33: {  	[sflag:s19] =	ssyncset.done $0x0  }
0x34: {  	[sflag:s19] =	ssyncadd.s32 $0xFFFFE0C0  }
0x35: {  	[spmem:s9] =	stream.linear.scatter [tilespmem:s18], [sflag:$0xB], $0x1F40, $0x38;
	[tilespmem:$0x1BBC0] =	vst v63  }
0x36: {  	_ =	swait.ge [sflag:s19], $0x1F40  }
0x37: {  	[sflag:s19] =	ssyncset.done $0x0  }
0x38: {  	s13 =	simm.s32 $0x0;
	s15 =	rddreg [dreg:$0x4];
	[sflag:s19] =	ssyncadd.s32 $0xFFFFE0C0  }
0x39: {  	[tilespmem:s13], [sflag:$0xB] =	stream.linear.gather [hbm4b:s15+s13], $0x4E20, $0x38;
	[tilespmem:$0x1BBC0] =	vst v63  }
0x3a: {  	_ =	swait.ge [sflag:s19], $0x4E20  }
0x3b: {  	s6 =	smov.u32 s17;
	s14 =	smul.u32 $0xCCCD, s13;
	[sflag:s19] =	ssyncset.done $0x0  }
0x3c: {  	s17 =	simm.s32 $0x4E20;
	s16 =	rddreg [dreg:$0x5];
	[sflag:s19] =	ssyncadd.s32 $0xFFFFB1E0  }
0x3d: {  	[tilespmem:s17], [sflag:$0xB] =	stream.linear.gather [hbm4b:s16+s13], $0x4E20, $0x38;
	[tilespmem:$0x1BBC0] =	vst v63  }
0x3e: {  	s16 =	sshrl.u32 s14, $0x12  }
0x3f: {  	s14 =	smul.u32 $0x5, s16;
	_ =	sdelay $0x1  }
0x40: {  	_ =	swait.ge [sflag:s19], $0x4E20;
	s13 =	smul.u32 $0x140, s16;
	s14 =	ssub.s32 $0x0, s14  }
0x41: {  	s15 =	simm.s32 $0x2;
	[sflag:s19] =	ssyncset.done $0x0;
	s17 =	sand.u32 $0xFFFF, s14  }
0x42: {  	s13 =	sshrl.u32 s13, $0x2;
	s14 =	simm.s32 $0x1;
	s5 =	sshll.u32 s17, $0x4  }
0x43: {  	[sflag:s19] =	ssyncadd.s32 $0xFFFFB1E0;
	s16 =	smul.u32 $0xCCCD, s14;
	s13 =	sadd.s32 s5, s13  }
.LBB2_4:
0x44: {  	p0 =	sne.s32 s15, $0x4E1;
	v2 =	vld [tilespmem:s13+$0x0]  }
0x45: {  	s16 =	sshrl.u32 s16, $0x12  }
0x46: {  	s17 =	smul.u32 $0x5, s16  }
.Ltmp1:
0x47: {  	(pc) =	sbr.rel @p0 .LBB2_4-.Ltmp1, $4  }
0x48: {  	s16 =	smul.u32 $0x140, s16;
	s17 =	ssub.s32 s14, s17;
	s14 =	smov.u32 s15  }
0x49: {  	s17 =	sand.u32 $0xFFFF, s17;
	v2 =	vshll.u32 v2, $0x1  }
0x4a: {  	s5 =	sshrl.u32 s16, $0x2;
	s17 =	sshll.u32 s17, $0x4;
	v2 =	vor.u32 v0, v2  }
0x4b: {  	s15 =	sadd.s32 $0x1, s15;
	s16 =	smul.u32 $0xCCCD, s14;
	[tilespmem:s13+$0x0] =	vst v2;
	s13 =	sadd.s32 s17, s5  }
0x4c: {  	v2 =	vld [tilespmem:s13+$0x0]  }
0x4d: {  	s5 =	sshrl.u32 s16, $0x12  }
0x4e: {  	s15 =	smul.u32 $0x5, s5;
	_ =	sdelay $0x1  }
0x4f: {  	s5 =	smul.u32 $0x140, s5;
	s14 =	ssub.s32 s14, s15  }
0x50: {  	s14 =	sand.u32 $0xFFFF, s14;
	v2 =	vshll.u32 v2, $0x1  }
0x51: {  	s5 =	sshrl.u32 s5, $0x2;
	s14 =	sshll.u32 s14, $0x4;
	v2 =	vor.u32 v0, v2  }
0x52: {  	s5 =	sadd.s32 s14, s5;
	[tilespmem:s13+$0x0] =	vst v2  }
0x53: {  	v2 =	vld [tilespmem:s5+$0x0];
	_ =	sdelay $0x4  }
0x54: {  	v2 =	vshll.u32 v2, $0x1  }
0x55: {  	v2 =	vor.u32 v0, v2  }
0x56: {  	[tilespmem:s5+$0x0] =	vst v2  }
0x57: {  	s15 =	simm.s32 $0x0;
	[bflag:$0x0] =	sbarrier.arrive $0xFFFF  }
0x58: {  	[tilespmem:s22], [sflag:$0x1] =	stream.indirect.gather [hbm4b:s4+s21], $0x40, s15, s21, $0xb8;
	[tilespmem:$0x1BBC0] =	vst v63  }
0x59: {  	_ = 	snop  }
0x5a: {  	[tilespmem:s23], [sflag:$0x2] =	stream.indirect.gather [hbm4b:s4+s21], $0x40, s21, s21, $0xb8;
	[tilespmem:$0x1BBC0] =	vst v63  }
0x5b: {  	s16 =	simm.s32 $0xA0  }
0x5c: {  	[tilespmem:s25], [sflag:$0x3] =	stream.indirect.gather [hbm4b:s4+s21], $0x40, s16, s21, $0xb8;
	[tilespmem:$0x1BBC0] =	vst v63  }
0x5d: {  	s17 =	simm.s32 $0xF0  }
0x5e: {  	[tilespmem:s28], [sflag:$0x4] =	stream.indirect.gather [hbm4b:s4+s21], $0x40, s17, s21, $0xb8;
	[tilespmem:$0x1BBC0] =	vst v63  }
0x5f: {  	s13 =	simm.s32 $0x140  }
0x60: {  	[tilespmem:s30], [sflag:$0x5] =	stream.indirect.gather [hbm4b:s4+s21], $0x40, s13, s21, $0xb8;
	[tilespmem:$0x1BBC0] =	vst v63  }
0x61: {  	_ =	swait.ge [sflag:s31], $0x1400  }
0x62: {  	[sflag:s31] =	ssyncset.done $0x0  }
0x63: {  	s14 =	simm.s32 $0x4E20;
	[sflag:s31] =	ssyncadd.s32 $0xFFFFEC00  }
0x64: {  	[spmem:s2] =	stream.indirect.scatter.add.f32 [tilespmem:s22], [sflag:$0x6], $0x40, s14, s21, $0xb8;
	[tilespmem:$0x1BBC0] =	vst v63  }
0x65: {  	_ =	swait.ge [sflag:s0], $0x1400  }
0x66: {  	[sflag:s0] =	ssyncset.done $0x0  }
0x67: {  	s15 =	simm.s32 $0x4E70;
	[sflag:s0] =	ssyncadd.s32 $0xFFFFEC00  }
0x68: {  	[spmem:s2] =	stream.indirect.scatter.add.f32 [tilespmem:s23], [sflag:$0x7], $0x40, s15, s21, $0xb8;
	[tilespmem:$0x1BBC0] =	vst v63  }
0x69: {  	_ =	swait.ge [sflag:s1], $0x1400  }
0x6a: {  	[sflag:s1] =	ssyncset.done $0x0  }
0x6b: {  	s16 =	simm.s32 $0x4EC0;
	[sflag:s1] =	ssyncadd.s32 $0xFFFFEC00  }
0x6c: {  	[spmem:s2] =	stream.indirect.scatter.add.f32 [tilespmem:s25], [sflag:$0x8], $0x40, s16, s21, $0xb8;
	[tilespmem:$0x1BBC0] =	vst v63  }
0x6d: {  	_ =	swait.ge [sflag:s20], $0x1400  }
0x6e: {  	[sflag:s20] =	ssyncset.done $0x0  }
0x6f: {  	s17 =	simm.s32 $0x4F10;
	[sflag:s20] =	ssyncadd.s32 $0xFFFFEC00  }
0x70: {  	[spmem:s2] =	stream.indirect.scatter.add.f32 [tilespmem:s28], [sflag:$0x9], $0x40, s17, s21, $0xb8;
	[tilespmem:$0x1BBC0] =	vst v63  }
0x71: {  	_ =	swait.ge [sflag:s24], $0x1400  }
0x72: {  	[sflag:s24] =	ssyncset.done $0x0  }
0x73: {  	s13 =	simm.s32 $0x4F60;
	[sflag:s24] =	ssyncadd.s32 $0xFFFFEC00  }
0x74: {  	[spmem:s2] =	stream.indirect.scatter.add.f32 [tilespmem:s30], [sflag:$0xA], $0x40, s13, s21, $0xb8;
	[tilespmem:$0x1BBC0] =	vst v63  }
0x75: {  	_ =	swait.ge [sflag:s26], $0x1400  }
0x76: {  	[sflag:s26] =	ssyncset.done $0x0  }
0x77: {  	s14 =	simm.s32 $0x190;
	[sflag:s26] =	ssyncadd.s32 $0xFFFFEC00  }
0x78: {  	[tilespmem:s22], [sflag:$0x1] =	stream.indirect.gather [hbm4b:s4+s21], $0x40, s14, s21, $0xb8;
	[tilespmem:$0x1BBC0] =	vst v63  }
0x79: {  	_ =	swait.ge [sflag:s29], $0x1400  }
0x7a: {  	[sflag:s29] =	ssyncset.done $0x0  }
0x7b: {  	s15 =	simm.s32 $0x1E0;
	[sflag:s29] =	ssyncadd.s32 $0xFFFFEC00  }
0x7c: {  	[tilespmem:s23], [sflag:$0x2] =	stream.indirect.gather [hbm4b:s4+s21], $0x40, s15, s21, $0xb8;
	[tilespmem:$0x1BBC0] =	vst v63  }
0x7d: {  	_ =	swait.ge [sflag:s3], $0x1400  }
0x7e: {  	[sflag:s3] =	ssyncset.done $0x0  }
0x7f: {  	s16 =	simm.s32 $0x230;
	[sflag:s3] =	ssyncadd.s32 $0xFFFFEC00  }
0x80: {  	[tilespmem:s25], [sflag:$0x3] =	stream.indirect.gather [hbm4b:s4+s21], $0x40, s16, s21, $0xb8;
	[tilespmem:$0x1BBC0] =	vst v63  }
0x81: {  	_ =	swait.ge [sflag:s10], $0x1400  }
0x82: {  	[sflag:s10] =	ssyncset.done $0x0  }
0x83: {  	s17 =	simm.s32 $0x280;
	[sflag:s10] =	ssyncadd.s32 $0xFFFFEC00  }
0x84: {  	[tilespmem:s28], [sflag:$0x4] =	stream.indirect.gather [hbm4b:s4+s21], $0x40, s17, s21, $0xb8;
	[tilespmem:$0x1BBC0] =	vst v63  }
0x85: {  	_ =	swait.ge [sflag:s11], $0x1400  }
0x86: {  	[sflag:s11] =	ssyncset.done $0x0  }
0x87: {  	s13 =	simm.s32 $0x640;
	s14 =	simm.s32 $0x2D0;
	[sflag:s11] =	ssyncadd.s32 $0xFFFFEC00  }
.LBB2_6:
0x88: {  	[tilespmem:s30], [sflag:$0x5] =	stream.indirect.gather [hbm4b:s4+s21], $0x40, s14, s21, $0xb8;
	[tilespmem:$0x1BBC0] =	vst v63  }
0x89: {  	s5 =	smov.u32 s13  }
0x8a: {  	p0 =	sne.s32 s13, $0x12C00;
	s13 =	sadd.s32 $0x640, s13;
	_ =	swait.ge [sflag:s31], $0x1400  }
0x8b: {  	s14 =	sshra.s32 s5, $0x2;
	[sflag:s31] =	ssyncset.done $0x0  }
0x8c: {  	s5 =	sadd.s32 $0x4E20, s14;
	[sflag:s31] =	ssyncadd.s32 $0xFFFFEC00  }
0x8d: {  	[spmem:s2] =	stream.indirect.scatter.add.f32 [tilespmem:s22], [sflag:$0x6], $0x40, s5, s21, $0xb8;
	[tilespmem:$0x1BBC0] =	vst v63  }
0x8e: {  	_ =	swait.ge [sflag:s0], $0x1400  }
0x8f: {  	[sflag:s0] =	ssyncset.done $0x0  }
0x90: {  	s5 =	sadd.s32 $0x4E70, s14;
	[sflag:s0] =	ssyncadd.s32 $0xFFFFEC00  }
0x91: {  	[spmem:s2] =	stream.indirect.scatter.add.f32 [tilespmem:s23], [sflag:$0x7], $0x40, s5, s21, $0xb8;
	[tilespmem:$0x1BBC0] =	vst v63  }
0x92: {  	_ =	swait.ge [sflag:s1], $0x1400  }
0x93: {  	[sflag:s1] =	ssyncset.done $0x0  }
0x94: {  	s5 =	sadd.s32 $0x4EC0, s14;
	[sflag:s1] =	ssyncadd.s32 $0xFFFFEC00  }
0x95: {  	[spmem:s2] =	stream.indirect.scatter.add.f32 [tilespmem:s25], [sflag:$0x8], $0x40, s5, s21, $0xb8;
	[tilespmem:$0x1BBC0] =	vst v63  }
0x96: {  	_ =	swait.ge [sflag:s20], $0x1400  }
0x97: {  	[sflag:s20] =	ssyncset.done $0x0  }
0x98: {  	s5 =	sadd.s32 $0x4F10, s14;
	[sflag:s20] =	ssyncadd.s32 $0xFFFFEC00  }
0x99: {  	[spmem:s2] =	stream.indirect.scatter.add.f32 [tilespmem:s28], [sflag:$0x9], $0x40, s5, s21, $0xb8;
	[tilespmem:$0x1BBC0] =	vst v63  }
0x9a: {  	_ =	swait.ge [sflag:s24], $0x1400  }
0x9b: {  	[sflag:s24] =	ssyncset.done $0x0  }
0x9c: {  	s5 =	sadd.s32 $0x4F60, s14;
	[sflag:s24] =	ssyncadd.s32 $0xFFFFEC00  }
0x9d: {  	[spmem:s2] =	stream.indirect.scatter.add.f32 [tilespmem:s30], [sflag:$0xA], $0x40, s5, s21, $0xb8;
	[tilespmem:$0x1BBC0] =	vst v63  }
0x9e: {  	_ =	swait.ge [sflag:s26], $0x1400  }
0x9f: {  	[sflag:s26] =	ssyncset.done $0x0  }
0xa0: {  	s5 =	sadd.s32 $0x190, s14;
	[sflag:s26] =	ssyncadd.s32 $0xFFFFEC00  }
0xa1: {  	[tilespmem:s22], [sflag:$0x1] =	stream.indirect.gather [hbm4b:s4+s21], $0x40, s5, s21, $0xb8;
	[tilespmem:$0x1BBC0] =	vst v63  }
0xa2: {  	_ =	swait.ge [sflag:s29], $0x1400  }
0xa3: {  	[sflag:s29] =	ssyncset.done $0x0  }
0xa4: {  	s5 =	sadd.s32 $0x1E0, s14;
	[sflag:s29] =	ssyncadd.s32 $0xFFFFEC00  }
0xa5: {  	[tilespmem:s23], [sflag:$0x2] =	stream.indirect.gather [hbm4b:s4+s21], $0x40, s5, s21, $0xb8;
	[tilespmem:$0x1BBC0] =	vst v63  }
0xa6: {  	_ =	swait.ge [sflag:s3], $0x1400  }
0xa7: {  	[sflag:s3] =	ssyncset.done $0x0  }
0xa8: {  	s5 =	sadd.s32 $0x230, s14;
	[sflag:s3] =	ssyncadd.s32 $0xFFFFEC00  }
0xa9: {  	[tilespmem:s25], [sflag:$0x3] =	stream.indirect.gather [hbm4b:s4+s21], $0x40, s5, s21, $0xb8;
	[tilespmem:$0x1BBC0] =	vst v63  }
0xaa: {  	_ =	swait.ge [sflag:s10], $0x1400  }
0xab: {  	[sflag:s10] =	ssyncset.done $0x0  }
.Ltmp2:
0xac: {  	s5 =	sadd.s32 $0x280, s14;
	[sflag:s10] =	ssyncadd.s32 $0xFFFFEC00;
	(pc) =	sbr.rel @p0 .LBB2_6-.Ltmp2, $4  }
0xad: {  	[tilespmem:s28], [sflag:$0x4] =	stream.indirect.gather [hbm4b:s4+s21], $0x40, s5, s21, $0xb8;
	[tilespmem:$0x1BBC0] =	vst v63  }
0xae: {  	_ =	swait.ge [sflag:s11], $0x1400  }
0xaf: {  	[sflag:s11] =	ssyncset.done $0x0  }
0xb0: {  	s14 =	sadd.s32 $0x2D0, s14;
	[sflag:s11] =	ssyncadd.s32 $0xFFFFEC00  }
0xb1: {  	[tilespmem:s30], [sflag:$0x5] =	stream.indirect.gather [hbm4b:s4+s21], $0x40, s14, s21, $0xb8;
	[tilespmem:$0x1BBC0] =	vst v63  }
0xb2: {  	_ =	swait.ge [sflag:s31], $0x1400  }
0xb3: {  	[sflag:s31] =	ssyncset.done $0x0  }
0xb4: {  	s5 =	simm.s32 $0x9AB0;
	[sflag:s31] =	ssyncadd.s32 $0xFFFFEC00  }
0xb5: {  	[spmem:s2] =	stream.indirect.scatter.add.f32 [tilespmem:s22], [sflag:$0x6], $0x40, s5, s21, $0xb8;
	[tilespmem:$0x1BBC0] =	vst v63  }
0xb6: {  	_ =	swait.ge [sflag:s0], $0x1400  }
0xb7: {  	[sflag:s0] =	ssyncset.done $0x0  }
0xb8: {  	s16 =	simm.s32 $0x9B00;
	[sflag:s0] =	ssyncadd.s32 $0xFFFFEC00  }
0xb9: {  	[spmem:s2] =	stream.indirect.scatter.add.f32 [tilespmem:s23], [sflag:$0x7], $0x40, s16, s21, $0xb8;
	[tilespmem:$0x1BBC0] =	vst v63  }
0xba: {  	_ =	swait.ge [sflag:s1], $0x1400  }
0xbb: {  	[sflag:s1] =	ssyncset.done $0x0  }
0xbc: {  	s17 =	simm.s32 $0x9B50;
	[sflag:s1] =	ssyncadd.s32 $0xFFFFEC00  }
0xbd: {  	[spmem:s2] =	stream.indirect.scatter.add.f32 [tilespmem:s25], [sflag:$0x8], $0x40, s17, s21, $0xb8;
	[tilespmem:$0x1BBC0] =	vst v63  }
0xbe: {  	_ =	swait.ge [sflag:s20], $0x1400  }
0xbf: {  	[sflag:s20] =	ssyncset.done $0x0  }
0xc0: {  	s13 =	simm.s32 $0x9BA0;
	[sflag:s20] =	ssyncadd.s32 $0xFFFFEC00  }
0xc1: {  	[spmem:s2] =	stream.indirect.scatter.add.f32 [tilespmem:s28], [sflag:$0x9], $0x40, s13, s21, $0xb8;
	[tilespmem:$0x1BBC0] =	vst v63  }
0xc2: {  	_ =	swait.ge [sflag:s24], $0x1400  }
0xc3: {  	[sflag:s24] =	ssyncset.done $0x0  }
0xc4: {  	s14 =	simm.s32 $0x9BF0;
	[sflag:s24] =	ssyncadd.s32 $0xFFFFEC00  }
0xc5: {  	[spmem:s2] =	stream.indirect.scatter.add.f32 [tilespmem:s30], [sflag:$0xA], $0x40, s14, s21, $0xb8;
	[tilespmem:$0x1BBC0] =	vst v63  }
0xc6: {  	_ =	swait.ge [sflag:s26], $0x1400  }
0xc7: {  	[sflag:s26] =	ssyncset.done $0x0  }
0xc8: {  	[sflag:s26] =	ssyncadd.s32 $0xFFFFEC00  }
0xc9: {  	_ =	swait.ge [sflag:s29], $0x1400  }
0xca: {  	[sflag:s29] =	ssyncset.done $0x0  }
0xcb: {  	[sflag:s29] =	ssyncadd.s32 $0xFFFFEC00  }
0xcc: {  	_ =	swait.ge [sflag:s3], $0x1400  }
0xcd: {  	[sflag:s3] =	ssyncset.done $0x0  }
0xce: {  	[sflag:s3] =	ssyncadd.s32 $0xFFFFEC00  }
0xcf: {  	_ =	swait.ge [sflag:s10], $0x1400  }
0xd0: {  	[sflag:s10] =	ssyncset.done $0x0  }
0xd1: {  	[sflag:s10] =	ssyncadd.s32 $0xFFFFEC00  }
0xd2: {  	_ =	swait.ge [sflag:s11], $0x1400  }
0xd3: {  	[sflag:s11] =	ssyncset.done $0x0  }
0xd4: {  	s15 =	stileid.u32;
	[sflag:s11] =	ssyncadd.s32 $0xFFFFEC00  }
0xd5: {  	s5 =	sshll.u32 s15, $0x6;
	[bflag:$0x0] =	sbarrier.arrive $0xFFFF  }
0xd6: {  	s5 =	sor.u32 $0x1C0B, s5;
	s13 =	sshrl.u32 s6, $0x3;
	s16 =	rddreg [dreg:$0x7]  }
0xd7: {  	[hbm:s16], [sflag:s5] =	dma.local [spmem:s13], $0x3E8  }
0xd8: {  	_ =	swait.ge [sflag:s19], $0x3E8  }
0xd9: {  	[sflag:s19] =	ssyncset.done $0x0;
	s14 =	rddreg [dreg:$0x3]  }
0xda: {  	s16 =	rddreg [dreg:$0x8];
	[sflag:s19] =	ssyncadd.s32 $0xFFFFFC18;
	s15 =	sshrl.u32 s14, $0x3  }
0xdb: {  	[hbm:s16], [sflag:s5] =	dma.local [spmem:s15], $0x3E8  }
0xdc: {  	_ =	swait.ge [sflag:s19], $0x3E8  }
0xdd: {  	s17 =	smov.u32 s6;
	[sflag:s19] =	ssyncset.done $0x0  }
0xde: {  	s6 =	sshrl.u32 s7, $0x3;
	s14 =	rddreg [dreg:$0x9];
	[sflag:s19] =	ssyncadd.s32 $0xFFFFFC18  }
0xdf: {  	[hbm:s14], [sflag:s5] =	dma.local [spmem:s6], $0x3E8  }
0xe0: {  	_ =	swait.ge [sflag:s19], $0x3E8  }
0xe1: {  	[sflag:s19] =	ssyncset.done $0x0  }
0xe2: {  	s15 =	sshrl.u32 s8, $0x3;
	s16 =	rddreg [dreg:$0xa];
	[sflag:s19] =	ssyncadd.s32 $0xFFFFFC18  }
0xe3: {  	[hbm:s16], [sflag:s5] =	dma.local [spmem:s15], $0x3E8  }
0xe4: {  	_ =	swait.ge [sflag:s19], $0x3E8  }
0xe5: {  	[sflag:s19] =	ssyncset.done $0x0  }
0xe6: {  	s14 =	sshrl.u32 s9, $0x3;
	s15 =	rddreg [dreg:$0xb];
	[sflag:s19] =	ssyncadd.s32 $0xFFFFFC18  }
0xe7: {  	[hbm:s15], [sflag:s5] =	dma.local [spmem:s14], $0x3E8  }
0xe8: {  	_ =	swait.ge [sflag:s19], $0x3E8  }
0xe9: {  	s12 =	sadd.s32 $0x1, s12;
	s16 =	rddreg [dreg:$0x6]  }
0xea: {  	p0 =	sne.s32 s12, s16  }
.Ltmp3:
0xeb: {  	_ = 	snop;
	(pc) =	sbr.rel @p0 .LBB2_1-.Ltmp3, $3  }
0xec: {  	_ =	sdelay $0x1  }
0xed: {  	[sflag:s19] =	ssyncset.done $0x0  }
0xee: {  	[sflag:s19] =	ssyncadd.s32 $0xFFFFFC18  }
0xef: {  	_ =	sfence.sel $0x180000  }
0xf0: {  	[bflag:$0x0] =	sbarrier.arrive $0xFFFF  }
0xf1: {  	_ =	strace $0x9000004D  }
0xf2: {  	s0 =	stileid.u32;
	[bflag:$0x2] =	sbarrier.arrive $0xFFFF  }
0xf3: {  	p0 =	sne.s32 s0, $0x0;
	s0 =	rddreg [dreg:$0x2]  }
0xf4: {  	s0 =	sadd.s32 @!p0 $0x100000, s0  }
0xf5: {  	[sflag:s0] =	ssyncadd.tile.s32 @!p0 $0x1;
	_ =	shalt  }
.Lfunc_end2:
_tile_overlayer_lowered:
.L_overlay_start_2:
0xf6: {  	(tag) =	ssettag $0x2  }
0xf7: {  	s0 =	rddreg [dreg:$0x0];
	s2 =	stileid.u32  }
0xf8: {  	s1 =	rddreg [dreg:$0x1];
	p0 =	sne.s32 s2, $0x0  }
0xf9: {  	s3 =	rddreg [dreg:$0x2];
	[bflag:$0x3] =	sbarrier.arrive $0xFFFF;
	s2 =	simm.s32 @!p0 $0x1C0B  }
0xfa: {  	[timem:s3], [sflag:s2] =	dma.local @!p0 [hbm:s0], s1  }
0xfb: {  	s0 =	simm.s32 @!p0 $0xB  }
0xfc: {  	_ =	swait.ge @!p0 [sflag:s0], s1  }
0xfd: {  	s1 =	ssub.s32 @!p0 $0x0, s1;
	[sflag:s0] =	ssyncset.done @!p0 $0x0  }
0xfe: {  	[sflag:s0] =	ssyncadd.s32 @!p0 s1  }
0xff: {  	[bflag:$0x3] =	sbarrier.arrive $0xFFFF  }
0x100: {  	_ =	shalt  }

// kernel: kernel.21.cloned.1.call-start
scs
__scs_entry_jumppad:
0x0: {  	(pc) =	sbr.rel $0x88, $3  }
0x1: {  	(tag) =	ssettag $0x0;
	lr =	simm.s32 $0x1  }
0x2: {  	[smem:$0x3F8B] =	sst lr;
	_ =	strace $0xD0000000  }
0x3: {  	_ = 	snop  }
0x4: {  	_ = 	snop  }
0x5: {  	_ = 	snop  }
0x6: {  	_ = 	snop  }
0x7: {  	_ = 	snop  }
__scs_overlays_trampoline_lowered:
0x8: {  	[smem:$0x3F9A] =	sst s0  }
0x9: {  	[smem:$0x3F9B] =	sst s1  }
0xa: {  	[smem:$0x3F9C] =	sst s2  }
0xb: {  	[smem:$0x3F9D] =	sst s3  }
0xc: {  	[smem:$0x3F9E] =	sst s4  }
0xd: {  	[smem:$0x3F9F] =	sst s5  }
0xe: {  	[smem:$0x3FA0] =	sst s6  }
0xf: {  	[smem:$0x3FA1] =	sst s7  }
0x10: {  	[smem:$0x3FA2] =	sst s8  }
0x11: {  	[smem:$0x3FA3] =	sst s9;
	s0 =	simm.s32 @!p0 $0x0  }
0x12: {  	s1 =	sld [smem:$0x3F89];
	s0 =	simm.s32 @p0 $0x1  }
0x13: {  	[smem:$0x3FA4] =	sst s0;
	s0 =	simm.s32 @!p1 $0x0  }
0x14: {  	s2 =	sld [smem:$0x3F88];
	s0 =	simm.s32 @p1 $0x1  }
0x15: {  	[smem:$0x3FA5] =	sst s0;
	s0 =	simm.s32 @!p2 $0x0  }
0x16: {  	s3 =	sld [smem:$0x3FDB];
	s0 =	simm.s32 @p2 $0x1  }
0x17: {  	s4 =	simm.s32 $0x1BF5;
	[smem:$0x3FA7] =	sst s0  }
0x18: {  	s0 =	sld [smem:$0x3F8A];
	_ =	swait.ge [sflag:s4], $0x0  }
0x19: {  	s7 =	sld [smem:$0x3F8B]  }
0x1a: {  	s8 =	sadd.s32 $0xFFFFE003, lr  }
0x1b: {  	s9 =	sadd.s32 $0xFFFFFEF7, lr;
	s5 =	simm.s32 $0xFFFFFFFF;
	p2 =	slt.u32 s8, $0xFFFFF086  }
0x1c: {  	p1 =	slt.u32 s9, $0xF7A;
	s5 =	simm.s32 @!p2 $0x0  }
0x1d: {  	s5 =	simm.s32 @p1 $0x1;
	p0 =	seq.s32 s7, s2  }
0x1e: {  	s7 =	smul.u32 @!p0 $0xF7A, s2;
	p2 =	seq.s32 @!p0 s5, $0x0  }
0x1f: {  	s9 =	smul.u32 $0xF7A, s1;
	s8 =	simm.s32 @!p0 $0x1BF5;
	p2 =	por !p2, p0  }
0x20: {  	[sflag:s8] =	ssyncset.s32 @!p0 $0xFFFFF086;
	s6 =	sadd.s32 @!p0 s3, s7;
	s7 =	simm.s32 @!p0 $0x108  }
0x21: {  	s3 =	sadd.s32 s3, s9;
	s6 =	sadd.s32 @!p0 $0x88, s6;
	s7 =	simm.s32 @p2 $0x1082  }
0x22: {  	[simem:s7], [sflag:s8] =	dma.local @!p0 [hbm:s6], $0xF7A  }
0x23: {  	s9 =	sor.u32 $0xD0000000, s2;
	s6 =	simm.s32 $0x108;
	_ =	swait.ge @!p0 [sflag:s8], $0x0  }
0x24: {  	s3 =	sadd.s32 $0x88, s3;
	s6 =	simm.s32 @!p1 $0x1082;
	[sflag:s4] =	ssyncset.s32 $0xFFFFF086  }
0x25: {  	[simem:s6], [sflag:s4] =	dma.local [hbm:s3], $0xF7A  }
0x26: {  	[smem:$0x3F8B] =	sst s1;
	(tag) =	ssettag s2;
	_ =	strace s9  }
0x27: {  	s1 =	sld [smem:$0x3F9B]  }
0x28: {  	s2 =	sld [smem:$0x3F9C]  }
0x29: {  	s4 =	sld [smem:$0x3F9E]  }
0x2a: {  	p0 =	seq.s32 s5, $0x0;
	s5 =	sld [smem:$0x3F9F]  }
0x2b: {  	s6 =	sld [smem:$0x3FA0]  }
0x2c: {  	s7 =	sld [smem:$0x3FA1]  }
0x2d: {  	s3 =	simm.s32 $0x108;
	s8 =	sld [smem:$0x3FA2]  }
0x2e: {  	s3 =	simm.s32 @!p0 $0x1082;
	s9 =	sld [smem:$0x3FA3]  }
0x2f: {  	lr =	sadd.s32 s0, s3;
	s0 =	sld [smem:$0x3F9A]  }
0x30: {  	s3 =	sld [smem:$0x3F9D]  }
0x31: {  	[smem:$0x3FA6] =	sst s10  }
0x32: {  	s10 =	sld [smem:$0x3FA4];
	_ =	sdelay $0x3  }
0x33: {  	p0 =	seq.s32 s10, $0x1;
	s10 =	sld [smem:$0x3FA6];
	_ =	sdelay $0x3  }
0x34: {  	[smem:$0x3FA6] =	sst s10  }
0x35: {  	s10 =	sld [smem:$0x3FA5];
	_ =	sdelay $0x3  }
0x36: {  	p1 =	seq.s32 s10, $0x1;
	s10 =	sld [smem:$0x3FA6];
	_ =	sdelay $0x3  }
0x37: {  	[smem:$0x3FA6] =	sst s10  }
0x38: {  	s10 =	sld [smem:$0x3FA7]  }
0x39: {  	_ = 	snop;
	(pc) =	sbr.ind lr, $3  }
0x3a: {  	_ = 	snop  }
0x3b: {  	_ = 	snop  }
0x3c: {  	p2 =	seq.s32 s10, $0x1;
	s10 =	sld [smem:$0x3FA6]  }
0x3d: {  	_ =	shalt  }
0x3e: {  	_ =	shalt  }
0x3f: {  	_ =	shalt  }
0x40: {  	_ =	shalt  }
0x41: {  	_ =	shalt  }
0x42: {  	_ =	shalt  }
0x43: {  	_ =	shalt  }
0x44: {  	_ =	shalt  }
0x45: {  	_ =	shalt  }
0x46: {  	_ =	shalt  }
0x47: {  	_ =	shalt  }
0x48: {  	_ =	shalt  }
0x49: {  	_ =	shalt  }
0x4a: {  	_ =	shalt  }
0x4b: {  	_ =	shalt  }
0x4c: {  	_ =	shalt  }
0x4d: {  	_ =	shalt  }
0x4e: {  	_ =	shalt  }
0x4f: {  	_ =	shalt  }
0x50: {  	_ =	shalt  }
0x51: {  	_ =	shalt  }
0x52: {  	_ =	shalt  }
0x53: {  	_ =	shalt  }
0x54: {  	_ =	shalt  }
0x55: {  	_ =	shalt  }
0x56: {  	_ =	shalt  }
0x57: {  	_ =	shalt  }
0x58: {  	_ =	shalt  }
0x59: {  	_ =	shalt  }
0x5a: {  	_ =	shalt  }
0x5b: {  	_ =	shalt  }
0x5c: {  	_ =	shalt  }
0x5d: {  	_ =	shalt  }
0x5e: {  	_ =	shalt  }
0x5f: {  	_ =	shalt  }
0x60: {  	_ =	shalt  }
0x61: {  	_ =	shalt  }
0x62: {  	_ =	shalt  }
0x63: {  	_ =	shalt  }
0x64: {  	_ =	shalt  }
0x65: {  	_ =	shalt  }
0x66: {  	_ =	shalt  }
0x67: {  	_ =	shalt  }
0x68: {  	_ =	shalt  }
0x69: {  	_ =	shalt  }
0x6a: {  	_ =	shalt  }
0x6b: {  	_ =	shalt  }
0x6c: {  	_ =	shalt  }
0x6d: {  	_ =	shalt  }
0x6e: {  	_ =	shalt  }
0x6f: {  	_ =	shalt  }
0x70: {  	_ =	shalt  }
0x71: {  	_ =	shalt  }
0x72: {  	_ =	shalt  }
0x73: {  	_ =	shalt  }
0x74: {  	_ =	shalt  }
0x75: {  	_ =	shalt  }
0x76: {  	_ =	shalt  }
0x77: {  	_ =	shalt  }
0x78: {  	_ =	shalt  }
0x79: {  	_ =	shalt  }
0x7a: {  	_ =	shalt  }
0x7b: {  	_ =	shalt  }
0x7c: {  	_ =	shalt  }
0x7d: {  	_ =	shalt  }
0x7e: {  	_ =	shalt  }
0x7f: {  	_ =	shalt  }
0x80: {  	_ =	shalt  }
0x81: {  	_ =	shalt  }
0x82: {  	_ =	shalt  }
0x83: {  	_ =	shalt  }
0x84: {  	_ =	shalt  }
0x85: {  	_ =	shalt  }
0x86: {  	_ =	shalt  }
0x87: {  	_ =	shalt  }
.Lfunc_end0:
.L_simem_size_0:
called_computation.3_lowered:
.L_overlay_start_0:
0x88: {  	s2 =	sld [smem:$0x3FD9]  }
0x89: {  	s3 =	sld [smem:$0x3FFE];
	_ =	sdelay $0x1  }
0x8a: {  	s1 =	srdreg.scid  }
0x8b: {  	s0 =	sand.u32 $0x1, s1  }
0x8c: {  	s17 =	sshll.u32 s0, $0xA;
	s2 =	sadd.s32 s3, s2  }
0x8d: {  	s2 =	sadd.s32 s2, s17  }
0x8e: {  	[smem:$0x3FB2] =	sst s2  }
0x8f: {  	_ = 	snop  }
0x90: {  	s2 =	sld [smem:$0x3FD0];
	(tm) =	ssettm $0x1  }
0x91: {  	s18 =	sld [smem:$0x3FFB];
	_ =	sdelay $0x3  }
0x92: {  	_ =	strace s18  }
0x93: {  	s3 =	sld [smem:$0x3FFC];
	_ =	sdelay $0x3  }
0x94: {  	_ =	strace s3  }
0x95: {  	s3 =	sld [smem:$0x3FFD];
	_ =	sdelay $0x3  }
0x96: {  	_ =	strace s3  }
0x97: {  	_ =	strace $0x8FFFFFFF  }
0x98: {  	s19 =	sld [smem:$0x3FDB];
	_ =	sdelay $0x1  }
0x99: {  	s4 =	simm.s32 $_scs_section_size  }
0x9a: {  	s5 =	simm.s32 $_size__tile_overlayer_lowered;
	s6 =	simm.s32 $_tile_overlayer_lowered  }
0x9b: {  	s22 =	simm.s32 $0x1BFF;
	s21 =	sshll.u32 s6, $0x1;
	s3 =	sadd.s32 s4, s19  }
0x9c: {  	s7 =	simm.s32 $0x0;
	s20 =	sshll.u32 s5, $0x1;
	s5 =	sadd.s32 s21, s3  }
0x9d: {  	[timem:s7], [sflag:s22] =	dma.local [hbm:s5], s20  }
0x9e: {  	_ =	swait.ge [sflag:s22], s20  }
0x9f: {  	s4 =	ssub.s32 $0x0, s20;
	[sflag:s22] =	ssyncset.done $0x0  }
0xa0: {  	[sflag:s22] =	ssyncadd.s32 s4;
	_ =	sdelay $0x1  }
0xa1: {  	s23 =	simm.s32 $0x1B8B  }
0xa2: {  	_ =	swait.ge [sflag:s23], $0x1  }
0xa3: {  	[sflag:s23] =	ssyncset.done $0x0  }
0xa4: {  	s25 =	simm.s32 $0x1B8E;
	s24 =	sld [smem:$0x3FFE];
	[sflag:s23] =	ssyncadd.s32 $0xFFFFFFFF  }
0xa5: {  	s26 =	simm.s32 $execute0_lowered;
	[smem:$0x3FD2] =	sst s25  }
0xa6: {  	s5 =	sshll.u32 s26, $0x1;
	_ =	strace $0x8000004F;
	[dreg:$0x1] =	wrdreg $0xFFFFFFFF  }
0xa7: {  	s28 =	simm.s32 $_size_execute0_lowered;
	s3 =	sadd.s32 s3, s5;
	[dreg:$0x0] =	wrdreg $0x0  }
0xa8: {  	s5 =	sshll.u32 s28, $0x1;
	[dreg:$0x2] =	wrdreg s3  }
0xa9: {  	[dreg:$0x3] =	wrdreg s5  }
0xaa: {  	[dreg:$0x4] =	wrdreg $0xC0  }
0xab: {  	_ =	task [dreg:s7], $0x5FFFF  }
0xac: {  	[dreg:$0x1] =	wrdreg $0xFFFFFFFF  }
0xad: {  	[dreg:$0x0] =	wrdreg $0x60  }
0xae: {  	[dreg:$0x2] =	wrdreg s2  }
0xaf: {  	[dreg:$0x3] =	wrdreg s24  }
0xb0: {  	[dreg:$0x4] =	wrdreg $0x6EF00  }
0xb1: {  	[dreg:$0x5] =	wrdreg $0x9  }
0xb2: {  	_ =	task.clear_ibuf [dreg:s7], $0x6FFFF;
	_ =	strace $0x9000004F  }
0xb3: {  	s29 =	simm.s32 $0x9;
	_ =	strace $0x80000051  }
0xb4: {  	_ =	swait.ge [sflag:s29], $0x1  }
0xb5: {  	[sflag:s29] =	ssyncadd.s32 $0xFFFFFFFF  }
0xb6: {  	_ =	strace $0x90000051  }
0xb7: {  	_ =	sfence  }
0xb8: {  	s30 =	sld [smem:$0x0];
	_ =	sdelay $0x2  }
0xb9: {  	s31 =	sshll.u32 s1, $0xD;
	s1 =	sshrl.u32 s1, $0x2  }
0xba: {  	s3 =	sand.u32 $0x4000, s31;
	s1 =	sadd.s32 s1, s30  }
0xbb: {  	s0 =	sor.u32 s3, s0;
	s1 =	sshll.u32 s1, $0x11  }
0xbc: {  	s0 =	sor.u32 s1, s0  }
0xbd: {  	s0 =	sadd.s32 $0x8F2B, s0  }
0xbe: {  	[sflag:s0] =	ssyncadd.remote.s32 $0x1  }
0xbf: {  	_ =	sfence.sel $0xFFFF  }
0xc0: {  	[dreg:$0x0] =	wrdreg $0xFFFFFFFF;
	(pc) =	sbr.abs _section_cstart, $3  }
0xc1: {  	[dreg:$0x1] =	wrdreg $0xFFFFFFFF  }
0xc2: {  	_ =	task.clear_ibuf [dreg:s7], $0x2FFFF;
	_ =	strace $0x9FFFFFFF  }
0xc3: {  	(tm) =	ssettm $0x7FFFFFFF  }
tec
execute0_lowered:
.L_overlay_start_1:
0x0: {  	(tag) =	ssettag $0x1  }
0x1: {  	s0 =	srdreg.scid;
	s1 =	rddreg [dreg:$0x0]  }
0x2: {  	s2 =	rddreg [dreg:$0x1];
	s7 =	stileid.u32  }
0x3: {  	s3 =	rddreg [dreg:$0x2];
	s28 =	simm.s32 $0x5D20;
	s30 =	simm.s32 $0x6220  }
0x4: {  	s31 =	simm.s32 $0x1;
	s29 =	simm.s32 $0x7;
	s0 =	sand.u32 $0x1, s0  }
0x5: {  	s10 =	smul.u32 $0x2710, s7;
	s4 =	sshll.u32 s0, $0x4;
	s6 =	ssub.s32 $0x2, s0  }
0x6: {  	p0 =	seq.s32 s0, $0x1;
	s5 =	sor.u32 s7, s4;
	s4 =	simm.s32 $0x0  }
0x7: {  	s18 =	sshrl.u32 s6, $0x1;
	s13 =	sadd.s32 $0x7D0, s10;
	s14 =	sadd.s32 $0xFA0, s10  }
0x8: {  	s15 =	sadd.s32 $0x1770, s10;
	s16 =	sadd.s32 $0x1F40, s10;
	s19 =	sshrl.u32 s10, $0x3  }
0x9: {  	s5 =	smul.u32 $0x4E2, s5;
	[smem:$0x7FF] =	sst s4;
	s12 =	ssub.s32 s6, s18  }
0xa: {  	s6 =	sadd.s32 s13, s3;
	s7 =	sadd.s32 s14, s3;
	s8 =	sadd.s32 s15, s3  }
0xb: {  	s9 =	sadd.s32 s16, s3;
	s20 =	sshrl.u32 s13, $0x3;
	s21 =	sshrl.u32 s14, $0x3  }
0xc: {  	s22 =	sshrl.u32 s15, $0x3;
	s23 =	sshrl.u32 s16, $0x3;
	s18 =	simm.s32 $0x6720  }
0xd: {  	_ =	strace $0x80000050;
	s24 =	smax.u32 s12, $0x1;
	s12 =	simm.s32 $0xA  }
0xe: {  	s11 =	sadd.s32 s5, s2;
	s5 =	sadd.s32 s10, s3;
	s10 =	simm.s32 $0x6F600  }
0xf: {  	[dreg:$0x6] =	wrdreg s24;
	s24 =	simm.s32 $0x5;
	s17 =	sadd.s32 $0x8600, s11  }
0x10: {  	s11 =	sadd.s32 $0x12400, s11;
	s10 =	simm.s32 @!p0 $0x1C200;
	[dreg:$0x4] =	wrdreg s17  }
0x11: {  	[dreg:$0x5] =	wrdreg s11;
	s2 =	sadd.s32 s10, s2;
	s10 =	simm.s32 $0x8  }
0x12: {  	s11 =	simm.s32 $0x9;
	s0 =	sadd.s32 s2, s19;
	s25 =	sadd.s32 s2, s20  }
0x13: {  	s26 =	sadd.s32 s2, s21;
	s16 =	sadd.s32 s2, s22;
	s17 =	sadd.s32 s2, s23  }
0x14: {  	s19 =	simm.s32 $0xB;
	s21 =	simm.s32 $0x50;
	[dreg:$0x7] =	wrdreg s0  }
0x15: {  	s22 =	simm.s32 $0x4E20;
	s23 =	simm.s32 $0x5320;
	[dreg:$0x8] =	wrdreg s25  }
0x16: {  	s2 =	simm.s32 $0x2;
	s20 =	simm.s32 $0x4;
	[dreg:$0x9] =	wrdreg s26  }
0x17: {  	v0 =	vimm.f32 $0.0e+00;
	s25 =	simm.s32 $0x5820;
	s0 =	simm.s32 $0x3;
	s26 =	simm.s32 $0x6  }
.LBB2_1:
0x18: {  	s13 =	simm.s32 $0x40;
	s14 =	simm.s32 $0x0  }
.LBB2_2:
0x19: {  	p0 =	sne.s32 s13, $0x1F00;
	[tilespmem:s14+$0x6720] =	vst v0;
	s14 =	smov.u32 s13;
	s13 =	sadd.s32 $0x40, s13  }
.Ltmp0:
0x1a: {  	(pc) =	sbr.rel @p0 .LBB2_2-.Ltmp0, $2  }
0x1b: {  	_ =	sdelay $0x2  }
0x1c: {  	s14 =	sshra.s32 s14, $0x2  }
0x1d: {  	[tilespmem:s14+$0x6720] =	vst v0  }
0x1e: {  	[spmem:s5] =	stream.linear.scatter [tilespmem:s18], [sflag:$0xB], $0x7D0, $0x38;
	[tilespmem:$0x9600] =	vst v63  }
0x1f: {  	_ =	swait.ge [sflag:s19], $0x7D0  }
0x20: {  	[sflag:s19] =	ssyncset.done $0x0  }
0x21: {  	[sflag:s19] =	ssyncadd.s32 $0xFFFFF830  }
0x22: {  	[spmem:s6] =	stream.linear.scatter [tilespmem:s18], [sflag:$0xB], $0x7D0, $0x38;
	[tilespmem:$0x9600] =	vst v63  }
0x23: {  	_ =	swait.ge [sflag:s19], $0x7D0  }
0x24: {  	[sflag:s19] =	ssyncset.done $0x0  }
0x25: {  	[sflag:s19] =	ssyncadd.s32 $0xFFFFF830  }
0x26: {  	[spmem:s7] =	stream.linear.scatter [tilespmem:s18], [sflag:$0xB], $0x7D0, $0x38;
	[tilespmem:$0x9600] =	vst v63  }
0x27: {  	_ =	swait.ge [sflag:s19], $0x7D0  }
0x28: {  	[sflag:s19] =	ssyncset.done $0x0  }
0x29: {  	[sflag:s19] =	ssyncadd.s32 $0xFFFFF830  }
0x2a: {  	[spmem:s8] =	stream.linear.scatter [tilespmem:s18], [sflag:$0xB], $0x7D0, $0x38;
	[tilespmem:$0x9600] =	vst v63  }
0x2b: {  	_ =	swait.ge [sflag:s19], $0x7D0  }
0x2c: {  	[sflag:s19] =	ssyncset.done $0x0  }
0x2d: {  	[sflag:s19] =	ssyncadd.s32 $0xFFFFF830  }
0x2e: {  	[spmem:s9] =	stream.linear.scatter [tilespmem:s18], [sflag:$0xB], $0x7D0, $0x38;
	[tilespmem:$0x9600] =	vst v63  }
0x2f: {  	_ =	swait.ge [sflag:s19], $0x7D0  }
0x30: {  	[sflag:s19] =	ssyncset.done $0x0  }
0x31: {  	s13 =	simm.s32 $0x0;
	s15 =	rddreg [dreg:$0x4];
	[sflag:s19] =	ssyncadd.s32 $0xFFFFF830  }
0x32: {  	[tilespmem:s13], [sflag:$0xB] =	stream.linear.gather [hbm4b:s15+s13], $0x2710, $0x38;
	[tilespmem:$0x9600] =	vst v63  }
0x33: {  	_ =	swait.ge [sflag:s19], $0x2710  }
0x34: {  	[sflag:s19] =	ssyncset.done $0x0  }
0x35: {  	s15 =	simm.s32 $0x2710;
	s14 =	rddreg [dreg:$0x5];
	[sflag:s19] =	ssyncadd.s32 $0xFFFFD8F0  }
0x36: {  	[tilespmem:s15], [sflag:$0xB] =	stream.linear.gather [hbm4b:s14+s13], $0x2710, $0x38;
	[tilespmem:$0x9600] =	vst v63  }
0x37: {  	_ =	swait.ge [sflag:s19], $0x2710  }
0x38: {  	[sflag:s19] =	ssyncset.done $0x0  }
0x39: {  	[sflag:s19] =	ssyncadd.s32 $0xFFFFD8F0  }
0x3a: {  	[bflag:$0x0] =	sbarrier.arrive $0xFFFF  }
0x3b: {  	[tilespmem:s22], [sflag:$0x1] =	stream.indirect.gather [hbm4b:s1+s21], $0x10, s13, s21, $0xb8;
	[tilespmem:$0x9600] =	vst v63  }
0x3c: {  	_ = 	snop  }
0x3d: {  	[tilespmem:s23], [sflag:$0x2] =	stream.indirect.gather [hbm4b:s1+s21], $0x10, s21, s21, $0xb8;
	[tilespmem:$0x9600] =	vst v63  }
0x3e: {  	s14 =	simm.s32 $0xA0  }
0x3f: {  	[tilespmem:s25], [sflag:$0x3] =	stream.indirect.gather [hbm4b:s1+s21], $0x10, s14, s21, $0xb8;
	[tilespmem:$0x9600] =	vst v63  }
0x40: {  	s15 =	simm.s32 $0xF0  }
0x41: {  	[tilespmem:s28], [sflag:$0x4] =	stream.indirect.gather [hbm4b:s1+s21], $0x10, s15, s21, $0xb8;
	[tilespmem:$0x9600] =	vst v63  }
0x42: {  	s14 =	simm.s32 $0x140  }
0x43: {  	[tilespmem:s30], [sflag:$0x5] =	stream.indirect.gather [hbm4b:s1+s21], $0x10, s14, s21, $0xb8;
	[tilespmem:$0x9600] =	vst v63  }
0x44: {  	_ =	swait.ge [sflag:s31], $0x500  }
0x45: {  	[sflag:s31] =	ssyncset.done $0x0  }
0x46: {  	s15 =	simm.s32 $0x2710;
	[sflag:s31] =	ssyncadd.s32 $0xFFFFFB00  }
0x47: {  	[spmem:s3] =	stream.indirect.scatter.add.f32 [tilespmem:s22], [sflag:$0x6], $0x10, s15, s21, $0xb8;
	[tilespmem:$0x9600] =	vst v63  }
0x48: {  	_ =	swait.ge [sflag:s2], $0x500  }
0x49: {  	[sflag:s2] =	ssyncset.done $0x0  }
0x4a: {  	s14 =	simm.s32 $0x2760;
	[sflag:s2] =	ssyncadd.s32 $0xFFFFFB00  }
0x4b: {  	[spmem:s3] =	stream.indirect.scatter.add.f32 [tilespmem:s23], [sflag:$0x7], $0x10, s14, s21, $0xb8;
	[tilespmem:$0x9600] =	vst v63  }
0x4c: {  	_ =	swait.ge [sflag:s0], $0x500  }
0x4d: {  	[sflag:s0] =	ssyncset.done $0x0  }
0x4e: {  	s15 =	simm.s32 $0x27B0;
	[sflag:s0] =	ssyncadd.s32 $0xFFFFFB00  }
0x4f: {  	[spmem:s3] =	stream.indirect.scatter.add.f32 [tilespmem:s25], [sflag:$0x8], $0x10, s15, s21, $0xb8;
	[tilespmem:$0x9600] =	vst v63  }
0x50: {  	_ =	swait.ge [sflag:s20], $0x500  }
0x51: {  	[sflag:s20] =	ssyncset.done $0x0  }
0x52: {  	s14 =	simm.s32 $0x2800;
	[sflag:s20] =	ssyncadd.s32 $0xFFFFFB00  }
0x53: {  	[spmem:s3] =	stream.indirect.scatter.add.f32 [tilespmem:s28], [sflag:$0x9], $0x10, s14, s21, $0xb8;
	[tilespmem:$0x9600] =	vst v63  }
0x54: {  	_ =	swait.ge [sflag:s24], $0x500  }
0x55: {  	[sflag:s24] =	ssyncset.done $0x0  }
0x56: {  	s15 =	simm.s32 $0x2850;
	[sflag:s24] =	ssyncadd.s32 $0xFFFFFB00  }
0x57: {  	[spmem:s3] =	stream.indirect.scatter.add.f32 [tilespmem:s30], [sflag:$0xA], $0x10, s15, s21, $0xb8;
	[tilespmem:$0x9600] =	vst v63  }
0x58: {  	_ =	swait.ge [sflag:s26], $0x500  }
0x59: {  	[sflag:s26] =	ssyncset.done $0x0  }
0x5a: {  	s14 =	simm.s32 $0x190;
	[sflag:s26] =	ssyncadd.s32 $0xFFFFFB00  }
0x5b: {  	[tilespmem:s22], [sflag:$0x1] =	stream.indirect.gather [hbm4b:s1+s21], $0x10, s14, s21, $0xb8;
	[tilespmem:$0x9600] =	vst v63  }
0x5c: {  	_ =	swait.ge [sflag:s29], $0x500  }
0x5d: {  	[sflag:s29] =	ssyncset.done $0x0  }
0x5e: {  	s15 =	simm.s32 $0x1E0;
	[sflag:s29] =	ssyncadd.s32 $0xFFFFFB00  }
0x5f: {  	[tilespmem:s23], [sflag:$0x2] =	stream.indirect.gather [hbm4b:s1+s21], $0x10, s15, s21, $0xb8;
	[tilespmem:$0x9600] =	vst v63  }
0x60: {  	_ =	swait.ge [sflag:s10], $0x500  }
0x61: {  	[sflag:s10] =	ssyncset.done $0x0  }
0x62: {  	s14 =	simm.s32 $0x230;
	[sflag:s10] =	ssyncadd.s32 $0xFFFFFB00  }
0x63: {  	[tilespmem:s25], [sflag:$0x3] =	stream.indirect.gather [hbm4b:s1+s21], $0x10, s14, s21, $0xb8;
	[tilespmem:$0x9600] =	vst v63  }
0x64: {  	_ =	swait.ge [sflag:s11], $0x500  }
0x65: {  	[sflag:s11] =	ssyncset.done $0x0  }
0x66: {  	s15 =	simm.s32 $0x280;
	[sflag:s11] =	ssyncadd.s32 $0xFFFFFB00  }
0x67: {  	[tilespmem:s28], [sflag:$0x4] =	stream.indirect.gather [hbm4b:s1+s21], $0x10, s15, s21, $0xb8;
	[tilespmem:$0x9600] =	vst v63  }
0x68: {  	_ =	swait.ge [sflag:s12], $0x500  }
0x69: {  	[sflag:s12] =	ssyncset.done $0x0  }
0x6a: {  	s13 =	simm.s32 $0x640;
	s14 =	simm.s32 $0x2D0;
	[sflag:s12] =	ssyncadd.s32 $0xFFFFFB00  }
.LBB2_4:
0x6b: {  	[tilespmem:s30], [sflag:$0x5] =	stream.indirect.gather [hbm4b:s1+s21], $0x10, s14, s21, $0xb8;
	[tilespmem:$0x9600] =	vst v63  }
0x6c: {  	s14 =	smov.u32 s13  }
0x6d: {  	p0 =	sne.s32 s13, $0x8FC0;
	s13 =	sadd.s32 $0x640, s13;
	_ =	swait.ge [sflag:s31], $0x500  }
0x6e: {  	s14 =	sshra.s32 s14, $0x2;
	[sflag:s31] =	ssyncset.done $0x0  }
0x6f: {  	s15 =	sadd.s32 $0x2710, s14;
	[sflag:s31] =	ssyncadd.s32 $0xFFFFFB00  }
0x70: {  	[spmem:s3] =	stream.indirect.scatter.add.f32 [tilespmem:s22], [sflag:$0x6], $0x10, s15, s21, $0xb8;
	[tilespmem:$0x9600] =	vst v63  }
0x71: {  	_ =	swait.ge [sflag:s2], $0x500  }
0x72: {  	[sflag:s2] =	ssyncset.done $0x0  }
0x73: {  	s15 =	sadd.s32 $0x2760, s14;
	[sflag:s2] =	ssyncadd.s32 $0xFFFFFB00  }
0x74: {  	[spmem:s3] =	stream.indirect.scatter.add.f32 [tilespmem:s23], [sflag:$0x7], $0x10, s15, s21, $0xb8;
	[tilespmem:$0x9600] =	vst v63  }
0x75: {  	_ =	swait.ge [sflag:s0], $0x500  }
0x76: {  	[sflag:s0] =	ssyncset.done $0x0  }
0x77: {  	s15 =	sadd.s32 $0x27B0, s14;
	[sflag:s0] =	ssyncadd.s32 $0xFFFFFB00  }
0x78: {  	[spmem:s3] =	stream.indirect.scatter.add.f32 [tilespmem:s25], [sflag:$0x8], $0x10, s15, s21, $0xb8;
	[tilespmem:$0x9600] =	vst v63  }
0x79: {  	_ =	swait.ge [sflag:s20], $0x500  }
0x7a: {  	[sflag:s20] =	ssyncset.done $0x0  }
0x7b: {  	s15 =	sadd.s32 $0x2800, s14;
	[sflag:s20] =	ssyncadd.s32 $0xFFFFFB00  }
0x7c: {  	[spmem:s3] =	stream.indirect.scatter.add.f32 [tilespmem:s28], [sflag:$0x9], $0x10, s15, s21, $0xb8;
	[tilespmem:$0x9600] =	vst v63  }
0x7d: {  	_ =	swait.ge [sflag:s24], $0x500  }
0x7e: {  	[sflag:s24] =	ssyncset.done $0x0  }
0x7f: {  	s15 =	sadd.s32 $0x2850, s14;
	[sflag:s24] =	ssyncadd.s32 $0xFFFFFB00  }
0x80: {  	[spmem:s3] =	stream.indirect.scatter.add.f32 [tilespmem:s30], [sflag:$0xA], $0x10, s15, s21, $0xb8;
	[tilespmem:$0x9600] =	vst v63  }
0x81: {  	_ =	swait.ge [sflag:s26], $0x500  }
0x82: {  	[sflag:s26] =	ssyncset.done $0x0  }
0x83: {  	s15 =	sadd.s32 $0x190, s14;
	[sflag:s26] =	ssyncadd.s32 $0xFFFFFB00  }
0x84: {  	[tilespmem:s22], [sflag:$0x1] =	stream.indirect.gather [hbm4b:s1+s21], $0x10, s15, s21, $0xb8;
	[tilespmem:$0x9600] =	vst v63  }
0x85: {  	_ =	swait.ge [sflag:s29], $0x500  }
0x86: {  	[sflag:s29] =	ssyncset.done $0x0  }
0x87: {  	s15 =	sadd.s32 $0x1E0, s14;
	[sflag:s29] =	ssyncadd.s32 $0xFFFFFB00  }
0x88: {  	[tilespmem:s23], [sflag:$0x2] =	stream.indirect.gather [hbm4b:s1+s21], $0x10, s15, s21, $0xb8;
	[tilespmem:$0x9600] =	vst v63  }
0x89: {  	_ =	swait.ge [sflag:s10], $0x500  }
0x8a: {  	[sflag:s10] =	ssyncset.done $0x0  }
0x8b: {  	s15 =	sadd.s32 $0x230, s14;
	[sflag:s10] =	ssyncadd.s32 $0xFFFFFB00  }
0x8c: {  	[tilespmem:s25], [sflag:$0x3] =	stream.indirect.gather [hbm4b:s1+s21], $0x10, s15, s21, $0xb8;
	[tilespmem:$0x9600] =	vst v63  }
0x8d: {  	_ =	swait.ge [sflag:s11], $0x500  }
0x8e: {  	[sflag:s11] =	ssyncset.done $0x0  }
.Ltmp1:
0x8f: {  	s15 =	sadd.s32 $0x280, s14;
	[sflag:s11] =	ssyncadd.s32 $0xFFFFFB00;
	(pc) =	sbr.rel @p0 .LBB2_4-.Ltmp1, $4  }
0x90: {  	[tilespmem:s28], [sflag:$0x4] =	stream.indirect.gather [hbm4b:s1+s21], $0x10, s15, s21, $0xb8;
	[tilespmem:$0x9600] =	vst v63  }
0x91: {  	_ =	swait.ge [sflag:s12], $0x500  }
0x92: {  	[sflag:s12] =	ssyncset.done $0x0  }
0x93: {  	s14 =	sadd.s32 $0x2D0, s14;
	[sflag:s12] =	ssyncadd.s32 $0xFFFFFB00  }
0x94: {  	[tilespmem:s30], [sflag:$0x5] =	stream.indirect.gather [hbm4b:s1+s21], $0x10, s14, s21, $0xb8;
	[tilespmem:$0x9600] =	vst v63  }
0x95: {  	_ =	swait.ge [sflag:s31], $0x500  }
0x96: {  	[sflag:s31] =	ssyncset.done $0x0  }
0x97: {  	s13 =	simm.s32 $0x4C90;
	[sflag:s31] =	ssyncadd.s32 $0xFFFFFB00  }
0x98: {  	[spmem:s3] =	stream.indirect.scatter.add.f32 [tilespmem:s22], [sflag:$0x6], $0x10, s13, s21, $0xb8;
	[tilespmem:$0x9600] =	vst v63  }
0x99: {  	_ =	swait.ge [sflag:s2], $0x500  }
0x9a: {  	[sflag:s2] =	ssyncset.done $0x0  }
0x9b: {  	s14 =	simm.s32 $0x4CE0;
	[sflag:s2] =	ssyncadd.s32 $0xFFFFFB00  }
0x9c: {  	[spmem:s3] =	stream.indirect.scatter.add.f32 [tilespmem:s23], [sflag:$0x7], $0x10, s14, s21, $0xb8;
	[tilespmem:$0x9600] =	vst v63  }
0x9d: {  	_ =	swait.ge [sflag:s0], $0x500  }
0x9e: {  	[sflag:s0] =	ssyncset.done $0x0  }
0x9f: {  	s15 =	simm.s32 $0x4D30;
	[sflag:s0] =	ssyncadd.s32 $0xFFFFFB00  }
0xa0: {  	[spmem:s3] =	stream.indirect.scatter.add.f32 [tilespmem:s25], [sflag:$0x8], $0x10, s15, s21, $0xb8;
	[tilespmem:$0x9600] =	vst v63  }
0xa1: {  	_ =	swait.ge [sflag:s20], $0x500  }
0xa2: {  	[sflag:s20] =	ssyncset.done $0x0  }
0xa3: {  	s14 =	simm.s32 $0x4D80;
	[sflag:s20] =	ssyncadd.s32 $0xFFFFFB00  }
0xa4: {  	[spmem:s3] =	stream.indirect.scatter.add.f32 [tilespmem:s28], [sflag:$0x9], $0x10, s14, s21, $0xb8;
	[tilespmem:$0x9600] =	vst v63  }
0xa5: {  	_ =	swait.ge [sflag:s24], $0x500  }
0xa6: {  	[sflag:s24] =	ssyncset.done $0x0  }
0xa7: {  	s15 =	simm.s32 $0x4DD0;
	[sflag:s24] =	ssyncadd.s32 $0xFFFFFB00  }
0xa8: {  	[spmem:s3] =	stream.indirect.scatter.add.f32 [tilespmem:s30], [sflag:$0xA], $0x10, s15, s21, $0xb8;
	[tilespmem:$0x9600] =	vst v63  }
0xa9: {  	_ =	swait.ge [sflag:s26], $0x500  }
0xaa: {  	[sflag:s26] =	ssyncset.done $0x0  }
0xab: {  	[sflag:s26] =	ssyncadd.s32 $0xFFFFFB00  }
0xac: {  	_ =	swait.ge [sflag:s29], $0x500  }
0xad: {  	[sflag:s29] =	ssyncset.done $0x0  }
0xae: {  	[sflag:s29] =	ssyncadd.s32 $0xFFFFFB00  }
0xaf: {  	_ =	swait.ge [sflag:s10], $0x500  }
0xb0: {  	[sflag:s10] =	ssyncset.done $0x0  }
0xb1: {  	[sflag:s10] =	ssyncadd.s32 $0xFFFFFB00  }
0xb2: {  	_ =	swait.ge [sflag:s11], $0x500  }
0xb3: {  	[sflag:s11] =	ssyncset.done $0x0  }
0xb4: {  	[sflag:s11] =	ssyncadd.s32 $0xFFFFFB00  }
0xb5: {  	_ =	swait.ge [sflag:s12], $0x500  }
0xb6: {  	[sflag:s12] =	ssyncset.done $0x0  }
0xb7: {  	s14 =	stileid.u32;
	[sflag:s12] =	ssyncadd.s32 $0xFFFFFB00  }
0xb8: {  	s13 =	sshll.u32 s14, $0x6;
	[bflag:$0x0] =	sbarrier.arrive $0xFFFF  }
0xb9: {  	s14 =	sshrl.u32 s5, $0x3;
	s13 =	sor.u32 $0x1C0B, s13;
	s15 =	rddreg [dreg:$0x7]  }
0xba: {  	[hbm:s15], [sflag:s13] =	dma.local [spmem:s14], $0xFA  }
0xbb: {  	_ =	swait.ge [sflag:s19], $0xFA  }
0xbc: {  	[sflag:s19] =	ssyncset.done $0x0  }
0xbd: {  	s14 =	sshrl.u32 s6, $0x3;
	s15 =	rddreg [dreg:$0x8];
	[sflag:s19] =	ssyncadd.s32 $0xFFFFFF06  }
0xbe: {  	[hbm:s15], [sflag:s13] =	dma.local [spmem:s14], $0xFA  }
0xbf: {  	_ =	swait.ge [sflag:s19], $0xFA  }
0xc0: {  	[sflag:s19] =	ssyncset.done $0x0  }
0xc1: {  	s14 =	sshrl.u32 s7, $0x3;
	s15 =	rddreg [dreg:$0x9];
	[sflag:s19] =	ssyncadd.s32 $0xFFFFFF06  }
0xc2: {  	[hbm:s15], [sflag:s13] =	dma.local [spmem:s14], $0xFA  }
0xc3: {  	_ =	swait.ge [sflag:s19], $0xFA  }
0xc4: {  	[sflag:s19] =	ssyncset.done $0x0  }
0xc5: {  	s15 =	sshrl.u32 s8, $0x3;
	[sflag:s19] =	ssyncadd.s32 $0xFFFFFF06  }
0xc6: {  	[hbm:s16], [sflag:s13] =	dma.local [spmem:s15], $0xFA  }
0xc7: {  	_ =	swait.ge [sflag:s19], $0xFA  }
0xc8: {  	[sflag:s19] =	ssyncset.done $0x0  }
0xc9: {  	s15 =	sshrl.u32 s9, $0x3;
	[sflag:s19] =	ssyncadd.s32 $0xFFFFFF06  }
0xca: {  	[hbm:s17], [sflag:s13] =	dma.local [spmem:s15], $0xFA  }
0xcb: {  	_ =	swait.ge [sflag:s19], $0xFA  }
0xcc: {  	s4 =	sadd.s32 $0x1, s4;
	s15 =	rddreg [dreg:$0x6]  }
0xcd: {  	p0 =	sne.s32 s4, s15  }
.Ltmp2:
0xce: {  	_ = 	snop;
	(pc) =	sbr.rel @p0 .LBB2_1-.Ltmp2, $3  }
0xcf: {  	_ =	sdelay $0x1  }
0xd0: {  	[sflag:s19] =	ssyncset.done $0x0  }
0xd1: {  	[sflag:s19] =	ssyncadd.s32 $0xFFFFFF06  }
0xd2: {  	_ =	sfence.sel $0x180000  }
0xd3: {  	[bflag:$0x0] =	sbarrier.arrive $0xFFFF  }
0xd4: {  	_ =	strace $0x90000050  }
0xd5: {  	s0 =	stileid.u32;
	[bflag:$0x2] =	sbarrier.arrive $0xFFFF  }
0xd6: {  	p0 =	sne.s32 s0, $0x0;
	s0 =	rddreg [dreg:$0x3]  }
0xd7: {  	s0 =	sadd.s32 @!p0 $0x100000, s0  }
0xd8: {  	[sflag:s0] =	ssyncadd.tile.s32 @!p0 $0x1;
	_ =	shalt  }
.Lfunc_end2:
_tile_overlayer_lowered:
.L_overlay_start_2:
0xd9: {  	(tag) =	ssettag $0x2  }
0xda: {  	s0 =	rddreg [dreg:$0x0];
	s2 =	stileid.u32  }
0xdb: {  	s1 =	rddreg [dreg:$0x1];
	p0 =	sne.s32 s2, $0x0  }
0xdc: {  	s3 =	rddreg [dreg:$0x2];
	[bflag:$0x3] =	sbarrier.arrive $0xFFFF;
	s2 =	simm.s32 @!p0 $0x1C0B  }
0xdd: {  	[timem:s3], [sflag:s2] =	dma.local @!p0 [hbm:s0], s1  }
0xde: {  	s0 =	simm.s32 @!p0 $0xB  }
0xdf: {  	_ =	swait.ge @!p0 [sflag:s0], s1  }
0xe0: {  	s1 =	ssub.s32 @!p0 $0x0, s1;
	[sflag:s0] =	ssyncset.done @!p0 $0x0  }
0xe1: {  	[sflag:s0] =	ssyncadd.s32 @!p0 s1  }
0xe2: {  	[bflag:$0x3] =	sbarrier.arrive $0xFFFF  }
0xe3: {  	_ =	shalt  }

</sc_bundles>
